<compile_context>
chip_gen: v7x
topology: tpu7x:2x2x1
jax: 0.10.2.dev20260603
libtpu: 0.0.44.dev20260713+nightly
codegen_flags: <defaults>
</compile_context>

<pallas_src>
import dataclasses
import functools

import jax
import jax.numpy as jnp
from jax import lax
from jax.experimental import pallas as pl
from jax.experimental.pallas import tpu as pltpu
from jax.experimental.pallas import tpu_sc as plsc

N_NODES = 10000
D = 128

NUM_CORES = 2
NUM_SUBCORES = 16
NUM_WORKERS = NUM_CORES * NUM_SUBCORES

E = 320000
CHUNK = 64
E_PAD = 327680
CHUNKS_PER_WORKER = E_PAD // (NUM_WORKERS * CHUNK)
N_PAD = 10112
ROWS_PER_SUBCORE = N_PAD // NUM_SUBCORES


def _compiler_params():
    cp = pltpu.CompilerParams()
    if "needs_layout_passes" in pltpu.CompilerParams.__dataclass_fields__:
        cp = dataclasses.replace(cp, needs_layout_passes=False)
    return cp


def _sc_segment_sum(with_deg: bool):
    mesh = plsc.VectorSubcoreMesh(
        core_axis_name="c", subcore_axis_name="s",
        num_cores=NUM_CORES, num_subcores=NUM_SUBCORES,
    )
    out_type = [jax.ShapeDtypeStruct((NUM_CORES, N_PAD, D), jnp.float32)]
    scratch = [
        pltpu.VMEM((8, 2, CHUNK), jnp.int32),
        pltpu.VMEM((4, CHUNK, D), jnp.float32),
        pltpu.VMEM_SHARED((N_PAD, D), jnp.float32),
        [pltpu.SemaphoreType.DMA] * 8,
        [pltpu.SemaphoreType.DMA] * 4,
        [pltpu.SemaphoreType.DMA] * 4,
    ]
    if with_deg:
        out_type.append(jax.ShapeDtypeStruct(
            (NUM_CORES, NUM_SUBCORES, N_PAD), jnp.float32))
        scratch.append(pltpu.VMEM((N_PAD,), jnp.float32))

    @functools.partial(pl.kernel, out_type=out_type, mesh=mesh,
                       compiler_params=_compiler_params(),
                       scratch_types=scratch)
    def seg_sum(*refs):
        if with_deg:
            (y_hbm, idx_hbm, zrow_hbm, zn_hbm,
             out_hbm, deg_hbm,
             idx_v, rows_v, acc_sh, isem, gsem, ssem, deg_v) = refs
        else:
            (y_hbm, idx_hbm, zrow_hbm,
             out_hbm,
             idx_v, rows_v, acc_sh, isem, gsem, ssem) = refs

        cid = lax.axis_index("c")
        sid = lax.axis_index("s")
        wid = cid * NUM_SUBCORES + sid
        base = wid * CHUNKS_PER_WORKER

        row0 = sid * ROWS_PER_SUBCORE
        pltpu.sync_copy(zrow_hbm, acc_sh.at[pl.ds(row0, ROWS_PER_SUBCORE)])
        if with_deg:
            pltpu.sync_copy(zn_hbm, deg_v)
        ones16 = jnp.full((16,), 1.0, jnp.float32)
        plsc.subcore_barrier()

        end = base + CHUNKS_PER_WORKER

        def load_idx(chunk, q):
            pltpu.async_copy(idx_hbm.at[chunk], idx_v.at[q], isem[q])

        def start_gather(chunk, q, r):
            pltpu.make_async_copy(idx_hbm.at[chunk], idx_v.at[q],
                                  isem[q]).wait()
            pltpu.async_copy(y_hbm.at[idx_v.at[q, 0]], rows_v.at[r], gsem[r])

        def wait_gather(q, r):
            pltpu.make_async_copy(y_hbm.at[idx_v.at[q, 0]], rows_v.at[r],
                                  gsem[r]).wait()

        def start_scatter(q, r):
            pltpu.async_copy(rows_v.at[r], acc_sh.at[idx_v.at[q, 1]],
                             ssem[r], add=True)

        def wait_scatter(q, r):
            pltpu.make_async_copy(rows_v.at[r], acc_sh.at[idx_v.at[q, 1]],
                                  ssem[r]).wait()

        def count_deg(q):
            if with_deg:
                @pl.loop(0, CHUNK // 16)
                def _(kk):
                    idx = idx_v[q, 1, pl.ds(kk * 16, 16)]
                    plsc.addupdate_scatter(deg_v, [idx], ones16)

        for q in range(4):
            load_idx(base + q, q)
        start_gather(base + 0, 0, 0)
        start_gather(base + 1, 1, 1)

        @pl.loop(0, CHUNKS_PER_WORKER // 8)
        def _(ii):
            c0 = base + 8 * ii
            for k in range(8):
                c = c0 + k
                q, r = k, k % 4
                q2, r2 = (k + 2) % 8, (k + 2) % 4
                qm2 = (k + 6) % 8
                q4 = (k + 4) % 8
                wait_gather(q, r)
                start_scatter(q, r)
                count_deg(q)

                @pl.when(c - 2 >= base)
                def _():
                    wait_scatter(qm2, r2)

                @pl.when(c + 4 < end)
                def _():
                    load_idx(c + 4, q4)

                @pl.when(c + 2 < end)
                def _():
                    start_gather(c + 2, q2, r2)

        wait_scatter(6, 2)
        wait_scatter(7, 3)
        plsc.subcore_barrier()

        sl = pl.ds(row0, ROWS_PER_SUBCORE)
        pltpu.sync_copy(acc_sh.at[sl], out_hbm.at[cid, sl])
        if with_deg:
            pltpu.sync_copy(deg_v, deg_hbm.at[cid, sid])

    return seg_sum


_seg_sum_deg = _sc_segment_sum(with_deg=True)
_seg_sum = _sc_segment_sum(with_deg=False)


def _tc_layer_body(p_ref, d_ref, x_ref, wl_ref, wr_ref, b_ref, o_ref, *,
                   relu: bool):
    deg = jnp.sum(d_ref[...], axis=(0, 1))
    inv = (1.0 / jnp.maximum(deg, 1.0))[:, None]
    agg = (p_ref[0] + p_ref[1])[:N_NODES] * inv[:N_NODES]
    out = (
        jnp.dot(agg, wl_ref[...], preferred_element_type=jnp.float32)
        + jnp.dot(x_ref[...], wr_ref[...], preferred_element_type=jnp.float32)
        + b_ref[...]
    )
    o_ref[...] = jnp.maximum(out, 0.0) if relu else out


def _tc_layer(p, d, x, wl, wr, b, relu):
    return pl.pallas_call(
        functools.partial(_tc_layer_body, relu=relu),
        out_shape=jax.ShapeDtypeStruct((N_NODES, D), jnp.float32),
    )(p, d, x, wl, wr, b)


def kernel(x, edge_index, W1l, b1, W1r, W2l, b2, W2r):
    src = edge_index[0].astype(jnp.int32)
    dst = edge_index[1].astype(jnp.int32)
    ppw = (E_PAD - E) // NUM_WORKERS
    spw = E // NUM_WORKERS
    src_pad = jnp.zeros((NUM_WORKERS, ppw), jnp.int32)
    dst_pad = N_NODES + (
        jnp.arange(NUM_WORKERS * ppw, dtype=jnp.int32).reshape(
            NUM_WORKERS, ppw) % (N_PAD - N_NODES))
    src_p = jnp.concatenate(
        [src.reshape(NUM_WORKERS, spw), src_pad], axis=1
    ).reshape(E_PAD // CHUNK, CHUNK)
    dst_p = jnp.concatenate(
        [dst.reshape(NUM_WORKERS, spw), dst_pad], axis=1
    ).reshape(E_PAD // CHUNK, CHUNK)

    idx_comb = jnp.stack([src_p, dst_p], axis=1)

    zrow = jnp.zeros((ROWS_PER_SUBCORE, D), jnp.float32)
    zn = jnp.zeros((N_PAD,), jnp.float32)

    p1, deg = _seg_sum_deg(x, idx_comb, zrow, zn)
    h = _tc_layer(p1, deg, x, W1l, W1r, b1.reshape(1, D), relu=True)
    (p2,) = _seg_sum(h, idx_comb, zrow)
    out = _tc_layer(p2, deg, h, W2l, W2r, b2.reshape(1, D), relu=False)
    return out

# --- scband reference (transcript-rebuilt; emitter-appended) ---
"""Pipeline reference for scband-graph-sagenet-14293651161149 (READ-ONLY COPY).

The authoritative reference and input builder live on the scoring server;
editing this copy changes nothing except your own understanding.
"""

import jax, jax.numpy as jnp
import numpy as np

N_NODES = 10000
D_IN = 128
D_HID = 128
D_OUT = 128
N_EDGES = 320000


def setup_inputs(seed: int = 0) -> dict:
    key = jax.random.key(seed)
    ks = jax.random.split(key, 8)
    x = jax.random.normal(ks[0], (N_NODES, D_IN), dtype=jnp.float32)
    edge_index = jax.random.randint(ks[1], (2, N_EDGES), 0, N_NODES, dtype=jnp.int64)
    # SAGEConv params (PyG-style: lin_l applied to aggregated neighbors w/ bias, lin_r root weight no bias)
    s1 = 1.0 / np.sqrt(D_IN)
    s2 = 1.0 / np.sqrt(D_HID)
    W1l = jax.random.uniform(ks[2], (D_IN, D_HID), minval=-s1, maxval=s1, dtype=jnp.float32)
    b1 = jnp.zeros((D_HID,), dtype=jnp.float32)
    W1r = jax.random.uniform(ks[3], (D_IN, D_HID), minval=-s1, maxval=s1, dtype=jnp.float32)
    W2l = jax.random.uniform(ks[4], (D_HID, D_OUT), minval=-s2, maxval=s2, dtype=jnp.float32)
    b2 = jnp.zeros((D_OUT,), dtype=jnp.float32)
    W2r = jax.random.uniform(ks[5], (D_HID, D_OUT), minval=-s2, maxval=s2, dtype=jnp.float32)
    return {"x": x, "edge_index": edge_index, "W1l": W1l, "b1": b1, "W1r": W1r, "W2l": W2l, "b2": b2, "W2r": W2r}


def _sage_conv(x, src, dst, Wl, bl, Wr):
    msgs = jnp.take(x, src, axis=0)                      # gather source features [E, d]
    agg = jax.ops.segment_sum(msgs, dst, num_segments=N_NODES)
    deg = jax.ops.segment_sum(jnp.ones((src.shape[0],), dtype=x.dtype), dst, num_segments=N_NODES)
    agg = agg / jnp.clip(deg, 1.0, None)[:, None]        # mean aggregation
    return agg @ Wl + bl + x @ Wr


def reference(x, edge_index, W1l, b1, W1r, W2l, b2, W2r):
    src = edge_index[0]
    dst = edge_index[1]
    h = _sage_conv(x, src, dst, W1l, b1, W1r)
    h = jax.nn.relu(h)
    # dropout: identity in eval/inference mode
    out = _sage_conv(h, src, dst, W2l, b2, W2r)
    return out

if __name__ == "__main__":
    import jax
    _d = setup_inputs()
    print(jax.jit(kernel)(*tuple(_d.values())))

</pallas_src>

<mosaic_0001>
#map = affine_map<(d0, d1) -> (0, 0)>
#map1 = affine_map<(d0, d1) -> (0, 0, 0)>
#map2 = affine_map<(d0, d1) -> (0)>
module attributes {stable_mosaic.version = 14 : i64} {
  func.func @seg_sum(%arg0: i32, %arg1: i32, %arg2: memref<10000x128xf32, #tpu.memory_space<hbm>>, %arg3: memref<5120x2x64xi32, #tpu.memory_space<hbm>>, %arg4: memref<632x128xf32, #tpu.memory_space<hbm>>, %arg5: memref<10112xf32, #tpu.memory_space<hbm>>, %arg6: memref<2x10112x128xf32, #tpu.memory_space<hbm>>, %arg7: memref<2x16x10112xf32, #tpu.memory_space<hbm>>, %arg8: memref<8x2x64xi32, #tpu.memory_space<vmem>>, %arg9: memref<4x64x128xf32, #tpu.memory_space<vmem>>, %arg10: memref<10112x128xf32, #tpu.memory_space<vmem_shared>>, %arg11: memref<!tpu.dma_semaphore, #tpu.memory_space<semaphore_mem>>, %arg12: memref<!tpu.dma_semaphore, #tpu.memory_space<semaphore_mem>>, %arg13: memref<!tpu.dma_semaphore, #tpu.memory_space<semaphore_mem>>, %arg14: memref<!tpu.dma_semaphore, #tpu.memory_space<semaphore_mem>>, %arg15: memref<!tpu.dma_semaphore, #tpu.memory_space<semaphore_mem>>, %arg16: memref<!tpu.dma_semaphore, #tpu.memory_space<semaphore_mem>>, %arg17: memref<!tpu.dma_semaphore, #tpu.memory_space<semaphore_mem>>, %arg18: memref<!tpu.dma_semaphore, #tpu.memory_space<semaphore_mem>>, %arg19: memref<!tpu.dma_semaphore, #tpu.memory_space<semaphore_mem>>, %arg20: memref<!tpu.dma_semaphore, #tpu.memory_space<semaphore_mem>>, %arg21: memref<!tpu.dma_semaphore, #tpu.memory_space<semaphore_mem>>, %arg22: memref<!tpu.dma_semaphore, #tpu.memory_space<semaphore_mem>>, %arg23: memref<!tpu.dma_semaphore, #tpu.memory_space<semaphore_mem>>, %arg24: memref<!tpu.dma_semaphore, #tpu.memory_space<semaphore_mem>>, %arg25: memref<!tpu.dma_semaphore, #tpu.memory_space<semaphore_mem>>, %arg26: memref<!tpu.dma_semaphore, #tpu.memory_space<semaphore_mem>>, %arg27: memref<10112xf32, #tpu.memory_space<vmem>>) attributes {dimension_semantics = [#tpu.dimension_semantics<core_parallel>, #tpu.dimension_semantics<subcore_parallel>], iteration_bounds = array<i64: 2, 16>, scalar_prefetch = 0 : i64, scratch_operands = 20 : i64, tpu.core_type = #tpu.core_type<sc_vector_subcore>, window_params = [{transform_indices = #map}, {transform_indices = #map1}, {transform_indices = #map}, {transform_indices = #map2}, {transform_indices = #map1}, {transform_indices = #map1}]} {
    %mul3A = arith.constant 16 : i32
    %mul3A_0 = arith.muli %arg0, %mul3A : i32
    %add3A = arith.addi %mul3A_0, %arg1 : i32
    %mul3A_1 = arith.constant 160 : i32
    %mul3A_2 = arith.muli %add3A, %mul3A_1 : i32
    %mul3A_3 = arith.constant 632 : i32
    %mul3A_4 = arith.muli %arg1, %mul3A_3 : i32
    "tpu.region"() ({
      %run_scoped3A = tpu.sem_alloc : memref<!tpu.dma_semaphore, #tpu.memory_space<semaphore_mem>>
      %dma_start3A_177 = arith.constant 0 : i32
      %dma_start3A_178 = tpu.memref_slice %arg10[%mul3A_4, %dma_start3A_177] : memref<10112x128xf32, #tpu.memory_space<vmem_shared>> -> memref<632x128xf32, #tpu.memory_space<vmem_shared>>
      tpu.enqueue_dma source(%arg4 : memref<632x128xf32, #tpu.memory_space<hbm>>) target(%dma_start3A_178 : memref<632x128xf32, #tpu.memory_space<vmem_shared>>) target_semaphore(%run_scoped3A : memref<!tpu.dma_semaphore, #tpu.memory_space<semaphore_mem>>)
      %dma_wait3A_179 = arith.constant 0 : i32
      %dma_wait3A_180 = tpu.memref_slice %arg10[%mul3A_4, %dma_wait3A_179] : memref<10112x128xf32, #tpu.memory_space<vmem_shared>> -> memref<632x128xf32, #tpu.memory_space<vmem_shared>>
      tpu.wait_dma2 semaphore(%run_scoped3A : memref<!tpu.dma_semaphore, #tpu.memory_space<semaphore_mem>>) src(%arg4 : memref<632x128xf32, #tpu.memory_space<hbm>>) dst(%dma_wait3A_180 : memref<632x128xf32, #tpu.memory_space<vmem_shared>>)
      tpu.yield
    }) : () -> ()
    "tpu.region"() ({
      %run_scoped3A = tpu.sem_alloc : memref<!tpu.dma_semaphore, #tpu.memory_space<semaphore_mem>>
      tpu.enqueue_dma source(%arg5 : memref<10112xf32, #tpu.memory_space<hbm>>) target(%arg27 : memref<10112xf32, #tpu.memory_space<vmem>>) target_semaphore(%run_scoped3A : memref<!tpu.dma_semaphore, #tpu.memory_space<semaphore_mem>>)
      tpu.wait_dma2 semaphore(%run_scoped3A : memref<!tpu.dma_semaphore, #tpu.memory_space<semaphore_mem>>) src(%arg5 : memref<10112xf32, #tpu.memory_space<hbm>>) dst(%arg27 : memref<10112xf32, #tpu.memory_space<vmem>>)
      tpu.yield
    }) : () -> ()
    %broadcast_in_dim3A = arith.constant 1.000000e+00 : f32
    %broadcast_in_dim3A_5 = vector.broadcast %broadcast_in_dim3A : f32 to vector<16xf32>
    %barrier3A = arith.constant 0 : index
    tpu.barrier barrier_id(%barrier3A)
    %add3A_6 = arith.constant 160 : i32
    %add3A_7 = arith.addi %mul3A_2, %add3A_6 : i32
    %add3A_8 = arith.constant 0 : i32
    %add3A_9 = arith.addi %mul3A_2, %add3A_8 : i32
    %dma_start3A = arith.constant 0 : i32
    %dma_start3A_10 = arith.constant 0 : i32
    %dma_start3A_11 = arith.constant 0 : i32
    %dma_start3A_12 = tpu.memref_slice %arg8[%dma_start3A, %dma_start3A_10, %dma_start3A_11] : memref<8x2x64xi32, #tpu.memory_space<vmem>> -> memref<1x2x64xi32, #tpu.memory_space<vmem>>
    %dma_start3A_13 = tpu.memref_squeeze %dma_start3A_12 : memref<1x2x64xi32, #tpu.memory_space<vmem>> -> memref<2x64xi32, #tpu.memory_space<vmem>>
    %dma_start3A_14 = arith.constant 0 : i32
    %dma_start3A_15 = arith.constant 0 : i32
    %dma_start3A_16 = tpu.memref_slice %arg3[%add3A_9, %dma_start3A_14, %dma_start3A_15] : memref<5120x2x64xi32, #tpu.memory_space<hbm>> -> memref<1x2x64xi32, #tpu.memory_space<hbm>>
    %dma_start3A_17 = tpu.memref_squeeze %dma_start3A_16 : memref<1x2x64xi32, #tpu.memory_space<hbm>> -> memref<2x64xi32, #tpu.memory_space<hbm>>
    %dma_start3A_18 = arith.constant 0 : i32
    %dma_start3A_19 = arith.constant 0 : i32
    %dma_start3A_20 = tpu.memref_slice %arg8[%dma_start3A, %dma_start3A_18, %dma_start3A_19] : memref<8x2x64xi32, #tpu.memory_space<vmem>> -> memref<1x2x64xi32, #tpu.memory_space<vmem>>
    %dma_start3A_21 = tpu.memref_squeeze %dma_start3A_20 : memref<1x2x64xi32, #tpu.memory_space<vmem>> -> memref<2x64xi32, #tpu.memory_space<vmem>>
    %dma_start3A_22 = arith.constant 0 : i32
    %dma_start3A_23 = arith.constant 0 : i32
    %dma_start3A_24 = tpu.memref_slice %arg3[%add3A_9, %dma_start3A_22, %dma_start3A_23] : memref<5120x2x64xi32, #tpu.memory_space<hbm>> -> memref<1x2x64xi32, #tpu.memory_space<hbm>>
    %dma_start3A_25 = tpu.memref_squeeze %dma_start3A_24 : memref<1x2x64xi32, #tpu.memory_space<hbm>> -> memref<2x64xi32, #tpu.memory_space<hbm>>
    tpu.enqueue_dma source(%dma_start3A_25 : memref<2x64xi32, #tpu.memory_space<hbm>>) target(%dma_start3A_21 : memref<2x64xi32, #tpu.memory_space<vmem>>) target_semaphore(%arg11 : memref<!tpu.dma_semaphore, #tpu.memory_space<semaphore_mem>>)
    %add3A_26 = arith.constant 1 : i32
    %add3A_27 = arith.addi %mul3A_2, %add3A_26 : i32
    %dma_start3A_28 = arith.constant 1 : i32
    %dma_start3A_29 = arith.constant 0 : i32
    %dma_start3A_30 = arith.constant 0 : i32
    %dma_start3A_31 = tpu.memref_slice %arg8[%dma_start3A_28, %dma_start3A_29, %dma_start3A_30] : memref<8x2x64xi32, #tpu.memory_space<vmem>> -> memref<1x2x64xi32, #tpu.memory_space<vmem>>
    %dma_start3A_32 = tpu.memref_squeeze %dma_start3A_31 : memref<1x2x64xi32, #tpu.memory_space<vmem>> -> memref<2x64xi32, #tpu.memory_space<vmem>>
    %dma_start3A_33 = arith.constant 0 : i32
    %dma_start3A_34 = arith.constant 0 : i32
    %dma_start3A_35 = tpu.memref_slice %arg3[%add3A_27, %dma_start3A_33, %dma_start3A_34] : memref<5120x2x64xi32, #tpu.memory_space<hbm>> -> memref<1x2x64xi32, #tpu.memory_space<hbm>>
    %dma_start3A_36 = tpu.memref_squeeze %dma_start3A_35 : memref<1x2x64xi32, #tpu.memory_space<hbm>> -> memref<2x64xi32, #tpu.memory_space<hbm>>
    %dma_start3A_37 = arith.constant 0 : i32
    %dma_start3A_38 = arith.constant 0 : i32
    %dma_start3A_39 = tpu.memref_slice %arg8[%dma_start3A_28, %dma_start3A_37, %dma_start3A_38] : memref<8x2x64xi32, #tpu.memory_space<vmem>> -> memref<1x2x64xi32, #tpu.memory_space<vmem>>
    %dma_start3A_40 = tpu.memref_squeeze %dma_start3A_39 : memref<1x2x64xi32, #tpu.memory_space<vmem>> -> memref<2x64xi32, #tpu.memory_space<vmem>>
    %dma_start3A_41 = arith.constant 0 : i32
    %dma_start3A_42 = arith.constant 0 : i32
    %dma_start3A_43 = tpu.memref_slice %arg3[%add3A_27, %dma_start3A_41, %dma_start3A_42] : memref<5120x2x64xi32, #tpu.memory_space<hbm>> -> memref<1x2x64xi32, #tpu.memory_space<hbm>>
    %dma_start3A_44 = tpu.memref_squeeze %dma_start3A_43 : memref<1x2x64xi32, #tpu.memory_space<hbm>> -> memref<2x64xi32, #tpu.memory_space<hbm>>
    tpu.enqueue_dma source(%dma_start3A_44 : memref<2x64xi32, #tpu.memory_space<hbm>>) target(%dma_start3A_40 : memref<2x64xi32, #tpu.memory_space<vmem>>) target_semaphore(%arg12 : memref<!tpu.dma_semaphore, #tpu.memory_space<semaphore_mem>>)
    %add3A_45 = arith.constant 2 : i32
    %add3A_46 = arith.addi %mul3A_2, %add3A_45 : i32
    %dma_start3A_47 = arith.constant 2 : i32
    %dma_start3A_48 = arith.constant 0 : i32
    %dma_start3A_49 = arith.constant 0 : i32
    %dma_start3A_50 = tpu.memref_slice %arg8[%dma_start3A_47, %dma_start3A_48, %dma_start3A_49] : memref<8x2x64xi32, #tpu.memory_space<vmem>> -> memref<1x2x64xi32, #tpu.memory_space<vmem>>
    %dma_start3A_51 = tpu.memref_squeeze %dma_start3A_50 : memref<1x2x64xi32, #tpu.memory_space<vmem>> -> memref<2x64xi32, #tpu.memory_space<vmem>>
    %dma_start3A_52 = arith.constant 0 : i32
    %dma_start3A_53 = arith.constant 0 : i32
    %dma_start3A_54 = tpu.memref_slice %arg3[%add3A_46, %dma_start3A_52, %dma_start3A_53] : memref<5120x2x64xi32, #tpu.memory_space<hbm>> -> memref<1x2x64xi32, #tpu.memory_space<hbm>>
    %dma_start3A_55 = tpu.memref_squeeze %dma_start3A_54 : memref<1x2x64xi32, #tpu.memory_space<hbm>> -> memref<2x64xi32, #tpu.memory_space<hbm>>
    %dma_start3A_56 = arith.constant 0 : i32
    %dma_start3A_57 = arith.constant 0 : i32
    %dma_start3A_58 = tpu.memref_slice %arg8[%dma_start3A_47, %dma_start3A_56, %dma_start3A_57] : memref<8x2x64xi32, #tpu.memory_space<vmem>> -> memref<1x2x64xi32, #tpu.memory_space<vmem>>
    %dma_start3A_59 = tpu.memref_squeeze %dma_start3A_58 : memref<1x2x64xi32, #tpu.memory_space<vmem>> -> memref<2x64xi32, #tpu.memory_space<vmem>>
    %dma_start3A_60 = arith.constant 0 : i32
    %dma_start3A_61 = arith.constant 0 : i32
    %dma_start3A_62 = tpu.memref_slice %arg3[%add3A_46, %dma_start3A_60, %dma_start3A_61] : memref<5120x2x64xi32, #tpu.memory_space<hbm>> -> memref<1x2x64xi32, #tpu.memory_space<hbm>>
    %dma_start3A_63 = tpu.memref_squeeze %dma_start3A_62 : memref<1x2x64xi32, #tpu.memory_space<hbm>> -> memref<2x64xi32, #tpu.memory_space<hbm>>
    tpu.enqueue_dma source(%dma_start3A_63 : memref<2x64xi32, #tpu.memory_space<hbm>>) target(%dma_start3A_59 : memref<2x64xi32, #tpu.memory_space<vmem>>) target_semaphore(%arg13 : memref<!tpu.dma_semaphore, #tpu.memory_space<semaphore_mem>>)
    %add3A_64 = arith.constant 3 : i32
    %add3A_65 = arith.addi %mul3A_2, %add3A_64 : i32
    %dma_start3A_66 = arith.constant 3 : i32
    %dma_start3A_67 = arith.constant 0 : i32
    %dma_start3A_68 = arith.constant 0 : i32
    %dma_start3A_69 = tpu.memref_slice %arg8[%dma_start3A_66, %dma_start3A_67, %dma_start3A_68] : memref<8x2x64xi32, #tpu.memory_space<vmem>> -> memref<1x2x64xi32, #tpu.memory_space<vmem>>
    %dma_start3A_70 = tpu.memref_squeeze %dma_start3A_69 : memref<1x2x64xi32, #tpu.memory_space<vmem>> -> memref<2x64xi32, #tpu.memory_space<vmem>>
    %dma_start3A_71 = arith.constant 0 : i32
    %dma_start3A_72 = arith.constant 0 : i32
    %dma_start3A_73 = tpu.memref_slice %arg3[%add3A_65, %dma_start3A_71, %dma_start3A_72] : memref<5120x2x64xi32, #tpu.memory_space<hbm>> -> memref<1x2x64xi32, #tpu.memory_space<hbm>>
    %dma_start3A_74 = tpu.memref_squeeze %dma_start3A_73 : memref<1x2x64xi32, #tpu.memory_space<hbm>> -> memref<2x64xi32, #tpu.memory_space<hbm>>
    %dma_start3A_75 = arith.constant 0 : i32
    %dma_start3A_76 = arith.constant 0 : i32
    %dma_start3A_77 = tpu.memref_slice %arg8[%dma_start3A_66, %dma_start3A_75, %dma_start3A_76] : memref<8x2x64xi32, #tpu.memory_space<vmem>> -> memref<1x2x64xi32, #tpu.memory_space<vmem>>
    %dma_start3A_78 = tpu.memref_squeeze %dma_start3A_77 : memref<1x2x64xi32, #tpu.memory_space<vmem>> -> memref<2x64xi32, #tpu.memory_space<vmem>>
    %dma_start3A_79 = arith.constant 0 : i32
    %dma_start3A_80 = arith.constant 0 : i32
    %dma_start3A_81 = tpu.memref_slice %arg3[%add3A_65, %dma_start3A_79, %dma_start3A_80] : memref<5120x2x64xi32, #tpu.memory_space<hbm>> -> memref<1x2x64xi32, #tpu.memory_space<hbm>>
    %dma_start3A_82 = tpu.memref_squeeze %dma_start3A_81 : memref<1x2x64xi32, #tpu.memory_space<hbm>> -> memref<2x64xi32, #tpu.memory_space<hbm>>
    tpu.enqueue_dma source(%dma_start3A_82 : memref<2x64xi32, #tpu.memory_space<hbm>>) target(%dma_start3A_78 : memref<2x64xi32, #tpu.memory_space<vmem>>) target_semaphore(%arg14 : memref<!tpu.dma_semaphore, #tpu.memory_space<semaphore_mem>>)
    %add3A_83 = arith.constant 0 : i32
    %add3A_84 = arith.addi %mul3A_2, %add3A_83 : i32
    %dma_wait3A = arith.constant 0 : i32
    %dma_wait3A_85 = arith.constant 0 : i32
    %dma_wait3A_86 = arith.constant 0 : i32
    %dma_wait3A_87 = tpu.memref_slice %arg8[%dma_wait3A, %dma_wait3A_85, %dma_wait3A_86] : memref<8x2x64xi32, #tpu.memory_space<vmem>> -> memref<1x2x64xi32, #tpu.memory_space<vmem>>
    %dma_wait3A_88 = tpu.memref_squeeze %dma_wait3A_87 : memref<1x2x64xi32, #tpu.memory_space<vmem>> -> memref<2x64xi32, #tpu.memory_space<vmem>>
    %dma_wait3A_89 = arith.constant 0 : i32
    %dma_wait3A_90 = arith.constant 0 : i32
    %dma_wait3A_91 = tpu.memref_slice %arg3[%add3A_84, %dma_wait3A_89, %dma_wait3A_90] : memref<5120x2x64xi32, #tpu.memory_space<hbm>> -> memref<1x2x64xi32, #tpu.memory_space<hbm>>
    %dma_wait3A_92 = tpu.memref_squeeze %dma_wait3A_91 : memref<1x2x64xi32, #tpu.memory_space<hbm>> -> memref<2x64xi32, #tpu.memory_space<hbm>>
    %dma_wait3A_93 = arith.constant 0 : i32
    %dma_wait3A_94 = arith.constant 0 : i32
    %dma_wait3A_95 = tpu.memref_slice %arg8[%dma_wait3A, %dma_wait3A_93, %dma_wait3A_94] : memref<8x2x64xi32, #tpu.memory_space<vmem>> -> memref<1x2x64xi32, #tpu.memory_space<vmem>>
    %dma_wait3A_96 = tpu.memref_squeeze %dma_wait3A_95 : memref<1x2x64xi32, #tpu.memory_space<vmem>> -> memref<2x64xi32, #tpu.memory_space<vmem>>
    %dma_wait3A_97 = arith.constant 0 : i32
    %dma_wait3A_98 = arith.constant 0 : i32
    %dma_wait3A_99 = tpu.memref_slice %arg3[%add3A_84, %dma_wait3A_97, %dma_wait3A_98] : memref<5120x2x64xi32, #tpu.memory_space<hbm>> -> memref<1x2x64xi32, #tpu.memory_space<hbm>>
    %dma_wait3A_100 = tpu.memref_squeeze %dma_wait3A_99 : memref<1x2x64xi32, #tpu.memory_space<hbm>> -> memref<2x64xi32, #tpu.memory_space<hbm>>
    tpu.wait_dma2 semaphore(%arg11 : memref<!tpu.dma_semaphore, #tpu.memory_space<semaphore_mem>>) src(%dma_wait3A_100 : memref<2x64xi32, #tpu.memory_space<hbm>>) dst(%dma_wait3A_96 : memref<2x64xi32, #tpu.memory_space<vmem>>)
    %dma_start3A_101 = arith.constant 0 : i32
    %dma_start3A_102 = arith.constant 0 : i32
    %dma_start3A_103 = arith.constant 0 : i32
    %dma_start3A_104 = arith.constant 0 : i32
    %dma_start3A_105 = arith.constant 0 : i32
    %dma_start3A_106 = tpu.memref_slice %arg9[%dma_start3A_103, %dma_start3A_104, %dma_start3A_105] : memref<4x64x128xf32, #tpu.memory_space<vmem>> -> memref<1x64x128xf32, #tpu.memory_space<vmem>>
    %dma_start3A_107 = tpu.memref_squeeze %dma_start3A_106 : memref<1x64x128xf32, #tpu.memory_space<vmem>> -> memref<64x128xf32, #tpu.memory_space<vmem>>
    %dma_start3A_108 = arith.constant 0 : i32
    %dma_start3A_109 = tpu.memref_slice %arg8[%dma_start3A_101, %dma_start3A_102, %dma_start3A_108] : memref<8x2x64xi32, #tpu.memory_space<vmem>> -> memref<1x1x64xi32, #tpu.memory_space<vmem>>
    %dma_start3A_110 = tpu.memref_squeeze %dma_start3A_109 : memref<1x1x64xi32, #tpu.memory_space<vmem>> -> memref<64xi32, #tpu.memory_space<vmem>>
    %dma_start3A_111 = arith.constant 0 : i32
    %dma_start3A_112 = arith.constant 0 : i32
    %dma_start3A_113 = tpu.memref_slice %arg2[%dma_start3A_111, %dma_start3A_112] : memref<10000x128xf32, #tpu.memory_space<hbm>> -> memref<10000x128xf32, #tpu.memory_space<hbm>>
    tpu.enqueue_indirect_dma source(%dma_start3A_113 : memref<10000x128xf32, #tpu.memory_space<hbm>>) target(%dma_start3A_107 : memref<64x128xf32, #tpu.memory_space<vmem>>) offsets(%dma_start3A_110 : memref<64xi32, #tpu.memory_space<vmem>>) semaphore(%arg19 : memref<!tpu.dma_semaphore, #tpu.memory_space<semaphore_mem>>)
    %add3A_114 = arith.constant 1 : i32
    %add3A_115 = arith.addi %mul3A_2, %add3A_114 : i32
    %dma_wait3A_116 = arith.constant 1 : i32
    %dma_wait3A_117 = arith.constant 0 : i32
    %dma_wait3A_118 = arith.constant 0 : i32
    %dma_wait3A_119 = tpu.memref_slice %arg8[%dma_wait3A_116, %dma_wait3A_117, %dma_wait3A_118] : memref<8x2x64xi32, #tpu.memory_space<vmem>> -> memref<1x2x64xi32, #tpu.memory_space<vmem>>
    %dma_wait3A_120 = tpu.memref_squeeze %dma_wait3A_119 : memref<1x2x64xi32, #tpu.memory_space<vmem>> -> memref<2x64xi32, #tpu.memory_space<vmem>>
    %dma_wait3A_121 = arith.constant 0 : i32
    %dma_wait3A_122 = arith.constant 0 : i32
    %dma_wait3A_123 = tpu.memref_slice %arg3[%add3A_115, %dma_wait3A_121, %dma_wait3A_122] : memref<5120x2x64xi32, #tpu.memory_space<hbm>> -> memref<1x2x64xi32, #tpu.memory_space<hbm>>
    %dma_wait3A_124 = tpu.memref_squeeze %dma_wait3A_123 : memref<1x2x64xi32, #tpu.memory_space<hbm>> -> memref<2x64xi32, #tpu.memory_space<hbm>>
    %dma_wait3A_125 = arith.constant 0 : i32
    %dma_wait3A_126 = arith.constant 0 : i32
    %dma_wait3A_127 = tpu.memref_slice %arg8[%dma_wait3A_116, %dma_wait3A_125, %dma_wait3A_126] : memref<8x2x64xi32, #tpu.memory_space<vmem>> -> memref<1x2x64xi32, #tpu.memory_space<vmem>>
    %dma_wait3A_128 = tpu.memref_squeeze %dma_wait3A_127 : memref<1x2x64xi32, #tpu.memory_space<vmem>> -> memref<2x64xi32, #tpu.memory_space<vmem>>
    %dma_wait3A_129 = arith.constant 0 : i32
    %dma_wait3A_130 = arith.constant 0 : i32
    %dma_wait3A_131 = tpu.memref_slice %arg3[%add3A_115, %dma_wait3A_129, %dma_wait3A_130] : memref<5120x2x64xi32, #tpu.memory_space<hbm>> -> memref<1x2x64xi32, #tpu.memory_space<hbm>>
    %dma_wait3A_132 = tpu.memref_squeeze %dma_wait3A_131 : memref<1x2x64xi32, #tpu.memory_space<hbm>> -> memref<2x64xi32, #tpu.memory_space<hbm>>
    tpu.wait_dma2 semaphore(%arg12 : memref<!tpu.dma_semaphore, #tpu.memory_space<semaphore_mem>>) src(%dma_wait3A_132 : memref<2x64xi32, #tpu.memory_space<hbm>>) dst(%dma_wait3A_128 : memref<2x64xi32, #tpu.memory_space<vmem>>)
    %dma_start3A_133 = arith.constant 1 : i32
    %dma_start3A_134 = arith.constant 0 : i32
    %dma_start3A_135 = arith.constant 1 : i32
    %dma_start3A_136 = arith.constant 0 : i32
    %dma_start3A_137 = arith.constant 0 : i32
    %dma_start3A_138 = tpu.memref_slice %arg9[%dma_start3A_135, %dma_start3A_136, %dma_start3A_137] : memref<4x64x128xf32, #tpu.memory_space<vmem>> -> memref<1x64x128xf32, #tpu.memory_space<vmem>>
    %dma_start3A_139 = tpu.memref_squeeze %dma_start3A_138 : memref<1x64x128xf32, #tpu.memory_space<vmem>> -> memref<64x128xf32, #tpu.memory_space<vmem>>
    %dma_start3A_140 = arith.constant 0 : i32
    %dma_start3A_141 = tpu.memref_slice %arg8[%dma_start3A_133, %dma_start3A_134, %dma_start3A_140] : memref<8x2x64xi32, #tpu.memory_space<vmem>> -> memref<1x1x64xi32, #tpu.memory_space<vmem>>
    %dma_start3A_142 = tpu.memref_squeeze %dma_start3A_141 : memref<1x1x64xi32, #tpu.memory_space<vmem>> -> memref<64xi32, #tpu.memory_space<vmem>>
    %dma_start3A_143 = arith.constant 0 : i32
    %dma_start3A_144 = arith.constant 0 : i32
    %dma_start3A_145 = tpu.memref_slice %arg2[%dma_start3A_143, %dma_start3A_144] : memref<10000x128xf32, #tpu.memory_space<hbm>> -> memref<10000x128xf32, #tpu.memory_space<hbm>>
    tpu.enqueue_indirect_dma source(%dma_start3A_145 : memref<10000x128xf32, #tpu.memory_space<hbm>>) target(%dma_start3A_139 : memref<64x128xf32, #tpu.memory_space<vmem>>) offsets(%dma_start3A_142 : memref<64xi32, #tpu.memory_space<vmem>>) semaphore(%arg20 : memref<!tpu.dma_semaphore, #tpu.memory_space<semaphore_mem>>)
    %scan3A = arith.constant 0 : i32
    %scan3A_146 = arith.constant 20 : i32
    %scan3A_147 = arith.addi %scan3A, %scan3A_146 : i32
    %scan3A_148 = arith.constant 1 : i32
    scf.for %scan3A_177 = %scan3A to %scan3A_147 step %scan3A_148  : i32 {
      %mul3A_178 = arith.constant 1 : i32
      %mul3A_179 = arith.muli %scan3A_177, %mul3A_178 : i32
      %add3A_180 = arith.constant 0 : i32
      %add3A_181 = arith.addi %add3A_180, %mul3A_179 : i32
      %mul3A_182 = arith.constant 8 : i32
      %mul3A_183 = arith.muli %mul3A_182, %add3A_181 : i32
      %add3A_184 = arith.addi %mul3A_2, %mul3A_183 : i32
      %add3A_185 = arith.constant 0 : i32
      %add3A_186 = arith.addi %add3A_184, %add3A_185 : i32
      %dma_wait3A_187 = arith.constant 0 : i32
      %dma_wait3A_188 = arith.constant 0 : i32
      %dma_wait3A_189 = arith.constant 0 : i32
      %dma_wait3A_190 = arith.constant 0 : i32
      %dma_wait3A_191 = arith.constant 0 : i32
      %dma_wait3A_192 = tpu.memref_slice %arg9[%dma_wait3A_189, %dma_wait3A_190, %dma_wait3A_191] : memref<4x64x128xf32, #tpu.memory_space<vmem>> -> memref<1x64x128xf32, #tpu.memory_space<vmem>>
      %dma_wait3A_193 = tpu.memref_squeeze %dma_wait3A_192 : memref<1x64x128xf32, #tpu.memory_space<vmem>> -> memref<64x128xf32, #tpu.memory_space<vmem>>
      %dma_wait3A_194 = arith.constant 0 : i32
      %dma_wait3A_195 = tpu.memref_slice %arg8[%dma_wait3A_187, %dma_wait3A_188, %dma_wait3A_194] : memref<8x2x64xi32, #tpu.memory_space<vmem>> -> memref<1x1x64xi32, #tpu.memory_space<vmem>>
      %dma_wait3A_196 = tpu.memref_squeeze %dma_wait3A_195 : memref<1x1x64xi32, #tpu.memory_space<vmem>> -> memref<64xi32, #tpu.memory_space<vmem>>
      %dma_wait3A_197 = arith.constant 0 : i32
      %dma_wait3A_198 = arith.constant 0 : i32
      %dma_wait3A_199 = tpu.memref_slice %arg2[%dma_wait3A_197, %dma_wait3A_198] : memref<10000x128xf32, #tpu.memory_space<hbm>> -> memref<10000x128xf32, #tpu.memory_space<hbm>>
      tpu.wait_indirect_dma semaphore(%arg19 : memref<!tpu.dma_semaphore, #tpu.memory_space<semaphore_mem>>) src(%dma_wait3A_199 : memref<10000x128xf32, #tpu.memory_space<hbm>>) dst(%dma_wait3A_193 : memref<64x128xf32, #tpu.memory_space<vmem>>)
      %dma_start3A_200 = arith.constant 0 : i32
      %dma_start3A_201 = arith.constant 0 : i32
      %dma_start3A_202 = arith.constant 1 : i32
      %dma_start3A_203 = arith.constant 0 : i32
      %dma_start3A_204 = arith.constant 0 : i32
      %dma_start3A_205 = tpu.memref_slice %arg9[%dma_start3A_200, %dma_start3A_203, %dma_start3A_204] : memref<4x64x128xf32, #tpu.memory_space<vmem>> -> memref<1x64x128xf32, #tpu.memory_space<vmem>>
      %dma_start3A_206 = tpu.memref_squeeze %dma_start3A_205 : memref<1x64x128xf32, #tpu.memory_space<vmem>> -> memref<64x128xf32, #tpu.memory_space<vmem>>
      %dma_start3A_207 = arith.constant 0 : i32
      %dma_start3A_208 = tpu.memref_slice %arg8[%dma_start3A_201, %dma_start3A_202, %dma_start3A_207] : memref<8x2x64xi32, #tpu.memory_space<vmem>> -> memref<1x1x64xi32, #tpu.memory_space<vmem>>
      %dma_start3A_209 = tpu.memref_squeeze %dma_start3A_208 : memref<1x1x64xi32, #tpu.memory_space<vmem>> -> memref<64xi32, #tpu.memory_space<vmem>>
      %dma_start3A_210 = arith.constant 0 : i32
      %dma_start3A_211 = arith.constant 0 : i32
      %dma_start3A_212 = tpu.memref_slice %arg10[%dma_start3A_210, %dma_start3A_211] : memref<10112x128xf32, #tpu.memory_space<vmem_shared>> -> memref<10112x128xf32, #tpu.memory_space<vmem_shared>>
      tpu.enqueue_indirect_dma source(%dma_start3A_206 : memref<64x128xf32, #tpu.memory_space<vmem>>) target(%dma_start3A_212 : memref<10112x128xf32, #tpu.memory_space<vmem_shared>>) offsets(%dma_start3A_209 : memref<64xi32, #tpu.memory_space<vmem>>) semaphore(%arg23 : memref<!tpu.dma_semaphore, #tpu.memory_space<semaphore_mem>>) {add = true}
      %scan3A_213 = arith.constant 0 : i32
      %scan3A_214 = arith.constant 4 : i32
      %scan3A_215 = arith.addi %scan3A_213, %scan3A_214 : i32
      %scan3A_216 = arith.constant 1 : i32
      scf.for %scan3A_588 = %scan3A_213 to %scan3A_215 step %scan3A_216  : i32 {
        %mul3A_589 = arith.constant 1 : i32
        %mul3A_590 = arith.muli %scan3A_588, %mul3A_589 : i32
        %add3A_591 = arith.constant 0 : i32
        %add3A_592 = arith.addi %add3A_591, %mul3A_590 : i32
        %mul3A_593 = arith.constant 16 : i32
        %mul3A_594 = arith.muli %add3A_592, %mul3A_593 : i32
        %get3A = arith.constant 0 : i32
        %get3A_595 = arith.constant 1 : i32
        %get3A_596 = arith.index_cast %get3A : i32 to index
        %get3A_597 = arith.index_cast %get3A_595 : i32 to index
        %get3A_598 = arith.index_cast %mul3A_594 : i32 to index
        %get3A_599 = tpu.vector_load %arg8[%get3A_596, %get3A_597, %get3A_598] {strides = array<i32>} : memref<8x2x64xi32, #tpu.memory_space<vmem>>, vector<16xi32>,
        tpu.vector_store_idx %arg27[%get3A_599], %broadcast_in_dim3A_5 {add = true} : memref<10112xf32, #tpu.memory_space<vmem>>[vector<16xi32>], vector<16xf32>,
      }
      %scan3A_217 = arith.constant 4 : i32
      %sub3A = arith.constant 2 : i32
      %sub3A_218 = arith.subi %add3A_186, %sub3A : i32
      %ge3A = arith.cmpi sge, %sub3A_218, %mul3A_2 : i32
      %convert_element_type3A = arith.extui %ge3A : i1 to i32
      %cond3A = arith.constant 0 : i32
      %cond3A_219 = arith.cmpi ne, %convert_element_type3A, %cond3A : i32
      scf.if %cond3A_219 {
        %dma_wait3A_588 = arith.constant 2 : i32
        %dma_wait3A_589 = arith.constant 6 : i32
        %dma_wait3A_590 = arith.constant 1 : i32
        %dma_wait3A_591 = arith.constant 0 : i32
        %dma_wait3A_592 = arith.constant 0 : i32
        %dma_wait3A_593 = tpu.memref_slice %arg9[%dma_wait3A_588, %dma_wait3A_591, %dma_wait3A_592] : memref<4x64x128xf32, #tpu.memory_space<vmem>> -> memref<1x64x128xf32, #tpu.memory_space<vmem>>
        %dma_wait3A_594 = tpu.memref_squeeze %dma_wait3A_593 : memref<1x64x128xf32, #tpu.memory_space<vmem>> -> memref<64x128xf32, #tpu.memory_space<vmem>>
        %dma_wait3A_595 = arith.constant 0 : i32
        %dma_wait3A_596 = tpu.memref_slice %arg8[%dma_wait3A_589, %dma_wait3A_590, %dma_wait3A_595] : memref<8x2x64xi32, #tpu.memory_space<vmem>> -> memref<1x1x64xi32, #tpu.memory_space<vmem>>
        %dma_wait3A_597 = tpu.memref_squeeze %dma_wait3A_596 : memref<1x1x64xi32, #tpu.memory_space<vmem>> -> memref<64xi32, #tpu.memory_space<vmem>>
        %dma_wait3A_598 = arith.constant 0 : i32
        %dma_wait3A_599 = arith.constant 0 : i32
        %dma_wait3A_600 = tpu.memref_slice %arg10[%dma_wait3A_598, %dma_wait3A_599] : memref<10112x128xf32, #tpu.memory_space<vmem_shared>> -> memref<10112x128xf32, #tpu.memory_space<vmem_shared>>
        tpu.wait_indirect_dma semaphore(%arg25 : memref<!tpu.dma_semaphore, #tpu.memory_space<semaphore_mem>>) src(%dma_wait3A_594 : memref<64x128xf32, #tpu.memory_space<vmem>>) dst(%dma_wait3A_600 : memref<10112x128xf32, #tpu.memory_space<vmem_shared>>)
      } else {
      }
      %add3A_220 = arith.constant 4 : i32
      %add3A_221 = arith.addi %add3A_186, %add3A_220 : i32
      %lt3A = arith.cmpi slt, %add3A_221, %add3A_7 : i32
      %convert_element_type3A_222 = arith.extui %lt3A : i1 to i32
      %cond3A_223 = arith.constant 0 : i32
      %cond3A_224 = arith.cmpi ne, %convert_element_type3A_222, %cond3A_223 : i32
      scf.if %cond3A_224 {
        %add3A_588 = arith.constant 4 : i32
        %add3A_589 = arith.addi %add3A_186, %add3A_588 : i32
        %dma_start3A_590 = arith.constant 4 : i32
        %dma_start3A_591 = arith.constant 0 : i32
        %dma_start3A_592 = arith.constant 0 : i32
        %dma_start3A_593 = tpu.memref_slice %arg8[%dma_start3A_590, %dma_start3A_591, %dma_start3A_592] : memref<8x2x64xi32, #tpu.memory_space<vmem>> -> memref<1x2x64xi32, #tpu.memory_space<vmem>>
        %dma_start3A_594 = tpu.memref_squeeze %dma_start3A_593 : memref<1x2x64xi32, #tpu.memory_space<vmem>> -> memref<2x64xi32, #tpu.memory_space<vmem>>
        %dma_start3A_595 = arith.constant 0 : i32
        %dma_start3A_596 = arith.constant 0 : i32
        %dma_start3A_597 = tpu.memref_slice %arg3[%add3A_589, %dma_start3A_595, %dma_start3A_596] : memref<5120x2x64xi32, #tpu.memory_space<hbm>> -> memref<1x2x64xi32, #tpu.memory_space<hbm>>
        %dma_start3A_598 = tpu.memref_squeeze %dma_start3A_597 : memref<1x2x64xi32, #tpu.memory_space<hbm>> -> memref<2x64xi32, #tpu.memory_space<hbm>>
        %dma_start3A_599 = arith.constant 0 : i32
        %dma_start3A_600 = arith.constant 0 : i32
        %dma_start3A_601 = tpu.memref_slice %arg8[%dma_start3A_590, %dma_start3A_599, %dma_start3A_600] : memref<8x2x64xi32, #tpu.memory_space<vmem>> -> memref<1x2x64xi32, #tpu.memory_space<vmem>>
        %dma_start3A_602 = tpu.memref_squeeze %dma_start3A_601 : memref<1x2x64xi32, #tpu.memory_space<vmem>> -> memref<2x64xi32, #tpu.memory_space<vmem>>
        %dma_start3A_603 = arith.constant 0 : i32
        %dma_start3A_604 = arith.constant 0 : i32
        %dma_start3A_605 = tpu.memref_slice %arg3[%add3A_589, %dma_start3A_603, %dma_start3A_604] : memref<5120x2x64xi32, #tpu.memory_space<hbm>> -> memref<1x2x64xi32, #tpu.memory_space<hbm>>
        %dma_start3A_606 = tpu.memref_squeeze %dma_start3A_605 : memref<1x2x64xi32, #tpu.memory_space<hbm>> -> memref<2x64xi32, #tpu.memory_space<hbm>>
        tpu.enqueue_dma source(%dma_start3A_606 : memref<2x64xi32, #tpu.memory_space<hbm>>) target(%dma_start3A_602 : memref<2x64xi32, #tpu.memory_space<vmem>>) target_semaphore(%arg15 : memref<!tpu.dma_semaphore, #tpu.memory_space<semaphore_mem>>)
      } else {
      }
      %add3A_225 = arith.constant 2 : i32
      %add3A_226 = arith.addi %add3A_186, %add3A_225 : i32
      %lt3A_227 = arith.cmpi slt, %add3A_226, %add3A_7 : i32
      %convert_element_type3A_228 = arith.extui %lt3A_227 : i1 to i32
      %cond3A_229 = arith.constant 0 : i32
      %cond3A_230 = arith.cmpi ne, %convert_element_type3A_228, %cond3A_229 : i32
      scf.if %cond3A_230 {
        %add3A_588 = arith.constant 2 : i32
        %add3A_589 = arith.addi %add3A_186, %add3A_588 : i32
        %dma_wait3A_590 = arith.constant 2 : i32
        %dma_wait3A_591 = arith.constant 0 : i32
        %dma_wait3A_592 = arith.constant 0 : i32
        %dma_wait3A_593 = tpu.memref_slice %arg8[%dma_wait3A_590, %dma_wait3A_591, %dma_wait3A_592] : memref<8x2x64xi32, #tpu.memory_space<vmem>> -> memref<1x2x64xi32, #tpu.memory_space<vmem>>
        %dma_wait3A_594 = tpu.memref_squeeze %dma_wait3A_593 : memref<1x2x64xi32, #tpu.memory_space<vmem>> -> memref<2x64xi32, #tpu.memory_space<vmem>>
        %dma_wait3A_595 = arith.constant 0 : i32
        %dma_wait3A_596 = arith.constant 0 : i32
        %dma_wait3A_597 = tpu.memref_slice %arg3[%add3A_589, %dma_wait3A_595, %dma_wait3A_596] : memref<5120x2x64xi32, #tpu.memory_space<hbm>> -> memref<1x2x64xi32, #tpu.memory_space<hbm>>
        %dma_wait3A_598 = tpu.memref_squeeze %dma_wait3A_597 : memref<1x2x64xi32, #tpu.memory_space<hbm>> -> memref<2x64xi32, #tpu.memory_space<hbm>>
        %dma_wait3A_599 = arith.constant 0 : i32
        %dma_wait3A_600 = arith.constant 0 : i32
        %dma_wait3A_601 = tpu.memref_slice %arg8[%dma_wait3A_590, %dma_wait3A_599, %dma_wait3A_600] : memref<8x2x64xi32, #tpu.memory_space<vmem>> -> memref<1x2x64xi32, #tpu.memory_space<vmem>>
        %dma_wait3A_602 = tpu.memref_squeeze %dma_wait3A_601 : memref<1x2x64xi32, #tpu.memory_space<vmem>> -> memref<2x64xi32, #tpu.memory_space<vmem>>
        %dma_wait3A_603 = arith.constant 0 : i32
        %dma_wait3A_604 = arith.constant 0 : i32
        %dma_wait3A_605 = tpu.memref_slice %arg3[%add3A_589, %dma_wait3A_603, %dma_wait3A_604] : memref<5120x2x64xi32, #tpu.memory_space<hbm>> -> memref<1x2x64xi32, #tpu.memory_space<hbm>>
        %dma_wait3A_606 = tpu.memref_squeeze %dma_wait3A_605 : memref<1x2x64xi32, #tpu.memory_space<hbm>> -> memref<2x64xi32, #tpu.memory_space<hbm>>
        tpu.wait_dma2 semaphore(%arg13 : memref<!tpu.dma_semaphore, #tpu.memory_space<semaphore_mem>>) src(%dma_wait3A_606 : memref<2x64xi32, #tpu.memory_space<hbm>>) dst(%dma_wait3A_602 : memref<2x64xi32, #tpu.memory_space<vmem>>)
        %dma_start3A_607 = arith.constant 2 : i32
        %dma_start3A_608 = arith.constant 0 : i32
        %dma_start3A_609 = arith.constant 2 : i32
        %dma_start3A_610 = arith.constant 0 : i32
        %dma_start3A_611 = arith.constant 0 : i32
        %dma_start3A_612 = tpu.memref_slice %arg9[%dma_start3A_609, %dma_start3A_610, %dma_start3A_611] : memref<4x64x128xf32, #tpu.memory_space<vmem>> -> memref<1x64x128xf32, #tpu.memory_space<vmem>>
        %dma_start3A_613 = tpu.memref_squeeze %dma_start3A_612 : memref<1x64x128xf32, #tpu.memory_space<vmem>> -> memref<64x128xf32, #tpu.memory_space<vmem>>
        %dma_start3A_614 = arith.constant 0 : i32
        %dma_start3A_615 = tpu.memref_slice %arg8[%dma_start3A_607, %dma_start3A_608, %dma_start3A_614] : memref<8x2x64xi32, #tpu.memory_space<vmem>> -> memref<1x1x64xi32, #tpu.memory_space<vmem>>
        %dma_start3A_616 = tpu.memref_squeeze %dma_start3A_615 : memref<1x1x64xi32, #tpu.memory_space<vmem>> -> memref<64xi32, #tpu.memory_space<vmem>>
        %dma_start3A_617 = arith.constant 0 : i32
        %dma_start3A_618 = arith.constant 0 : i32
        %dma_start3A_619 = tpu.memref_slice %arg2[%dma_start3A_617, %dma_start3A_618] : memref<10000x128xf32, #tpu.memory_space<hbm>> -> memref<10000x128xf32, #tpu.memory_space<hbm>>
        tpu.enqueue_indirect_dma source(%dma_start3A_619 : memref<10000x128xf32, #tpu.memory_space<hbm>>) target(%dma_start3A_613 : memref<64x128xf32, #tpu.memory_space<vmem>>) offsets(%dma_start3A_616 : memref<64xi32, #tpu.memory_space<vmem>>) semaphore(%arg21 : memref<!tpu.dma_semaphore, #tpu.memory_space<semaphore_mem>>)
      } else {
      }
      %add3A_231 = arith.constant 1 : i32
      %add3A_232 = arith.addi %add3A_184, %add3A_231 : i32
      %dma_wait3A_233 = arith.constant 1 : i32
      %dma_wait3A_234 = arith.constant 0 : i32
      %dma_wait3A_235 = arith.constant 1 : i32
      %dma_wait3A_236 = arith.constant 0 : i32
      %dma_wait3A_237 = arith.constant 0 : i32
      %dma_wait3A_238 = tpu.memref_slice %arg9[%dma_wait3A_235, %dma_wait3A_236, %dma_wait3A_237] : memref<4x64x128xf32, #tpu.memory_space<vmem>> -> memref<1x64x128xf32, #tpu.memory_space<vmem>>
      %dma_wait3A_239 = tpu.memref_squeeze %dma_wait3A_238 : memref<1x64x128xf32, #tpu.memory_space<vmem>> -> memref<64x128xf32, #tpu.memory_space<vmem>>
      %dma_wait3A_240 = arith.constant 0 : i32
      %dma_wait3A_241 = tpu.memref_slice %arg8[%dma_wait3A_233, %dma_wait3A_234, %dma_wait3A_240] : memref<8x2x64xi32, #tpu.memory_space<vmem>> -> memref<1x1x64xi32, #tpu.memory_space<vmem>>
      %dma_wait3A_242 = tpu.memref_squeeze %dma_wait3A_241 : memref<1x1x64xi32, #tpu.memory_space<vmem>> -> memref<64xi32, #tpu.memory_space<vmem>>
      %dma_wait3A_243 = arith.constant 0 : i32
      %dma_wait3A_244 = arith.constant 0 : i32
      %dma_wait3A_245 = tpu.memref_slice %arg2[%dma_wait3A_243, %dma_wait3A_244] : memref<10000x128xf32, #tpu.memory_space<hbm>> -> memref<10000x128xf32, #tpu.memory_space<hbm>>
      tpu.wait_indirect_dma semaphore(%arg20 : memref<!tpu.dma_semaphore, #tpu.memory_space<semaphore_mem>>) src(%dma_wait3A_245 : memref<10000x128xf32, #tpu.memory_space<hbm>>) dst(%dma_wait3A_239 : memref<64x128xf32, #tpu.memory_space<vmem>>)
      %dma_start3A_246 = arith.constant 1 : i32
      %dma_start3A_247 = arith.constant 1 : i32
      %dma_start3A_248 = arith.constant 1 : i32
      %dma_start3A_249 = arith.constant 0 : i32
      %dma_start3A_250 = arith.constant 0 : i32
      %dma_start3A_251 = tpu.memref_slice %arg9[%dma_start3A_246, %dma_start3A_249, %dma_start3A_250] : memref<4x64x128xf32, #tpu.memory_space<vmem>> -> memref<1x64x128xf32, #tpu.memory_space<vmem>>
      %dma_start3A_252 = tpu.memref_squeeze %dma_start3A_251 : memref<1x64x128xf32, #tpu.memory_space<vmem>> -> memref<64x128xf32, #tpu.memory_space<vmem>>
      %dma_start3A_253 = arith.constant 0 : i32
      %dma_start3A_254 = tpu.memref_slice %arg8[%dma_start3A_247, %dma_start3A_248, %dma_start3A_253] : memref<8x2x64xi32, #tpu.memory_space<vmem>> -> memref<1x1x64xi32, #tpu.memory_space<vmem>>
      %dma_start3A_255 = tpu.memref_squeeze %dma_start3A_254 : memref<1x1x64xi32, #tpu.memory_space<vmem>> -> memref<64xi32, #tpu.memory_space<vmem>>
      %dma_start3A_256 = arith.constant 0 : i32
      %dma_start3A_257 = arith.constant 0 : i32
      %dma_start3A_258 = tpu.memref_slice %arg10[%dma_start3A_256, %dma_start3A_257] : memref<10112x128xf32, #tpu.memory_space<vmem_shared>> -> memref<10112x128xf32, #tpu.memory_space<vmem_shared>>
      tpu.enqueue_indirect_dma source(%dma_start3A_252 : memref<64x128xf32, #tpu.memory_space<vmem>>) target(%dma_start3A_258 : memref<10112x128xf32, #tpu.memory_space<vmem_shared>>) offsets(%dma_start3A_255 : memref<64xi32, #tpu.memory_space<vmem>>) semaphore(%arg24 : memref<!tpu.dma_semaphore, #tpu.memory_space<semaphore_mem>>) {add = true}
      %scan3A_259 = arith.constant 0 : i32
      %scan3A_260 = arith.constant 4 : i32
      %scan3A_261 = arith.addi %scan3A_259, %scan3A_260 : i32
      %scan3A_262 = arith.constant 1 : i32
      scf.for %scan3A_588 = %scan3A_259 to %scan3A_261 step %scan3A_262  : i32 {
        %mul3A_589 = arith.constant 1 : i32
        %mul3A_590 = arith.muli %scan3A_588, %mul3A_589 : i32
        %add3A_591 = arith.constant 0 : i32
        %add3A_592 = arith.addi %add3A_591, %mul3A_590 : i32
        %mul3A_593 = arith.constant 16 : i32
        %mul3A_594 = arith.muli %add3A_592, %mul3A_593 : i32
        %get3A = arith.constant 1 : i32
        %get3A_595 = arith.constant 1 : i32
        %get3A_596 = arith.index_cast %get3A : i32 to index
        %get3A_597 = arith.index_cast %get3A_595 : i32 to index
        %get3A_598 = arith.index_cast %mul3A_594 : i32 to index
        %get3A_599 = tpu.vector_load %arg8[%get3A_596, %get3A_597, %get3A_598] {strides = array<i32>} : memref<8x2x64xi32, #tpu.memory_space<vmem>>, vector<16xi32>,
        tpu.vector_store_idx %arg27[%get3A_599], %broadcast_in_dim3A_5 {add = true} : memref<10112xf32, #tpu.memory_space<vmem>>[vector<16xi32>], vector<16xf32>,
      }
      %scan3A_263 = arith.constant 4 : i32
      %sub3A_264 = arith.constant 2 : i32
      %sub3A_265 = arith.subi %add3A_232, %sub3A_264 : i32
      %ge3A_266 = arith.cmpi sge, %sub3A_265, %mul3A_2 : i32
      %convert_element_type3A_267 = arith.extui %ge3A_266 : i1 to i32
      %cond3A_268 = arith.constant 0 : i32
      %cond3A_269 = arith.cmpi ne, %convert_element_type3A_267, %cond3A_268 : i32
      scf.if %cond3A_269 {
        %dma_wait3A_588 = arith.constant 3 : i32
        %dma_wait3A_589 = arith.constant 7 : i32
        %dma_wait3A_590 = arith.constant 1 : i32
        %dma_wait3A_591 = arith.constant 0 : i32
        %dma_wait3A_592 = arith.constant 0 : i32
        %dma_wait3A_593 = tpu.memref_slice %arg9[%dma_wait3A_588, %dma_wait3A_591, %dma_wait3A_592] : memref<4x64x128xf32, #tpu.memory_space<vmem>> -> memref<1x64x128xf32, #tpu.memory_space<vmem>>
        %dma_wait3A_594 = tpu.memref_squeeze %dma_wait3A_593 : memref<1x64x128xf32, #tpu.memory_space<vmem>> -> memref<64x128xf32, #tpu.memory_space<vmem>>
        %dma_wait3A_595 = arith.constant 0 : i32
        %dma_wait3A_596 = tpu.memref_slice %arg8[%dma_wait3A_589, %dma_wait3A_590, %dma_wait3A_595] : memref<8x2x64xi32, #tpu.memory_space<vmem>> -> memref<1x1x64xi32, #tpu.memory_space<vmem>>
        %dma_wait3A_597 = tpu.memref_squeeze %dma_wait3A_596 : memref<1x1x64xi32, #tpu.memory_space<vmem>> -> memref<64xi32, #tpu.memory_space<vmem>>
        %dma_wait3A_598 = arith.constant 0 : i32
        %dma_wait3A_599 = arith.constant 0 : i32
        %dma_wait3A_600 = tpu.memref_slice %arg10[%dma_wait3A_598, %dma_wait3A_599] : memref<10112x128xf32, #tpu.memory_space<vmem_shared>> -> memref<10112x128xf32, #tpu.memory_space<vmem_shared>>
        tpu.wait_indirect_dma semaphore(%arg26 : memref<!tpu.dma_semaphore, #tpu.memory_space<semaphore_mem>>) src(%dma_wait3A_594 : memref<64x128xf32, #tpu.memory_space<vmem>>) dst(%dma_wait3A_600 : memref<10112x128xf32, #tpu.memory_space<vmem_shared>>)
      } else {
      }
      %add3A_270 = arith.constant 4 : i32
      %add3A_271 = arith.addi %add3A_232, %add3A_270 : i32
      %lt3A_272 = arith.cmpi slt, %add3A_271, %add3A_7 : i32
      %convert_element_type3A_273 = arith.extui %lt3A_272 : i1 to i32
      %cond3A_274 = arith.constant 0 : i32
      %cond3A_275 = arith.cmpi ne, %convert_element_type3A_273, %cond3A_274 : i32
      scf.if %cond3A_275 {
        %add3A_588 = arith.constant 4 : i32
        %add3A_589 = arith.addi %add3A_232, %add3A_588 : i32
        %dma_start3A_590 = arith.constant 5 : i32
        %dma_start3A_591 = arith.constant 0 : i32
        %dma_start3A_592 = arith.constant 0 : i32
        %dma_start3A_593 = tpu.memref_slice %arg8[%dma_start3A_590, %dma_start3A_591, %dma_start3A_592] : memref<8x2x64xi32, #tpu.memory_space<vmem>> -> memref<1x2x64xi32, #tpu.memory_space<vmem>>
        %dma_start3A_594 = tpu.memref_squeeze %dma_start3A_593 : memref<1x2x64xi32, #tpu.memory_space<vmem>> -> memref<2x64xi32, #tpu.memory_space<vmem>>
        %dma_start3A_595 = arith.constant 0 : i32
        %dma_start3A_596 = arith.constant 0 : i32
        %dma_start3A_597 = tpu.memref_slice %arg3[%add3A_589, %dma_start3A_595, %dma_start3A_596] : memref<5120x2x64xi32, #tpu.memory_space<hbm>> -> memref<1x2x64xi32, #tpu.memory_space<hbm>>
        %dma_start3A_598 = tpu.memref_squeeze %dma_start3A_597 : memref<1x2x64xi32, #tpu.memory_space<hbm>> -> memref<2x64xi32, #tpu.memory_space<hbm>>
        %dma_start3A_599 = arith.constant 0 : i32
        %dma_start3A_600 = arith.constant 0 : i32
        %dma_start3A_601 = tpu.memref_slice %arg8[%dma_start3A_590, %dma_start3A_599, %dma_start3A_600] : memref<8x2x64xi32, #tpu.memory_space<vmem>> -> memref<1x2x64xi32, #tpu.memory_space<vmem>>
        %dma_start3A_602 = tpu.memref_squeeze %dma_start3A_601 : memref<1x2x64xi32, #tpu.memory_space<vmem>> -> memref<2x64xi32, #tpu.memory_space<vmem>>
        %dma_start3A_603 = arith.constant 0 : i32
        %dma_start3A_604 = arith.constant 0 : i32
        %dma_start3A_605 = tpu.memref_slice %arg3[%add3A_589, %dma_start3A_603, %dma_start3A_604] : memref<5120x2x64xi32, #tpu.memory_space<hbm>> -> memref<1x2x64xi32, #tpu.memory_space<hbm>>
        %dma_start3A_606 = tpu.memref_squeeze %dma_start3A_605 : memref<1x2x64xi32, #tpu.memory_space<hbm>> -> memref<2x64xi32, #tpu.memory_space<hbm>>
        tpu.enqueue_dma source(%dma_start3A_606 : memref<2x64xi32, #tpu.memory_space<hbm>>) target(%dma_start3A_602 : memref<2x64xi32, #tpu.memory_space<vmem>>) target_semaphore(%arg16 : memref<!tpu.dma_semaphore, #tpu.memory_space<semaphore_mem>>)
      } else {
      }
      %add3A_276 = arith.constant 2 : i32
      %add3A_277 = arith.addi %add3A_232, %add3A_276 : i32
      %lt3A_278 = arith.cmpi slt, %add3A_277, %add3A_7 : i32
      %convert_element_type3A_279 = arith.extui %lt3A_278 : i1 to i32
      %cond3A_280 = arith.constant 0 : i32
      %cond3A_281 = arith.cmpi ne, %convert_element_type3A_279, %cond3A_280 : i32
      scf.if %cond3A_281 {
        %add3A_588 = arith.constant 2 : i32
        %add3A_589 = arith.addi %add3A_232, %add3A_588 : i32
        %dma_wait3A_590 = arith.constant 3 : i32
        %dma_wait3A_591 = arith.constant 0 : i32
        %dma_wait3A_592 = arith.constant 0 : i32
        %dma_wait3A_593 = tpu.memref_slice %arg8[%dma_wait3A_590, %dma_wait3A_591, %dma_wait3A_592] : memref<8x2x64xi32, #tpu.memory_space<vmem>> -> memref<1x2x64xi32, #tpu.memory_space<vmem>>
        %dma_wait3A_594 = tpu.memref_squeeze %dma_wait3A_593 : memref<1x2x64xi32, #tpu.memory_space<vmem>> -> memref<2x64xi32, #tpu.memory_space<vmem>>
        %dma_wait3A_595 = arith.constant 0 : i32
        %dma_wait3A_596 = arith.constant 0 : i32
        %dma_wait3A_597 = tpu.memref_slice %arg3[%add3A_589, %dma_wait3A_595, %dma_wait3A_596] : memref<5120x2x64xi32, #tpu.memory_space<hbm>> -> memref<1x2x64xi32, #tpu.memory_space<hbm>>
        %dma_wait3A_598 = tpu.memref_squeeze %dma_wait3A_597 : memref<1x2x64xi32, #tpu.memory_space<hbm>> -> memref<2x64xi32, #tpu.memory_space<hbm>>
        %dma_wait3A_599 = arith.constant 0 : i32
        %dma_wait3A_600 = arith.constant 0 : i32
        %dma_wait3A_601 = tpu.memref_slice %arg8[%dma_wait3A_590, %dma_wait3A_599, %dma_wait3A_600] : memref<8x2x64xi32, #tpu.memory_space<vmem>> -> memref<1x2x64xi32, #tpu.memory_space<vmem>>
        %dma_wait3A_602 = tpu.memref_squeeze %dma_wait3A_601 : memref<1x2x64xi32, #tpu.memory_space<vmem>> -> memref<2x64xi32, #tpu.memory_space<vmem>>
        %dma_wait3A_603 = arith.constant 0 : i32
        %dma_wait3A_604 = arith.constant 0 : i32
        %dma_wait3A_605 = tpu.memref_slice %arg3[%add3A_589, %dma_wait3A_603, %dma_wait3A_604] : memref<5120x2x64xi32, #tpu.memory_space<hbm>> -> memref<1x2x64xi32, #tpu.memory_space<hbm>>
        %dma_wait3A_606 = tpu.memref_squeeze %dma_wait3A_605 : memref<1x2x64xi32, #tpu.memory_space<hbm>> -> memref<2x64xi32, #tpu.memory_space<hbm>>
        tpu.wait_dma2 semaphore(%arg14 : memref<!tpu.dma_semaphore, #tpu.memory_space<semaphore_mem>>) src(%dma_wait3A_606 : memref<2x64xi32, #tpu.memory_space<hbm>>) dst(%dma_wait3A_602 : memref<2x64xi32, #tpu.memory_space<vmem>>)
        %dma_start3A_607 = arith.constant 3 : i32
        %dma_start3A_608 = arith.constant 0 : i32
        %dma_start3A_609 = arith.constant 3 : i32
        %dma_start3A_610 = arith.constant 0 : i32
        %dma_start3A_611 = arith.constant 0 : i32
        %dma_start3A_612 = tpu.memref_slice %arg9[%dma_start3A_609, %dma_start3A_610, %dma_start3A_611] : memref<4x64x128xf32, #tpu.memory_space<vmem>> -> memref<1x64x128xf32, #tpu.memory_space<vmem>>
        %dma_start3A_613 = tpu.memref_squeeze %dma_start3A_612 : memref<1x64x128xf32, #tpu.memory_space<vmem>> -> memref<64x128xf32, #tpu.memory_space<vmem>>
        %dma_start3A_614 = arith.constant 0 : i32
        %dma_start3A_615 = tpu.memref_slice %arg8[%dma_start3A_607, %dma_start3A_608, %dma_start3A_614] : memref<8x2x64xi32, #tpu.memory_space<vmem>> -> memref<1x1x64xi32, #tpu.memory_space<vmem>>
        %dma_start3A_616 = tpu.memref_squeeze %dma_start3A_615 : memref<1x1x64xi32, #tpu.memory_space<vmem>> -> memref<64xi32, #tpu.memory_space<vmem>>
        %dma_start3A_617 = arith.constant 0 : i32
        %dma_start3A_618 = arith.constant 0 : i32
        %dma_start3A_619 = tpu.memref_slice %arg2[%dma_start3A_617, %dma_start3A_618] : memref<10000x128xf32, #tpu.memory_space<hbm>> -> memref<10000x128xf32, #tpu.memory_space<hbm>>
        tpu.enqueue_indirect_dma source(%dma_start3A_619 : memref<10000x128xf32, #tpu.memory_space<hbm>>) target(%dma_start3A_613 : memref<64x128xf32, #tpu.memory_space<vmem>>) offsets(%dma_start3A_616 : memref<64xi32, #tpu.memory_space<vmem>>) semaphore(%arg22 : memref<!tpu.dma_semaphore, #tpu.memory_space<semaphore_mem>>)
      } else {
      }
      %add3A_282 = arith.constant 2 : i32
      %add3A_283 = arith.addi %add3A_184, %add3A_282 : i32
      %dma_wait3A_284 = arith.constant 2 : i32
      %dma_wait3A_285 = arith.constant 0 : i32
      %dma_wait3A_286 = arith.constant 2 : i32
      %dma_wait3A_287 = arith.constant 0 : i32
      %dma_wait3A_288 = arith.constant 0 : i32
      %dma_wait3A_289 = tpu.memref_slice %arg9[%dma_wait3A_286, %dma_wait3A_287, %dma_wait3A_288] : memref<4x64x128xf32, #tpu.memory_space<vmem>> -> memref<1x64x128xf32, #tpu.memory_space<vmem>>
      %dma_wait3A_290 = tpu.memref_squeeze %dma_wait3A_289 : memref<1x64x128xf32, #tpu.memory_space<vmem>> -> memref<64x128xf32, #tpu.memory_space<vmem>>
      %dma_wait3A_291 = arith.constant 0 : i32
      %dma_wait3A_292 = tpu.memref_slice %arg8[%dma_wait3A_284, %dma_wait3A_285, %dma_wait3A_291] : memref<8x2x64xi32, #tpu.memory_space<vmem>> -> memref<1x1x64xi32, #tpu.memory_space<vmem>>
      %dma_wait3A_293 = tpu.memref_squeeze %dma_wait3A_292 : memref<1x1x64xi32, #tpu.memory_space<vmem>> -> memref<64xi32, #tpu.memory_space<vmem>>
      %dma_wait3A_294 = arith.constant 0 : i32
      %dma_wait3A_295 = arith.constant 0 : i32
      %dma_wait3A_296 = tpu.memref_slice %arg2[%dma_wait3A_294, %dma_wait3A_295] : memref<10000x128xf32, #tpu.memory_space<hbm>> -> memref<10000x128xf32, #tpu.memory_space<hbm>>
      tpu.wait_indirect_dma semaphore(%arg21 : memref<!tpu.dma_semaphore, #tpu.memory_space<semaphore_mem>>) src(%dma_wait3A_296 : memref<10000x128xf32, #tpu.memory_space<hbm>>) dst(%dma_wait3A_290 : memref<64x128xf32, #tpu.memory_space<vmem>>)
      %dma_start3A_297 = arith.constant 2 : i32
      %dma_start3A_298 = arith.constant 2 : i32
      %dma_start3A_299 = arith.constant 1 : i32
      %dma_start3A_300 = arith.constant 0 : i32
      %dma_start3A_301 = arith.constant 0 : i32
      %dma_start3A_302 = tpu.memref_slice %arg9[%dma_start3A_297, %dma_start3A_300, %dma_start3A_301] : memref<4x64x128xf32, #tpu.memory_space<vmem>> -> memref<1x64x128xf32, #tpu.memory_space<vmem>>
      %dma_start3A_303 = tpu.memref_squeeze %dma_start3A_302 : memref<1x64x128xf32, #tpu.memory_space<vmem>> -> memref<64x128xf32, #tpu.memory_space<vmem>>
      %dma_start3A_304 = arith.constant 0 : i32
      %dma_start3A_305 = tpu.memref_slice %arg8[%dma_start3A_298, %dma_start3A_299, %dma_start3A_304] : memref<8x2x64xi32, #tpu.memory_space<vmem>> -> memref<1x1x64xi32, #tpu.memory_space<vmem>>
      %dma_start3A_306 = tpu.memref_squeeze %dma_start3A_305 : memref<1x1x64xi32, #tpu.memory_space<vmem>> -> memref<64xi32, #tpu.memory_space<vmem>>
      %dma_start3A_307 = arith.constant 0 : i32
      %dma_start3A_308 = arith.constant 0 : i32
      %dma_start3A_309 = tpu.memref_slice %arg10[%dma_start3A_307, %dma_start3A_308] : memref<10112x128xf32, #tpu.memory_space<vmem_shared>> -> memref<10112x128xf32, #tpu.memory_space<vmem_shared>>
      tpu.enqueue_indirect_dma source(%dma_start3A_303 : memref<64x128xf32, #tpu.memory_space<vmem>>) target(%dma_start3A_309 : memref<10112x128xf32, #tpu.memory_space<vmem_shared>>) offsets(%dma_start3A_306 : memref<64xi32, #tpu.memory_space<vmem>>) semaphore(%arg25 : memref<!tpu.dma_semaphore, #tpu.memory_space<semaphore_mem>>) {add = true}
      %scan3A_310 = arith.constant 0 : i32
      %scan3A_311 = arith.constant 4 : i32
      %scan3A_312 = arith.addi %scan3A_310, %scan3A_311 : i32
      %scan3A_313 = arith.constant 1 : i32
      scf.for %scan3A_588 = %scan3A_310 to %scan3A_312 step %scan3A_313  : i32 {
        %mul3A_589 = arith.constant 1 : i32
        %mul3A_590 = arith.muli %scan3A_588, %mul3A_589 : i32
        %add3A_591 = arith.constant 0 : i32
        %add3A_592 = arith.addi %add3A_591, %mul3A_590 : i32
        %mul3A_593 = arith.constant 16 : i32
        %mul3A_594 = arith.muli %add3A_592, %mul3A_593 : i32
        %get3A = arith.constant 2 : i32
        %get3A_595 = arith.constant 1 : i32
        %get3A_596 = arith.index_cast %get3A : i32 to index
        %get3A_597 = arith.index_cast %get3A_595 : i32 to index
        %get3A_598 = arith.index_cast %mul3A_594 : i32 to index
        %get3A_599 = tpu.vector_load %arg8[%get3A_596, %get3A_597, %get3A_598] {strides = array<i32>} : memref<8x2x64xi32, #tpu.memory_space<vmem>>, vector<16xi32>,
        tpu.vector_store_idx %arg27[%get3A_599], %broadcast_in_dim3A_5 {add = true} : memref<10112xf32, #tpu.memory_space<vmem>>[vector<16xi32>], vector<16xf32>,
      }
      %scan3A_314 = arith.constant 4 : i32
      %sub3A_315 = arith.constant 2 : i32
      %sub3A_316 = arith.subi %add3A_283, %sub3A_315 : i32
      %ge3A_317 = arith.cmpi sge, %sub3A_316, %mul3A_2 : i32
      %convert_element_type3A_318 = arith.extui %ge3A_317 : i1 to i32
      %cond3A_319 = arith.constant 0 : i32
      %cond3A_320 = arith.cmpi ne, %convert_element_type3A_318, %cond3A_319 : i32
      scf.if %cond3A_320 {
        %dma_wait3A_588 = arith.constant 0 : i32
        %dma_wait3A_589 = arith.constant 0 : i32
        %dma_wait3A_590 = arith.constant 1 : i32
        %dma_wait3A_591 = arith.constant 0 : i32
        %dma_wait3A_592 = arith.constant 0 : i32
        %dma_wait3A_593 = tpu.memref_slice %arg9[%dma_wait3A_588, %dma_wait3A_591, %dma_wait3A_592] : memref<4x64x128xf32, #tpu.memory_space<vmem>> -> memref<1x64x128xf32, #tpu.memory_space<vmem>>
        %dma_wait3A_594 = tpu.memref_squeeze %dma_wait3A_593 : memref<1x64x128xf32, #tpu.memory_space<vmem>> -> memref<64x128xf32, #tpu.memory_space<vmem>>
        %dma_wait3A_595 = arith.constant 0 : i32
        %dma_wait3A_596 = tpu.memref_slice %arg8[%dma_wait3A_589, %dma_wait3A_590, %dma_wait3A_595] : memref<8x2x64xi32, #tpu.memory_space<vmem>> -> memref<1x1x64xi32, #tpu.memory_space<vmem>>
        %dma_wait3A_597 = tpu.memref_squeeze %dma_wait3A_596 : memref<1x1x64xi32, #tpu.memory_space<vmem>> -> memref<64xi32, #tpu.memory_space<vmem>>
        %dma_wait3A_598 = arith.constant 0 : i32
        %dma_wait3A_599 = arith.constant 0 : i32
        %dma_wait3A_600 = tpu.memref_slice %arg10[%dma_wait3A_598, %dma_wait3A_599] : memref<10112x128xf32, #tpu.memory_space<vmem_shared>> -> memref<10112x128xf32, #tpu.memory_space<vmem_shared>>
        tpu.wait_indirect_dma semaphore(%arg23 : memref<!tpu.dma_semaphore, #tpu.memory_space<semaphore_mem>>) src(%dma_wait3A_594 : memref<64x128xf32, #tpu.memory_space<vmem>>) dst(%dma_wait3A_600 : memref<10112x128xf32, #tpu.memory_space<vmem_shared>>)
      } else {
      }
      %add3A_321 = arith.constant 4 : i32
      %add3A_322 = arith.addi %add3A_283, %add3A_321 : i32
      %lt3A_323 = arith.cmpi slt, %add3A_322, %add3A_7 : i32
      %convert_element_type3A_324 = arith.extui %lt3A_323 : i1 to i32
      %cond3A_325 = arith.constant 0 : i32
      %cond3A_326 = arith.cmpi ne, %convert_element_type3A_324, %cond3A_325 : i32
      scf.if %cond3A_326 {
        %add3A_588 = arith.constant 4 : i32
        %add3A_589 = arith.addi %add3A_283, %add3A_588 : i32
        %dma_start3A_590 = arith.constant 6 : i32
        %dma_start3A_591 = arith.constant 0 : i32
        %dma_start3A_592 = arith.constant 0 : i32
        %dma_start3A_593 = tpu.memref_slice %arg8[%dma_start3A_590, %dma_start3A_591, %dma_start3A_592] : memref<8x2x64xi32, #tpu.memory_space<vmem>> -> memref<1x2x64xi32, #tpu.memory_space<vmem>>
        %dma_start3A_594 = tpu.memref_squeeze %dma_start3A_593 : memref<1x2x64xi32, #tpu.memory_space<vmem>> -> memref<2x64xi32, #tpu.memory_space<vmem>>
        %dma_start3A_595 = arith.constant 0 : i32
        %dma_start3A_596 = arith.constant 0 : i32
        %dma_start3A_597 = tpu.memref_slice %arg3[%add3A_589, %dma_start3A_595, %dma_start3A_596] : memref<5120x2x64xi32, #tpu.memory_space<hbm>> -> memref<1x2x64xi32, #tpu.memory_space<hbm>>
        %dma_start3A_598 = tpu.memref_squeeze %dma_start3A_597 : memref<1x2x64xi32, #tpu.memory_space<hbm>> -> memref<2x64xi32, #tpu.memory_space<hbm>>
        %dma_start3A_599 = arith.constant 0 : i32
        %dma_start3A_600 = arith.constant 0 : i32
        %dma_start3A_601 = tpu.memref_slice %arg8[%dma_start3A_590, %dma_start3A_599, %dma_start3A_600] : memref<8x2x64xi32, #tpu.memory_space<vmem>> -> memref<1x2x64xi32, #tpu.memory_space<vmem>>
        %dma_start3A_602 = tpu.memref_squeeze %dma_start3A_601 : memref<1x2x64xi32, #tpu.memory_space<vmem>> -> memref<2x64xi32, #tpu.memory_space<vmem>>
        %dma_start3A_603 = arith.constant 0 : i32
        %dma_start3A_604 = arith.constant 0 : i32
        %dma_start3A_605 = tpu.memref_slice %arg3[%add3A_589, %dma_start3A_603, %dma_start3A_604] : memref<5120x2x64xi32, #tpu.memory_space<hbm>> -> memref<1x2x64xi32, #tpu.memory_space<hbm>>
        %dma_start3A_606 = tpu.memref_squeeze %dma_start3A_605 : memref<1x2x64xi32, #tpu.memory_space<hbm>> -> memref<2x64xi32, #tpu.memory_space<hbm>>
        tpu.enqueue_dma source(%dma_start3A_606 : memref<2x64xi32, #tpu.memory_space<hbm>>) target(%dma_start3A_602 : memref<2x64xi32, #tpu.memory_space<vmem>>) target_semaphore(%arg17 : memref<!tpu.dma_semaphore, #tpu.memory_space<semaphore_mem>>)
      } else {
      }
      %add3A_327 = arith.constant 2 : i32
      %add3A_328 = arith.addi %add3A_283, %add3A_327 : i32
      %lt3A_329 = arith.cmpi slt, %add3A_328, %add3A_7 : i32
      %convert_element_type3A_330 = arith.extui %lt3A_329 : i1 to i32
      %cond3A_331 = arith.constant 0 : i32
      %cond3A_332 = arith.cmpi ne, %convert_element_type3A_330, %cond3A_331 : i32
      scf.if %cond3A_332 {
        %add3A_588 = arith.constant 2 : i32
        %add3A_589 = arith.addi %add3A_283, %add3A_588 : i32
        %dma_wait3A_590 = arith.constant 4 : i32
        %dma_wait3A_591 = arith.constant 0 : i32
        %dma_wait3A_592 = arith.constant 0 : i32
        %dma_wait3A_593 = tpu.memref_slice %arg8[%dma_wait3A_590, %dma_wait3A_591, %dma_wait3A_592] : memref<8x2x64xi32, #tpu.memory_space<vmem>> -> memref<1x2x64xi32, #tpu.memory_space<vmem>>
        %dma_wait3A_594 = tpu.memref_squeeze %dma_wait3A_593 : memref<1x2x64xi32, #tpu.memory_space<vmem>> -> memref<2x64xi32, #tpu.memory_space<vmem>>
        %dma_wait3A_595 = arith.constant 0 : i32
        %dma_wait3A_596 = arith.constant 0 : i32
        %dma_wait3A_597 = tpu.memref_slice %arg3[%add3A_589, %dma_wait3A_595, %dma_wait3A_596] : memref<5120x2x64xi32, #tpu.memory_space<hbm>> -> memref<1x2x64xi32, #tpu.memory_space<hbm>>
        %dma_wait3A_598 = tpu.memref_squeeze %dma_wait3A_597 : memref<1x2x64xi32, #tpu.memory_space<hbm>> -> memref<2x64xi32, #tpu.memory_space<hbm>>
        %dma_wait3A_599 = arith.constant 0 : i32
        %dma_wait3A_600 = arith.constant 0 : i32
        %dma_wait3A_601 = tpu.memref_slice %arg8[%dma_wait3A_590, %dma_wait3A_599, %dma_wait3A_600] : memref<8x2x64xi32, #tpu.memory_space<vmem>> -> memref<1x2x64xi32, #tpu.memory_space<vmem>>
        %dma_wait3A_602 = tpu.memref_squeeze %dma_wait3A_601 : memref<1x2x64xi32, #tpu.memory_space<vmem>> -> memref<2x64xi32, #tpu.memory_space<vmem>>
        %dma_wait3A_603 = arith.constant 0 : i32
        %dma_wait3A_604 = arith.constant 0 : i32
        %dma_wait3A_605 = tpu.memref_slice %arg3[%add3A_589, %dma_wait3A_603, %dma_wait3A_604] : memref<5120x2x64xi32, #tpu.memory_space<hbm>> -> memref<1x2x64xi32, #tpu.memory_space<hbm>>
        %dma_wait3A_606 = tpu.memref_squeeze %dma_wait3A_605 : memref<1x2x64xi32, #tpu.memory_space<hbm>> -> memref<2x64xi32, #tpu.memory_space<hbm>>
        tpu.wait_dma2 semaphore(%arg15 : memref<!tpu.dma_semaphore, #tpu.memory_space<semaphore_mem>>) src(%dma_wait3A_606 : memref<2x64xi32, #tpu.memory_space<hbm>>) dst(%dma_wait3A_602 : memref<2x64xi32, #tpu.memory_space<vmem>>)
        %dma_start3A_607 = arith.constant 4 : i32
        %dma_start3A_608 = arith.constant 0 : i32
        %dma_start3A_609 = arith.constant 0 : i32
        %dma_start3A_610 = arith.constant 0 : i32
        %dma_start3A_611 = arith.constant 0 : i32
        %dma_start3A_612 = tpu.memref_slice %arg9[%dma_start3A_609, %dma_start3A_610, %dma_start3A_611] : memref<4x64x128xf32, #tpu.memory_space<vmem>> -> memref<1x64x128xf32, #tpu.memory_space<vmem>>
        %dma_start3A_613 = tpu.memref_squeeze %dma_start3A_612 : memref<1x64x128xf32, #tpu.memory_space<vmem>> -> memref<64x128xf32, #tpu.memory_space<vmem>>
        %dma_start3A_614 = arith.constant 0 : i32
        %dma_start3A_615 = tpu.memref_slice %arg8[%dma_start3A_607, %dma_start3A_608, %dma_start3A_614] : memref<8x2x64xi32, #tpu.memory_space<vmem>> -> memref<1x1x64xi32, #tpu.memory_space<vmem>>
        %dma_start3A_616 = tpu.memref_squeeze %dma_start3A_615 : memref<1x1x64xi32, #tpu.memory_space<vmem>> -> memref<64xi32, #tpu.memory_space<vmem>>
        %dma_start3A_617 = arith.constant 0 : i32
        %dma_start3A_618 = arith.constant 0 : i32
        %dma_start3A_619 = tpu.memref_slice %arg2[%dma_start3A_617, %dma_start3A_618] : memref<10000x128xf32, #tpu.memory_space<hbm>> -> memref<10000x128xf32, #tpu.memory_space<hbm>>
        tpu.enqueue_indirect_dma source(%dma_start3A_619 : memref<10000x128xf32, #tpu.memory_space<hbm>>) target(%dma_start3A_613 : memref<64x128xf32, #tpu.memory_space<vmem>>) offsets(%dma_start3A_616 : memref<64xi32, #tpu.memory_space<vmem>>) semaphore(%arg19 : memref<!tpu.dma_semaphore, #tpu.memory_space<semaphore_mem>>)
      } else {
      }
      %add3A_333 = arith.constant 3 : i32
      %add3A_334 = arith.addi %add3A_184, %add3A_333 : i32
      %dma_wait3A_335 = arith.constant 3 : i32
      %dma_wait3A_336 = arith.constant 0 : i32
      %dma_wait3A_337 = arith.constant 3 : i32
      %dma_wait3A_338 = arith.constant 0 : i32
      %dma_wait3A_339 = arith.constant 0 : i32
      %dma_wait3A_340 = tpu.memref_slice %arg9[%dma_wait3A_337, %dma_wait3A_338, %dma_wait3A_339] : memref<4x64x128xf32, #tpu.memory_space<vmem>> -> memref<1x64x128xf32, #tpu.memory_space<vmem>>
      %dma_wait3A_341 = tpu.memref_squeeze %dma_wait3A_340 : memref<1x64x128xf32, #tpu.memory_space<vmem>> -> memref<64x128xf32, #tpu.memory_space<vmem>>
      %dma_wait3A_342 = arith.constant 0 : i32
      %dma_wait3A_343 = tpu.memref_slice %arg8[%dma_wait3A_335, %dma_wait3A_336, %dma_wait3A_342] : memref<8x2x64xi32, #tpu.memory_space<vmem>> -> memref<1x1x64xi32, #tpu.memory_space<vmem>>
      %dma_wait3A_344 = tpu.memref_squeeze %dma_wait3A_343 : memref<1x1x64xi32, #tpu.memory_space<vmem>> -> memref<64xi32, #tpu.memory_space<vmem>>
      %dma_wait3A_345 = arith.constant 0 : i32
      %dma_wait3A_346 = arith.constant 0 : i32
      %dma_wait3A_347 = tpu.memref_slice %arg2[%dma_wait3A_345, %dma_wait3A_346] : memref<10000x128xf32, #tpu.memory_space<hbm>> -> memref<10000x128xf32, #tpu.memory_space<hbm>>
      tpu.wait_indirect_dma semaphore(%arg22 : memref<!tpu.dma_semaphore, #tpu.memory_space<semaphore_mem>>) src(%dma_wait3A_347 : memref<10000x128xf32, #tpu.memory_space<hbm>>) dst(%dma_wait3A_341 : memref<64x128xf32, #tpu.memory_space<vmem>>)
      %dma_start3A_348 = arith.constant 3 : i32
      %dma_start3A_349 = arith.constant 3 : i32
      %dma_start3A_350 = arith.constant 1 : i32
      %dma_start3A_351 = arith.constant 0 : i32
      %dma_start3A_352 = arith.constant 0 : i32
      %dma_start3A_353 = tpu.memref_slice %arg9[%dma_start3A_348, %dma_start3A_351, %dma_start3A_352] : memref<4x64x128xf32, #tpu.memory_space<vmem>> -> memref<1x64x128xf32, #tpu.memory_space<vmem>>
      %dma_start3A_354 = tpu.memref_squeeze %dma_start3A_353 : memref<1x64x128xf32, #tpu.memory_space<vmem>> -> memref<64x128xf32, #tpu.memory_space<vmem>>
      %dma_start3A_355 = arith.constant 0 : i32
      %dma_start3A_356 = tpu.memref_slice %arg8[%dma_start3A_349, %dma_start3A_350, %dma_start3A_355] : memref<8x2x64xi32, #tpu.memory_space<vmem>> -> memref<1x1x64xi32, #tpu.memory_space<vmem>>
      %dma_start3A_357 = tpu.memref_squeeze %dma_start3A_356 : memref<1x1x64xi32, #tpu.memory_space<vmem>> -> memref<64xi32, #tpu.memory_space<vmem>>
      %dma_start3A_358 = arith.constant 0 : i32
      %dma_start3A_359 = arith.constant 0 : i32
      %dma_start3A_360 = tpu.memref_slice %arg10[%dma_start3A_358, %dma_start3A_359] : memref<10112x128xf32, #tpu.memory_space<vmem_shared>> -> memref<10112x128xf32, #tpu.memory_space<vmem_shared>>
      tpu.enqueue_indirect_dma source(%dma_start3A_354 : memref<64x128xf32, #tpu.memory_space<vmem>>) target(%dma_start3A_360 : memref<10112x128xf32, #tpu.memory_space<vmem_shared>>) offsets(%dma_start3A_357 : memref<64xi32, #tpu.memory_space<vmem>>) semaphore(%arg26 : memref<!tpu.dma_semaphore, #tpu.memory_space<semaphore_mem>>) {add = true}
      %scan3A_361 = arith.constant 0 : i32
      %scan3A_362 = arith.constant 4 : i32
      %scan3A_363 = arith.addi %scan3A_361, %scan3A_362 : i32
      %scan3A_364 = arith.constant 1 : i32
      scf.for %scan3A_588 = %scan3A_361 to %scan3A_363 step %scan3A_364  : i32 {
        %mul3A_589 = arith.constant 1 : i32
        %mul3A_590 = arith.muli %scan3A_588, %mul3A_589 : i32
        %add3A_591 = arith.constant 0 : i32
        %add3A_592 = arith.addi %add3A_591, %mul3A_590 : i32
        %mul3A_593 = arith.constant 16 : i32
        %mul3A_594 = arith.muli %add3A_592, %mul3A_593 : i32
        %get3A = arith.constant 3 : i32
        %get3A_595 = arith.constant 1 : i32
        %get3A_596 = arith.index_cast %get3A : i32 to index
        %get3A_597 = arith.index_cast %get3A_595 : i32 to index
        %get3A_598 = arith.index_cast %mul3A_594 : i32 to index
        %get3A_599 = tpu.vector_load %arg8[%get3A_596, %get3A_597, %get3A_598] {strides = array<i32>} : memref<8x2x64xi32, #tpu.memory_space<vmem>>, vector<16xi32>,
        tpu.vector_store_idx %arg27[%get3A_599], %broadcast_in_dim3A_5 {add = true} : memref<10112xf32, #tpu.memory_space<vmem>>[vector<16xi32>], vector<16xf32>,
      }
      %scan3A_365 = arith.constant 4 : i32
      %sub3A_366 = arith.constant 2 : i32
      %sub3A_367 = arith.subi %add3A_334, %sub3A_366 : i32
      %ge3A_368 = arith.cmpi sge, %sub3A_367, %mul3A_2 : i32
      %convert_element_type3A_369 = arith.extui %ge3A_368 : i1 to i32
      %cond3A_370 = arith.constant 0 : i32
      %cond3A_371 = arith.cmpi ne, %convert_element_type3A_369, %cond3A_370 : i32
      scf.if %cond3A_371 {
        %dma_wait3A_588 = arith.constant 1 : i32
        %dma_wait3A_589 = arith.constant 1 : i32
        %dma_wait3A_590 = arith.constant 1 : i32
        %dma_wait3A_591 = arith.constant 0 : i32
        %dma_wait3A_592 = arith.constant 0 : i32
        %dma_wait3A_593 = tpu.memref_slice %arg9[%dma_wait3A_588, %dma_wait3A_591, %dma_wait3A_592] : memref<4x64x128xf32, #tpu.memory_space<vmem>> -> memref<1x64x128xf32, #tpu.memory_space<vmem>>
        %dma_wait3A_594 = tpu.memref_squeeze %dma_wait3A_593 : memref<1x64x128xf32, #tpu.memory_space<vmem>> -> memref<64x128xf32, #tpu.memory_space<vmem>>
        %dma_wait3A_595 = arith.constant 0 : i32
        %dma_wait3A_596 = tpu.memref_slice %arg8[%dma_wait3A_589, %dma_wait3A_590, %dma_wait3A_595] : memref<8x2x64xi32, #tpu.memory_space<vmem>> -> memref<1x1x64xi32, #tpu.memory_space<vmem>>
        %dma_wait3A_597 = tpu.memref_squeeze %dma_wait3A_596 : memref<1x1x64xi32, #tpu.memory_space<vmem>> -> memref<64xi32, #tpu.memory_space<vmem>>
        %dma_wait3A_598 = arith.constant 0 : i32
        %dma_wait3A_599 = arith.constant 0 : i32
        %dma_wait3A_600 = tpu.memref_slice %arg10[%dma_wait3A_598, %dma_wait3A_599] : memref<10112x128xf32, #tpu.memory_space<vmem_shared>> -> memref<10112x128xf32, #tpu.memory_space<vmem_shared>>
        tpu.wait_indirect_dma semaphore(%arg24 : memref<!tpu.dma_semaphore, #tpu.memory_space<semaphore_mem>>) src(%dma_wait3A_594 : memref<64x128xf32, #tpu.memory_space<vmem>>) dst(%dma_wait3A_600 : memref<10112x128xf32, #tpu.memory_space<vmem_shared>>)
      } else {
      }
      %add3A_372 = arith.constant 4 : i32
      %add3A_373 = arith.addi %add3A_334, %add3A_372 : i32
      %lt3A_374 = arith.cmpi slt, %add3A_373, %add3A_7 : i32
      %convert_element_type3A_375 = arith.extui %lt3A_374 : i1 to i32
      %cond3A_376 = arith.constant 0 : i32
      %cond3A_377 = arith.cmpi ne, %convert_element_type3A_375, %cond3A_376 : i32
      scf.if %cond3A_377 {
        %add3A_588 = arith.constant 4 : i32
        %add3A_589 = arith.addi %add3A_334, %add3A_588 : i32
        %dma_start3A_590 = arith.constant 7 : i32
        %dma_start3A_591 = arith.constant 0 : i32
        %dma_start3A_592 = arith.constant 0 : i32
        %dma_start3A_593 = tpu.memref_slice %arg8[%dma_start3A_590, %dma_start3A_591, %dma_start3A_592] : memref<8x2x64xi32, #tpu.memory_space<vmem>> -> memref<1x2x64xi32, #tpu.memory_space<vmem>>
        %dma_start3A_594 = tpu.memref_squeeze %dma_start3A_593 : memref<1x2x64xi32, #tpu.memory_space<vmem>> -> memref<2x64xi32, #tpu.memory_space<vmem>>
        %dma_start3A_595 = arith.constant 0 : i32
        %dma_start3A_596 = arith.constant 0 : i32
        %dma_start3A_597 = tpu.memref_slice %arg3[%add3A_589, %dma_start3A_595, %dma_start3A_596] : memref<5120x2x64xi32, #tpu.memory_space<hbm>> -> memref<1x2x64xi32, #tpu.memory_space<hbm>>
        %dma_start3A_598 = tpu.memref_squeeze %dma_start3A_597 : memref<1x2x64xi32, #tpu.memory_space<hbm>> -> memref<2x64xi32, #tpu.memory_space<hbm>>
        %dma_start3A_599 = arith.constant 0 : i32
        %dma_start3A_600 = arith.constant 0 : i32
        %dma_start3A_601 = tpu.memref_slice %arg8[%dma_start3A_590, %dma_start3A_599, %dma_start3A_600] : memref<8x2x64xi32, #tpu.memory_space<vmem>> -> memref<1x2x64xi32, #tpu.memory_space<vmem>>
        %dma_start3A_602 = tpu.memref_squeeze %dma_start3A_601 : memref<1x2x64xi32, #tpu.memory_space<vmem>> -> memref<2x64xi32, #tpu.memory_space<vmem>>
        %dma_start3A_603 = arith.constant 0 : i32
        %dma_start3A_604 = arith.constant 0 : i32
        %dma_start3A_605 = tpu.memref_slice %arg3[%add3A_589, %dma_start3A_603, %dma_start3A_604] : memref<5120x2x64xi32, #tpu.memory_space<hbm>> -> memref<1x2x64xi32, #tpu.memory_space<hbm>>
        %dma_start3A_606 = tpu.memref_squeeze %dma_start3A_605 : memref<1x2x64xi32, #tpu.memory_space<hbm>> -> memref<2x64xi32, #tpu.memory_space<hbm>>
        tpu.enqueue_dma source(%dma_start3A_606 : memref<2x64xi32, #tpu.memory_space<hbm>>) target(%dma_start3A_602 : memref<2x64xi32, #tpu.memory_space<vmem>>) target_semaphore(%arg18 : memref<!tpu.dma_semaphore, #tpu.memory_space<semaphore_mem>>)
      } else {
      }
      %add3A_378 = arith.constant 2 : i32
      %add3A_379 = arith.addi %add3A_334, %add3A_378 : i32
      %lt3A_380 = arith.cmpi slt, %add3A_379, %add3A_7 : i32
      %convert_element_type3A_381 = arith.extui %lt3A_380 : i1 to i32
      %cond3A_382 = arith.constant 0 : i32
      %cond3A_383 = arith.cmpi ne, %convert_element_type3A_381, %cond3A_382 : i32
      scf.if %cond3A_383 {
        %add3A_588 = arith.constant 2 : i32
        %add3A_589 = arith.addi %add3A_334, %add3A_588 : i32
        %dma_wait3A_590 = arith.constant 5 : i32
        %dma_wait3A_591 = arith.constant 0 : i32
        %dma_wait3A_592 = arith.constant 0 : i32
        %dma_wait3A_593 = tpu.memref_slice %arg8[%dma_wait3A_590, %dma_wait3A_591, %dma_wait3A_592] : memref<8x2x64xi32, #tpu.memory_space<vmem>> -> memref<1x2x64xi32, #tpu.memory_space<vmem>>
        %dma_wait3A_594 = tpu.memref_squeeze %dma_wait3A_593 : memref<1x2x64xi32, #tpu.memory_space<vmem>> -> memref<2x64xi32, #tpu.memory_space<vmem>>
        %dma_wait3A_595 = arith.constant 0 : i32
        %dma_wait3A_596 = arith.constant 0 : i32
        %dma_wait3A_597 = tpu.memref_slice %arg3[%add3A_589, %dma_wait3A_595, %dma_wait3A_596] : memref<5120x2x64xi32, #tpu.memory_space<hbm>> -> memref<1x2x64xi32, #tpu.memory_space<hbm>>
        %dma_wait3A_598 = tpu.memref_squeeze %dma_wait3A_597 : memref<1x2x64xi32, #tpu.memory_space<hbm>> -> memref<2x64xi32, #tpu.memory_space<hbm>>
        %dma_wait3A_599 = arith.constant 0 : i32
        %dma_wait3A_600 = arith.constant 0 : i32
        %dma_wait3A_601 = tpu.memref_slice %arg8[%dma_wait3A_590, %dma_wait3A_599, %dma_wait3A_600] : memref<8x2x64xi32, #tpu.memory_space<vmem>> -> memref<1x2x64xi32, #tpu.memory_space<vmem>>
        %dma_wait3A_602 = tpu.memref_squeeze %dma_wait3A_601 : memref<1x2x64xi32, #tpu.memory_space<vmem>> -> memref<2x64xi32, #tpu.memory_space<vmem>>
        %dma_wait3A_603 = arith.constant 0 : i32
        %dma_wait3A_604 = arith.constant 0 : i32
        %dma_wait3A_605 = tpu.memref_slice %arg3[%add3A_589, %dma_wait3A_603, %dma_wait3A_604] : memref<5120x2x64xi32, #tpu.memory_space<hbm>> -> memref<1x2x64xi32, #tpu.memory_space<hbm>>
        %dma_wait3A_606 = tpu.memref_squeeze %dma_wait3A_605 : memref<1x2x64xi32, #tpu.memory_space<hbm>> -> memref<2x64xi32, #tpu.memory_space<hbm>>
        tpu.wait_dma2 semaphore(%arg16 : memref<!tpu.dma_semaphore, #tpu.memory_space<semaphore_mem>>) src(%dma_wait3A_606 : memref<2x64xi32, #tpu.memory_space<hbm>>) dst(%dma_wait3A_602 : memref<2x64xi32, #tpu.memory_space<vmem>>)
        %dma_start3A_607 = arith.constant 5 : i32
        %dma_start3A_608 = arith.constant 0 : i32
        %dma_start3A_609 = arith.constant 1 : i32
        %dma_start3A_610 = arith.constant 0 : i32
        %dma_start3A_611 = arith.constant 0 : i32
        %dma_start3A_612 = tpu.memref_slice %arg9[%dma_start3A_609, %dma_start3A_610, %dma_start3A_611] : memref<4x64x128xf32, #tpu.memory_space<vmem>> -> memref<1x64x128xf32, #tpu.memory_space<vmem>>
        %dma_start3A_613 = tpu.memref_squeeze %dma_start3A_612 : memref<1x64x128xf32, #tpu.memory_space<vmem>> -> memref<64x128xf32, #tpu.memory_space<vmem>>
        %dma_start3A_614 = arith.constant 0 : i32
        %dma_start3A_615 = tpu.memref_slice %arg8[%dma_start3A_607, %dma_start3A_608, %dma_start3A_614] : memref<8x2x64xi32, #tpu.memory_space<vmem>> -> memref<1x1x64xi32, #tpu.memory_space<vmem>>
        %dma_start3A_616 = tpu.memref_squeeze %dma_start3A_615 : memref<1x1x64xi32, #tpu.memory_space<vmem>> -> memref<64xi32, #tpu.memory_space<vmem>>
        %dma_start3A_617 = arith.constant 0 : i32
        %dma_start3A_618 = arith.constant 0 : i32
        %dma_start3A_619 = tpu.memref_slice %arg2[%dma_start3A_617, %dma_start3A_618] : memref<10000x128xf32, #tpu.memory_space<hbm>> -> memref<10000x128xf32, #tpu.memory_space<hbm>>
        tpu.enqueue_indirect_dma source(%dma_start3A_619 : memref<10000x128xf32, #tpu.memory_space<hbm>>) target(%dma_start3A_613 : memref<64x128xf32, #tpu.memory_space<vmem>>) offsets(%dma_start3A_616 : memref<64xi32, #tpu.memory_space<vmem>>) semaphore(%arg20 : memref<!tpu.dma_semaphore, #tpu.memory_space<semaphore_mem>>)
      } else {
      }
      %add3A_384 = arith.constant 4 : i32
      %add3A_385 = arith.addi %add3A_184, %add3A_384 : i32
      %dma_wait3A_386 = arith.constant 4 : i32
      %dma_wait3A_387 = arith.constant 0 : i32
      %dma_wait3A_388 = arith.constant 0 : i32
      %dma_wait3A_389 = arith.constant 0 : i32
      %dma_wait3A_390 = arith.constant 0 : i32
      %dma_wait3A_391 = tpu.memref_slice %arg9[%dma_wait3A_388, %dma_wait3A_389, %dma_wait3A_390] : memref<4x64x128xf32, #tpu.memory_space<vmem>> -> memref<1x64x128xf32, #tpu.memory_space<vmem>>
      %dma_wait3A_392 = tpu.memref_squeeze %dma_wait3A_391 : memref<1x64x128xf32, #tpu.memory_space<vmem>> -> memref<64x128xf32, #tpu.memory_space<vmem>>
      %dma_wait3A_393 = arith.constant 0 : i32
      %dma_wait3A_394 = tpu.memref_slice %arg8[%dma_wait3A_386, %dma_wait3A_387, %dma_wait3A_393] : memref<8x2x64xi32, #tpu.memory_space<vmem>> -> memref<1x1x64xi32, #tpu.memory_space<vmem>>
      %dma_wait3A_395 = tpu.memref_squeeze %dma_wait3A_394 : memref<1x1x64xi32, #tpu.memory_space<vmem>> -> memref<64xi32, #tpu.memory_space<vmem>>
      %dma_wait3A_396 = arith.constant 0 : i32
      %dma_wait3A_397 = arith.constant 0 : i32
      %dma_wait3A_398 = tpu.memref_slice %arg2[%dma_wait3A_396, %dma_wait3A_397] : memref<10000x128xf32, #tpu.memory_space<hbm>> -> memref<10000x128xf32, #tpu.memory_space<hbm>>
      tpu.wait_indirect_dma semaphore(%arg19 : memref<!tpu.dma_semaphore, #tpu.memory_space<semaphore_mem>>) src(%dma_wait3A_398 : memref<10000x128xf32, #tpu.memory_space<hbm>>) dst(%dma_wait3A_392 : memref<64x128xf32, #tpu.memory_space<vmem>>)
      %dma_start3A_399 = arith.constant 0 : i32
      %dma_start3A_400 = arith.constant 4 : i32
      %dma_start3A_401 = arith.constant 1 : i32
      %dma_start3A_402 = arith.constant 0 : i32
      %dma_start3A_403 = arith.constant 0 : i32
      %dma_start3A_404 = tpu.memref_slice %arg9[%dma_start3A_399, %dma_start3A_402, %dma_start3A_403] : memref<4x64x128xf32, #tpu.memory_space<vmem>> -> memref<1x64x128xf32, #tpu.memory_space<vmem>>
      %dma_start3A_405 = tpu.memref_squeeze %dma_start3A_404 : memref<1x64x128xf32, #tpu.memory_space<vmem>> -> memref<64x128xf32, #tpu.memory_space<vmem>>
      %dma_start3A_406 = arith.constant 0 : i32
      %dma_start3A_407 = tpu.memref_slice %arg8[%dma_start3A_400, %dma_start3A_401, %dma_start3A_406] : memref<8x2x64xi32, #tpu.memory_space<vmem>> -> memref<1x1x64xi32, #tpu.memory_space<vmem>>
      %dma_start3A_408 = tpu.memref_squeeze %dma_start3A_407 : memref<1x1x64xi32, #tpu.memory_space<vmem>> -> memref<64xi32, #tpu.memory_space<vmem>>
      %dma_start3A_409 = arith.constant 0 : i32
      %dma_start3A_410 = arith.constant 0 : i32
      %dma_start3A_411 = tpu.memref_slice %arg10[%dma_start3A_409, %dma_start3A_410] : memref<10112x128xf32, #tpu.memory_space<vmem_shared>> -> memref<10112x128xf32, #tpu.memory_space<vmem_shared>>
      tpu.enqueue_indirect_dma source(%dma_start3A_405 : memref<64x128xf32, #tpu.memory_space<vmem>>) target(%dma_start3A_411 : memref<10112x128xf32, #tpu.memory_space<vmem_shared>>) offsets(%dma_start3A_408 : memref<64xi32, #tpu.memory_space<vmem>>) semaphore(%arg23 : memref<!tpu.dma_semaphore, #tpu.memory_space<semaphore_mem>>) {add = true}
      %scan3A_412 = arith.constant 0 : i32
      %scan3A_413 = arith.constant 4 : i32
      %scan3A_414 = arith.addi %scan3A_412, %scan3A_413 : i32
      %scan3A_415 = arith.constant 1 : i32
      scf.for %scan3A_588 = %scan3A_412 to %scan3A_414 step %scan3A_415  : i32 {
        %mul3A_589 = arith.constant 1 : i32
        %mul3A_590 = arith.muli %scan3A_588, %mul3A_589 : i32
        %add3A_591 = arith.constant 0 : i32
        %add3A_592 = arith.addi %add3A_591, %mul3A_590 : i32
        %mul3A_593 = arith.constant 16 : i32
        %mul3A_594 = arith.muli %add3A_592, %mul3A_593 : i32
        %get3A = arith.constant 4 : i32
        %get3A_595 = arith.constant 1 : i32
        %get3A_596 = arith.index_cast %get3A : i32 to index
        %get3A_597 = arith.index_cast %get3A_595 : i32 to index
        %get3A_598 = arith.index_cast %mul3A_594 : i32 to index
        %get3A_599 = tpu.vector_load %arg8[%get3A_596, %get3A_597, %get3A_598] {strides = array<i32>} : memref<8x2x64xi32, #tpu.memory_space<vmem>>, vector<16xi32>,
        tpu.vector_store_idx %arg27[%get3A_599], %broadcast_in_dim3A_5 {add = true} : memref<10112xf32, #tpu.memory_space<vmem>>[vector<16xi32>], vector<16xf32>,
      }
      %scan3A_416 = arith.constant 4 : i32
      %sub3A_417 = arith.constant 2 : i32
      %sub3A_418 = arith.subi %add3A_385, %sub3A_417 : i32
      %ge3A_419 = arith.cmpi sge, %sub3A_418, %mul3A_2 : i32
      %convert_element_type3A_420 = arith.extui %ge3A_419 : i1 to i32
      %cond3A_421 = arith.constant 0 : i32
      %cond3A_422 = arith.cmpi ne, %convert_element_type3A_420, %cond3A_421 : i32
      scf.if %cond3A_422 {
        %dma_wait3A_588 = arith.constant 2 : i32
        %dma_wait3A_589 = arith.constant 2 : i32
        %dma_wait3A_590 = arith.constant 1 : i32
        %dma_wait3A_591 = arith.constant 0 : i32
        %dma_wait3A_592 = arith.constant 0 : i32
        %dma_wait3A_593 = tpu.memref_slice %arg9[%dma_wait3A_588, %dma_wait3A_591, %dma_wait3A_592] : memref<4x64x128xf32, #tpu.memory_space<vmem>> -> memref<1x64x128xf32, #tpu.memory_space<vmem>>
        %dma_wait3A_594 = tpu.memref_squeeze %dma_wait3A_593 : memref<1x64x128xf32, #tpu.memory_space<vmem>> -> memref<64x128xf32, #tpu.memory_space<vmem>>
        %dma_wait3A_595 = arith.constant 0 : i32
        %dma_wait3A_596 = tpu.memref_slice %arg8[%dma_wait3A_589, %dma_wait3A_590, %dma_wait3A_595] : memref<8x2x64xi32, #tpu.memory_space<vmem>> -> memref<1x1x64xi32, #tpu.memory_space<vmem>>
        %dma_wait3A_597 = tpu.memref_squeeze %dma_wait3A_596 : memref<1x1x64xi32, #tpu.memory_space<vmem>> -> memref<64xi32, #tpu.memory_space<vmem>>
        %dma_wait3A_598 = arith.constant 0 : i32
        %dma_wait3A_599 = arith.constant 0 : i32
        %dma_wait3A_600 = tpu.memref_slice %arg10[%dma_wait3A_598, %dma_wait3A_599] : memref<10112x128xf32, #tpu.memory_space<vmem_shared>> -> memref<10112x128xf32, #tpu.memory_space<vmem_shared>>
        tpu.wait_indirect_dma semaphore(%arg25 : memref<!tpu.dma_semaphore, #tpu.memory_space<semaphore_mem>>) src(%dma_wait3A_594 : memref<64x128xf32, #tpu.memory_space<vmem>>) dst(%dma_wait3A_600 : memref<10112x128xf32, #tpu.memory_space<vmem_shared>>)
      } else {
      }
      %add3A_423 = arith.constant 4 : i32
      %add3A_424 = arith.addi %add3A_385, %add3A_423 : i32
      %lt3A_425 = arith.cmpi slt, %add3A_424, %add3A_7 : i32
      %convert_element_type3A_426 = arith.extui %lt3A_425 : i1 to i32
      %cond3A_427 = arith.constant 0 : i32
      %cond3A_428 = arith.cmpi ne, %convert_element_type3A_426, %cond3A_427 : i32
      scf.if %cond3A_428 {
        %add3A_588 = arith.constant 4 : i32
        %add3A_589 = arith.addi %add3A_385, %add3A_588 : i32
        %dma_start3A_590 = arith.constant 0 : i32
        %dma_start3A_591 = arith.constant 0 : i32
        %dma_start3A_592 = arith.constant 0 : i32
        %dma_start3A_593 = tpu.memref_slice %arg8[%dma_start3A_590, %dma_start3A_591, %dma_start3A_592] : memref<8x2x64xi32, #tpu.memory_space<vmem>> -> memref<1x2x64xi32, #tpu.memory_space<vmem>>
        %dma_start3A_594 = tpu.memref_squeeze %dma_start3A_593 : memref<1x2x64xi32, #tpu.memory_space<vmem>> -> memref<2x64xi32, #tpu.memory_space<vmem>>
        %dma_start3A_595 = arith.constant 0 : i32
        %dma_start3A_596 = arith.constant 0 : i32
        %dma_start3A_597 = tpu.memref_slice %arg3[%add3A_589, %dma_start3A_595, %dma_start3A_596] : memref<5120x2x64xi32, #tpu.memory_space<hbm>> -> memref<1x2x64xi32, #tpu.memory_space<hbm>>
        %dma_start3A_598 = tpu.memref_squeeze %dma_start3A_597 : memref<1x2x64xi32, #tpu.memory_space<hbm>> -> memref<2x64xi32, #tpu.memory_space<hbm>>
        %dma_start3A_599 = arith.constant 0 : i32
        %dma_start3A_600 = arith.constant 0 : i32
        %dma_start3A_601 = tpu.memref_slice %arg8[%dma_start3A_590, %dma_start3A_599, %dma_start3A_600] : memref<8x2x64xi32, #tpu.memory_space<vmem>> -> memref<1x2x64xi32, #tpu.memory_space<vmem>>
        %dma_start3A_602 = tpu.memref_squeeze %dma_start3A_601 : memref<1x2x64xi32, #tpu.memory_space<vmem>> -> memref<2x64xi32, #tpu.memory_space<vmem>>
        %dma_start3A_603 = arith.constant 0 : i32
        %dma_start3A_604 = arith.constant 0 : i32
        %dma_start3A_605 = tpu.memref_slice %arg3[%add3A_589, %dma_start3A_603, %dma_start3A_604] : memref<5120x2x64xi32, #tpu.memory_space<hbm>> -> memref<1x2x64xi32, #tpu.memory_space<hbm>>
        %dma_start3A_606 = tpu.memref_squeeze %dma_start3A_605 : memref<1x2x64xi32, #tpu.memory_space<hbm>> -> memref<2x64xi32, #tpu.memory_space<hbm>>
        tpu.enqueue_dma source(%dma_start3A_606 : memref<2x64xi32, #tpu.memory_space<hbm>>) target(%dma_start3A_602 : memref<2x64xi32, #tpu.memory_space<vmem>>) target_semaphore(%arg11 : memref<!tpu.dma_semaphore, #tpu.memory_space<semaphore_mem>>)
      } else {
      }
      %add3A_429 = arith.constant 2 : i32
      %add3A_430 = arith.addi %add3A_385, %add3A_429 : i32
      %lt3A_431 = arith.cmpi slt, %add3A_430, %add3A_7 : i32
      %convert_element_type3A_432 = arith.extui %lt3A_431 : i1 to i32
      %cond3A_433 = arith.constant 0 : i32
      %cond3A_434 = arith.cmpi ne, %convert_element_type3A_432, %cond3A_433 : i32
      scf.if %cond3A_434 {
        %add3A_588 = arith.constant 2 : i32
        %add3A_589 = arith.addi %add3A_385, %add3A_588 : i32
        %dma_wait3A_590 = arith.constant 6 : i32
        %dma_wait3A_591 = arith.constant 0 : i32
        %dma_wait3A_592 = arith.constant 0 : i32
        %dma_wait3A_593 = tpu.memref_slice %arg8[%dma_wait3A_590, %dma_wait3A_591, %dma_wait3A_592] : memref<8x2x64xi32, #tpu.memory_space<vmem>> -> memref<1x2x64xi32, #tpu.memory_space<vmem>>
        %dma_wait3A_594 = tpu.memref_squeeze %dma_wait3A_593 : memref<1x2x64xi32, #tpu.memory_space<vmem>> -> memref<2x64xi32, #tpu.memory_space<vmem>>
        %dma_wait3A_595 = arith.constant 0 : i32
        %dma_wait3A_596 = arith.constant 0 : i32
        %dma_wait3A_597 = tpu.memref_slice %arg3[%add3A_589, %dma_wait3A_595, %dma_wait3A_596] : memref<5120x2x64xi32, #tpu.memory_space<hbm>> -> memref<1x2x64xi32, #tpu.memory_space<hbm>>
        %dma_wait3A_598 = tpu.memref_squeeze %dma_wait3A_597 : memref<1x2x64xi32, #tpu.memory_space<hbm>> -> memref<2x64xi32, #tpu.memory_space<hbm>>
        %dma_wait3A_599 = arith.constant 0 : i32
        %dma_wait3A_600 = arith.constant 0 : i32
        %dma_wait3A_601 = tpu.memref_slice %arg8[%dma_wait3A_590, %dma_wait3A_599, %dma_wait3A_600] : memref<8x2x64xi32, #tpu.memory_space<vmem>> -> memref<1x2x64xi32, #tpu.memory_space<vmem>>
        %dma_wait3A_602 = tpu.memref_squeeze %dma_wait3A_601 : memref<1x2x64xi32, #tpu.memory_space<vmem>> -> memref<2x64xi32, #tpu.memory_space<vmem>>
        %dma_wait3A_603 = arith.constant 0 : i32
        %dma_wait3A_604 = arith.constant 0 : i32
        %dma_wait3A_605 = tpu.memref_slice %arg3[%add3A_589, %dma_wait3A_603, %dma_wait3A_604] : memref<5120x2x64xi32, #tpu.memory_space<hbm>> -> memref<1x2x64xi32, #tpu.memory_space<hbm>>
        %dma_wait3A_606 = tpu.memref_squeeze %dma_wait3A_605 : memref<1x2x64xi32, #tpu.memory_space<hbm>> -> memref<2x64xi32, #tpu.memory_space<hbm>>
        tpu.wait_dma2 semaphore(%arg17 : memref<!tpu.dma_semaphore, #tpu.memory_space<semaphore_mem>>) src(%dma_wait3A_606 : memref<2x64xi32, #tpu.memory_space<hbm>>) dst(%dma_wait3A_602 : memref<2x64xi32, #tpu.memory_space<vmem>>)
        %dma_start3A_607 = arith.constant 6 : i32
        %dma_start3A_608 = arith.constant 0 : i32
        %dma_start3A_609 = arith.constant 2 : i32
        %dma_start3A_610 = arith.constant 0 : i32
        %dma_start3A_611 = arith.constant 0 : i32
        %dma_start3A_612 = tpu.memref_slice %arg9[%dma_start3A_609, %dma_start3A_610, %dma_start3A_611] : memref<4x64x128xf32, #tpu.memory_space<vmem>> -> memref<1x64x128xf32, #tpu.memory_space<vmem>>
        %dma_start3A_613 = tpu.memref_squeeze %dma_start3A_612 : memref<1x64x128xf32, #tpu.memory_space<vmem>> -> memref<64x128xf32, #tpu.memory_space<vmem>>
        %dma_start3A_614 = arith.constant 0 : i32
        %dma_start3A_615 = tpu.memref_slice %arg8[%dma_start3A_607, %dma_start3A_608, %dma_start3A_614] : memref<8x2x64xi32, #tpu.memory_space<vmem>> -> memref<1x1x64xi32, #tpu.memory_space<vmem>>
        %dma_start3A_616 = tpu.memref_squeeze %dma_start3A_615 : memref<1x1x64xi32, #tpu.memory_space<vmem>> -> memref<64xi32, #tpu.memory_space<vmem>>
        %dma_start3A_617 = arith.constant 0 : i32
        %dma_start3A_618 = arith.constant 0 : i32
        %dma_start3A_619 = tpu.memref_slice %arg2[%dma_start3A_617, %dma_start3A_618] : memref<10000x128xf32, #tpu.memory_space<hbm>> -> memref<10000x128xf32, #tpu.memory_space<hbm>>
        tpu.enqueue_indirect_dma source(%dma_start3A_619 : memref<10000x128xf32, #tpu.memory_space<hbm>>) target(%dma_start3A_613 : memref<64x128xf32, #tpu.memory_space<vmem>>) offsets(%dma_start3A_616 : memref<64xi32, #tpu.memory_space<vmem>>) semaphore(%arg21 : memref<!tpu.dma_semaphore, #tpu.memory_space<semaphore_mem>>)
      } else {
      }
      %add3A_435 = arith.constant 5 : i32
      %add3A_436 = arith.addi %add3A_184, %add3A_435 : i32
      %dma_wait3A_437 = arith.constant 5 : i32
      %dma_wait3A_438 = arith.constant 0 : i32
      %dma_wait3A_439 = arith.constant 1 : i32
      %dma_wait3A_440 = arith.constant 0 : i32
      %dma_wait3A_441 = arith.constant 0 : i32
      %dma_wait3A_442 = tpu.memref_slice %arg9[%dma_wait3A_439, %dma_wait3A_440, %dma_wait3A_441] : memref<4x64x128xf32, #tpu.memory_space<vmem>> -> memref<1x64x128xf32, #tpu.memory_space<vmem>>
      %dma_wait3A_443 = tpu.memref_squeeze %dma_wait3A_442 : memref<1x64x128xf32, #tpu.memory_space<vmem>> -> memref<64x128xf32, #tpu.memory_space<vmem>>
      %dma_wait3A_444 = arith.constant 0 : i32
      %dma_wait3A_445 = tpu.memref_slice %arg8[%dma_wait3A_437, %dma_wait3A_438, %dma_wait3A_444] : memref<8x2x64xi32, #tpu.memory_space<vmem>> -> memref<1x1x64xi32, #tpu.memory_space<vmem>>
      %dma_wait3A_446 = tpu.memref_squeeze %dma_wait3A_445 : memref<1x1x64xi32, #tpu.memory_space<vmem>> -> memref<64xi32, #tpu.memory_space<vmem>>
      %dma_wait3A_447 = arith.constant 0 : i32
      %dma_wait3A_448 = arith.constant 0 : i32
      %dma_wait3A_449 = tpu.memref_slice %arg2[%dma_wait3A_447, %dma_wait3A_448] : memref<10000x128xf32, #tpu.memory_space<hbm>> -> memref<10000x128xf32, #tpu.memory_space<hbm>>
      tpu.wait_indirect_dma semaphore(%arg20 : memref<!tpu.dma_semaphore, #tpu.memory_space<semaphore_mem>>) src(%dma_wait3A_449 : memref<10000x128xf32, #tpu.memory_space<hbm>>) dst(%dma_wait3A_443 : memref<64x128xf32, #tpu.memory_space<vmem>>)
      %dma_start3A_450 = arith.constant 1 : i32
      %dma_start3A_451 = arith.constant 5 : i32
      %dma_start3A_452 = arith.constant 1 : i32
      %dma_start3A_453 = arith.constant 0 : i32
      %dma_start3A_454 = arith.constant 0 : i32
      %dma_start3A_455 = tpu.memref_slice %arg9[%dma_start3A_450, %dma_start3A_453, %dma_start3A_454] : memref<4x64x128xf32, #tpu.memory_space<vmem>> -> memref<1x64x128xf32, #tpu.memory_space<vmem>>
      %dma_start3A_456 = tpu.memref_squeeze %dma_start3A_455 : memref<1x64x128xf32, #tpu.memory_space<vmem>> -> memref<64x128xf32, #tpu.memory_space<vmem>>
      %dma_start3A_457 = arith.constant 0 : i32
      %dma_start3A_458 = tpu.memref_slice %arg8[%dma_start3A_451, %dma_start3A_452, %dma_start3A_457] : memref<8x2x64xi32, #tpu.memory_space<vmem>> -> memref<1x1x64xi32, #tpu.memory_space<vmem>>
      %dma_start3A_459 = tpu.memref_squeeze %dma_start3A_458 : memref<1x1x64xi32, #tpu.memory_space<vmem>> -> memref<64xi32, #tpu.memory_space<vmem>>
      %dma_start3A_460 = arith.constant 0 : i32
      %dma_start3A_461 = arith.constant 0 : i32
      %dma_start3A_462 = tpu.memref_slice %arg10[%dma_start3A_460, %dma_start3A_461] : memref<10112x128xf32, #tpu.memory_space<vmem_shared>> -> memref<10112x128xf32, #tpu.memory_space<vmem_shared>>
      tpu.enqueue_indirect_dma source(%dma_start3A_456 : memref<64x128xf32, #tpu.memory_space<vmem>>) target(%dma_start3A_462 : memref<10112x128xf32, #tpu.memory_space<vmem_shared>>) offsets(%dma_start3A_459 : memref<64xi32, #tpu.memory_space<vmem>>) semaphore(%arg24 : memref<!tpu.dma_semaphore, #tpu.memory_space<semaphore_mem>>) {add = true}
      %scan3A_463 = arith.constant 0 : i32
      %scan3A_464 = arith.constant 4 : i32
      %scan3A_465 = arith.addi %scan3A_463, %scan3A_464 : i32
      %scan3A_466 = arith.constant 1 : i32
      scf.for %scan3A_588 = %scan3A_463 to %scan3A_465 step %scan3A_466  : i32 {
        %mul3A_589 = arith.constant 1 : i32
        %mul3A_590 = arith.muli %scan3A_588, %mul3A_589 : i32
        %add3A_591 = arith.constant 0 : i32
        %add3A_592 = arith.addi %add3A_591, %mul3A_590 : i32
        %mul3A_593 = arith.constant 16 : i32
        %mul3A_594 = arith.muli %add3A_592, %mul3A_593 : i32
        %get3A = arith.constant 5 : i32
        %get3A_595 = arith.constant 1 : i32
        %get3A_596 = arith.index_cast %get3A : i32 to index
        %get3A_597 = arith.index_cast %get3A_595 : i32 to index
        %get3A_598 = arith.index_cast %mul3A_594 : i32 to index
        %get3A_599 = tpu.vector_load %arg8[%get3A_596, %get3A_597, %get3A_598] {strides = array<i32>} : memref<8x2x64xi32, #tpu.memory_space<vmem>>, vector<16xi32>,
        tpu.vector_store_idx %arg27[%get3A_599], %broadcast_in_dim3A_5 {add = true} : memref<10112xf32, #tpu.memory_space<vmem>>[vector<16xi32>], vector<16xf32>,
      }
      %scan3A_467 = arith.constant 4 : i32
      %sub3A_468 = arith.constant 2 : i32
      %sub3A_469 = arith.subi %add3A_436, %sub3A_468 : i32
      %ge3A_470 = arith.cmpi sge, %sub3A_469, %mul3A_2 : i32
      %convert_element_type3A_471 = arith.extui %ge3A_470 : i1 to i32
      %cond3A_472 = arith.constant 0 : i32
      %cond3A_473 = arith.cmpi ne, %convert_element_type3A_471, %cond3A_472 : i32
      scf.if %cond3A_473 {
        %dma_wait3A_588 = arith.constant 3 : i32
        %dma_wait3A_589 = arith.constant 3 : i32
        %dma_wait3A_590 = arith.constant 1 : i32
        %dma_wait3A_591 = arith.constant 0 : i32
        %dma_wait3A_592 = arith.constant 0 : i32
        %dma_wait3A_593 = tpu.memref_slice %arg9[%dma_wait3A_588, %dma_wait3A_591, %dma_wait3A_592] : memref<4x64x128xf32, #tpu.memory_space<vmem>> -> memref<1x64x128xf32, #tpu.memory_space<vmem>>
        %dma_wait3A_594 = tpu.memref_squeeze %dma_wait3A_593 : memref<1x64x128xf32, #tpu.memory_space<vmem>> -> memref<64x128xf32, #tpu.memory_space<vmem>>
        %dma_wait3A_595 = arith.constant 0 : i32
        %dma_wait3A_596 = tpu.memref_slice %arg8[%dma_wait3A_589, %dma_wait3A_590, %dma_wait3A_595] : memref<8x2x64xi32, #tpu.memory_space<vmem>> -> memref<1x1x64xi32, #tpu.memory_space<vmem>>
        %dma_wait3A_597 = tpu.memref_squeeze %dma_wait3A_596 : memref<1x1x64xi32, #tpu.memory_space<vmem>> -> memref<64xi32, #tpu.memory_space<vmem>>
        %dma_wait3A_598 = arith.constant 0 : i32
        %dma_wait3A_599 = arith.constant 0 : i32
        %dma_wait3A_600 = tpu.memref_slice %arg10[%dma_wait3A_598, %dma_wait3A_599] : memref<10112x128xf32, #tpu.memory_space<vmem_shared>> -> memref<10112x128xf32, #tpu.memory_space<vmem_shared>>
        tpu.wait_indirect_dma semaphore(%arg26 : memref<!tpu.dma_semaphore, #tpu.memory_space<semaphore_mem>>) src(%dma_wait3A_594 : memref<64x128xf32, #tpu.memory_space<vmem>>) dst(%dma_wait3A_600 : memref<10112x128xf32, #tpu.memory_space<vmem_shared>>)
      } else {
      }
      %add3A_474 = arith.constant 4 : i32
      %add3A_475 = arith.addi %add3A_436, %add3A_474 : i32
      %lt3A_476 = arith.cmpi slt, %add3A_475, %add3A_7 : i32
      %convert_element_type3A_477 = arith.extui %lt3A_476 : i1 to i32
      %cond3A_478 = arith.constant 0 : i32
      %cond3A_479 = arith.cmpi ne, %convert_element_type3A_477, %cond3A_478 : i32
      scf.if %cond3A_479 {
        %add3A_588 = arith.constant 4 : i32
        %add3A_589 = arith.addi %add3A_436, %add3A_588 : i32
        %dma_start3A_590 = arith.constant 1 : i32
        %dma_start3A_591 = arith.constant 0 : i32
        %dma_start3A_592 = arith.constant 0 : i32
        %dma_start3A_593 = tpu.memref_slice %arg8[%dma_start3A_590, %dma_start3A_591, %dma_start3A_592] : memref<8x2x64xi32, #tpu.memory_space<vmem>> -> memref<1x2x64xi32, #tpu.memory_space<vmem>>
        %dma_start3A_594 = tpu.memref_squeeze %dma_start3A_593 : memref<1x2x64xi32, #tpu.memory_space<vmem>> -> memref<2x64xi32, #tpu.memory_space<vmem>>
        %dma_start3A_595 = arith.constant 0 : i32
        %dma_start3A_596 = arith.constant 0 : i32
        %dma_start3A_597 = tpu.memref_slice %arg3[%add3A_589, %dma_start3A_595, %dma_start3A_596] : memref<5120x2x64xi32, #tpu.memory_space<hbm>> -> memref<1x2x64xi32, #tpu.memory_space<hbm>>
        %dma_start3A_598 = tpu.memref_squeeze %dma_start3A_597 : memref<1x2x64xi32, #tpu.memory_space<hbm>> -> memref<2x64xi32, #tpu.memory_space<hbm>>
        %dma_start3A_599 = arith.constant 0 : i32
        %dma_start3A_600 = arith.constant 0 : i32
        %dma_start3A_601 = tpu.memref_slice %arg8[%dma_start3A_590, %dma_start3A_599, %dma_start3A_600] : memref<8x2x64xi32, #tpu.memory_space<vmem>> -> memref<1x2x64xi32, #tpu.memory_space<vmem>>
        %dma_start3A_602 = tpu.memref_squeeze %dma_start3A_601 : memref<1x2x64xi32, #tpu.memory_space<vmem>> -> memref<2x64xi32, #tpu.memory_space<vmem>>
        %dma_start3A_603 = arith.constant 0 : i32
        %dma_start3A_604 = arith.constant 0 : i32
        %dma_start3A_605 = tpu.memref_slice %arg3[%add3A_589, %dma_start3A_603, %dma_start3A_604] : memref<5120x2x64xi32, #tpu.memory_space<hbm>> -> memref<1x2x64xi32, #tpu.memory_space<hbm>>
        %dma_start3A_606 = tpu.memref_squeeze %dma_start3A_605 : memref<1x2x64xi32, #tpu.memory_space<hbm>> -> memref<2x64xi32, #tpu.memory_space<hbm>>
        tpu.enqueue_dma source(%dma_start3A_606 : memref<2x64xi32, #tpu.memory_space<hbm>>) target(%dma_start3A_602 : memref<2x64xi32, #tpu.memory_space<vmem>>) target_semaphore(%arg12 : memref<!tpu.dma_semaphore, #tpu.memory_space<semaphore_mem>>)
      } else {
      }
      %add3A_480 = arith.constant 2 : i32
      %add3A_481 = arith.addi %add3A_436, %add3A_480 : i32
      %lt3A_482 = arith.cmpi slt, %add3A_481, %add3A_7 : i32
      %convert_element_type3A_483 = arith.extui %lt3A_482 : i1 to i32
      %cond3A_484 = arith.constant 0 : i32
      %cond3A_485 = arith.cmpi ne, %convert_element_type3A_483, %cond3A_484 : i32
      scf.if %cond3A_485 {
        %add3A_588 = arith.constant 2 : i32
        %add3A_589 = arith.addi %add3A_436, %add3A_588 : i32
        %dma_wait3A_590 = arith.constant 7 : i32
        %dma_wait3A_591 = arith.constant 0 : i32
        %dma_wait3A_592 = arith.constant 0 : i32
        %dma_wait3A_593 = tpu.memref_slice %arg8[%dma_wait3A_590, %dma_wait3A_591, %dma_wait3A_592] : memref<8x2x64xi32, #tpu.memory_space<vmem>> -> memref<1x2x64xi32, #tpu.memory_space<vmem>>
        %dma_wait3A_594 = tpu.memref_squeeze %dma_wait3A_593 : memref<1x2x64xi32, #tpu.memory_space<vmem>> -> memref<2x64xi32, #tpu.memory_space<vmem>>
        %dma_wait3A_595 = arith.constant 0 : i32
        %dma_wait3A_596 = arith.constant 0 : i32
        %dma_wait3A_597 = tpu.memref_slice %arg3[%add3A_589, %dma_wait3A_595, %dma_wait3A_596] : memref<5120x2x64xi32, #tpu.memory_space<hbm>> -> memref<1x2x64xi32, #tpu.memory_space<hbm>>
        %dma_wait3A_598 = tpu.memref_squeeze %dma_wait3A_597 : memref<1x2x64xi32, #tpu.memory_space<hbm>> -> memref<2x64xi32, #tpu.memory_space<hbm>>
        %dma_wait3A_599 = arith.constant 0 : i32
        %dma_wait3A_600 = arith.constant 0 : i32
        %dma_wait3A_601 = tpu.memref_slice %arg8[%dma_wait3A_590, %dma_wait3A_599, %dma_wait3A_600] : memref<8x2x64xi32, #tpu.memory_space<vmem>> -> memref<1x2x64xi32, #tpu.memory_space<vmem>>
        %dma_wait3A_602 = tpu.memref_squeeze %dma_wait3A_601 : memref<1x2x64xi32, #tpu.memory_space<vmem>> -> memref<2x64xi32, #tpu.memory_space<vmem>>
        %dma_wait3A_603 = arith.constant 0 : i32
        %dma_wait3A_604 = arith.constant 0 : i32
        %dma_wait3A_605 = tpu.memref_slice %arg3[%add3A_589, %dma_wait3A_603, %dma_wait3A_604] : memref<5120x2x64xi32, #tpu.memory_space<hbm>> -> memref<1x2x64xi32, #tpu.memory_space<hbm>>
        %dma_wait3A_606 = tpu.memref_squeeze %dma_wait3A_605 : memref<1x2x64xi32, #tpu.memory_space<hbm>> -> memref<2x64xi32, #tpu.memory_space<hbm>>
        tpu.wait_dma2 semaphore(%arg18 : memref<!tpu.dma_semaphore, #tpu.memory_space<semaphore_mem>>) src(%dma_wait3A_606 : memref<2x64xi32, #tpu.memory_space<hbm>>) dst(%dma_wait3A_602 : memref<2x64xi32, #tpu.memory_space<vmem>>)
        %dma_start3A_607 = arith.constant 7 : i32
        %dma_start3A_608 = arith.constant 0 : i32
        %dma_start3A_609 = arith.constant 3 : i32
        %dma_start3A_610 = arith.constant 0 : i32
        %dma_start3A_611 = arith.constant 0 : i32
        %dma_start3A_612 = tpu.memref_slice %arg9[%dma_start3A_609, %dma_start3A_610, %dma_start3A_611] : memref<4x64x128xf32, #tpu.memory_space<vmem>> -> memref<1x64x128xf32, #tpu.memory_space<vmem>>
        %dma_start3A_613 = tpu.memref_squeeze %dma_start3A_612 : memref<1x64x128xf32, #tpu.memory_space<vmem>> -> memref<64x128xf32, #tpu.memory_space<vmem>>
        %dma_start3A_614 = arith.constant 0 : i32
        %dma_start3A_615 = tpu.memref_slice %arg8[%dma_start3A_607, %dma_start3A_608, %dma_start3A_614] : memref<8x2x64xi32, #tpu.memory_space<vmem>> -> memref<1x1x64xi32, #tpu.memory_space<vmem>>
        %dma_start3A_616 = tpu.memref_squeeze %dma_start3A_615 : memref<1x1x64xi32, #tpu.memory_space<vmem>> -> memref<64xi32, #tpu.memory_space<vmem>>
        %dma_start3A_617 = arith.constant 0 : i32
        %dma_start3A_618 = arith.constant 0 : i32
        %dma_start3A_619 = tpu.memref_slice %arg2[%dma_start3A_617, %dma_start3A_618] : memref<10000x128xf32, #tpu.memory_space<hbm>> -> memref<10000x128xf32, #tpu.memory_space<hbm>>
        tpu.enqueue_indirect_dma source(%dma_start3A_619 : memref<10000x128xf32, #tpu.memory_space<hbm>>) target(%dma_start3A_613 : memref<64x128xf32, #tpu.memory_space<vmem>>) offsets(%dma_start3A_616 : memref<64xi32, #tpu.memory_space<vmem>>) semaphore(%arg22 : memref<!tpu.dma_semaphore, #tpu.memory_space<semaphore_mem>>)
      } else {
      }
      %add3A_486 = arith.constant 6 : i32
      %add3A_487 = arith.addi %add3A_184, %add3A_486 : i32
      %dma_wait3A_488 = arith.constant 6 : i32
      %dma_wait3A_489 = arith.constant 0 : i32
      %dma_wait3A_490 = arith.constant 2 : i32
      %dma_wait3A_491 = arith.constant 0 : i32
      %dma_wait3A_492 = arith.constant 0 : i32
      %dma_wait3A_493 = tpu.memref_slice %arg9[%dma_wait3A_490, %dma_wait3A_491, %dma_wait3A_492] : memref<4x64x128xf32, #tpu.memory_space<vmem>> -> memref<1x64x128xf32, #tpu.memory_space<vmem>>
      %dma_wait3A_494 = tpu.memref_squeeze %dma_wait3A_493 : memref<1x64x128xf32, #tpu.memory_space<vmem>> -> memref<64x128xf32, #tpu.memory_space<vmem>>
      %dma_wait3A_495 = arith.constant 0 : i32
      %dma_wait3A_496 = tpu.memref_slice %arg8[%dma_wait3A_488, %dma_wait3A_489, %dma_wait3A_495] : memref<8x2x64xi32, #tpu.memory_space<vmem>> -> memref<1x1x64xi32, #tpu.memory_space<vmem>>
      %dma_wait3A_497 = tpu.memref_squeeze %dma_wait3A_496 : memref<1x1x64xi32, #tpu.memory_space<vmem>> -> memref<64xi32, #tpu.memory_space<vmem>>
      %dma_wait3A_498 = arith.constant 0 : i32
      %dma_wait3A_499 = arith.constant 0 : i32
      %dma_wait3A_500 = tpu.memref_slice %arg2[%dma_wait3A_498, %dma_wait3A_499] : memref<10000x128xf32, #tpu.memory_space<hbm>> -> memref<10000x128xf32, #tpu.memory_space<hbm>>
      tpu.wait_indirect_dma semaphore(%arg21 : memref<!tpu.dma_semaphore, #tpu.memory_space<semaphore_mem>>) src(%dma_wait3A_500 : memref<10000x128xf32, #tpu.memory_space<hbm>>) dst(%dma_wait3A_494 : memref<64x128xf32, #tpu.memory_space<vmem>>)
      %dma_start3A_501 = arith.constant 2 : i32
      %dma_start3A_502 = arith.constant 6 : i32
      %dma_start3A_503 = arith.constant 1 : i32
      %dma_start3A_504 = arith.constant 0 : i32
      %dma_start3A_505 = arith.constant 0 : i32
      %dma_start3A_506 = tpu.memref_slice %arg9[%dma_start3A_501, %dma_start3A_504, %dma_start3A_505] : memref<4x64x128xf32, #tpu.memory_space<vmem>> -> memref<1x64x128xf32, #tpu.memory_space<vmem>>
      %dma_start3A_507 = tpu.memref_squeeze %dma_start3A_506 : memref<1x64x128xf32, #tpu.memory_space<vmem>> -> memref<64x128xf32, #tpu.memory_space<vmem>>
      %dma_start3A_508 = arith.constant 0 : i32
      %dma_start3A_509 = tpu.memref_slice %arg8[%dma_start3A_502, %dma_start3A_503, %dma_start3A_508] : memref<8x2x64xi32, #tpu.memory_space<vmem>> -> memref<1x1x64xi32, #tpu.memory_space<vmem>>
      %dma_start3A_510 = tpu.memref_squeeze %dma_start3A_509 : memref<1x1x64xi32, #tpu.memory_space<vmem>> -> memref<64xi32, #tpu.memory_space<vmem>>
      %dma_start3A_511 = arith.constant 0 : i32
      %dma_start3A_512 = arith.constant 0 : i32
      %dma_start3A_513 = tpu.memref_slice %arg10[%dma_start3A_511, %dma_start3A_512] : memref<10112x128xf32, #tpu.memory_space<vmem_shared>> -> memref<10112x128xf32, #tpu.memory_space<vmem_shared>>
      tpu.enqueue_indirect_dma source(%dma_start3A_507 : memref<64x128xf32, #tpu.memory_space<vmem>>) target(%dma_start3A_513 : memref<10112x128xf32, #tpu.memory_space<vmem_shared>>) offsets(%dma_start3A_510 : memref<64xi32, #tpu.memory_space<vmem>>) semaphore(%arg25 : memref<!tpu.dma_semaphore, #tpu.memory_space<semaphore_mem>>) {add = true}
      %scan3A_514 = arith.constant 0 : i32
      %scan3A_515 = arith.constant 4 : i32
      %scan3A_516 = arith.addi %scan3A_514, %scan3A_515 : i32
      %scan3A_517 = arith.constant 1 : i32
      scf.for %scan3A_588 = %scan3A_514 to %scan3A_516 step %scan3A_517  : i32 {
        %mul3A_589 = arith.constant 1 : i32
        %mul3A_590 = arith.muli %scan3A_588, %mul3A_589 : i32
        %add3A_591 = arith.constant 0 : i32
        %add3A_592 = arith.addi %add3A_591, %mul3A_590 : i32
        %mul3A_593 = arith.constant 16 : i32
        %mul3A_594 = arith.muli %add3A_592, %mul3A_593 : i32
        %get3A = arith.constant 6 : i32
        %get3A_595 = arith.constant 1 : i32
        %get3A_596 = arith.index_cast %get3A : i32 to index
        %get3A_597 = arith.index_cast %get3A_595 : i32 to index
        %get3A_598 = arith.index_cast %mul3A_594 : i32 to index
        %get3A_599 = tpu.vector_load %arg8[%get3A_596, %get3A_597, %get3A_598] {strides = array<i32>} : memref<8x2x64xi32, #tpu.memory_space<vmem>>, vector<16xi32>,
        tpu.vector_store_idx %arg27[%get3A_599], %broadcast_in_dim3A_5 {add = true} : memref<10112xf32, #tpu.memory_space<vmem>>[vector<16xi32>], vector<16xf32>,
      }
      %scan3A_518 = arith.constant 4 : i32
      %sub3A_519 = arith.constant 2 : i32
      %sub3A_520 = arith.subi %add3A_487, %sub3A_519 : i32
      %ge3A_521 = arith.cmpi sge, %sub3A_520, %mul3A_2 : i32
      %convert_element_type3A_522 = arith.extui %ge3A_521 : i1 to i32
      %cond3A_523 = arith.constant 0 : i32
      %cond3A_524 = arith.cmpi ne, %convert_element_type3A_522, %cond3A_523 : i32
      scf.if %cond3A_524 {
        %dma_wait3A_588 = arith.constant 0 : i32
        %dma_wait3A_589 = arith.constant 4 : i32
        %dma_wait3A_590 = arith.constant 1 : i32
        %dma_wait3A_591 = arith.constant 0 : i32
        %dma_wait3A_592 = arith.constant 0 : i32
        %dma_wait3A_593 = tpu.memref_slice %arg9[%dma_wait3A_588, %dma_wait3A_591, %dma_wait3A_592] : memref<4x64x128xf32, #tpu.memory_space<vmem>> -> memref<1x64x128xf32, #tpu.memory_space<vmem>>
        %dma_wait3A_594 = tpu.memref_squeeze %dma_wait3A_593 : memref<1x64x128xf32, #tpu.memory_space<vmem>> -> memref<64x128xf32, #tpu.memory_space<vmem>>
        %dma_wait3A_595 = arith.constant 0 : i32
        %dma_wait3A_596 = tpu.memref_slice %arg8[%dma_wait3A_589, %dma_wait3A_590, %dma_wait3A_595] : memref<8x2x64xi32, #tpu.memory_space<vmem>> -> memref<1x1x64xi32, #tpu.memory_space<vmem>>
        %dma_wait3A_597 = tpu.memref_squeeze %dma_wait3A_596 : memref<1x1x64xi32, #tpu.memory_space<vmem>> -> memref<64xi32, #tpu.memory_space<vmem>>
        %dma_wait3A_598 = arith.constant 0 : i32
        %dma_wait3A_599 = arith.constant 0 : i32
        %dma_wait3A_600 = tpu.memref_slice %arg10[%dma_wait3A_598, %dma_wait3A_599] : memref<10112x128xf32, #tpu.memory_space<vmem_shared>> -> memref<10112x128xf32, #tpu.memory_space<vmem_shared>>
        tpu.wait_indirect_dma semaphore(%arg23 : memref<!tpu.dma_semaphore, #tpu.memory_space<semaphore_mem>>) src(%dma_wait3A_594 : memref<64x128xf32, #tpu.memory_space<vmem>>) dst(%dma_wait3A_600 : memref<10112x128xf32, #tpu.memory_space<vmem_shared>>)
      } else {
      }
      %add3A_525 = arith.constant 4 : i32
      %add3A_526 = arith.addi %add3A_487, %add3A_525 : i32
      %lt3A_527 = arith.cmpi slt, %add3A_526, %add3A_7 : i32
      %convert_element_type3A_528 = arith.extui %lt3A_527 : i1 to i32
      %cond3A_529 = arith.constant 0 : i32
      %cond3A_530 = arith.cmpi ne, %convert_element_type3A_528, %cond3A_529 : i32
      scf.if %cond3A_530 {
        %add3A_588 = arith.constant 4 : i32
        %add3A_589 = arith.addi %add3A_487, %add3A_588 : i32
        %dma_start3A_590 = arith.constant 2 : i32
        %dma_start3A_591 = arith.constant 0 : i32
        %dma_start3A_592 = arith.constant 0 : i32
        %dma_start3A_593 = tpu.memref_slice %arg8[%dma_start3A_590, %dma_start3A_591, %dma_start3A_592] : memref<8x2x64xi32, #tpu.memory_space<vmem>> -> memref<1x2x64xi32, #tpu.memory_space<vmem>>
        %dma_start3A_594 = tpu.memref_squeeze %dma_start3A_593 : memref<1x2x64xi32, #tpu.memory_space<vmem>> -> memref<2x64xi32, #tpu.memory_space<vmem>>
        %dma_start3A_595 = arith.constant 0 : i32
        %dma_start3A_596 = arith.constant 0 : i32
        %dma_start3A_597 = tpu.memref_slice %arg3[%add3A_589, %dma_start3A_595, %dma_start3A_596] : memref<5120x2x64xi32, #tpu.memory_space<hbm>> -> memref<1x2x64xi32, #tpu.memory_space<hbm>>
        %dma_start3A_598 = tpu.memref_squeeze %dma_start3A_597 : memref<1x2x64xi32, #tpu.memory_space<hbm>> -> memref<2x64xi32, #tpu.memory_space<hbm>>
        %dma_start3A_599 = arith.constant 0 : i32
        %dma_start3A_600 = arith.constant 0 : i32
        %dma_start3A_601 = tpu.memref_slice %arg8[%dma_start3A_590, %dma_start3A_599, %dma_start3A_600] : memref<8x2x64xi32, #tpu.memory_space<vmem>> -> memref<1x2x64xi32, #tpu.memory_space<vmem>>
        %dma_start3A_602 = tpu.memref_squeeze %dma_start3A_601 : memref<1x2x64xi32, #tpu.memory_space<vmem>> -> memref<2x64xi32, #tpu.memory_space<vmem>>
        %dma_start3A_603 = arith.constant 0 : i32
        %dma_start3A_604 = arith.constant 0 : i32
        %dma_start3A_605 = tpu.memref_slice %arg3[%add3A_589, %dma_start3A_603, %dma_start3A_604] : memref<5120x2x64xi32, #tpu.memory_space<hbm>> -> memref<1x2x64xi32, #tpu.memory_space<hbm>>
        %dma_start3A_606 = tpu.memref_squeeze %dma_start3A_605 : memref<1x2x64xi32, #tpu.memory_space<hbm>> -> memref<2x64xi32, #tpu.memory_space<hbm>>
        tpu.enqueue_dma source(%dma_start3A_606 : memref<2x64xi32, #tpu.memory_space<hbm>>) target(%dma_start3A_602 : memref<2x64xi32, #tpu.memory_space<vmem>>) target_semaphore(%arg13 : memref<!tpu.dma_semaphore, #tpu.memory_space<semaphore_mem>>)
      } else {
      }
      %add3A_531 = arith.constant 2 : i32
      %add3A_532 = arith.addi %add3A_487, %add3A_531 : i32
      %lt3A_533 = arith.cmpi slt, %add3A_532, %add3A_7 : i32
      %convert_element_type3A_534 = arith.extui %lt3A_533 : i1 to i32
      %cond3A_535 = arith.constant 0 : i32
      %cond3A_536 = arith.cmpi ne, %convert_element_type3A_534, %cond3A_535 : i32
      scf.if %cond3A_536 {
        %add3A_588 = arith.constant 2 : i32
        %add3A_589 = arith.addi %add3A_487, %add3A_588 : i32
        %dma_wait3A_590 = arith.constant 0 : i32
        %dma_wait3A_591 = arith.constant 0 : i32
        %dma_wait3A_592 = arith.constant 0 : i32
        %dma_wait3A_593 = tpu.memref_slice %arg8[%dma_wait3A_590, %dma_wait3A_591, %dma_wait3A_592] : memref<8x2x64xi32, #tpu.memory_space<vmem>> -> memref<1x2x64xi32, #tpu.memory_space<vmem>>
        %dma_wait3A_594 = tpu.memref_squeeze %dma_wait3A_593 : memref<1x2x64xi32, #tpu.memory_space<vmem>> -> memref<2x64xi32, #tpu.memory_space<vmem>>
        %dma_wait3A_595 = arith.constant 0 : i32
        %dma_wait3A_596 = arith.constant 0 : i32
        %dma_wait3A_597 = tpu.memref_slice %arg3[%add3A_589, %dma_wait3A_595, %dma_wait3A_596] : memref<5120x2x64xi32, #tpu.memory_space<hbm>> -> memref<1x2x64xi32, #tpu.memory_space<hbm>>
        %dma_wait3A_598 = tpu.memref_squeeze %dma_wait3A_597 : memref<1x2x64xi32, #tpu.memory_space<hbm>> -> memref<2x64xi32, #tpu.memory_space<hbm>>
        %dma_wait3A_599 = arith.constant 0 : i32
        %dma_wait3A_600 = arith.constant 0 : i32
        %dma_wait3A_601 = tpu.memref_slice %arg8[%dma_wait3A_590, %dma_wait3A_599, %dma_wait3A_600] : memref<8x2x64xi32, #tpu.memory_space<vmem>> -> memref<1x2x64xi32, #tpu.memory_space<vmem>>
        %dma_wait3A_602 = tpu.memref_squeeze %dma_wait3A_601 : memref<1x2x64xi32, #tpu.memory_space<vmem>> -> memref<2x64xi32, #tpu.memory_space<vmem>>
        %dma_wait3A_603 = arith.constant 0 : i32
        %dma_wait3A_604 = arith.constant 0 : i32
        %dma_wait3A_605 = tpu.memref_slice %arg3[%add3A_589, %dma_wait3A_603, %dma_wait3A_604] : memref<5120x2x64xi32, #tpu.memory_space<hbm>> -> memref<1x2x64xi32, #tpu.memory_space<hbm>>
        %dma_wait3A_606 = tpu.memref_squeeze %dma_wait3A_605 : memref<1x2x64xi32, #tpu.memory_space<hbm>> -> memref<2x64xi32, #tpu.memory_space<hbm>>
        tpu.wait_dma2 semaphore(%arg11 : memref<!tpu.dma_semaphore, #tpu.memory_space<semaphore_mem>>) src(%dma_wait3A_606 : memref<2x64xi32, #tpu.memory_space<hbm>>) dst(%dma_wait3A_602 : memref<2x64xi32, #tpu.memory_space<vmem>>)
        %dma_start3A_607 = arith.constant 0 : i32
        %dma_start3A_608 = arith.constant 0 : i32
        %dma_start3A_609 = arith.constant 0 : i32
        %dma_start3A_610 = arith.constant 0 : i32
        %dma_start3A_611 = arith.constant 0 : i32
        %dma_start3A_612 = tpu.memref_slice %arg9[%dma_start3A_609, %dma_start3A_610, %dma_start3A_611] : memref<4x64x128xf32, #tpu.memory_space<vmem>> -> memref<1x64x128xf32, #tpu.memory_space<vmem>>
        %dma_start3A_613 = tpu.memref_squeeze %dma_start3A_612 : memref<1x64x128xf32, #tpu.memory_space<vmem>> -> memref<64x128xf32, #tpu.memory_space<vmem>>
        %dma_start3A_614 = arith.constant 0 : i32
        %dma_start3A_615 = tpu.memref_slice %arg8[%dma_start3A_607, %dma_start3A_608, %dma_start3A_614] : memref<8x2x64xi32, #tpu.memory_space<vmem>> -> memref<1x1x64xi32, #tpu.memory_space<vmem>>
        %dma_start3A_616 = tpu.memref_squeeze %dma_start3A_615 : memref<1x1x64xi32, #tpu.memory_space<vmem>> -> memref<64xi32, #tpu.memory_space<vmem>>
        %dma_start3A_617 = arith.constant 0 : i32
        %dma_start3A_618 = arith.constant 0 : i32
        %dma_start3A_619 = tpu.memref_slice %arg2[%dma_start3A_617, %dma_start3A_618] : memref<10000x128xf32, #tpu.memory_space<hbm>> -> memref<10000x128xf32, #tpu.memory_space<hbm>>
        tpu.enqueue_indirect_dma source(%dma_start3A_619 : memref<10000x128xf32, #tpu.memory_space<hbm>>) target(%dma_start3A_613 : memref<64x128xf32, #tpu.memory_space<vmem>>) offsets(%dma_start3A_616 : memref<64xi32, #tpu.memory_space<vmem>>) semaphore(%arg19 : memref<!tpu.dma_semaphore, #tpu.memory_space<semaphore_mem>>)
      } else {
      }
      %add3A_537 = arith.constant 7 : i32
      %add3A_538 = arith.addi %add3A_184, %add3A_537 : i32
      %dma_wait3A_539 = arith.constant 7 : i32
      %dma_wait3A_540 = arith.constant 0 : i32
      %dma_wait3A_541 = arith.constant 3 : i32
      %dma_wait3A_542 = arith.constant 0 : i32
      %dma_wait3A_543 = arith.constant 0 : i32
      %dma_wait3A_544 = tpu.memref_slice %arg9[%dma_wait3A_541, %dma_wait3A_542, %dma_wait3A_543] : memref<4x64x128xf32, #tpu.memory_space<vmem>> -> memref<1x64x128xf32, #tpu.memory_space<vmem>>
      %dma_wait3A_545 = tpu.memref_squeeze %dma_wait3A_544 : memref<1x64x128xf32, #tpu.memory_space<vmem>> -> memref<64x128xf32, #tpu.memory_space<vmem>>
      %dma_wait3A_546 = arith.constant 0 : i32
      %dma_wait3A_547 = tpu.memref_slice %arg8[%dma_wait3A_539, %dma_wait3A_540, %dma_wait3A_546] : memref<8x2x64xi32, #tpu.memory_space<vmem>> -> memref<1x1x64xi32, #tpu.memory_space<vmem>>
      %dma_wait3A_548 = tpu.memref_squeeze %dma_wait3A_547 : memref<1x1x64xi32, #tpu.memory_space<vmem>> -> memref<64xi32, #tpu.memory_space<vmem>>
      %dma_wait3A_549 = arith.constant 0 : i32
      %dma_wait3A_550 = arith.constant 0 : i32
      %dma_wait3A_551 = tpu.memref_slice %arg2[%dma_wait3A_549, %dma_wait3A_550] : memref<10000x128xf32, #tpu.memory_space<hbm>> -> memref<10000x128xf32, #tpu.memory_space<hbm>>
      tpu.wait_indirect_dma semaphore(%arg22 : memref<!tpu.dma_semaphore, #tpu.memory_space<semaphore_mem>>) src(%dma_wait3A_551 : memref<10000x128xf32, #tpu.memory_space<hbm>>) dst(%dma_wait3A_545 : memref<64x128xf32, #tpu.memory_space<vmem>>)
      %dma_start3A_552 = arith.constant 3 : i32
      %dma_start3A_553 = arith.constant 7 : i32
      %dma_start3A_554 = arith.constant 1 : i32
      %dma_start3A_555 = arith.constant 0 : i32
      %dma_start3A_556 = arith.constant 0 : i32
      %dma_start3A_557 = tpu.memref_slice %arg9[%dma_start3A_552, %dma_start3A_555, %dma_start3A_556] : memref<4x64x128xf32, #tpu.memory_space<vmem>> -> memref<1x64x128xf32, #tpu.memory_space<vmem>>
      %dma_start3A_558 = tpu.memref_squeeze %dma_start3A_557 : memref<1x64x128xf32, #tpu.memory_space<vmem>> -> memref<64x128xf32, #tpu.memory_space<vmem>>
      %dma_start3A_559 = arith.constant 0 : i32
      %dma_start3A_560 = tpu.memref_slice %arg8[%dma_start3A_553, %dma_start3A_554, %dma_start3A_559] : memref<8x2x64xi32, #tpu.memory_space<vmem>> -> memref<1x1x64xi32, #tpu.memory_space<vmem>>
      %dma_start3A_561 = tpu.memref_squeeze %dma_start3A_560 : memref<1x1x64xi32, #tpu.memory_space<vmem>> -> memref<64xi32, #tpu.memory_space<vmem>>
      %dma_start3A_562 = arith.constant 0 : i32
      %dma_start3A_563 = arith.constant 0 : i32
      %dma_start3A_564 = tpu.memref_slice %arg10[%dma_start3A_562, %dma_start3A_563] : memref<10112x128xf32, #tpu.memory_space<vmem_shared>> -> memref<10112x128xf32, #tpu.memory_space<vmem_shared>>
      tpu.enqueue_indirect_dma source(%dma_start3A_558 : memref<64x128xf32, #tpu.memory_space<vmem>>) target(%dma_start3A_564 : memref<10112x128xf32, #tpu.memory_space<vmem_shared>>) offsets(%dma_start3A_561 : memref<64xi32, #tpu.memory_space<vmem>>) semaphore(%arg26 : memref<!tpu.dma_semaphore, #tpu.memory_space<semaphore_mem>>) {add = true}
      %scan3A_565 = arith.constant 0 : i32
      %scan3A_566 = arith.constant 4 : i32
      %scan3A_567 = arith.addi %scan3A_565, %scan3A_566 : i32
      %scan3A_568 = arith.constant 1 : i32
      scf.for %scan3A_588 = %scan3A_565 to %scan3A_567 step %scan3A_568  : i32 {
        %mul3A_589 = arith.constant 1 : i32
        %mul3A_590 = arith.muli %scan3A_588, %mul3A_589 : i32
        %add3A_591 = arith.constant 0 : i32
        %add3A_592 = arith.addi %add3A_591, %mul3A_590 : i32
        %mul3A_593 = arith.constant 16 : i32
        %mul3A_594 = arith.muli %add3A_592, %mul3A_593 : i32
        %get3A = arith.constant 7 : i32
        %get3A_595 = arith.constant 1 : i32
        %get3A_596 = arith.index_cast %get3A : i32 to index
        %get3A_597 = arith.index_cast %get3A_595 : i32 to index
        %get3A_598 = arith.index_cast %mul3A_594 : i32 to index
        %get3A_599 = tpu.vector_load %arg8[%get3A_596, %get3A_597, %get3A_598] {strides = array<i32>} : memref<8x2x64xi32, #tpu.memory_space<vmem>>, vector<16xi32>,
        tpu.vector_store_idx %arg27[%get3A_599], %broadcast_in_dim3A_5 {add = true} : memref<10112xf32, #tpu.memory_space<vmem>>[vector<16xi32>], vector<16xf32>,
      }
      %scan3A_569 = arith.constant 4 : i32
      %sub3A_570 = arith.constant 2 : i32
      %sub3A_571 = arith.subi %add3A_538, %sub3A_570 : i32
      %ge3A_572 = arith.cmpi sge, %sub3A_571, %mul3A_2 : i32
      %convert_element_type3A_573 = arith.extui %ge3A_572 : i1 to i32
      %cond3A_574 = arith.constant 0 : i32
      %cond3A_575 = arith.cmpi ne, %convert_element_type3A_573, %cond3A_574 : i32
      scf.if %cond3A_575 {
        %dma_wait3A_588 = arith.constant 1 : i32
        %dma_wait3A_589 = arith.constant 5 : i32
        %dma_wait3A_590 = arith.constant 1 : i32
        %dma_wait3A_591 = arith.constant 0 : i32
        %dma_wait3A_592 = arith.constant 0 : i32
        %dma_wait3A_593 = tpu.memref_slice %arg9[%dma_wait3A_588, %dma_wait3A_591, %dma_wait3A_592] : memref<4x64x128xf32, #tpu.memory_space<vmem>> -> memref<1x64x128xf32, #tpu.memory_space<vmem>>
        %dma_wait3A_594 = tpu.memref_squeeze %dma_wait3A_593 : memref<1x64x128xf32, #tpu.memory_space<vmem>> -> memref<64x128xf32, #tpu.memory_space<vmem>>
        %dma_wait3A_595 = arith.constant 0 : i32
        %dma_wait3A_596 = tpu.memref_slice %arg8[%dma_wait3A_589, %dma_wait3A_590, %dma_wait3A_595] : memref<8x2x64xi32, #tpu.memory_space<vmem>> -> memref<1x1x64xi32, #tpu.memory_space<vmem>>
        %dma_wait3A_597 = tpu.memref_squeeze %dma_wait3A_596 : memref<1x1x64xi32, #tpu.memory_space<vmem>> -> memref<64xi32, #tpu.memory_space<vmem>>
        %dma_wait3A_598 = arith.constant 0 : i32
        %dma_wait3A_599 = arith.constant 0 : i32
        %dma_wait3A_600 = tpu.memref_slice %arg10[%dma_wait3A_598, %dma_wait3A_599] : memref<10112x128xf32, #tpu.memory_space<vmem_shared>> -> memref<10112x128xf32, #tpu.memory_space<vmem_shared>>
        tpu.wait_indirect_dma semaphore(%arg24 : memref<!tpu.dma_semaphore, #tpu.memory_space<semaphore_mem>>) src(%dma_wait3A_594 : memref<64x128xf32, #tpu.memory_space<vmem>>) dst(%dma_wait3A_600 : memref<10112x128xf32, #tpu.memory_space<vmem_shared>>)
      } else {
      }
      %add3A_576 = arith.constant 4 : i32
      %add3A_577 = arith.addi %add3A_538, %add3A_576 : i32
      %lt3A_578 = arith.cmpi slt, %add3A_577, %add3A_7 : i32
      %convert_element_type3A_579 = arith.extui %lt3A_578 : i1 to i32
      %cond3A_580 = arith.constant 0 : i32
      %cond3A_581 = arith.cmpi ne, %convert_element_type3A_579, %cond3A_580 : i32
      scf.if %cond3A_581 {
        %add3A_588 = arith.constant 4 : i32
        %add3A_589 = arith.addi %add3A_538, %add3A_588 : i32
        %dma_start3A_590 = arith.constant 3 : i32
        %dma_start3A_591 = arith.constant 0 : i32
        %dma_start3A_592 = arith.constant 0 : i32
        %dma_start3A_593 = tpu.memref_slice %arg8[%dma_start3A_590, %dma_start3A_591, %dma_start3A_592] : memref<8x2x64xi32, #tpu.memory_space<vmem>> -> memref<1x2x64xi32, #tpu.memory_space<vmem>>
        %dma_start3A_594 = tpu.memref_squeeze %dma_start3A_593 : memref<1x2x64xi32, #tpu.memory_space<vmem>> -> memref<2x64xi32, #tpu.memory_space<vmem>>
        %dma_start3A_595 = arith.constant 0 : i32
        %dma_start3A_596 = arith.constant 0 : i32
        %dma_start3A_597 = tpu.memref_slice %arg3[%add3A_589, %dma_start3A_595, %dma_start3A_596] : memref<5120x2x64xi32, #tpu.memory_space<hbm>> -> memref<1x2x64xi32, #tpu.memory_space<hbm>>
        %dma_start3A_598 = tpu.memref_squeeze %dma_start3A_597 : memref<1x2x64xi32, #tpu.memory_space<hbm>> -> memref<2x64xi32, #tpu.memory_space<hbm>>
        %dma_start3A_599 = arith.constant 0 : i32
        %dma_start3A_600 = arith.constant 0 : i32
        %dma_start3A_601 = tpu.memref_slice %arg8[%dma_start3A_590, %dma_start3A_599, %dma_start3A_600] : memref<8x2x64xi32, #tpu.memory_space<vmem>> -> memref<1x2x64xi32, #tpu.memory_space<vmem>>
        %dma_start3A_602 = tpu.memref_squeeze %dma_start3A_601 : memref<1x2x64xi32, #tpu.memory_space<vmem>> -> memref<2x64xi32, #tpu.memory_space<vmem>>
        %dma_start3A_603 = arith.constant 0 : i32
        %dma_start3A_604 = arith.constant 0 : i32
        %dma_start3A_605 = tpu.memref_slice %arg3[%add3A_589, %dma_start3A_603, %dma_start3A_604] : memref<5120x2x64xi32, #tpu.memory_space<hbm>> -> memref<1x2x64xi32, #tpu.memory_space<hbm>>
        %dma_start3A_606 = tpu.memref_squeeze %dma_start3A_605 : memref<1x2x64xi32, #tpu.memory_space<hbm>> -> memref<2x64xi32, #tpu.memory_space<hbm>>
        tpu.enqueue_dma source(%dma_start3A_606 : memref<2x64xi32, #tpu.memory_space<hbm>>) target(%dma_start3A_602 : memref<2x64xi32, #tpu.memory_space<vmem>>) target_semaphore(%arg14 : memref<!tpu.dma_semaphore, #tpu.memory_space<semaphore_mem>>)
      } else {
      }
      %add3A_582 = arith.constant 2 : i32
      %add3A_583 = arith.addi %add3A_538, %add3A_582 : i32
      %lt3A_584 = arith.cmpi slt, %add3A_583, %add3A_7 : i32
      %convert_element_type3A_585 = arith.extui %lt3A_584 : i1 to i32
      %cond3A_586 = arith.constant 0 : i32
      %cond3A_587 = arith.cmpi ne, %convert_element_type3A_585, %cond3A_586 : i32
      scf.if %cond3A_587 {
        %add3A_588 = arith.constant 2 : i32
        %add3A_589 = arith.addi %add3A_538, %add3A_588 : i32
        %dma_wait3A_590 = arith.constant 1 : i32
        %dma_wait3A_591 = arith.constant 0 : i32
        %dma_wait3A_592 = arith.constant 0 : i32
        %dma_wait3A_593 = tpu.memref_slice %arg8[%dma_wait3A_590, %dma_wait3A_591, %dma_wait3A_592] : memref<8x2x64xi32, #tpu.memory_space<vmem>> -> memref<1x2x64xi32, #tpu.memory_space<vmem>>
        %dma_wait3A_594 = tpu.memref_squeeze %dma_wait3A_593 : memref<1x2x64xi32, #tpu.memory_space<vmem>> -> memref<2x64xi32, #tpu.memory_space<vmem>>
        %dma_wait3A_595 = arith.constant 0 : i32
        %dma_wait3A_596 = arith.constant 0 : i32
        %dma_wait3A_597 = tpu.memref_slice %arg3[%add3A_589, %dma_wait3A_595, %dma_wait3A_596] : memref<5120x2x64xi32, #tpu.memory_space<hbm>> -> memref<1x2x64xi32, #tpu.memory_space<hbm>>
        %dma_wait3A_598 = tpu.memref_squeeze %dma_wait3A_597 : memref<1x2x64xi32, #tpu.memory_space<hbm>> -> memref<2x64xi32, #tpu.memory_space<hbm>>
        %dma_wait3A_599 = arith.constant 0 : i32
        %dma_wait3A_600 = arith.constant 0 : i32
        %dma_wait3A_601 = tpu.memref_slice %arg8[%dma_wait3A_590, %dma_wait3A_599, %dma_wait3A_600] : memref<8x2x64xi32, #tpu.memory_space<vmem>> -> memref<1x2x64xi32, #tpu.memory_space<vmem>>
        %dma_wait3A_602 = tpu.memref_squeeze %dma_wait3A_601 : memref<1x2x64xi32, #tpu.memory_space<vmem>> -> memref<2x64xi32, #tpu.memory_space<vmem>>
        %dma_wait3A_603 = arith.constant 0 : i32
        %dma_wait3A_604 = arith.constant 0 : i32
        %dma_wait3A_605 = tpu.memref_slice %arg3[%add3A_589, %dma_wait3A_603, %dma_wait3A_604] : memref<5120x2x64xi32, #tpu.memory_space<hbm>> -> memref<1x2x64xi32, #tpu.memory_space<hbm>>
        %dma_wait3A_606 = tpu.memref_squeeze %dma_wait3A_605 : memref<1x2x64xi32, #tpu.memory_space<hbm>> -> memref<2x64xi32, #tpu.memory_space<hbm>>
        tpu.wait_dma2 semaphore(%arg12 : memref<!tpu.dma_semaphore, #tpu.memory_space<semaphore_mem>>) src(%dma_wait3A_606 : memref<2x64xi32, #tpu.memory_space<hbm>>) dst(%dma_wait3A_602 : memref<2x64xi32, #tpu.memory_space<vmem>>)
        %dma_start3A_607 = arith.constant 1 : i32
        %dma_start3A_608 = arith.constant 0 : i32
        %dma_start3A_609 = arith.constant 1 : i32
        %dma_start3A_610 = arith.constant 0 : i32
        %dma_start3A_611 = arith.constant 0 : i32
        %dma_start3A_612 = tpu.memref_slice %arg9[%dma_start3A_609, %dma_start3A_610, %dma_start3A_611] : memref<4x64x128xf32, #tpu.memory_space<vmem>> -> memref<1x64x128xf32, #tpu.memory_space<vmem>>
        %dma_start3A_613 = tpu.memref_squeeze %dma_start3A_612 : memref<1x64x128xf32, #tpu.memory_space<vmem>> -> memref<64x128xf32, #tpu.memory_space<vmem>>
        %dma_start3A_614 = arith.constant 0 : i32
        %dma_start3A_615 = tpu.memref_slice %arg8[%dma_start3A_607, %dma_start3A_608, %dma_start3A_614] : memref<8x2x64xi32, #tpu.memory_space<vmem>> -> memref<1x1x64xi32, #tpu.memory_space<vmem>>
        %dma_start3A_616 = tpu.memref_squeeze %dma_start3A_615 : memref<1x1x64xi32, #tpu.memory_space<vmem>> -> memref<64xi32, #tpu.memory_space<vmem>>
        %dma_start3A_617 = arith.constant 0 : i32
        %dma_start3A_618 = arith.constant 0 : i32
        %dma_start3A_619 = tpu.memref_slice %arg2[%dma_start3A_617, %dma_start3A_618] : memref<10000x128xf32, #tpu.memory_space<hbm>> -> memref<10000x128xf32, #tpu.memory_space<hbm>>
        tpu.enqueue_indirect_dma source(%dma_start3A_619 : memref<10000x128xf32, #tpu.memory_space<hbm>>) target(%dma_start3A_613 : memref<64x128xf32, #tpu.memory_space<vmem>>) offsets(%dma_start3A_616 : memref<64xi32, #tpu.memory_space<vmem>>) semaphore(%arg20 : memref<!tpu.dma_semaphore, #tpu.memory_space<semaphore_mem>>)
      } else {
      }
    }
    %scan3A_149 = arith.constant 20 : i32
    %dma_wait3A_150 = arith.constant 2 : i32
    %dma_wait3A_151 = arith.constant 6 : i32
    %dma_wait3A_152 = arith.constant 1 : i32
    %dma_wait3A_153 = arith.constant 0 : i32
    %dma_wait3A_154 = arith.constant 0 : i32
    %dma_wait3A_155 = tpu.memref_slice %arg9[%dma_wait3A_150, %dma_wait3A_153, %dma_wait3A_154] : memref<4x64x128xf32, #tpu.memory_space<vmem>> -> memref<1x64x128xf32, #tpu.memory_space<vmem>>
    %dma_wait3A_156 = tpu.memref_squeeze %dma_wait3A_155 : memref<1x64x128xf32, #tpu.memory_space<vmem>> -> memref<64x128xf32, #tpu.memory_space<vmem>>
    %dma_wait3A_157 = arith.constant 0 : i32
    %dma_wait3A_158 = tpu.memref_slice %arg8[%dma_wait3A_151, %dma_wait3A_152, %dma_wait3A_157] : memref<8x2x64xi32, #tpu.memory_space<vmem>> -> memref<1x1x64xi32, #tpu.memory_space<vmem>>
    %dma_wait3A_159 = tpu.memref_squeeze %dma_wait3A_158 : memref<1x1x64xi32, #tpu.memory_space<vmem>> -> memref<64xi32, #tpu.memory_space<vmem>>
    %dma_wait3A_160 = arith.constant 0 : i32
    %dma_wait3A_161 = arith.constant 0 : i32
    %dma_wait3A_162 = tpu.memref_slice %arg10[%dma_wait3A_160, %dma_wait3A_161] : memref<10112x128xf32, #tpu.memory_space<vmem_shared>> -> memref<10112x128xf32, #tpu.memory_space<vmem_shared>>
    tpu.wait_indirect_dma semaphore(%arg25 : memref<!tpu.dma_semaphore, #tpu.memory_space<semaphore_mem>>) src(%dma_wait3A_156 : memref<64x128xf32, #tpu.memory_space<vmem>>) dst(%dma_wait3A_162 : memref<10112x128xf32, #tpu.memory_space<vmem_shared>>)
    %dma_wait3A_163 = arith.constant 3 : i32
    %dma_wait3A_164 = arith.constant 7 : i32
    %dma_wait3A_165 = arith.constant 1 : i32
    %dma_wait3A_166 = arith.constant 0 : i32
    %dma_wait3A_167 = arith.constant 0 : i32
    %dma_wait3A_168 = tpu.memref_slice %arg9[%dma_wait3A_163, %dma_wait3A_166, %dma_wait3A_167] : memref<4x64x128xf32, #tpu.memory_space<vmem>> -> memref<1x64x128xf32, #tpu.memory_space<vmem>>
    %dma_wait3A_169 = tpu.memref_squeeze %dma_wait3A_168 : memref<1x64x128xf32, #tpu.memory_space<vmem>> -> memref<64x128xf32, #tpu.memory_space<vmem>>
    %dma_wait3A_170 = arith.constant 0 : i32
    %dma_wait3A_171 = tpu.memref_slice %arg8[%dma_wait3A_164, %dma_wait3A_165, %dma_wait3A_170] : memref<8x2x64xi32, #tpu.memory_space<vmem>> -> memref<1x1x64xi32, #tpu.memory_space<vmem>>
    %dma_wait3A_172 = tpu.memref_squeeze %dma_wait3A_171 : memref<1x1x64xi32, #tpu.memory_space<vmem>> -> memref<64xi32, #tpu.memory_space<vmem>>
    %dma_wait3A_173 = arith.constant 0 : i32
    %dma_wait3A_174 = arith.constant 0 : i32
    %dma_wait3A_175 = tpu.memref_slice %arg10[%dma_wait3A_173, %dma_wait3A_174] : memref<10112x128xf32, #tpu.memory_space<vmem_shared>> -> memref<10112x128xf32, #tpu.memory_space<vmem_shared>>
    tpu.wait_indirect_dma semaphore(%arg26 : memref<!tpu.dma_semaphore, #tpu.memory_space<semaphore_mem>>) src(%dma_wait3A_169 : memref<64x128xf32, #tpu.memory_space<vmem>>) dst(%dma_wait3A_175 : memref<10112x128xf32, #tpu.memory_space<vmem_shared>>)
    %barrier3A_176 = arith.constant 0 : index
    tpu.barrier barrier_id(%barrier3A_176)
    "tpu.region"() ({
      %run_scoped3A = tpu.sem_alloc : memref<!tpu.dma_semaphore, #tpu.memory_space<semaphore_mem>>
      %dma_start3A_177 = arith.constant 0 : i32
      %dma_start3A_178 = tpu.memref_slice %arg6[%arg0, %mul3A_4, %dma_start3A_177] : memref<2x10112x128xf32, #tpu.memory_space<hbm>> -> memref<1x632x128xf32, #tpu.memory_space<hbm>>
      %dma_start3A_179 = tpu.memref_squeeze %dma_start3A_178 : memref<1x632x128xf32, #tpu.memory_space<hbm>> -> memref<632x128xf32, #tpu.memory_space<hbm>>
      %dma_start3A_180 = arith.constant 0 : i32
      %dma_start3A_181 = tpu.memref_slice %arg10[%mul3A_4, %dma_start3A_180] : memref<10112x128xf32, #tpu.memory_space<vmem_shared>> -> memref<632x128xf32, #tpu.memory_space<vmem_shared>>
      tpu.enqueue_dma source(%dma_start3A_181 : memref<632x128xf32, #tpu.memory_space<vmem_shared>>) target(%dma_start3A_179 : memref<632x128xf32, #tpu.memory_space<hbm>>) target_semaphore(%run_scoped3A : memref<!tpu.dma_semaphore, #tpu.memory_space<semaphore_mem>>)
      %dma_wait3A_182 = arith.constant 0 : i32
      %dma_wait3A_183 = tpu.memref_slice %arg6[%arg0, %mul3A_4, %dma_wait3A_182] : memref<2x10112x128xf32, #tpu.memory_space<hbm>> -> memref<1x632x128xf32, #tpu.memory_space<hbm>>
      %dma_wait3A_184 = tpu.memref_squeeze %dma_wait3A_183 : memref<1x632x128xf32, #tpu.memory_space<hbm>> -> memref<632x128xf32, #tpu.memory_space<hbm>>
      %dma_wait3A_185 = arith.constant 0 : i32
      %dma_wait3A_186 = tpu.memref_slice %arg10[%mul3A_4, %dma_wait3A_185] : memref<10112x128xf32, #tpu.memory_space<vmem_shared>> -> memref<632x128xf32, #tpu.memory_space<vmem_shared>>
      tpu.wait_dma2 semaphore(%run_scoped3A : memref<!tpu.dma_semaphore, #tpu.memory_space<semaphore_mem>>) src(%dma_wait3A_186 : memref<632x128xf32, #tpu.memory_space<vmem_shared>>) dst(%dma_wait3A_184 : memref<632x128xf32, #tpu.memory_space<hbm>>)
      tpu.yield
    }) : () -> ()
    "tpu.region"() ({
      %run_scoped3A = tpu.sem_alloc : memref<!tpu.dma_semaphore, #tpu.memory_space<semaphore_mem>>
      %dma_start3A_177 = arith.constant 0 : i32
      %dma_start3A_178 = tpu.memref_slice %arg7[%arg0, %arg1, %dma_start3A_177] : memref<2x16x10112xf32, #tpu.memory_space<hbm>> -> memref<1x1x10112xf32, #tpu.memory_space<hbm>>
      %dma_start3A_179 = tpu.memref_squeeze %dma_start3A_178 : memref<1x1x10112xf32, #tpu.memory_space<hbm>> -> memref<10112xf32, #tpu.memory_space<hbm>>
      %dma_start3A_180 = arith.constant 0 : i32
      %dma_start3A_181 = tpu.memref_slice %arg7[%arg0, %arg1, %dma_start3A_180] : memref<2x16x10112xf32, #tpu.memory_space<hbm>> -> memref<1x1x10112xf32, #tpu.memory_space<hbm>>
      %dma_start3A_182 = tpu.memref_squeeze %dma_start3A_181 : memref<1x1x10112xf32, #tpu.memory_space<hbm>> -> memref<10112xf32, #tpu.memory_space<hbm>>
      tpu.enqueue_dma source(%arg27 : memref<10112xf32, #tpu.memory_space<vmem>>) target(%dma_start3A_182 : memref<10112xf32, #tpu.memory_space<hbm>>) target_semaphore(%run_scoped3A : memref<!tpu.dma_semaphore, #tpu.memory_space<semaphore_mem>>)
      %dma_wait3A_183 = arith.constant 0 : i32
      %dma_wait3A_184 = tpu.memref_slice %arg7[%arg0, %arg1, %dma_wait3A_183] : memref<2x16x10112xf32, #tpu.memory_space<hbm>> -> memref<1x1x10112xf32, #tpu.memory_space<hbm>>
      %dma_wait3A_185 = tpu.memref_squeeze %dma_wait3A_184 : memref<1x1x10112xf32, #tpu.memory_space<hbm>> -> memref<10112xf32, #tpu.memory_space<hbm>>
      %dma_wait3A_186 = arith.constant 0 : i32
      %dma_wait3A_187 = tpu.memref_slice %arg7[%arg0, %arg1, %dma_wait3A_186] : memref<2x16x10112xf32, #tpu.memory_space<hbm>> -> memref<1x1x10112xf32, #tpu.memory_space<hbm>>
      %dma_wait3A_188 = tpu.memref_squeeze %dma_wait3A_187 : memref<1x1x10112xf32, #tpu.memory_space<hbm>> -> memref<10112xf32, #tpu.memory_space<hbm>>
      tpu.wait_dma2 semaphore(%run_scoped3A : memref<!tpu.dma_semaphore, #tpu.memory_space<semaphore_mem>>) src(%arg27 : memref<10112xf32, #tpu.memory_space<vmem>>) dst(%dma_wait3A_188 : memref<10112xf32, #tpu.memory_space<hbm>>)
      tpu.yield
    }) : () -> ()
    return
  }
}

#map = affine_map<(d0, d1) -> (0, 0)>
#map1 = affine_map<(d0, d1) -> (0, 0, 0)>
module attributes {stable_mosaic.version = 14 : i64} {
  func.func @seg_sum(%arg0: i32, %arg1: i32, %arg2: memref<10000x128xf32, #tpu.memory_space<hbm>>, %arg3: memref<5120x2x64xi32, #tpu.memory_space<hbm>>, %arg4: memref<632x128xf32, #tpu.memory_space<hbm>>, %arg5: memref<2x10112x128xf32, #tpu.memory_space<hbm>>, %arg6: memref<8x2x64xi32, #tpu.memory_space<vmem>>, %arg7: memref<4x64x128xf32, #tpu.memory_space<vmem>>, %arg8: memref<10112x128xf32, #tpu.memory_space<vmem_shared>>, %arg9: memref<!tpu.dma_semaphore, #tpu.memory_space<semaphore_mem>>, %arg10: memref<!tpu.dma_semaphore, #tpu.memory_space<semaphore_mem>>, %arg11: memref<!tpu.dma_semaphore, #tpu.memory_space<semaphore_mem>>, %arg12: memref<!tpu.dma_semaphore, #tpu.memory_space<semaphore_mem>>, %arg13: memref<!tpu.dma_semaphore, #tpu.memory_space<semaphore_mem>>, %arg14: memref<!tpu.dma_semaphore, #tpu.memory_space<semaphore_mem>>, %arg15: memref<!tpu.dma_semaphore, #tpu.memory_space<semaphore_mem>>, %arg16: memref<!tpu.dma_semaphore, #tpu.memory_space<semaphore_mem>>, %arg17: memref<!tpu.dma_semaphore, #tpu.memory_space<semaphore_mem>>, %arg18: memref<!tpu.dma_semaphore, #tpu.memory_space<semaphore_mem>>, %arg19: memref<!tpu.dma_semaphore, #tpu.memory_space<semaphore_mem>>, %arg20: memref<!tpu.dma_semaphore, #tpu.memory_space<semaphore_mem>>, %arg21: memref<!tpu.dma_semaphore, #tpu.memory_space<semaphore_mem>>, %arg22: memref<!tpu.dma_semaphore, #tpu.memory_space<semaphore_mem>>, %arg23: memref<!tpu.dma_semaphore, #tpu.memory_space<semaphore_mem>>, %arg24: memref<!tpu.dma_semaphore, #tpu.memory_space<semaphore_mem>>) attributes {dimension_semantics = [#tpu.dimension_semantics<core_parallel>, #tpu.dimension_semantics<subcore_parallel>], iteration_bounds = array<i64: 2, 16>, scalar_prefetch = 0 : i64, scratch_operands = 19 : i64, tpu.core_type = #tpu.core_type<sc_vector_subcore>, window_params = [{transform_indices = #map}, {transform_indices = #map1}, {transform_indices = #map}, {transform_indices = #map1}]} {
    %mul3A = arith.constant 16 : i32
    %mul3A_0 = arith.muli %arg0, %mul3A : i32
    %add3A = arith.addi %mul3A_0, %arg1 : i32
    %mul3A_1 = arith.constant 160 : i32
    %mul3A_2 = arith.muli %add3A, %mul3A_1 : i32
    %mul3A_3 = arith.constant 632 : i32
    %mul3A_4 = arith.muli %arg1, %mul3A_3 : i32
    "tpu.region"() ({
      %run_scoped3A = tpu.sem_alloc : memref<!tpu.dma_semaphore, #tpu.memory_space<semaphore_mem>>
      %dma_start3A_177 = arith.constant 0 : i32
      %dma_start3A_178 = tpu.memref_slice %arg8[%mul3A_4, %dma_start3A_177] : memref<10112x128xf32, #tpu.memory_space<vmem_shared>> -> memref<632x128xf32, #tpu.memory_space<vmem_shared>>
      tpu.enqueue_dma source(%arg4 : memref<632x128xf32, #tpu.memory_space<hbm>>) target(%dma_start3A_178 : memref<632x128xf32, #tpu.memory_space<vmem_shared>>) target_semaphore(%run_scoped3A : memref<!tpu.dma_semaphore, #tpu.memory_space<semaphore_mem>>)
      %dma_wait3A_179 = arith.constant 0 : i32
      %dma_wait3A_180 = tpu.memref_slice %arg8[%mul3A_4, %dma_wait3A_179] : memref<10112x128xf32, #tpu.memory_space<vmem_shared>> -> memref<632x128xf32, #tpu.memory_space<vmem_shared>>
      tpu.wait_dma2 semaphore(%run_scoped3A : memref<!tpu.dma_semaphore, #tpu.memory_space<semaphore_mem>>) src(%arg4 : memref<632x128xf32, #tpu.memory_space<hbm>>) dst(%dma_wait3A_180 : memref<632x128xf32, #tpu.memory_space<vmem_shared>>)
      tpu.yield
    }) : () -> ()
    %broadcast_in_dim3A = arith.constant 1.000000e+00 : f32
    %broadcast_in_dim3A_5 = vector.broadcast %broadcast_in_dim3A : f32 to vector<16xf32>
    %barrier3A = arith.constant 0 : index
    tpu.barrier barrier_id(%barrier3A)
    %add3A_6 = arith.constant 160 : i32
    %add3A_7 = arith.addi %mul3A_2, %add3A_6 : i32
    %add3A_8 = arith.constant 0 : i32
    %add3A_9 = arith.addi %mul3A_2, %add3A_8 : i32
    %dma_start3A = arith.constant 0 : i32
    %dma_start3A_10 = arith.constant 0 : i32
    %dma_start3A_11 = arith.constant 0 : i32
    %dma_start3A_12 = tpu.memref_slice %arg6[%dma_start3A, %dma_start3A_10, %dma_start3A_11] : memref<8x2x64xi32, #tpu.memory_space<vmem>> -> memref<1x2x64xi32, #tpu.memory_space<vmem>>
    %dma_start3A_13 = tpu.memref_squeeze %dma_start3A_12 : memref<1x2x64xi32, #tpu.memory_space<vmem>> -> memref<2x64xi32, #tpu.memory_space<vmem>>
    %dma_start3A_14 = arith.constant 0 : i32
    %dma_start3A_15 = arith.constant 0 : i32
    %dma_start3A_16 = tpu.memref_slice %arg3[%add3A_9, %dma_start3A_14, %dma_start3A_15] : memref<5120x2x64xi32, #tpu.memory_space<hbm>> -> memref<1x2x64xi32, #tpu.memory_space<hbm>>
    %dma_start3A_17 = tpu.memref_squeeze %dma_start3A_16 : memref<1x2x64xi32, #tpu.memory_space<hbm>> -> memref<2x64xi32, #tpu.memory_space<hbm>>
    %dma_start3A_18 = arith.constant 0 : i32
    %dma_start3A_19 = arith.constant 0 : i32
    %dma_start3A_20 = tpu.memref_slice %arg6[%dma_start3A, %dma_start3A_18, %dma_start3A_19] : memref<8x2x64xi32, #tpu.memory_space<vmem>> -> memref<1x2x64xi32, #tpu.memory_space<vmem>>
    %dma_start3A_21 = tpu.memref_squeeze %dma_start3A_20 : memref<1x2x64xi32, #tpu.memory_space<vmem>> -> memref<2x64xi32, #tpu.memory_space<vmem>>
    %dma_start3A_22 = arith.constant 0 : i32
    %dma_start3A_23 = arith.constant 0 : i32
    %dma_start3A_24 = tpu.memref_slice %arg3[%add3A_9, %dma_start3A_22, %dma_start3A_23] : memref<5120x2x64xi32, #tpu.memory_space<hbm>> -> memref<1x2x64xi32, #tpu.memory_space<hbm>>
    %dma_start3A_25 = tpu.memref_squeeze %dma_start3A_24 : memref<1x2x64xi32, #tpu.memory_space<hbm>> -> memref<2x64xi32, #tpu.memory_space<hbm>>
    tpu.enqueue_dma source(%dma_start3A_25 : memref<2x64xi32, #tpu.memory_space<hbm>>) target(%dma_start3A_21 : memref<2x64xi32, #tpu.memory_space<vmem>>) target_semaphore(%arg9 : memref<!tpu.dma_semaphore, #tpu.memory_space<semaphore_mem>>)
    %add3A_26 = arith.constant 1 : i32
    %add3A_27 = arith.addi %mul3A_2, %add3A_26 : i32
    %dma_start3A_28 = arith.constant 1 : i32
    %dma_start3A_29 = arith.constant 0 : i32
    %dma_start3A_30 = arith.constant 0 : i32
    %dma_start3A_31 = tpu.memref_slice %arg6[%dma_start3A_28, %dma_start3A_29, %dma_start3A_30] : memref<8x2x64xi32, #tpu.memory_space<vmem>> -> memref<1x2x64xi32, #tpu.memory_space<vmem>>
    %dma_start3A_32 = tpu.memref_squeeze %dma_start3A_31 : memref<1x2x64xi32, #tpu.memory_space<vmem>> -> memref<2x64xi32, #tpu.memory_space<vmem>>
    %dma_start3A_33 = arith.constant 0 : i32
    %dma_start3A_34 = arith.constant 0 : i32
    %dma_start3A_35 = tpu.memref_slice %arg3[%add3A_27, %dma_start3A_33, %dma_start3A_34] : memref<5120x2x64xi32, #tpu.memory_space<hbm>> -> memref<1x2x64xi32, #tpu.memory_space<hbm>>
    %dma_start3A_36 = tpu.memref_squeeze %dma_start3A_35 : memref<1x2x64xi32, #tpu.memory_space<hbm>> -> memref<2x64xi32, #tpu.memory_space<hbm>>
    %dma_start3A_37 = arith.constant 0 : i32
    %dma_start3A_38 = arith.constant 0 : i32
    %dma_start3A_39 = tpu.memref_slice %arg6[%dma_start3A_28, %dma_start3A_37, %dma_start3A_38] : memref<8x2x64xi32, #tpu.memory_space<vmem>> -> memref<1x2x64xi32, #tpu.memory_space<vmem>>
    %dma_start3A_40 = tpu.memref_squeeze %dma_start3A_39 : memref<1x2x64xi32, #tpu.memory_space<vmem>> -> memref<2x64xi32, #tpu.memory_space<vmem>>
    %dma_start3A_41 = arith.constant 0 : i32
    %dma_start3A_42 = arith.constant 0 : i32
    %dma_start3A_43 = tpu.memref_slice %arg3[%add3A_27, %dma_start3A_41, %dma_start3A_42] : memref<5120x2x64xi32, #tpu.memory_space<hbm>> -> memref<1x2x64xi32, #tpu.memory_space<hbm>>
    %dma_start3A_44 = tpu.memref_squeeze %dma_start3A_43 : memref<1x2x64xi32, #tpu.memory_space<hbm>> -> memref<2x64xi32, #tpu.memory_space<hbm>>
    tpu.enqueue_dma source(%dma_start3A_44 : memref<2x64xi32, #tpu.memory_space<hbm>>) target(%dma_start3A_40 : memref<2x64xi32, #tpu.memory_space<vmem>>) target_semaphore(%arg10 : memref<!tpu.dma_semaphore, #tpu.memory_space<semaphore_mem>>)
    %add3A_45 = arith.constant 2 : i32
    %add3A_46 = arith.addi %mul3A_2, %add3A_45 : i32
    %dma_start3A_47 = arith.constant 2 : i32
    %dma_start3A_48 = arith.constant 0 : i32
    %dma_start3A_49 = arith.constant 0 : i32
    %dma_start3A_50 = tpu.memref_slice %arg6[%dma_start3A_47, %dma_start3A_48, %dma_start3A_49] : memref<8x2x64xi32, #tpu.memory_space<vmem>> -> memref<1x2x64xi32, #tpu.memory_space<vmem>>
    %dma_start3A_51 = tpu.memref_squeeze %dma_start3A_50 : memref<1x2x64xi32, #tpu.memory_space<vmem>> -> memref<2x64xi32, #tpu.memory_space<vmem>>
    %dma_start3A_52 = arith.constant 0 : i32
    %dma_start3A_53 = arith.constant 0 : i32
    %dma_start3A_54 = tpu.memref_slice %arg3[%add3A_46, %dma_start3A_52, %dma_start3A_53] : memref<5120x2x64xi32, #tpu.memory_space<hbm>> -> memref<1x2x64xi32, #tpu.memory_space<hbm>>
    %dma_start3A_55 = tpu.memref_squeeze %dma_start3A_54 : memref<1x2x64xi32, #tpu.memory_space<hbm>> -> memref<2x64xi32, #tpu.memory_space<hbm>>
    %dma_start3A_56 = arith.constant 0 : i32
    %dma_start3A_57 = arith.constant 0 : i32
    %dma_start3A_58 = tpu.memref_slice %arg6[%dma_start3A_47, %dma_start3A_56, %dma_start3A_57] : memref<8x2x64xi32, #tpu.memory_space<vmem>> -> memref<1x2x64xi32, #tpu.memory_space<vmem>>
    %dma_start3A_59 = tpu.memref_squeeze %dma_start3A_58 : memref<1x2x64xi32, #tpu.memory_space<vmem>> -> memref<2x64xi32, #tpu.memory_space<vmem>>
    %dma_start3A_60 = arith.constant 0 : i32
    %dma_start3A_61 = arith.constant 0 : i32
    %dma_start3A_62 = tpu.memref_slice %arg3[%add3A_46, %dma_start3A_60, %dma_start3A_61] : memref<5120x2x64xi32, #tpu.memory_space<hbm>> -> memref<1x2x64xi32, #tpu.memory_space<hbm>>
    %dma_start3A_63 = tpu.memref_squeeze %dma_start3A_62 : memref<1x2x64xi32, #tpu.memory_space<hbm>> -> memref<2x64xi32, #tpu.memory_space<hbm>>
    tpu.enqueue_dma source(%dma_start3A_63 : memref<2x64xi32, #tpu.memory_space<hbm>>) target(%dma_start3A_59 : memref<2x64xi32, #tpu.memory_space<vmem>>) target_semaphore(%arg11 : memref<!tpu.dma_semaphore, #tpu.memory_space<semaphore_mem>>)
    %add3A_64 = arith.constant 3 : i32
    %add3A_65 = arith.addi %mul3A_2, %add3A_64 : i32
    %dma_start3A_66 = arith.constant 3 : i32
    %dma_start3A_67 = arith.constant 0 : i32
    %dma_start3A_68 = arith.constant 0 : i32
    %dma_start3A_69 = tpu.memref_slice %arg6[%dma_start3A_66, %dma_start3A_67, %dma_start3A_68] : memref<8x2x64xi32, #tpu.memory_space<vmem>> -> memref<1x2x64xi32, #tpu.memory_space<vmem>>
    %dma_start3A_70 = tpu.memref_squeeze %dma_start3A_69 : memref<1x2x64xi32, #tpu.memory_space<vmem>> -> memref<2x64xi32, #tpu.memory_space<vmem>>
    %dma_start3A_71 = arith.constant 0 : i32
    %dma_start3A_72 = arith.constant 0 : i32
    %dma_start3A_73 = tpu.memref_slice %arg3[%add3A_65, %dma_start3A_71, %dma_start3A_72] : memref<5120x2x64xi32, #tpu.memory_space<hbm>> -> memref<1x2x64xi32, #tpu.memory_space<hbm>>
    %dma_start3A_74 = tpu.memref_squeeze %dma_start3A_73 : memref<1x2x64xi32, #tpu.memory_space<hbm>> -> memref<2x64xi32, #tpu.memory_space<hbm>>
    %dma_start3A_75 = arith.constant 0 : i32
    %dma_start3A_76 = arith.constant 0 : i32
    %dma_start3A_77 = tpu.memref_slice %arg6[%dma_start3A_66, %dma_start3A_75, %dma_start3A_76] : memref<8x2x64xi32, #tpu.memory_space<vmem>> -> memref<1x2x64xi32, #tpu.memory_space<vmem>>
    %dma_start3A_78 = tpu.memref_squeeze %dma_start3A_77 : memref<1x2x64xi32, #tpu.memory_space<vmem>> -> memref<2x64xi32, #tpu.memory_space<vmem>>
    %dma_start3A_79 = arith.constant 0 : i32
    %dma_start3A_80 = arith.constant 0 : i32
    %dma_start3A_81 = tpu.memref_slice %arg3[%add3A_65, %dma_start3A_79, %dma_start3A_80] : memref<5120x2x64xi32, #tpu.memory_space<hbm>> -> memref<1x2x64xi32, #tpu.memory_space<hbm>>
    %dma_start3A_82 = tpu.memref_squeeze %dma_start3A_81 : memref<1x2x64xi32, #tpu.memory_space<hbm>> -> memref<2x64xi32, #tpu.memory_space<hbm>>
    tpu.enqueue_dma source(%dma_start3A_82 : memref<2x64xi32, #tpu.memory_space<hbm>>) target(%dma_start3A_78 : memref<2x64xi32, #tpu.memory_space<vmem>>) target_semaphore(%arg12 : memref<!tpu.dma_semaphore, #tpu.memory_space<semaphore_mem>>)
    %add3A_83 = arith.constant 0 : i32
    %add3A_84 = arith.addi %mul3A_2, %add3A_83 : i32
    %dma_wait3A = arith.constant 0 : i32
    %dma_wait3A_85 = arith.constant 0 : i32
    %dma_wait3A_86 = arith.constant 0 : i32
    %dma_wait3A_87 = tpu.memref_slice %arg6[%dma_wait3A, %dma_wait3A_85, %dma_wait3A_86] : memref<8x2x64xi32, #tpu.memory_space<vmem>> -> memref<1x2x64xi32, #tpu.memory_space<vmem>>
    %dma_wait3A_88 = tpu.memref_squeeze %dma_wait3A_87 : memref<1x2x64xi32, #tpu.memory_space<vmem>> -> memref<2x64xi32, #tpu.memory_space<vmem>>
    %dma_wait3A_89 = arith.constant 0 : i32
    %dma_wait3A_90 = arith.constant 0 : i32
    %dma_wait3A_91 = tpu.memref_slice %arg3[%add3A_84, %dma_wait3A_89, %dma_wait3A_90] : memref<5120x2x64xi32, #tpu.memory_space<hbm>> -> memref<1x2x64xi32, #tpu.memory_space<hbm>>
    %dma_wait3A_92 = tpu.memref_squeeze %dma_wait3A_91 : memref<1x2x64xi32, #tpu.memory_space<hbm>> -> memref<2x64xi32, #tpu.memory_space<hbm>>
    %dma_wait3A_93 = arith.constant 0 : i32
    %dma_wait3A_94 = arith.constant 0 : i32
    %dma_wait3A_95 = tpu.memref_slice %arg6[%dma_wait3A, %dma_wait3A_93, %dma_wait3A_94] : memref<8x2x64xi32, #tpu.memory_space<vmem>> -> memref<1x2x64xi32, #tpu.memory_space<vmem>>
    %dma_wait3A_96 = tpu.memref_squeeze %dma_wait3A_95 : memref<1x2x64xi32, #tpu.memory_space<vmem>> -> memref<2x64xi32, #tpu.memory_space<vmem>>
    %dma_wait3A_97 = arith.constant 0 : i32
    %dma_wait3A_98 = arith.constant 0 : i32
    %dma_wait3A_99 = tpu.memref_slice %arg3[%add3A_84, %dma_wait3A_97, %dma_wait3A_98] : memref<5120x2x64xi32, #tpu.memory_space<hbm>> -> memref<1x2x64xi32, #tpu.memory_space<hbm>>
    %dma_wait3A_100 = tpu.memref_squeeze %dma_wait3A_99 : memref<1x2x64xi32, #tpu.memory_space<hbm>> -> memref<2x64xi32, #tpu.memory_space<hbm>>
    tpu.wait_dma2 semaphore(%arg9 : memref<!tpu.dma_semaphore, #tpu.memory_space<semaphore_mem>>) src(%dma_wait3A_100 : memref<2x64xi32, #tpu.memory_space<hbm>>) dst(%dma_wait3A_96 : memref<2x64xi32, #tpu.memory_space<vmem>>)
    %dma_start3A_101 = arith.constant 0 : i32
    %dma_start3A_102 = arith.constant 0 : i32
    %dma_start3A_103 = arith.constant 0 : i32
    %dma_start3A_104 = arith.constant 0 : i32
    %dma_start3A_105 = arith.constant 0 : i32
    %dma_start3A_106 = tpu.memref_slice %arg7[%dma_start3A_103, %dma_start3A_104, %dma_start3A_105] : memref<4x64x128xf32, #tpu.memory_space<vmem>> -> memref<1x64x128xf32, #tpu.memory_space<vmem>>
    %dma_start3A_107 = tpu.memref_squeeze %dma_start3A_106 : memref<1x64x128xf32, #tpu.memory_space<vmem>> -> memref<64x128xf32, #tpu.memory_space<vmem>>
    %dma_start3A_108 = arith.constant 0 : i32
    %dma_start3A_109 = tpu.memref_slice %arg6[%dma_start3A_101, %dma_start3A_102, %dma_start3A_108] : memref<8x2x64xi32, #tpu.memory_space<vmem>> -> memref<1x1x64xi32, #tpu.memory_space<vmem>>
    %dma_start3A_110 = tpu.memref_squeeze %dma_start3A_109 : memref<1x1x64xi32, #tpu.memory_space<vmem>> -> memref<64xi32, #tpu.memory_space<vmem>>
    %dma_start3A_111 = arith.constant 0 : i32
    %dma_start3A_112 = arith.constant 0 : i32
    %dma_start3A_113 = tpu.memref_slice %arg2[%dma_start3A_111, %dma_start3A_112] : memref<10000x128xf32, #tpu.memory_space<hbm>> -> memref<10000x128xf32, #tpu.memory_space<hbm>>
    tpu.enqueue_indirect_dma source(%dma_start3A_113 : memref<10000x128xf32, #tpu.memory_space<hbm>>) target(%dma_start3A_107 : memref<64x128xf32, #tpu.memory_space<vmem>>) offsets(%dma_start3A_110 : memref<64xi32, #tpu.memory_space<vmem>>) semaphore(%arg17 : memref<!tpu.dma_semaphore, #tpu.memory_space<semaphore_mem>>)
    %add3A_114 = arith.constant 1 : i32
    %add3A_115 = arith.addi %mul3A_2, %add3A_114 : i32
    %dma_wait3A_116 = arith.constant 1 : i32
    %dma_wait3A_117 = arith.constant 0 : i32
    %dma_wait3A_118 = arith.constant 0 : i32
    %dma_wait3A_119 = tpu.memref_slice %arg6[%dma_wait3A_116, %dma_wait3A_117, %dma_wait3A_118] : memref<8x2x64xi32, #tpu.memory_space<vmem>> -> memref<1x2x64xi32, #tpu.memory_space<vmem>>
    %dma_wait3A_120 = tpu.memref_squeeze %dma_wait3A_119 : memref<1x2x64xi32, #tpu.memory_space<vmem>> -> memref<2x64xi32, #tpu.memory_space<vmem>>
    %dma_wait3A_121 = arith.constant 0 : i32
    %dma_wait3A_122 = arith.constant 0 : i32
    %dma_wait3A_123 = tpu.memref_slice %arg3[%add3A_115, %dma_wait3A_121, %dma_wait3A_122] : memref<5120x2x64xi32, #tpu.memory_space<hbm>> -> memref<1x2x64xi32, #tpu.memory_space<hbm>>
    %dma_wait3A_124 = tpu.memref_squeeze %dma_wait3A_123 : memref<1x2x64xi32, #tpu.memory_space<hbm>> -> memref<2x64xi32, #tpu.memory_space<hbm>>
    %dma_wait3A_125 = arith.constant 0 : i32
    %dma_wait3A_126 = arith.constant 0 : i32
    %dma_wait3A_127 = tpu.memref_slice %arg6[%dma_wait3A_116, %dma_wait3A_125, %dma_wait3A_126] : memref<8x2x64xi32, #tpu.memory_space<vmem>> -> memref<1x2x64xi32, #tpu.memory_space<vmem>>
    %dma_wait3A_128 = tpu.memref_squeeze %dma_wait3A_127 : memref<1x2x64xi32, #tpu.memory_space<vmem>> -> memref<2x64xi32, #tpu.memory_space<vmem>>
    %dma_wait3A_129 = arith.constant 0 : i32
    %dma_wait3A_130 = arith.constant 0 : i32
    %dma_wait3A_131 = tpu.memref_slice %arg3[%add3A_115, %dma_wait3A_129, %dma_wait3A_130] : memref<5120x2x64xi32, #tpu.memory_space<hbm>> -> memref<1x2x64xi32, #tpu.memory_space<hbm>>
    %dma_wait3A_132 = tpu.memref_squeeze %dma_wait3A_131 : memref<1x2x64xi32, #tpu.memory_space<hbm>> -> memref<2x64xi32, #tpu.memory_space<hbm>>
    tpu.wait_dma2 semaphore(%arg10 : memref<!tpu.dma_semaphore, #tpu.memory_space<semaphore_mem>>) src(%dma_wait3A_132 : memref<2x64xi32, #tpu.memory_space<hbm>>) dst(%dma_wait3A_128 : memref<2x64xi32, #tpu.memory_space<vmem>>)
    %dma_start3A_133 = arith.constant 1 : i32
    %dma_start3A_134 = arith.constant 0 : i32
    %dma_start3A_135 = arith.constant 1 : i32
    %dma_start3A_136 = arith.constant 0 : i32
    %dma_start3A_137 = arith.constant 0 : i32
    %dma_start3A_138 = tpu.memref_slice %arg7[%dma_start3A_135, %dma_start3A_136, %dma_start3A_137] : memref<4x64x128xf32, #tpu.memory_space<vmem>> -> memref<1x64x128xf32, #tpu.memory_space<vmem>>
    %dma_start3A_139 = tpu.memref_squeeze %dma_start3A_138 : memref<1x64x128xf32, #tpu.memory_space<vmem>> -> memref<64x128xf32, #tpu.memory_space<vmem>>
    %dma_start3A_140 = arith.constant 0 : i32
    %dma_start3A_141 = tpu.memref_slice %arg6[%dma_start3A_133, %dma_start3A_134, %dma_start3A_140] : memref<8x2x64xi32, #tpu.memory_space<vmem>> -> memref<1x1x64xi32, #tpu.memory_space<vmem>>
    %dma_start3A_142 = tpu.memref_squeeze %dma_start3A_141 : memref<1x1x64xi32, #tpu.memory_space<vmem>> -> memref<64xi32, #tpu.memory_space<vmem>>
    %dma_start3A_143 = arith.constant 0 : i32
    %dma_start3A_144 = arith.constant 0 : i32
    %dma_start3A_145 = tpu.memref_slice %arg2[%dma_start3A_143, %dma_start3A_144] : memref<10000x128xf32, #tpu.memory_space<hbm>> -> memref<10000x128xf32, #tpu.memory_space<hbm>>
    tpu.enqueue_indirect_dma source(%dma_start3A_145 : memref<10000x128xf32, #tpu.memory_space<hbm>>) target(%dma_start3A_139 : memref<64x128xf32, #tpu.memory_space<vmem>>) offsets(%dma_start3A_142 : memref<64xi32, #tpu.memory_space<vmem>>) semaphore(%arg18 : memref<!tpu.dma_semaphore, #tpu.memory_space<semaphore_mem>>)
    %scan3A = arith.constant 0 : i32
    %scan3A_146 = arith.constant 20 : i32
    %scan3A_147 = arith.addi %scan3A, %scan3A_146 : i32
    %scan3A_148 = arith.constant 1 : i32
    scf.for %scan3A_177 = %scan3A to %scan3A_147 step %scan3A_148  : i32 {
      %mul3A_178 = arith.constant 1 : i32
      %mul3A_179 = arith.muli %scan3A_177, %mul3A_178 : i32
      %add3A_180 = arith.constant 0 : i32
      %add3A_181 = arith.addi %add3A_180, %mul3A_179 : i32
      %mul3A_182 = arith.constant 8 : i32
      %mul3A_183 = arith.muli %mul3A_182, %add3A_181 : i32
      %add3A_184 = arith.addi %mul3A_2, %mul3A_183 : i32
      %add3A_185 = arith.constant 0 : i32
      %add3A_186 = arith.addi %add3A_184, %add3A_185 : i32
      %dma_wait3A_187 = arith.constant 0 : i32
      %dma_wait3A_188 = arith.constant 0 : i32
      %dma_wait3A_189 = arith.constant 0 : i32
      %dma_wait3A_190 = arith.constant 0 : i32
      %dma_wait3A_191 = arith.constant 0 : i32
      %dma_wait3A_192 = tpu.memref_slice %arg7[%dma_wait3A_189, %dma_wait3A_190, %dma_wait3A_191] : memref<4x64x128xf32, #tpu.memory_space<vmem>> -> memref<1x64x128xf32, #tpu.memory_space<vmem>>
      %dma_wait3A_193 = tpu.memref_squeeze %dma_wait3A_192 : memref<1x64x128xf32, #tpu.memory_space<vmem>> -> memref<64x128xf32, #tpu.memory_space<vmem>>
      %dma_wait3A_194 = arith.constant 0 : i32
      %dma_wait3A_195 = tpu.memref_slice %arg6[%dma_wait3A_187, %dma_wait3A_188, %dma_wait3A_194] : memref<8x2x64xi32, #tpu.memory_space<vmem>> -> memref<1x1x64xi32, #tpu.memory_space<vmem>>
      %dma_wait3A_196 = tpu.memref_squeeze %dma_wait3A_195 : memref<1x1x64xi32, #tpu.memory_space<vmem>> -> memref<64xi32, #tpu.memory_space<vmem>>
      %dma_wait3A_197 = arith.constant 0 : i32
      %dma_wait3A_198 = arith.constant 0 : i32
      %dma_wait3A_199 = tpu.memref_slice %arg2[%dma_wait3A_197, %dma_wait3A_198] : memref<10000x128xf32, #tpu.memory_space<hbm>> -> memref<10000x128xf32, #tpu.memory_space<hbm>>
      tpu.wait_indirect_dma semaphore(%arg17 : memref<!tpu.dma_semaphore, #tpu.memory_space<semaphore_mem>>) src(%dma_wait3A_199 : memref<10000x128xf32, #tpu.memory_space<hbm>>) dst(%dma_wait3A_193 : memref<64x128xf32, #tpu.memory_space<vmem>>)
      %dma_start3A_200 = arith.constant 0 : i32
      %dma_start3A_201 = arith.constant 0 : i32
      %dma_start3A_202 = arith.constant 1 : i32
      %dma_start3A_203 = arith.constant 0 : i32
      %dma_start3A_204 = arith.constant 0 : i32
      %dma_start3A_205 = tpu.memref_slice %arg7[%dma_start3A_200, %dma_start3A_203, %dma_start3A_204] : memref<4x64x128xf32, #tpu.memory_space<vmem>> -> memref<1x64x128xf32, #tpu.memory_space<vmem>>
      %dma_start3A_206 = tpu.memref_squeeze %dma_start3A_205 : memref<1x64x128xf32, #tpu.memory_space<vmem>> -> memref<64x128xf32, #tpu.memory_space<vmem>>
      %dma_start3A_207 = arith.constant 0 : i32
      %dma_start3A_208 = tpu.memref_slice %arg6[%dma_start3A_201, %dma_start3A_202, %dma_start3A_207] : memref<8x2x64xi32, #tpu.memory_space<vmem>> -> memref<1x1x64xi32, #tpu.memory_space<vmem>>
      %dma_start3A_209 = tpu.memref_squeeze %dma_start3A_208 : memref<1x1x64xi32, #tpu.memory_space<vmem>> -> memref<64xi32, #tpu.memory_space<vmem>>
      %dma_start3A_210 = arith.constant 0 : i32
      %dma_start3A_211 = arith.constant 0 : i32
      %dma_start3A_212 = tpu.memref_slice %arg8[%dma_start3A_210, %dma_start3A_211] : memref<10112x128xf32, #tpu.memory_space<vmem_shared>> -> memref<10112x128xf32, #tpu.memory_space<vmem_shared>>
      tpu.enqueue_indirect_dma source(%dma_start3A_206 : memref<64x128xf32, #tpu.memory_space<vmem>>) target(%dma_start3A_212 : memref<10112x128xf32, #tpu.memory_space<vmem_shared>>) offsets(%dma_start3A_209 : memref<64xi32, #tpu.memory_space<vmem>>) semaphore(%arg21 : memref<!tpu.dma_semaphore, #tpu.memory_space<semaphore_mem>>) {add = true}
      %sub3A = arith.constant 2 : i32
      %sub3A_213 = arith.subi %add3A_186, %sub3A : i32
      %ge3A = arith.cmpi sge, %sub3A_213, %mul3A_2 : i32
      %convert_element_type3A = arith.extui %ge3A : i1 to i32
      %cond3A = arith.constant 0 : i32
      %cond3A_214 = arith.cmpi ne, %convert_element_type3A, %cond3A : i32
      scf.if %cond3A_214 {
        %dma_wait3A_548 = arith.constant 2 : i32
        %dma_wait3A_549 = arith.constant 6 : i32
        %dma_wait3A_550 = arith.constant 1 : i32
        %dma_wait3A_551 = arith.constant 0 : i32
        %dma_wait3A_552 = arith.constant 0 : i32
        %dma_wait3A_553 = tpu.memref_slice %arg7[%dma_wait3A_548, %dma_wait3A_551, %dma_wait3A_552] : memref<4x64x128xf32, #tpu.memory_space<vmem>> -> memref<1x64x128xf32, #tpu.memory_space<vmem>>
        %dma_wait3A_554 = tpu.memref_squeeze %dma_wait3A_553 : memref<1x64x128xf32, #tpu.memory_space<vmem>> -> memref<64x128xf32, #tpu.memory_space<vmem>>
        %dma_wait3A_555 = arith.constant 0 : i32
        %dma_wait3A_556 = tpu.memref_slice %arg6[%dma_wait3A_549, %dma_wait3A_550, %dma_wait3A_555] : memref<8x2x64xi32, #tpu.memory_space<vmem>> -> memref<1x1x64xi32, #tpu.memory_space<vmem>>
        %dma_wait3A_557 = tpu.memref_squeeze %dma_wait3A_556 : memref<1x1x64xi32, #tpu.memory_space<vmem>> -> memref<64xi32, #tpu.memory_space<vmem>>
        %dma_wait3A_558 = arith.constant 0 : i32
        %dma_wait3A_559 = arith.constant 0 : i32
        %dma_wait3A_560 = tpu.memref_slice %arg8[%dma_wait3A_558, %dma_wait3A_559] : memref<10112x128xf32, #tpu.memory_space<vmem_shared>> -> memref<10112x128xf32, #tpu.memory_space<vmem_shared>>
        tpu.wait_indirect_dma semaphore(%arg23 : memref<!tpu.dma_semaphore, #tpu.memory_space<semaphore_mem>>) src(%dma_wait3A_554 : memref<64x128xf32, #tpu.memory_space<vmem>>) dst(%dma_wait3A_560 : memref<10112x128xf32, #tpu.memory_space<vmem_shared>>)
      } else {
      }
      %add3A_215 = arith.constant 4 : i32
      %add3A_216 = arith.addi %add3A_186, %add3A_215 : i32
      %lt3A = arith.cmpi slt, %add3A_216, %add3A_7 : i32
      %convert_element_type3A_217 = arith.extui %lt3A : i1 to i32
      %cond3A_218 = arith.constant 0 : i32
      %cond3A_219 = arith.cmpi ne, %convert_element_type3A_217, %cond3A_218 : i32
      scf.if %cond3A_219 {
        %add3A_548 = arith.constant 4 : i32
        %add3A_549 = arith.addi %add3A_186, %add3A_548 : i32
        %dma_start3A_550 = arith.constant 4 : i32
        %dma_start3A_551 = arith.constant 0 : i32
        %dma_start3A_552 = arith.constant 0 : i32
        %dma_start3A_553 = tpu.memref_slice %arg6[%dma_start3A_550, %dma_start3A_551, %dma_start3A_552] : memref<8x2x64xi32, #tpu.memory_space<vmem>> -> memref<1x2x64xi32, #tpu.memory_space<vmem>>
        %dma_start3A_554 = tpu.memref_squeeze %dma_start3A_553 : memref<1x2x64xi32, #tpu.memory_space<vmem>> -> memref<2x64xi32, #tpu.memory_space<vmem>>
        %dma_start3A_555 = arith.constant 0 : i32
        %dma_start3A_556 = arith.constant 0 : i32
        %dma_start3A_557 = tpu.memref_slice %arg3[%add3A_549, %dma_start3A_555, %dma_start3A_556] : memref<5120x2x64xi32, #tpu.memory_space<hbm>> -> memref<1x2x64xi32, #tpu.memory_space<hbm>>
        %dma_start3A_558 = tpu.memref_squeeze %dma_start3A_557 : memref<1x2x64xi32, #tpu.memory_space<hbm>> -> memref<2x64xi32, #tpu.memory_space<hbm>>
        %dma_start3A_559 = arith.constant 0 : i32
        %dma_start3A_560 = arith.constant 0 : i32
        %dma_start3A_561 = tpu.memref_slice %arg6[%dma_start3A_550, %dma_start3A_559, %dma_start3A_560] : memref<8x2x64xi32, #tpu.memory_space<vmem>> -> memref<1x2x64xi32, #tpu.memory_space<vmem>>
        %dma_start3A_562 = tpu.memref_squeeze %dma_start3A_561 : memref<1x2x64xi32, #tpu.memory_space<vmem>> -> memref<2x64xi32, #tpu.memory_space<vmem>>
        %dma_start3A_563 = arith.constant 0 : i32
        %dma_start3A_564 = arith.constant 0 : i32
        %dma_start3A_565 = tpu.memref_slice %arg3[%add3A_549, %dma_start3A_563, %dma_start3A_564] : memref<5120x2x64xi32, #tpu.memory_space<hbm>> -> memref<1x2x64xi32, #tpu.memory_space<hbm>>
        %dma_start3A_566 = tpu.memref_squeeze %dma_start3A_565 : memref<1x2x64xi32, #tpu.memory_space<hbm>> -> memref<2x64xi32, #tpu.memory_space<hbm>>
        tpu.enqueue_dma source(%dma_start3A_566 : memref<2x64xi32, #tpu.memory_space<hbm>>) target(%dma_start3A_562 : memref<2x64xi32, #tpu.memory_space<vmem>>) target_semaphore(%arg13 : memref<!tpu.dma_semaphore, #tpu.memory_space<semaphore_mem>>)
      } else {
      }
      %add3A_220 = arith.constant 2 : i32
      %add3A_221 = arith.addi %add3A_186, %add3A_220 : i32
      %lt3A_222 = arith.cmpi slt, %add3A_221, %add3A_7 : i32
      %convert_element_type3A_223 = arith.extui %lt3A_222 : i1 to i32
      %cond3A_224 = arith.constant 0 : i32
      %cond3A_225 = arith.cmpi ne, %convert_element_type3A_223, %cond3A_224 : i32
      scf.if %cond3A_225 {
        %add3A_548 = arith.constant 2 : i32
        %add3A_549 = arith.addi %add3A_186, %add3A_548 : i32
        %dma_wait3A_550 = arith.constant 2 : i32
        %dma_wait3A_551 = arith.constant 0 : i32
        %dma_wait3A_552 = arith.constant 0 : i32
        %dma_wait3A_553 = tpu.memref_slice %arg6[%dma_wait3A_550, %dma_wait3A_551, %dma_wait3A_552] : memref<8x2x64xi32, #tpu.memory_space<vmem>> -> memref<1x2x64xi32, #tpu.memory_space<vmem>>
        %dma_wait3A_554 = tpu.memref_squeeze %dma_wait3A_553 : memref<1x2x64xi32, #tpu.memory_space<vmem>> -> memref<2x64xi32, #tpu.memory_space<vmem>>
        %dma_wait3A_555 = arith.constant 0 : i32
        %dma_wait3A_556 = arith.constant 0 : i32
        %dma_wait3A_557 = tpu.memref_slice %arg3[%add3A_549, %dma_wait3A_555, %dma_wait3A_556] : memref<5120x2x64xi32, #tpu.memory_space<hbm>> -> memref<1x2x64xi32, #tpu.memory_space<hbm>>
        %dma_wait3A_558 = tpu.memref_squeeze %dma_wait3A_557 : memref<1x2x64xi32, #tpu.memory_space<hbm>> -> memref<2x64xi32, #tpu.memory_space<hbm>>
        %dma_wait3A_559 = arith.constant 0 : i32
        %dma_wait3A_560 = arith.constant 0 : i32
        %dma_wait3A_561 = tpu.memref_slice %arg6[%dma_wait3A_550, %dma_wait3A_559, %dma_wait3A_560] : memref<8x2x64xi32, #tpu.memory_space<vmem>> -> memref<1x2x64xi32, #tpu.memory_space<vmem>>
        %dma_wait3A_562 = tpu.memref_squeeze %dma_wait3A_561 : memref<1x2x64xi32, #tpu.memory_space<vmem>> -> memref<2x64xi32, #tpu.memory_space<vmem>>
        %dma_wait3A_563 = arith.constant 0 : i32
        %dma_wait3A_564 = arith.constant 0 : i32
        %dma_wait3A_565 = tpu.memref_slice %arg3[%add3A_549, %dma_wait3A_563, %dma_wait3A_564] : memref<5120x2x64xi32, #tpu.memory_space<hbm>> -> memref<1x2x64xi32, #tpu.memory_space<hbm>>
        %dma_wait3A_566 = tpu.memref_squeeze %dma_wait3A_565 : memref<1x2x64xi32, #tpu.memory_space<hbm>> -> memref<2x64xi32, #tpu.memory_space<hbm>>
        tpu.wait_dma2 semaphore(%arg11 : memref<!tpu.dma_semaphore, #tpu.memory_space<semaphore_mem>>) src(%dma_wait3A_566 : memref<2x64xi32, #tpu.memory_space<hbm>>) dst(%dma_wait3A_562 : memref<2x64xi32, #tpu.memory_space<vmem>>)
        %dma_start3A_567 = arith.constant 2 : i32
        %dma_start3A_568 = arith.constant 0 : i32
        %dma_start3A_569 = arith.constant 2 : i32
        %dma_start3A_570 = arith.constant 0 : i32
        %dma_start3A_571 = arith.constant 0 : i32
        %dma_start3A_572 = tpu.memref_slice %arg7[%dma_start3A_569, %dma_start3A_570, %dma_start3A_571] : memref<4x64x128xf32, #tpu.memory_space<vmem>> -> memref<1x64x128xf32, #tpu.memory_space<vmem>>
        %dma_start3A_573 = tpu.memref_squeeze %dma_start3A_572 : memref<1x64x128xf32, #tpu.memory_space<vmem>> -> memref<64x128xf32, #tpu.memory_space<vmem>>
        %dma_start3A_574 = arith.constant 0 : i32
        %dma_start3A_575 = tpu.memref_slice %arg6[%dma_start3A_567, %dma_start3A_568, %dma_start3A_574] : memref<8x2x64xi32, #tpu.memory_space<vmem>> -> memref<1x1x64xi32, #tpu.memory_space<vmem>>
        %dma_start3A_576 = tpu.memref_squeeze %dma_start3A_575 : memref<1x1x64xi32, #tpu.memory_space<vmem>> -> memref<64xi32, #tpu.memory_space<vmem>>
        %dma_start3A_577 = arith.constant 0 : i32
        %dma_start3A_578 = arith.constant 0 : i32
        %dma_start3A_579 = tpu.memref_slice %arg2[%dma_start3A_577, %dma_start3A_578] : memref<10000x128xf32, #tpu.memory_space<hbm>> -> memref<10000x128xf32, #tpu.memory_space<hbm>>
        tpu.enqueue_indirect_dma source(%dma_start3A_579 : memref<10000x128xf32, #tpu.memory_space<hbm>>) target(%dma_start3A_573 : memref<64x128xf32, #tpu.memory_space<vmem>>) offsets(%dma_start3A_576 : memref<64xi32, #tpu.memory_space<vmem>>) semaphore(%arg19 : memref<!tpu.dma_semaphore, #tpu.memory_space<semaphore_mem>>)
      } else {
      }
      %add3A_226 = arith.constant 1 : i32
      %add3A_227 = arith.addi %add3A_184, %add3A_226 : i32
      %dma_wait3A_228 = arith.constant 1 : i32
      %dma_wait3A_229 = arith.constant 0 : i32
      %dma_wait3A_230 = arith.constant 1 : i32
      %dma_wait3A_231 = arith.constant 0 : i32
      %dma_wait3A_232 = arith.constant 0 : i32
      %dma_wait3A_233 = tpu.memref_slice %arg7[%dma_wait3A_230, %dma_wait3A_231, %dma_wait3A_232] : memref<4x64x128xf32, #tpu.memory_space<vmem>> -> memref<1x64x128xf32, #tpu.memory_space<vmem>>
      %dma_wait3A_234 = tpu.memref_squeeze %dma_wait3A_233 : memref<1x64x128xf32, #tpu.memory_space<vmem>> -> memref<64x128xf32, #tpu.memory_space<vmem>>
      %dma_wait3A_235 = arith.constant 0 : i32
      %dma_wait3A_236 = tpu.memref_slice %arg6[%dma_wait3A_228, %dma_wait3A_229, %dma_wait3A_235] : memref<8x2x64xi32, #tpu.memory_space<vmem>> -> memref<1x1x64xi32, #tpu.memory_space<vmem>>
      %dma_wait3A_237 = tpu.memref_squeeze %dma_wait3A_236 : memref<1x1x64xi32, #tpu.memory_space<vmem>> -> memref<64xi32, #tpu.memory_space<vmem>>
      %dma_wait3A_238 = arith.constant 0 : i32
      %dma_wait3A_239 = arith.constant 0 : i32
      %dma_wait3A_240 = tpu.memref_slice %arg2[%dma_wait3A_238, %dma_wait3A_239] : memref<10000x128xf32, #tpu.memory_space<hbm>> -> memref<10000x128xf32, #tpu.memory_space<hbm>>
      tpu.wait_indirect_dma semaphore(%arg18 : memref<!tpu.dma_semaphore, #tpu.memory_space<semaphore_mem>>) src(%dma_wait3A_240 : memref<10000x128xf32, #tpu.memory_space<hbm>>) dst(%dma_wait3A_234 : memref<64x128xf32, #tpu.memory_space<vmem>>)
      %dma_start3A_241 = arith.constant 1 : i32
      %dma_start3A_242 = arith.constant 1 : i32
      %dma_start3A_243 = arith.constant 1 : i32
      %dma_start3A_244 = arith.constant 0 : i32
      %dma_start3A_245 = arith.constant 0 : i32
      %dma_start3A_246 = tpu.memref_slice %arg7[%dma_start3A_241, %dma_start3A_244, %dma_start3A_245] : memref<4x64x128xf32, #tpu.memory_space<vmem>> -> memref<1x64x128xf32, #tpu.memory_space<vmem>>
      %dma_start3A_247 = tpu.memref_squeeze %dma_start3A_246 : memref<1x64x128xf32, #tpu.memory_space<vmem>> -> memref<64x128xf32, #tpu.memory_space<vmem>>
      %dma_start3A_248 = arith.constant 0 : i32
      %dma_start3A_249 = tpu.memref_slice %arg6[%dma_start3A_242, %dma_start3A_243, %dma_start3A_248] : memref<8x2x64xi32, #tpu.memory_space<vmem>> -> memref<1x1x64xi32, #tpu.memory_space<vmem>>
      %dma_start3A_250 = tpu.memref_squeeze %dma_start3A_249 : memref<1x1x64xi32, #tpu.memory_space<vmem>> -> memref<64xi32, #tpu.memory_space<vmem>>
      %dma_start3A_251 = arith.constant 0 : i32
      %dma_start3A_252 = arith.constant 0 : i32
      %dma_start3A_253 = tpu.memref_slice %arg8[%dma_start3A_251, %dma_start3A_252] : memref<10112x128xf32, #tpu.memory_space<vmem_shared>> -> memref<10112x128xf32, #tpu.memory_space<vmem_shared>>
      tpu.enqueue_indirect_dma source(%dma_start3A_247 : memref<64x128xf32, #tpu.memory_space<vmem>>) target(%dma_start3A_253 : memref<10112x128xf32, #tpu.memory_space<vmem_shared>>) offsets(%dma_start3A_250 : memref<64xi32, #tpu.memory_space<vmem>>) semaphore(%arg22 : memref<!tpu.dma_semaphore, #tpu.memory_space<semaphore_mem>>) {add = true}
      %sub3A_254 = arith.constant 2 : i32
      %sub3A_255 = arith.subi %add3A_227, %sub3A_254 : i32
      %ge3A_256 = arith.cmpi sge, %sub3A_255, %mul3A_2 : i32
      %convert_element_type3A_257 = arith.extui %ge3A_256 : i1 to i32
      %cond3A_258 = arith.constant 0 : i32
      %cond3A_259 = arith.cmpi ne, %convert_element_type3A_257, %cond3A_258 : i32
      scf.if %cond3A_259 {
        %dma_wait3A_548 = arith.constant 3 : i32
        %dma_wait3A_549 = arith.constant 7 : i32
        %dma_wait3A_550 = arith.constant 1 : i32
        %dma_wait3A_551 = arith.constant 0 : i32
        %dma_wait3A_552 = arith.constant 0 : i32
        %dma_wait3A_553 = tpu.memref_slice %arg7[%dma_wait3A_548, %dma_wait3A_551, %dma_wait3A_552] : memref<4x64x128xf32, #tpu.memory_space<vmem>> -> memref<1x64x128xf32, #tpu.memory_space<vmem>>
        %dma_wait3A_554 = tpu.memref_squeeze %dma_wait3A_553 : memref<1x64x128xf32, #tpu.memory_space<vmem>> -> memref<64x128xf32, #tpu.memory_space<vmem>>
        %dma_wait3A_555 = arith.constant 0 : i32
        %dma_wait3A_556 = tpu.memref_slice %arg6[%dma_wait3A_549, %dma_wait3A_550, %dma_wait3A_555] : memref<8x2x64xi32, #tpu.memory_space<vmem>> -> memref<1x1x64xi32, #tpu.memory_space<vmem>>
        %dma_wait3A_557 = tpu.memref_squeeze %dma_wait3A_556 : memref<1x1x64xi32, #tpu.memory_space<vmem>> -> memref<64xi32, #tpu.memory_space<vmem>>
        %dma_wait3A_558 = arith.constant 0 : i32
        %dma_wait3A_559 = arith.constant 0 : i32
        %dma_wait3A_560 = tpu.memref_slice %arg8[%dma_wait3A_558, %dma_wait3A_559] : memref<10112x128xf32, #tpu.memory_space<vmem_shared>> -> memref<10112x128xf32, #tpu.memory_space<vmem_shared>>
        tpu.wait_indirect_dma semaphore(%arg24 : memref<!tpu.dma_semaphore, #tpu.memory_space<semaphore_mem>>) src(%dma_wait3A_554 : memref<64x128xf32, #tpu.memory_space<vmem>>) dst(%dma_wait3A_560 : memref<10112x128xf32, #tpu.memory_space<vmem_shared>>)
      } else {
      }
      %add3A_260 = arith.constant 4 : i32
      %add3A_261 = arith.addi %add3A_227, %add3A_260 : i32
      %lt3A_262 = arith.cmpi slt, %add3A_261, %add3A_7 : i32
      %convert_element_type3A_263 = arith.extui %lt3A_262 : i1 to i32
      %cond3A_264 = arith.constant 0 : i32
      %cond3A_265 = arith.cmpi ne, %convert_element_type3A_263, %cond3A_264 : i32
      scf.if %cond3A_265 {
        %add3A_548 = arith.constant 4 : i32
        %add3A_549 = arith.addi %add3A_227, %add3A_548 : i32
        %dma_start3A_550 = arith.constant 5 : i32
        %dma_start3A_551 = arith.constant 0 : i32
        %dma_start3A_552 = arith.constant 0 : i32
        %dma_start3A_553 = tpu.memref_slice %arg6[%dma_start3A_550, %dma_start3A_551, %dma_start3A_552] : memref<8x2x64xi32, #tpu.memory_space<vmem>> -> memref<1x2x64xi32, #tpu.memory_space<vmem>>
        %dma_start3A_554 = tpu.memref_squeeze %dma_start3A_553 : memref<1x2x64xi32, #tpu.memory_space<vmem>> -> memref<2x64xi32, #tpu.memory_space<vmem>>
        %dma_start3A_555 = arith.constant 0 : i32
        %dma_start3A_556 = arith.constant 0 : i32
        %dma_start3A_557 = tpu.memref_slice %arg3[%add3A_549, %dma_start3A_555, %dma_start3A_556] : memref<5120x2x64xi32, #tpu.memory_space<hbm>> -> memref<1x2x64xi32, #tpu.memory_space<hbm>>
        %dma_start3A_558 = tpu.memref_squeeze %dma_start3A_557 : memref<1x2x64xi32, #tpu.memory_space<hbm>> -> memref<2x64xi32, #tpu.memory_space<hbm>>
        %dma_start3A_559 = arith.constant 0 : i32
        %dma_start3A_560 = arith.constant 0 : i32
        %dma_start3A_561 = tpu.memref_slice %arg6[%dma_start3A_550, %dma_start3A_559, %dma_start3A_560] : memref<8x2x64xi32, #tpu.memory_space<vmem>> -> memref<1x2x64xi32, #tpu.memory_space<vmem>>
        %dma_start3A_562 = tpu.memref_squeeze %dma_start3A_561 : memref<1x2x64xi32, #tpu.memory_space<vmem>> -> memref<2x64xi32, #tpu.memory_space<vmem>>
        %dma_start3A_563 = arith.constant 0 : i32
        %dma_start3A_564 = arith.constant 0 : i32
        %dma_start3A_565 = tpu.memref_slice %arg3[%add3A_549, %dma_start3A_563, %dma_start3A_564] : memref<5120x2x64xi32, #tpu.memory_space<hbm>> -> memref<1x2x64xi32, #tpu.memory_space<hbm>>
        %dma_start3A_566 = tpu.memref_squeeze %dma_start3A_565 : memref<1x2x64xi32, #tpu.memory_space<hbm>> -> memref<2x64xi32, #tpu.memory_space<hbm>>
        tpu.enqueue_dma source(%dma_start3A_566 : memref<2x64xi32, #tpu.memory_space<hbm>>) target(%dma_start3A_562 : memref<2x64xi32, #tpu.memory_space<vmem>>) target_semaphore(%arg14 : memref<!tpu.dma_semaphore, #tpu.memory_space<semaphore_mem>>)
      } else {
      }
      %add3A_266 = arith.constant 2 : i32
      %add3A_267 = arith.addi %add3A_227, %add3A_266 : i32
      %lt3A_268 = arith.cmpi slt, %add3A_267, %add3A_7 : i32
      %convert_element_type3A_269 = arith.extui %lt3A_268 : i1 to i32
      %cond3A_270 = arith.constant 0 : i32
      %cond3A_271 = arith.cmpi ne, %convert_element_type3A_269, %cond3A_270 : i32
      scf.if %cond3A_271 {
        %add3A_548 = arith.constant 2 : i32
        %add3A_549 = arith.addi %add3A_227, %add3A_548 : i32
        %dma_wait3A_550 = arith.constant 3 : i32
        %dma_wait3A_551 = arith.constant 0 : i32
        %dma_wait3A_552 = arith.constant 0 : i32
        %dma_wait3A_553 = tpu.memref_slice %arg6[%dma_wait3A_550, %dma_wait3A_551, %dma_wait3A_552] : memref<8x2x64xi32, #tpu.memory_space<vmem>> -> memref<1x2x64xi32, #tpu.memory_space<vmem>>
        %dma_wait3A_554 = tpu.memref_squeeze %dma_wait3A_553 : memref<1x2x64xi32, #tpu.memory_space<vmem>> -> memref<2x64xi32, #tpu.memory_space<vmem>>
        %dma_wait3A_555 = arith.constant 0 : i32
        %dma_wait3A_556 = arith.constant 0 : i32
        %dma_wait3A_557 = tpu.memref_slice %arg3[%add3A_549, %dma_wait3A_555, %dma_wait3A_556] : memref<5120x2x64xi32, #tpu.memory_space<hbm>> -> memref<1x2x64xi32, #tpu.memory_space<hbm>>
        %dma_wait3A_558 = tpu.memref_squeeze %dma_wait3A_557 : memref<1x2x64xi32, #tpu.memory_space<hbm>> -> memref<2x64xi32, #tpu.memory_space<hbm>>
        %dma_wait3A_559 = arith.constant 0 : i32
        %dma_wait3A_560 = arith.constant 0 : i32
        %dma_wait3A_561 = tpu.memref_slice %arg6[%dma_wait3A_550, %dma_wait3A_559, %dma_wait3A_560] : memref<8x2x64xi32, #tpu.memory_space<vmem>> -> memref<1x2x64xi32, #tpu.memory_space<vmem>>
        %dma_wait3A_562 = tpu.memref_squeeze %dma_wait3A_561 : memref<1x2x64xi32, #tpu.memory_space<vmem>> -> memref<2x64xi32, #tpu.memory_space<vmem>>
        %dma_wait3A_563 = arith.constant 0 : i32
        %dma_wait3A_564 = arith.constant 0 : i32
        %dma_wait3A_565 = tpu.memref_slice %arg3[%add3A_549, %dma_wait3A_563, %dma_wait3A_564] : memref<5120x2x64xi32, #tpu.memory_space<hbm>> -> memref<1x2x64xi32, #tpu.memory_space<hbm>>
        %dma_wait3A_566 = tpu.memref_squeeze %dma_wait3A_565 : memref<1x2x64xi32, #tpu.memory_space<hbm>> -> memref<2x64xi32, #tpu.memory_space<hbm>>
        tpu.wait_dma2 semaphore(%arg12 : memref<!tpu.dma_semaphore, #tpu.memory_space<semaphore_mem>>) src(%dma_wait3A_566 : memref<2x64xi32, #tpu.memory_space<hbm>>) dst(%dma_wait3A_562 : memref<2x64xi32, #tpu.memory_space<vmem>>)
        %dma_start3A_567 = arith.constant 3 : i32
        %dma_start3A_568 = arith.constant 0 : i32
        %dma_start3A_569 = arith.constant 3 : i32
        %dma_start3A_570 = arith.constant 0 : i32
        %dma_start3A_571 = arith.constant 0 : i32
        %dma_start3A_572 = tpu.memref_slice %arg7[%dma_start3A_569, %dma_start3A_570, %dma_start3A_571] : memref<4x64x128xf32, #tpu.memory_space<vmem>> -> memref<1x64x128xf32, #tpu.memory_space<vmem>>
        %dma_start3A_573 = tpu.memref_squeeze %dma_start3A_572 : memref<1x64x128xf32, #tpu.memory_space<vmem>> -> memref<64x128xf32, #tpu.memory_space<vmem>>
        %dma_start3A_574 = arith.constant 0 : i32
        %dma_start3A_575 = tpu.memref_slice %arg6[%dma_start3A_567, %dma_start3A_568, %dma_start3A_574] : memref<8x2x64xi32, #tpu.memory_space<vmem>> -> memref<1x1x64xi32, #tpu.memory_space<vmem>>
        %dma_start3A_576 = tpu.memref_squeeze %dma_start3A_575 : memref<1x1x64xi32, #tpu.memory_space<vmem>> -> memref<64xi32, #tpu.memory_space<vmem>>
        %dma_start3A_577 = arith.constant 0 : i32
        %dma_start3A_578 = arith.constant 0 : i32
        %dma_start3A_579 = tpu.memref_slice %arg2[%dma_start3A_577, %dma_start3A_578] : memref<10000x128xf32, #tpu.memory_space<hbm>> -> memref<10000x128xf32, #tpu.memory_space<hbm>>
        tpu.enqueue_indirect_dma source(%dma_start3A_579 : memref<10000x128xf32, #tpu.memory_space<hbm>>) target(%dma_start3A_573 : memref<64x128xf32, #tpu.memory_space<vmem>>) offsets(%dma_start3A_576 : memref<64xi32, #tpu.memory_space<vmem>>) semaphore(%arg20 : memref<!tpu.dma_semaphore, #tpu.memory_space<semaphore_mem>>)
      } else {
      }
      %add3A_272 = arith.constant 2 : i32
      %add3A_273 = arith.addi %add3A_184, %add3A_272 : i32
      %dma_wait3A_274 = arith.constant 2 : i32
      %dma_wait3A_275 = arith.constant 0 : i32
      %dma_wait3A_276 = arith.constant 2 : i32
      %dma_wait3A_277 = arith.constant 0 : i32
      %dma_wait3A_278 = arith.constant 0 : i32
      %dma_wait3A_279 = tpu.memref_slice %arg7[%dma_wait3A_276, %dma_wait3A_277, %dma_wait3A_278] : memref<4x64x128xf32, #tpu.memory_space<vmem>> -> memref<1x64x128xf32, #tpu.memory_space<vmem>>
      %dma_wait3A_280 = tpu.memref_squeeze %dma_wait3A_279 : memref<1x64x128xf32, #tpu.memory_space<vmem>> -> memref<64x128xf32, #tpu.memory_space<vmem>>
      %dma_wait3A_281 = arith.constant 0 : i32
      %dma_wait3A_282 = tpu.memref_slice %arg6[%dma_wait3A_274, %dma_wait3A_275, %dma_wait3A_281] : memref<8x2x64xi32, #tpu.memory_space<vmem>> -> memref<1x1x64xi32, #tpu.memory_space<vmem>>
      %dma_wait3A_283 = tpu.memref_squeeze %dma_wait3A_282 : memref<1x1x64xi32, #tpu.memory_space<vmem>> -> memref<64xi32, #tpu.memory_space<vmem>>
      %dma_wait3A_284 = arith.constant 0 : i32
      %dma_wait3A_285 = arith.constant 0 : i32
      %dma_wait3A_286 = tpu.memref_slice %arg2[%dma_wait3A_284, %dma_wait3A_285] : memref<10000x128xf32, #tpu.memory_space<hbm>> -> memref<10000x128xf32, #tpu.memory_space<hbm>>
      tpu.wait_indirect_dma semaphore(%arg19 : memref<!tpu.dma_semaphore, #tpu.memory_space<semaphore_mem>>) src(%dma_wait3A_286 : memref<10000x128xf32, #tpu.memory_space<hbm>>) dst(%dma_wait3A_280 : memref<64x128xf32, #tpu.memory_space<vmem>>)
      %dma_start3A_287 = arith.constant 2 : i32
      %dma_start3A_288 = arith.constant 2 : i32
      %dma_start3A_289 = arith.constant 1 : i32
      %dma_start3A_290 = arith.constant 0 : i32
      %dma_start3A_291 = arith.constant 0 : i32
      %dma_start3A_292 = tpu.memref_slice %arg7[%dma_start3A_287, %dma_start3A_290, %dma_start3A_291] : memref<4x64x128xf32, #tpu.memory_space<vmem>> -> memref<1x64x128xf32, #tpu.memory_space<vmem>>
      %dma_start3A_293 = tpu.memref_squeeze %dma_start3A_292 : memref<1x64x128xf32, #tpu.memory_space<vmem>> -> memref<64x128xf32, #tpu.memory_space<vmem>>
      %dma_start3A_294 = arith.constant 0 : i32
      %dma_start3A_295 = tpu.memref_slice %arg6[%dma_start3A_288, %dma_start3A_289, %dma_start3A_294] : memref<8x2x64xi32, #tpu.memory_space<vmem>> -> memref<1x1x64xi32, #tpu.memory_space<vmem>>
      %dma_start3A_296 = tpu.memref_squeeze %dma_start3A_295 : memref<1x1x64xi32, #tpu.memory_space<vmem>> -> memref<64xi32, #tpu.memory_space<vmem>>
      %dma_start3A_297 = arith.constant 0 : i32
      %dma_start3A_298 = arith.constant 0 : i32
      %dma_start3A_299 = tpu.memref_slice %arg8[%dma_start3A_297, %dma_start3A_298] : memref<10112x128xf32, #tpu.memory_space<vmem_shared>> -> memref<10112x128xf32, #tpu.memory_space<vmem_shared>>
      tpu.enqueue_indirect_dma source(%dma_start3A_293 : memref<64x128xf32, #tpu.memory_space<vmem>>) target(%dma_start3A_299 : memref<10112x128xf32, #tpu.memory_space<vmem_shared>>) offsets(%dma_start3A_296 : memref<64xi32, #tpu.memory_space<vmem>>) semaphore(%arg23 : memref<!tpu.dma_semaphore, #tpu.memory_space<semaphore_mem>>) {add = true}
      %sub3A_300 = arith.constant 2 : i32
      %sub3A_301 = arith.subi %add3A_273, %sub3A_300 : i32
      %ge3A_302 = arith.cmpi sge, %sub3A_301, %mul3A_2 : i32
      %convert_element_type3A_303 = arith.extui %ge3A_302 : i1 to i32
      %cond3A_304 = arith.constant 0 : i32
      %cond3A_305 = arith.cmpi ne, %convert_element_type3A_303, %cond3A_304 : i32
      scf.if %cond3A_305 {
        %dma_wait3A_548 = arith.constant 0 : i32
        %dma_wait3A_549 = arith.constant 0 : i32
        %dma_wait3A_550 = arith.constant 1 : i32
        %dma_wait3A_551 = arith.constant 0 : i32
        %dma_wait3A_552 = arith.constant 0 : i32
        %dma_wait3A_553 = tpu.memref_slice %arg7[%dma_wait3A_548, %dma_wait3A_551, %dma_wait3A_552] : memref<4x64x128xf32, #tpu.memory_space<vmem>> -> memref<1x64x128xf32, #tpu.memory_space<vmem>>
        %dma_wait3A_554 = tpu.memref_squeeze %dma_wait3A_553 : memref<1x64x128xf32, #tpu.memory_space<vmem>> -> memref<64x128xf32, #tpu.memory_space<vmem>>
        %dma_wait3A_555 = arith.constant 0 : i32
        %dma_wait3A_556 = tpu.memref_slice %arg6[%dma_wait3A_549, %dma_wait3A_550, %dma_wait3A_555] : memref<8x2x64xi32, #tpu.memory_space<vmem>> -> memref<1x1x64xi32, #tpu.memory_space<vmem>>
        %dma_wait3A_557 = tpu.memref_squeeze %dma_wait3A_556 : memref<1x1x64xi32, #tpu.memory_space<vmem>> -> memref<64xi32, #tpu.memory_space<vmem>>
        %dma_wait3A_558 = arith.constant 0 : i32
        %dma_wait3A_559 = arith.constant 0 : i32
        %dma_wait3A_560 = tpu.memref_slice %arg8[%dma_wait3A_558, %dma_wait3A_559] : memref<10112x128xf32, #tpu.memory_space<vmem_shared>> -> memref<10112x128xf32, #tpu.memory_space<vmem_shared>>
        tpu.wait_indirect_dma semaphore(%arg21 : memref<!tpu.dma_semaphore, #tpu.memory_space<semaphore_mem>>) src(%dma_wait3A_554 : memref<64x128xf32, #tpu.memory_space<vmem>>) dst(%dma_wait3A_560 : memref<10112x128xf32, #tpu.memory_space<vmem_shared>>)
      } else {
      }
      %add3A_306 = arith.constant 4 : i32
      %add3A_307 = arith.addi %add3A_273, %add3A_306 : i32
      %lt3A_308 = arith.cmpi slt, %add3A_307, %add3A_7 : i32
      %convert_element_type3A_309 = arith.extui %lt3A_308 : i1 to i32
      %cond3A_310 = arith.constant 0 : i32
      %cond3A_311 = arith.cmpi ne, %convert_element_type3A_309, %cond3A_310 : i32
      scf.if %cond3A_311 {
        %add3A_548 = arith.constant 4 : i32
        %add3A_549 = arith.addi %add3A_273, %add3A_548 : i32
        %dma_start3A_550 = arith.constant 6 : i32
        %dma_start3A_551 = arith.constant 0 : i32
        %dma_start3A_552 = arith.constant 0 : i32
        %dma_start3A_553 = tpu.memref_slice %arg6[%dma_start3A_550, %dma_start3A_551, %dma_start3A_552] : memref<8x2x64xi32, #tpu.memory_space<vmem>> -> memref<1x2x64xi32, #tpu.memory_space<vmem>>
        %dma_start3A_554 = tpu.memref_squeeze %dma_start3A_553 : memref<1x2x64xi32, #tpu.memory_space<vmem>> -> memref<2x64xi32, #tpu.memory_space<vmem>>
        %dma_start3A_555 = arith.constant 0 : i32
        %dma_start3A_556 = arith.constant 0 : i32
        %dma_start3A_557 = tpu.memref_slice %arg3[%add3A_549, %dma_start3A_555, %dma_start3A_556] : memref<5120x2x64xi32, #tpu.memory_space<hbm>> -> memref<1x2x64xi32, #tpu.memory_space<hbm>>
        %dma_start3A_558 = tpu.memref_squeeze %dma_start3A_557 : memref<1x2x64xi32, #tpu.memory_space<hbm>> -> memref<2x64xi32, #tpu.memory_space<hbm>>
        %dma_start3A_559 = arith.constant 0 : i32
        %dma_start3A_560 = arith.constant 0 : i32
        %dma_start3A_561 = tpu.memref_slice %arg6[%dma_start3A_550, %dma_start3A_559, %dma_start3A_560] : memref<8x2x64xi32, #tpu.memory_space<vmem>> -> memref<1x2x64xi32, #tpu.memory_space<vmem>>
        %dma_start3A_562 = tpu.memref_squeeze %dma_start3A_561 : memref<1x2x64xi32, #tpu.memory_space<vmem>> -> memref<2x64xi32, #tpu.memory_space<vmem>>
        %dma_start3A_563 = arith.constant 0 : i32
        %dma_start3A_564 = arith.constant 0 : i32
        %dma_start3A_565 = tpu.memref_slice %arg3[%add3A_549, %dma_start3A_563, %dma_start3A_564] : memref<5120x2x64xi32, #tpu.memory_space<hbm>> -> memref<1x2x64xi32, #tpu.memory_space<hbm>>
        %dma_start3A_566 = tpu.memref_squeeze %dma_start3A_565 : memref<1x2x64xi32, #tpu.memory_space<hbm>> -> memref<2x64xi32, #tpu.memory_space<hbm>>
        tpu.enqueue_dma source(%dma_start3A_566 : memref<2x64xi32, #tpu.memory_space<hbm>>) target(%dma_start3A_562 : memref<2x64xi32, #tpu.memory_space<vmem>>) target_semaphore(%arg15 : memref<!tpu.dma_semaphore, #tpu.memory_space<semaphore_mem>>)
      } else {
      }
      %add3A_312 = arith.constant 2 : i32
      %add3A_313 = arith.addi %add3A_273, %add3A_312 : i32
      %lt3A_314 = arith.cmpi slt, %add3A_313, %add3A_7 : i32
      %convert_element_type3A_315 = arith.extui %lt3A_314 : i1 to i32
      %cond3A_316 = arith.constant 0 : i32
      %cond3A_317 = arith.cmpi ne, %convert_element_type3A_315, %cond3A_316 : i32
      scf.if %cond3A_317 {
        %add3A_548 = arith.constant 2 : i32
        %add3A_549 = arith.addi %add3A_273, %add3A_548 : i32
        %dma_wait3A_550 = arith.constant 4 : i32
        %dma_wait3A_551 = arith.constant 0 : i32
        %dma_wait3A_552 = arith.constant 0 : i32
        %dma_wait3A_553 = tpu.memref_slice %arg6[%dma_wait3A_550, %dma_wait3A_551, %dma_wait3A_552] : memref<8x2x64xi32, #tpu.memory_space<vmem>> -> memref<1x2x64xi32, #tpu.memory_space<vmem>>
        %dma_wait3A_554 = tpu.memref_squeeze %dma_wait3A_553 : memref<1x2x64xi32, #tpu.memory_space<vmem>> -> memref<2x64xi32, #tpu.memory_space<vmem>>
        %dma_wait3A_555 = arith.constant 0 : i32
        %dma_wait3A_556 = arith.constant 0 : i32
        %dma_wait3A_557 = tpu.memref_slice %arg3[%add3A_549, %dma_wait3A_555, %dma_wait3A_556] : memref<5120x2x64xi32, #tpu.memory_space<hbm>> -> memref<1x2x64xi32, #tpu.memory_space<hbm>>
        %dma_wait3A_558 = tpu.memref_squeeze %dma_wait3A_557 : memref<1x2x64xi32, #tpu.memory_space<hbm>> -> memref<2x64xi32, #tpu.memory_space<hbm>>
        %dma_wait3A_559 = arith.constant 0 : i32
        %dma_wait3A_560 = arith.constant 0 : i32
        %dma_wait3A_561 = tpu.memref_slice %arg6[%dma_wait3A_550, %dma_wait3A_559, %dma_wait3A_560] : memref<8x2x64xi32, #tpu.memory_space<vmem>> -> memref<1x2x64xi32, #tpu.memory_space<vmem>>
        %dma_wait3A_562 = tpu.memref_squeeze %dma_wait3A_561 : memref<1x2x64xi32, #tpu.memory_space<vmem>> -> memref<2x64xi32, #tpu.memory_space<vmem>>
        %dma_wait3A_563 = arith.constant 0 : i32
        %dma_wait3A_564 = arith.constant 0 : i32
        %dma_wait3A_565 = tpu.memref_slice %arg3[%add3A_549, %dma_wait3A_563, %dma_wait3A_564] : memref<5120x2x64xi32, #tpu.memory_space<hbm>> -> memref<1x2x64xi32, #tpu.memory_space<hbm>>
        %dma_wait3A_566 = tpu.memref_squeeze %dma_wait3A_565 : memref<1x2x64xi32, #tpu.memory_space<hbm>> -> memref<2x64xi32, #tpu.memory_space<hbm>>
        tpu.wait_dma2 semaphore(%arg13 : memref<!tpu.dma_semaphore, #tpu.memory_space<semaphore_mem>>) src(%dma_wait3A_566 : memref<2x64xi32, #tpu.memory_space<hbm>>) dst(%dma_wait3A_562 : memref<2x64xi32, #tpu.memory_space<vmem>>)
        %dma_start3A_567 = arith.constant 4 : i32
        %dma_start3A_568 = arith.constant 0 : i32
        %dma_start3A_569 = arith.constant 0 : i32
        %dma_start3A_570 = arith.constant 0 : i32
        %dma_start3A_571 = arith.constant 0 : i32
        %dma_start3A_572 = tpu.memref_slice %arg7[%dma_start3A_569, %dma_start3A_570, %dma_start3A_571] : memref<4x64x128xf32, #tpu.memory_space<vmem>> -> memref<1x64x128xf32, #tpu.memory_space<vmem>>
        %dma_start3A_573 = tpu.memref_squeeze %dma_start3A_572 : memref<1x64x128xf32, #tpu.memory_space<vmem>> -> memref<64x128xf32, #tpu.memory_space<vmem>>
        %dma_start3A_574 = arith.constant 0 : i32
        %dma_start3A_575 = tpu.memref_slice %arg6[%dma_start3A_567, %dma_start3A_568, %dma_start3A_574] : memref<8x2x64xi32, #tpu.memory_space<vmem>> -> memref<1x1x64xi32, #tpu.memory_space<vmem>>
        %dma_start3A_576 = tpu.memref_squeeze %dma_start3A_575 : memref<1x1x64xi32, #tpu.memory_space<vmem>> -> memref<64xi32, #tpu.memory_space<vmem>>
        %dma_start3A_577 = arith.constant 0 : i32
        %dma_start3A_578 = arith.constant 0 : i32
        %dma_start3A_579 = tpu.memref_slice %arg2[%dma_start3A_577, %dma_start3A_578] : memref<10000x128xf32, #tpu.memory_space<hbm>> -> memref<10000x128xf32, #tpu.memory_space<hbm>>
        tpu.enqueue_indirect_dma source(%dma_start3A_579 : memref<10000x128xf32, #tpu.memory_space<hbm>>) target(%dma_start3A_573 : memref<64x128xf32, #tpu.memory_space<vmem>>) offsets(%dma_start3A_576 : memref<64xi32, #tpu.memory_space<vmem>>) semaphore(%arg17 : memref<!tpu.dma_semaphore, #tpu.memory_space<semaphore_mem>>)
      } else {
      }
      %add3A_318 = arith.constant 3 : i32
      %add3A_319 = arith.addi %add3A_184, %add3A_318 : i32
      %dma_wait3A_320 = arith.constant 3 : i32
      %dma_wait3A_321 = arith.constant 0 : i32
      %dma_wait3A_322 = arith.constant 3 : i32
      %dma_wait3A_323 = arith.constant 0 : i32
      %dma_wait3A_324 = arith.constant 0 : i32
      %dma_wait3A_325 = tpu.memref_slice %arg7[%dma_wait3A_322, %dma_wait3A_323, %dma_wait3A_324] : memref<4x64x128xf32, #tpu.memory_space<vmem>> -> memref<1x64x128xf32, #tpu.memory_space<vmem>>
      %dma_wait3A_326 = tpu.memref_squeeze %dma_wait3A_325 : memref<1x64x128xf32, #tpu.memory_space<vmem>> -> memref<64x128xf32, #tpu.memory_space<vmem>>
      %dma_wait3A_327 = arith.constant 0 : i32
      %dma_wait3A_328 = tpu.memref_slice %arg6[%dma_wait3A_320, %dma_wait3A_321, %dma_wait3A_327] : memref<8x2x64xi32, #tpu.memory_space<vmem>> -> memref<1x1x64xi32, #tpu.memory_space<vmem>>
      %dma_wait3A_329 = tpu.memref_squeeze %dma_wait3A_328 : memref<1x1x64xi32, #tpu.memory_space<vmem>> -> memref<64xi32, #tpu.memory_space<vmem>>
      %dma_wait3A_330 = arith.constant 0 : i32
      %dma_wait3A_331 = arith.constant 0 : i32
      %dma_wait3A_332 = tpu.memref_slice %arg2[%dma_wait3A_330, %dma_wait3A_331] : memref<10000x128xf32, #tpu.memory_space<hbm>> -> memref<10000x128xf32, #tpu.memory_space<hbm>>
      tpu.wait_indirect_dma semaphore(%arg20 : memref<!tpu.dma_semaphore, #tpu.memory_space<semaphore_mem>>) src(%dma_wait3A_332 : memref<10000x128xf32, #tpu.memory_space<hbm>>) dst(%dma_wait3A_326 : memref<64x128xf32, #tpu.memory_space<vmem>>)
      %dma_start3A_333 = arith.constant 3 : i32
      %dma_start3A_334 = arith.constant 3 : i32
      %dma_start3A_335 = arith.constant 1 : i32
      %dma_start3A_336 = arith.constant 0 : i32
      %dma_start3A_337 = arith.constant 0 : i32
      %dma_start3A_338 = tpu.memref_slice %arg7[%dma_start3A_333, %dma_start3A_336, %dma_start3A_337] : memref<4x64x128xf32, #tpu.memory_space<vmem>> -> memref<1x64x128xf32, #tpu.memory_space<vmem>>
      %dma_start3A_339 = tpu.memref_squeeze %dma_start3A_338 : memref<1x64x128xf32, #tpu.memory_space<vmem>> -> memref<64x128xf32, #tpu.memory_space<vmem>>
      %dma_start3A_340 = arith.constant 0 : i32
      %dma_start3A_341 = tpu.memref_slice %arg6[%dma_start3A_334, %dma_start3A_335, %dma_start3A_340] : memref<8x2x64xi32, #tpu.memory_space<vmem>> -> memref<1x1x64xi32, #tpu.memory_space<vmem>>
      %dma_start3A_342 = tpu.memref_squeeze %dma_start3A_341 : memref<1x1x64xi32, #tpu.memory_space<vmem>> -> memref<64xi32, #tpu.memory_space<vmem>>
      %dma_start3A_343 = arith.constant 0 : i32
      %dma_start3A_344 = arith.constant 0 : i32
      %dma_start3A_345 = tpu.memref_slice %arg8[%dma_start3A_343, %dma_start3A_344] : memref<10112x128xf32, #tpu.memory_space<vmem_shared>> -> memref<10112x128xf32, #tpu.memory_space<vmem_shared>>
      tpu.enqueue_indirect_dma source(%dma_start3A_339 : memref<64x128xf32, #tpu.memory_space<vmem>>) target(%dma_start3A_345 : memref<10112x128xf32, #tpu.memory_space<vmem_shared>>) offsets(%dma_start3A_342 : memref<64xi32, #tpu.memory_space<vmem>>) semaphore(%arg24 : memref<!tpu.dma_semaphore, #tpu.memory_space<semaphore_mem>>) {add = true}
      %sub3A_346 = arith.constant 2 : i32
      %sub3A_347 = arith.subi %add3A_319, %sub3A_346 : i32
      %ge3A_348 = arith.cmpi sge, %sub3A_347, %mul3A_2 : i32
      %convert_element_type3A_349 = arith.extui %ge3A_348 : i1 to i32
      %cond3A_350 = arith.constant 0 : i32
      %cond3A_351 = arith.cmpi ne, %convert_element_type3A_349, %cond3A_350 : i32
      scf.if %cond3A_351 {
        %dma_wait3A_548 = arith.constant 1 : i32
        %dma_wait3A_549 = arith.constant 1 : i32
        %dma_wait3A_550 = arith.constant 1 : i32
        %dma_wait3A_551 = arith.constant 0 : i32
        %dma_wait3A_552 = arith.constant 0 : i32
        %dma_wait3A_553 = tpu.memref_slice %arg7[%dma_wait3A_548, %dma_wait3A_551, %dma_wait3A_552] : memref<4x64x128xf32, #tpu.memory_space<vmem>> -> memref<1x64x128xf32, #tpu.memory_space<vmem>>
        %dma_wait3A_554 = tpu.memref_squeeze %dma_wait3A_553 : memref<1x64x128xf32, #tpu.memory_space<vmem>> -> memref<64x128xf32, #tpu.memory_space<vmem>>
        %dma_wait3A_555 = arith.constant 0 : i32
        %dma_wait3A_556 = tpu.memref_slice %arg6[%dma_wait3A_549, %dma_wait3A_550, %dma_wait3A_555] : memref<8x2x64xi32, #tpu.memory_space<vmem>> -> memref<1x1x64xi32, #tpu.memory_space<vmem>>
        %dma_wait3A_557 = tpu.memref_squeeze %dma_wait3A_556 : memref<1x1x64xi32, #tpu.memory_space<vmem>> -> memref<64xi32, #tpu.memory_space<vmem>>
        %dma_wait3A_558 = arith.constant 0 : i32
        %dma_wait3A_559 = arith.constant 0 : i32
        %dma_wait3A_560 = tpu.memref_slice %arg8[%dma_wait3A_558, %dma_wait3A_559] : memref<10112x128xf32, #tpu.memory_space<vmem_shared>> -> memref<10112x128xf32, #tpu.memory_space<vmem_shared>>
        tpu.wait_indirect_dma semaphore(%arg22 : memref<!tpu.dma_semaphore, #tpu.memory_space<semaphore_mem>>) src(%dma_wait3A_554 : memref<64x128xf32, #tpu.memory_space<vmem>>) dst(%dma_wait3A_560 : memref<10112x128xf32, #tpu.memory_space<vmem_shared>>)
      } else {
      }
      %add3A_352 = arith.constant 4 : i32
      %add3A_353 = arith.addi %add3A_319, %add3A_352 : i32
      %lt3A_354 = arith.cmpi slt, %add3A_353, %add3A_7 : i32
      %convert_element_type3A_355 = arith.extui %lt3A_354 : i1 to i32
      %cond3A_356 = arith.constant 0 : i32
      %cond3A_357 = arith.cmpi ne, %convert_element_type3A_355, %cond3A_356 : i32
      scf.if %cond3A_357 {
        %add3A_548 = arith.constant 4 : i32
        %add3A_549 = arith.addi %add3A_319, %add3A_548 : i32
        %dma_start3A_550 = arith.constant 7 : i32
        %dma_start3A_551 = arith.constant 0 : i32
        %dma_start3A_552 = arith.constant 0 : i32
        %dma_start3A_553 = tpu.memref_slice %arg6[%dma_start3A_550, %dma_start3A_551, %dma_start3A_552] : memref<8x2x64xi32, #tpu.memory_space<vmem>> -> memref<1x2x64xi32, #tpu.memory_space<vmem>>
        %dma_start3A_554 = tpu.memref_squeeze %dma_start3A_553 : memref<1x2x64xi32, #tpu.memory_space<vmem>> -> memref<2x64xi32, #tpu.memory_space<vmem>>
        %dma_start3A_555 = arith.constant 0 : i32
        %dma_start3A_556 = arith.constant 0 : i32
        %dma_start3A_557 = tpu.memref_slice %arg3[%add3A_549, %dma_start3A_555, %dma_start3A_556] : memref<5120x2x64xi32, #tpu.memory_space<hbm>> -> memref<1x2x64xi32, #tpu.memory_space<hbm>>
        %dma_start3A_558 = tpu.memref_squeeze %dma_start3A_557 : memref<1x2x64xi32, #tpu.memory_space<hbm>> -> memref<2x64xi32, #tpu.memory_space<hbm>>
        %dma_start3A_559 = arith.constant 0 : i32
        %dma_start3A_560 = arith.constant 0 : i32
        %dma_start3A_561 = tpu.memref_slice %arg6[%dma_start3A_550, %dma_start3A_559, %dma_start3A_560] : memref<8x2x64xi32, #tpu.memory_space<vmem>> -> memref<1x2x64xi32, #tpu.memory_space<vmem>>
        %dma_start3A_562 = tpu.memref_squeeze %dma_start3A_561 : memref<1x2x64xi32, #tpu.memory_space<vmem>> -> memref<2x64xi32, #tpu.memory_space<vmem>>
        %dma_start3A_563 = arith.constant 0 : i32
        %dma_start3A_564 = arith.constant 0 : i32
        %dma_start3A_565 = tpu.memref_slice %arg3[%add3A_549, %dma_start3A_563, %dma_start3A_564] : memref<5120x2x64xi32, #tpu.memory_space<hbm>> -> memref<1x2x64xi32, #tpu.memory_space<hbm>>
        %dma_start3A_566 = tpu.memref_squeeze %dma_start3A_565 : memref<1x2x64xi32, #tpu.memory_space<hbm>> -> memref<2x64xi32, #tpu.memory_space<hbm>>
        tpu.enqueue_dma source(%dma_start3A_566 : memref<2x64xi32, #tpu.memory_space<hbm>>) target(%dma_start3A_562 : memref<2x64xi32, #tpu.memory_space<vmem>>) target_semaphore(%arg16 : memref<!tpu.dma_semaphore, #tpu.memory_space<semaphore_mem>>)
      } else {
      }
      %add3A_358 = arith.constant 2 : i32
      %add3A_359 = arith.addi %add3A_319, %add3A_358 : i32
      %lt3A_360 = arith.cmpi slt, %add3A_359, %add3A_7 : i32
      %convert_element_type3A_361 = arith.extui %lt3A_360 : i1 to i32
      %cond3A_362 = arith.constant 0 : i32
      %cond3A_363 = arith.cmpi ne, %convert_element_type3A_361, %cond3A_362 : i32
      scf.if %cond3A_363 {
        %add3A_548 = arith.constant 2 : i32
        %add3A_549 = arith.addi %add3A_319, %add3A_548 : i32
        %dma_wait3A_550 = arith.constant 5 : i32
        %dma_wait3A_551 = arith.constant 0 : i32
        %dma_wait3A_552 = arith.constant 0 : i32
        %dma_wait3A_553 = tpu.memref_slice %arg6[%dma_wait3A_550, %dma_wait3A_551, %dma_wait3A_552] : memref<8x2x64xi32, #tpu.memory_space<vmem>> -> memref<1x2x64xi32, #tpu.memory_space<vmem>>
        %dma_wait3A_554 = tpu.memref_squeeze %dma_wait3A_553 : memref<1x2x64xi32, #tpu.memory_space<vmem>> -> memref<2x64xi32, #tpu.memory_space<vmem>>
        %dma_wait3A_555 = arith.constant 0 : i32
        %dma_wait3A_556 = arith.constant 0 : i32
        %dma_wait3A_557 = tpu.memref_slice %arg3[%add3A_549, %dma_wait3A_555, %dma_wait3A_556] : memref<5120x2x64xi32, #tpu.memory_space<hbm>> -> memref<1x2x64xi32, #tpu.memory_space<hbm>>
        %dma_wait3A_558 = tpu.memref_squeeze %dma_wait3A_557 : memref<1x2x64xi32, #tpu.memory_space<hbm>> -> memref<2x64xi32, #tpu.memory_space<hbm>>
        %dma_wait3A_559 = arith.constant 0 : i32
        %dma_wait3A_560 = arith.constant 0 : i32
        %dma_wait3A_561 = tpu.memref_slice %arg6[%dma_wait3A_550, %dma_wait3A_559, %dma_wait3A_560] : memref<8x2x64xi32, #tpu.memory_space<vmem>> -> memref<1x2x64xi32, #tpu.memory_space<vmem>>
        %dma_wait3A_562 = tpu.memref_squeeze %dma_wait3A_561 : memref<1x2x64xi32, #tpu.memory_space<vmem>> -> memref<2x64xi32, #tpu.memory_space<vmem>>
        %dma_wait3A_563 = arith.constant 0 : i32
        %dma_wait3A_564 = arith.constant 0 : i32
        %dma_wait3A_565 = tpu.memref_slice %arg3[%add3A_549, %dma_wait3A_563, %dma_wait3A_564] : memref<5120x2x64xi32, #tpu.memory_space<hbm>> -> memref<1x2x64xi32, #tpu.memory_space<hbm>>
        %dma_wait3A_566 = tpu.memref_squeeze %dma_wait3A_565 : memref<1x2x64xi32, #tpu.memory_space<hbm>> -> memref<2x64xi32, #tpu.memory_space<hbm>>
        tpu.wait_dma2 semaphore(%arg14 : memref<!tpu.dma_semaphore, #tpu.memory_space<semaphore_mem>>) src(%dma_wait3A_566 : memref<2x64xi32, #tpu.memory_space<hbm>>) dst(%dma_wait3A_562 : memref<2x64xi32, #tpu.memory_space<vmem>>)
        %dma_start3A_567 = arith.constant 5 : i32
        %dma_start3A_568 = arith.constant 0 : i32
        %dma_start3A_569 = arith.constant 1 : i32
        %dma_start3A_570 = arith.constant 0 : i32
        %dma_start3A_571 = arith.constant 0 : i32
        %dma_start3A_572 = tpu.memref_slice %arg7[%dma_start3A_569, %dma_start3A_570, %dma_start3A_571] : memref<4x64x128xf32, #tpu.memory_space<vmem>> -> memref<1x64x128xf32, #tpu.memory_space<vmem>>
        %dma_start3A_573 = tpu.memref_squeeze %dma_start3A_572 : memref<1x64x128xf32, #tpu.memory_space<vmem>> -> memref<64x128xf32, #tpu.memory_space<vmem>>
        %dma_start3A_574 = arith.constant 0 : i32
        %dma_start3A_575 = tpu.memref_slice %arg6[%dma_start3A_567, %dma_start3A_568, %dma_start3A_574] : memref<8x2x64xi32, #tpu.memory_space<vmem>> -> memref<1x1x64xi32, #tpu.memory_space<vmem>>
        %dma_start3A_576 = tpu.memref_squeeze %dma_start3A_575 : memref<1x1x64xi32, #tpu.memory_space<vmem>> -> memref<64xi32, #tpu.memory_space<vmem>>
        %dma_start3A_577 = arith.constant 0 : i32
        %dma_start3A_578 = arith.constant 0 : i32
        %dma_start3A_579 = tpu.memref_slice %arg2[%dma_start3A_577, %dma_start3A_578] : memref<10000x128xf32, #tpu.memory_space<hbm>> -> memref<10000x128xf32, #tpu.memory_space<hbm>>
        tpu.enqueue_indirect_dma source(%dma_start3A_579 : memref<10000x128xf32, #tpu.memory_space<hbm>>) target(%dma_start3A_573 : memref<64x128xf32, #tpu.memory_space<vmem>>) offsets(%dma_start3A_576 : memref<64xi32, #tpu.memory_space<vmem>>) semaphore(%arg18 : memref<!tpu.dma_semaphore, #tpu.memory_space<semaphore_mem>>)
      } else {
      }
      %add3A_364 = arith.constant 4 : i32
      %add3A_365 = arith.addi %add3A_184, %add3A_364 : i32
      %dma_wait3A_366 = arith.constant 4 : i32
      %dma_wait3A_367 = arith.constant 0 : i32
      %dma_wait3A_368 = arith.constant 0 : i32
      %dma_wait3A_369 = arith.constant 0 : i32
      %dma_wait3A_370 = arith.constant 0 : i32
      %dma_wait3A_371 = tpu.memref_slice %arg7[%dma_wait3A_368, %dma_wait3A_369, %dma_wait3A_370] : memref<4x64x128xf32, #tpu.memory_space<vmem>> -> memref<1x64x128xf32, #tpu.memory_space<vmem>>
      %dma_wait3A_372 = tpu.memref_squeeze %dma_wait3A_371 : memref<1x64x128xf32, #tpu.memory_space<vmem>> -> memref<64x128xf32, #tpu.memory_space<vmem>>
      %dma_wait3A_373 = arith.constant 0 : i32
      %dma_wait3A_374 = tpu.memref_slice %arg6[%dma_wait3A_366, %dma_wait3A_367, %dma_wait3A_373] : memref<8x2x64xi32, #tpu.memory_space<vmem>> -> memref<1x1x64xi32, #tpu.memory_space<vmem>>
      %dma_wait3A_375 = tpu.memref_squeeze %dma_wait3A_374 : memref<1x1x64xi32, #tpu.memory_space<vmem>> -> memref<64xi32, #tpu.memory_space<vmem>>
      %dma_wait3A_376 = arith.constant 0 : i32
      %dma_wait3A_377 = arith.constant 0 : i32
      %dma_wait3A_378 = tpu.memref_slice %arg2[%dma_wait3A_376, %dma_wait3A_377] : memref<10000x128xf32, #tpu.memory_space<hbm>> -> memref<10000x128xf32, #tpu.memory_space<hbm>>
      tpu.wait_indirect_dma semaphore(%arg17 : memref<!tpu.dma_semaphore, #tpu.memory_space<semaphore_mem>>) src(%dma_wait3A_378 : memref<10000x128xf32, #tpu.memory_space<hbm>>) dst(%dma_wait3A_372 : memref<64x128xf32, #tpu.memory_space<vmem>>)
      %dma_start3A_379 = arith.constant 0 : i32
      %dma_start3A_380 = arith.constant 4 : i32
      %dma_start3A_381 = arith.constant 1 : i32
      %dma_start3A_382 = arith.constant 0 : i32
      %dma_start3A_383 = arith.constant 0 : i32
      %dma_start3A_384 = tpu.memref_slice %arg7[%dma_start3A_379, %dma_start3A_382, %dma_start3A_383] : memref<4x64x128xf32, #tpu.memory_space<vmem>> -> memref<1x64x128xf32, #tpu.memory_space<vmem>>
      %dma_start3A_385 = tpu.memref_squeeze %dma_start3A_384 : memref<1x64x128xf32, #tpu.memory_space<vmem>> -> memref<64x128xf32, #tpu.memory_space<vmem>>
      %dma_start3A_386 = arith.constant 0 : i32
      %dma_start3A_387 = tpu.memref_slice %arg6[%dma_start3A_380, %dma_start3A_381, %dma_start3A_386] : memref<8x2x64xi32, #tpu.memory_space<vmem>> -> memref<1x1x64xi32, #tpu.memory_space<vmem>>
      %dma_start3A_388 = tpu.memref_squeeze %dma_start3A_387 : memref<1x1x64xi32, #tpu.memory_space<vmem>> -> memref<64xi32, #tpu.memory_space<vmem>>
      %dma_start3A_389 = arith.constant 0 : i32
      %dma_start3A_390 = arith.constant 0 : i32
      %dma_start3A_391 = tpu.memref_slice %arg8[%dma_start3A_389, %dma_start3A_390] : memref<10112x128xf32, #tpu.memory_space<vmem_shared>> -> memref<10112x128xf32, #tpu.memory_space<vmem_shared>>
      tpu.enqueue_indirect_dma source(%dma_start3A_385 : memref<64x128xf32, #tpu.memory_space<vmem>>) target(%dma_start3A_391 : memref<10112x128xf32, #tpu.memory_space<vmem_shared>>) offsets(%dma_start3A_388 : memref<64xi32, #tpu.memory_space<vmem>>) semaphore(%arg21 : memref<!tpu.dma_semaphore, #tpu.memory_space<semaphore_mem>>) {add = true}
      %sub3A_392 = arith.constant 2 : i32
      %sub3A_393 = arith.subi %add3A_365, %sub3A_392 : i32
      %ge3A_394 = arith.cmpi sge, %sub3A_393, %mul3A_2 : i32
      %convert_element_type3A_395 = arith.extui %ge3A_394 : i1 to i32
      %cond3A_396 = arith.constant 0 : i32
      %cond3A_397 = arith.cmpi ne, %convert_element_type3A_395, %cond3A_396 : i32
      scf.if %cond3A_397 {
        %dma_wait3A_548 = arith.constant 2 : i32
        %dma_wait3A_549 = arith.constant 2 : i32
        %dma_wait3A_550 = arith.constant 1 : i32
        %dma_wait3A_551 = arith.constant 0 : i32
        %dma_wait3A_552 = arith.constant 0 : i32
        %dma_wait3A_553 = tpu.memref_slice %arg7[%dma_wait3A_548, %dma_wait3A_551, %dma_wait3A_552] : memref<4x64x128xf32, #tpu.memory_space<vmem>> -> memref<1x64x128xf32, #tpu.memory_space<vmem>>
        %dma_wait3A_554 = tpu.memref_squeeze %dma_wait3A_553 : memref<1x64x128xf32, #tpu.memory_space<vmem>> -> memref<64x128xf32, #tpu.memory_space<vmem>>
        %dma_wait3A_555 = arith.constant 0 : i32
        %dma_wait3A_556 = tpu.memref_slice %arg6[%dma_wait3A_549, %dma_wait3A_550, %dma_wait3A_555] : memref<8x2x64xi32, #tpu.memory_space<vmem>> -> memref<1x1x64xi32, #tpu.memory_space<vmem>>
        %dma_wait3A_557 = tpu.memref_squeeze %dma_wait3A_556 : memref<1x1x64xi32, #tpu.memory_space<vmem>> -> memref<64xi32, #tpu.memory_space<vmem>>
        %dma_wait3A_558 = arith.constant 0 : i32
        %dma_wait3A_559 = arith.constant 0 : i32
        %dma_wait3A_560 = tpu.memref_slice %arg8[%dma_wait3A_558, %dma_wait3A_559] : memref<10112x128xf32, #tpu.memory_space<vmem_shared>> -> memref<10112x128xf32, #tpu.memory_space<vmem_shared>>
        tpu.wait_indirect_dma semaphore(%arg23 : memref<!tpu.dma_semaphore, #tpu.memory_space<semaphore_mem>>) src(%dma_wait3A_554 : memref<64x128xf32, #tpu.memory_space<vmem>>) dst(%dma_wait3A_560 : memref<10112x128xf32, #tpu.memory_space<vmem_shared>>)
      } else {
      }
      %add3A_398 = arith.constant 4 : i32
      %add3A_399 = arith.addi %add3A_365, %add3A_398 : i32
      %lt3A_400 = arith.cmpi slt, %add3A_399, %add3A_7 : i32
      %convert_element_type3A_401 = arith.extui %lt3A_400 : i1 to i32
      %cond3A_402 = arith.constant 0 : i32
      %cond3A_403 = arith.cmpi ne, %convert_element_type3A_401, %cond3A_402 : i32
      scf.if %cond3A_403 {
        %add3A_548 = arith.constant 4 : i32
        %add3A_549 = arith.addi %add3A_365, %add3A_548 : i32
        %dma_start3A_550 = arith.constant 0 : i32
        %dma_start3A_551 = arith.constant 0 : i32
        %dma_start3A_552 = arith.constant 0 : i32
        %dma_start3A_553 = tpu.memref_slice %arg6[%dma_start3A_550, %dma_start3A_551, %dma_start3A_552] : memref<8x2x64xi32, #tpu.memory_space<vmem>> -> memref<1x2x64xi32, #tpu.memory_space<vmem>>
        %dma_start3A_554 = tpu.memref_squeeze %dma_start3A_553 : memref<1x2x64xi32, #tpu.memory_space<vmem>> -> memref<2x64xi32, #tpu.memory_space<vmem>>
        %dma_start3A_555 = arith.constant 0 : i32
        %dma_start3A_556 = arith.constant 0 : i32
        %dma_start3A_557 = tpu.memref_slice %arg3[%add3A_549, %dma_start3A_555, %dma_start3A_556] : memref<5120x2x64xi32, #tpu.memory_space<hbm>> -> memref<1x2x64xi32, #tpu.memory_space<hbm>>
        %dma_start3A_558 = tpu.memref_squeeze %dma_start3A_557 : memref<1x2x64xi32, #tpu.memory_space<hbm>> -> memref<2x64xi32, #tpu.memory_space<hbm>>
        %dma_start3A_559 = arith.constant 0 : i32
        %dma_start3A_560 = arith.constant 0 : i32
        %dma_start3A_561 = tpu.memref_slice %arg6[%dma_start3A_550, %dma_start3A_559, %dma_start3A_560] : memref<8x2x64xi32, #tpu.memory_space<vmem>> -> memref<1x2x64xi32, #tpu.memory_space<vmem>>
        %dma_start3A_562 = tpu.memref_squeeze %dma_start3A_561 : memref<1x2x64xi32, #tpu.memory_space<vmem>> -> memref<2x64xi32, #tpu.memory_space<vmem>>
        %dma_start3A_563 = arith.constant 0 : i32
        %dma_start3A_564 = arith.constant 0 : i32
        %dma_start3A_565 = tpu.memref_slice %arg3[%add3A_549, %dma_start3A_563, %dma_start3A_564] : memref<5120x2x64xi32, #tpu.memory_space<hbm>> -> memref<1x2x64xi32, #tpu.memory_space<hbm>>
        %dma_start3A_566 = tpu.memref_squeeze %dma_start3A_565 : memref<1x2x64xi32, #tpu.memory_space<hbm>> -> memref<2x64xi32, #tpu.memory_space<hbm>>
        tpu.enqueue_dma source(%dma_start3A_566 : memref<2x64xi32, #tpu.memory_space<hbm>>) target(%dma_start3A_562 : memref<2x64xi32, #tpu.memory_space<vmem>>) target_semaphore(%arg9 : memref<!tpu.dma_semaphore, #tpu.memory_space<semaphore_mem>>)
      } else {
      }
      %add3A_404 = arith.constant 2 : i32
      %add3A_405 = arith.addi %add3A_365, %add3A_404 : i32
      %lt3A_406 = arith.cmpi slt, %add3A_405, %add3A_7 : i32
      %convert_element_type3A_407 = arith.extui %lt3A_406 : i1 to i32
      %cond3A_408 = arith.constant 0 : i32
      %cond3A_409 = arith.cmpi ne, %convert_element_type3A_407, %cond3A_408 : i32
      scf.if %cond3A_409 {
        %add3A_548 = arith.constant 2 : i32
        %add3A_549 = arith.addi %add3A_365, %add3A_548 : i32
        %dma_wait3A_550 = arith.constant 6 : i32
        %dma_wait3A_551 = arith.constant 0 : i32
        %dma_wait3A_552 = arith.constant 0 : i32
        %dma_wait3A_553 = tpu.memref_slice %arg6[%dma_wait3A_550, %dma_wait3A_551, %dma_wait3A_552] : memref<8x2x64xi32, #tpu.memory_space<vmem>> -> memref<1x2x64xi32, #tpu.memory_space<vmem>>
        %dma_wait3A_554 = tpu.memref_squeeze %dma_wait3A_553 : memref<1x2x64xi32, #tpu.memory_space<vmem>> -> memref<2x64xi32, #tpu.memory_space<vmem>>
        %dma_wait3A_555 = arith.constant 0 : i32
        %dma_wait3A_556 = arith.constant 0 : i32
        %dma_wait3A_557 = tpu.memref_slice %arg3[%add3A_549, %dma_wait3A_555, %dma_wait3A_556] : memref<5120x2x64xi32, #tpu.memory_space<hbm>> -> memref<1x2x64xi32, #tpu.memory_space<hbm>>
        %dma_wait3A_558 = tpu.memref_squeeze %dma_wait3A_557 : memref<1x2x64xi32, #tpu.memory_space<hbm>> -> memref<2x64xi32, #tpu.memory_space<hbm>>
        %dma_wait3A_559 = arith.constant 0 : i32
        %dma_wait3A_560 = arith.constant 0 : i32
        %dma_wait3A_561 = tpu.memref_slice %arg6[%dma_wait3A_550, %dma_wait3A_559, %dma_wait3A_560] : memref<8x2x64xi32, #tpu.memory_space<vmem>> -> memref<1x2x64xi32, #tpu.memory_space<vmem>>
        %dma_wait3A_562 = tpu.memref_squeeze %dma_wait3A_561 : memref<1x2x64xi32, #tpu.memory_space<vmem>> -> memref<2x64xi32, #tpu.memory_space<vmem>>
        %dma_wait3A_563 = arith.constant 0 : i32
        %dma_wait3A_564 = arith.constant 0 : i32
        %dma_wait3A_565 = tpu.memref_slice %arg3[%add3A_549, %dma_wait3A_563, %dma_wait3A_564] : memref<5120x2x64xi32, #tpu.memory_space<hbm>> -> memref<1x2x64xi32, #tpu.memory_space<hbm>>
        %dma_wait3A_566 = tpu.memref_squeeze %dma_wait3A_565 : memref<1x2x64xi32, #tpu.memory_space<hbm>> -> memref<2x64xi32, #tpu.memory_space<hbm>>
        tpu.wait_dma2 semaphore(%arg15 : memref<!tpu.dma_semaphore, #tpu.memory_space<semaphore_mem>>) src(%dma_wait3A_566 : memref<2x64xi32, #tpu.memory_space<hbm>>) dst(%dma_wait3A_562 : memref<2x64xi32, #tpu.memory_space<vmem>>)
        %dma_start3A_567 = arith.constant 6 : i32
        %dma_start3A_568 = arith.constant 0 : i32
        %dma_start3A_569 = arith.constant 2 : i32
        %dma_start3A_570 = arith.constant 0 : i32
        %dma_start3A_571 = arith.constant 0 : i32
        %dma_start3A_572 = tpu.memref_slice %arg7[%dma_start3A_569, %dma_start3A_570, %dma_start3A_571] : memref<4x64x128xf32, #tpu.memory_space<vmem>> -> memref<1x64x128xf32, #tpu.memory_space<vmem>>
        %dma_start3A_573 = tpu.memref_squeeze %dma_start3A_572 : memref<1x64x128xf32, #tpu.memory_space<vmem>> -> memref<64x128xf32, #tpu.memory_space<vmem>>
        %dma_start3A_574 = arith.constant 0 : i32
        %dma_start3A_575 = tpu.memref_slice %arg6[%dma_start3A_567, %dma_start3A_568, %dma_start3A_574] : memref<8x2x64xi32, #tpu.memory_space<vmem>> -> memref<1x1x64xi32, #tpu.memory_space<vmem>>
        %dma_start3A_576 = tpu.memref_squeeze %dma_start3A_575 : memref<1x1x64xi32, #tpu.memory_space<vmem>> -> memref<64xi32, #tpu.memory_space<vmem>>
        %dma_start3A_577 = arith.constant 0 : i32
        %dma_start3A_578 = arith.constant 0 : i32
        %dma_start3A_579 = tpu.memref_slice %arg2[%dma_start3A_577, %dma_start3A_578] : memref<10000x128xf32, #tpu.memory_space<hbm>> -> memref<10000x128xf32, #tpu.memory_space<hbm>>
        tpu.enqueue_indirect_dma source(%dma_start3A_579 : memref<10000x128xf32, #tpu.memory_space<hbm>>) target(%dma_start3A_573 : memref<64x128xf32, #tpu.memory_space<vmem>>) offsets(%dma_start3A_576 : memref<64xi32, #tpu.memory_space<vmem>>) semaphore(%arg19 : memref<!tpu.dma_semaphore, #tpu.memory_space<semaphore_mem>>)
      } else {
      }
      %add3A_410 = arith.constant 5 : i32
      %add3A_411 = arith.addi %add3A_184, %add3A_410 : i32
      %dma_wait3A_412 = arith.constant 5 : i32
      %dma_wait3A_413 = arith.constant 0 : i32
      %dma_wait3A_414 = arith.constant 1 : i32
      %dma_wait3A_415 = arith.constant 0 : i32
      %dma_wait3A_416 = arith.constant 0 : i32
      %dma_wait3A_417 = tpu.memref_slice %arg7[%dma_wait3A_414, %dma_wait3A_415, %dma_wait3A_416] : memref<4x64x128xf32, #tpu.memory_space<vmem>> -> memref<1x64x128xf32, #tpu.memory_space<vmem>>
      %dma_wait3A_418 = tpu.memref_squeeze %dma_wait3A_417 : memref<1x64x128xf32, #tpu.memory_space<vmem>> -> memref<64x128xf32, #tpu.memory_space<vmem>>
      %dma_wait3A_419 = arith.constant 0 : i32
      %dma_wait3A_420 = tpu.memref_slice %arg6[%dma_wait3A_412, %dma_wait3A_413, %dma_wait3A_419] : memref<8x2x64xi32, #tpu.memory_space<vmem>> -> memref<1x1x64xi32, #tpu.memory_space<vmem>>
      %dma_wait3A_421 = tpu.memref_squeeze %dma_wait3A_420 : memref<1x1x64xi32, #tpu.memory_space<vmem>> -> memref<64xi32, #tpu.memory_space<vmem>>
      %dma_wait3A_422 = arith.constant 0 : i32
      %dma_wait3A_423 = arith.constant 0 : i32
      %dma_wait3A_424 = tpu.memref_slice %arg2[%dma_wait3A_422, %dma_wait3A_423] : memref<10000x128xf32, #tpu.memory_space<hbm>> -> memref<10000x128xf32, #tpu.memory_space<hbm>>
      tpu.wait_indirect_dma semaphore(%arg18 : memref<!tpu.dma_semaphore, #tpu.memory_space<semaphore_mem>>) src(%dma_wait3A_424 : memref<10000x128xf32, #tpu.memory_space<hbm>>) dst(%dma_wait3A_418 : memref<64x128xf32, #tpu.memory_space<vmem>>)
      %dma_start3A_425 = arith.constant 1 : i32
      %dma_start3A_426 = arith.constant 5 : i32
      %dma_start3A_427 = arith.constant 1 : i32
      %dma_start3A_428 = arith.constant 0 : i32
      %dma_start3A_429 = arith.constant 0 : i32
      %dma_start3A_430 = tpu.memref_slice %arg7[%dma_start3A_425, %dma_start3A_428, %dma_start3A_429] : memref<4x64x128xf32, #tpu.memory_space<vmem>> -> memref<1x64x128xf32, #tpu.memory_space<vmem>>
      %dma_start3A_431 = tpu.memref_squeeze %dma_start3A_430 : memref<1x64x128xf32, #tpu.memory_space<vmem>> -> memref<64x128xf32, #tpu.memory_space<vmem>>
      %dma_start3A_432 = arith.constant 0 : i32
      %dma_start3A_433 = tpu.memref_slice %arg6[%dma_start3A_426, %dma_start3A_427, %dma_start3A_432] : memref<8x2x64xi32, #tpu.memory_space<vmem>> -> memref<1x1x64xi32, #tpu.memory_space<vmem>>
      %dma_start3A_434 = tpu.memref_squeeze %dma_start3A_433 : memref<1x1x64xi32, #tpu.memory_space<vmem>> -> memref<64xi32, #tpu.memory_space<vmem>>
      %dma_start3A_435 = arith.constant 0 : i32
      %dma_start3A_436 = arith.constant 0 : i32
      %dma_start3A_437 = tpu.memref_slice %arg8[%dma_start3A_435, %dma_start3A_436] : memref<10112x128xf32, #tpu.memory_space<vmem_shared>> -> memref<10112x128xf32, #tpu.memory_space<vmem_shared>>
      tpu.enqueue_indirect_dma source(%dma_start3A_431 : memref<64x128xf32, #tpu.memory_space<vmem>>) target(%dma_start3A_437 : memref<10112x128xf32, #tpu.memory_space<vmem_shared>>) offsets(%dma_start3A_434 : memref<64xi32, #tpu.memory_space<vmem>>) semaphore(%arg22 : memref<!tpu.dma_semaphore, #tpu.memory_space<semaphore_mem>>) {add = true}
      %sub3A_438 = arith.constant 2 : i32
      %sub3A_439 = arith.subi %add3A_411, %sub3A_438 : i32
      %ge3A_440 = arith.cmpi sge, %sub3A_439, %mul3A_2 : i32
      %convert_element_type3A_441 = arith.extui %ge3A_440 : i1 to i32
      %cond3A_442 = arith.constant 0 : i32
      %cond3A_443 = arith.cmpi ne, %convert_element_type3A_441, %cond3A_442 : i32
      scf.if %cond3A_443 {
        %dma_wait3A_548 = arith.constant 3 : i32
        %dma_wait3A_549 = arith.constant 3 : i32
        %dma_wait3A_550 = arith.constant 1 : i32
        %dma_wait3A_551 = arith.constant 0 : i32
        %dma_wait3A_552 = arith.constant 0 : i32
        %dma_wait3A_553 = tpu.memref_slice %arg7[%dma_wait3A_548, %dma_wait3A_551, %dma_wait3A_552] : memref<4x64x128xf32, #tpu.memory_space<vmem>> -> memref<1x64x128xf32, #tpu.memory_space<vmem>>
        %dma_wait3A_554 = tpu.memref_squeeze %dma_wait3A_553 : memref<1x64x128xf32, #tpu.memory_space<vmem>> -> memref<64x128xf32, #tpu.memory_space<vmem>>
        %dma_wait3A_555 = arith.constant 0 : i32
        %dma_wait3A_556 = tpu.memref_slice %arg6[%dma_wait3A_549, %dma_wait3A_550, %dma_wait3A_555] : memref<8x2x64xi32, #tpu.memory_space<vmem>> -> memref<1x1x64xi32, #tpu.memory_space<vmem>>
        %dma_wait3A_557 = tpu.memref_squeeze %dma_wait3A_556 : memref<1x1x64xi32, #tpu.memory_space<vmem>> -> memref<64xi32, #tpu.memory_space<vmem>>
        %dma_wait3A_558 = arith.constant 0 : i32
        %dma_wait3A_559 = arith.constant 0 : i32
        %dma_wait3A_560 = tpu.memref_slice %arg8[%dma_wait3A_558, %dma_wait3A_559] : memref<10112x128xf32, #tpu.memory_space<vmem_shared>> -> memref<10112x128xf32, #tpu.memory_space<vmem_shared>>
        tpu.wait_indirect_dma semaphore(%arg24 : memref<!tpu.dma_semaphore, #tpu.memory_space<semaphore_mem>>) src(%dma_wait3A_554 : memref<64x128xf32, #tpu.memory_space<vmem>>) dst(%dma_wait3A_560 : memref<10112x128xf32, #tpu.memory_space<vmem_shared>>)
      } else {
      }
      %add3A_444 = arith.constant 4 : i32
      %add3A_445 = arith.addi %add3A_411, %add3A_444 : i32
      %lt3A_446 = arith.cmpi slt, %add3A_445, %add3A_7 : i32
      %convert_element_type3A_447 = arith.extui %lt3A_446 : i1 to i32
      %cond3A_448 = arith.constant 0 : i32
      %cond3A_449 = arith.cmpi ne, %convert_element_type3A_447, %cond3A_448 : i32
      scf.if %cond3A_449 {
        %add3A_548 = arith.constant 4 : i32
        %add3A_549 = arith.addi %add3A_411, %add3A_548 : i32
        %dma_start3A_550 = arith.constant 1 : i32
        %dma_start3A_551 = arith.constant 0 : i32
        %dma_start3A_552 = arith.constant 0 : i32
        %dma_start3A_553 = tpu.memref_slice %arg6[%dma_start3A_550, %dma_start3A_551, %dma_start3A_552] : memref<8x2x64xi32, #tpu.memory_space<vmem>> -> memref<1x2x64xi32, #tpu.memory_space<vmem>>
        %dma_start3A_554 = tpu.memref_squeeze %dma_start3A_553 : memref<1x2x64xi32, #tpu.memory_space<vmem>> -> memref<2x64xi32, #tpu.memory_space<vmem>>
        %dma_start3A_555 = arith.constant 0 : i32
        %dma_start3A_556 = arith.constant 0 : i32
        %dma_start3A_557 = tpu.memref_slice %arg3[%add3A_549, %dma_start3A_555, %dma_start3A_556] : memref<5120x2x64xi32, #tpu.memory_space<hbm>> -> memref<1x2x64xi32, #tpu.memory_space<hbm>>
        %dma_start3A_558 = tpu.memref_squeeze %dma_start3A_557 : memref<1x2x64xi32, #tpu.memory_space<hbm>> -> memref<2x64xi32, #tpu.memory_space<hbm>>
        %dma_start3A_559 = arith.constant 0 : i32
        %dma_start3A_560 = arith.constant 0 : i32
        %dma_start3A_561 = tpu.memref_slice %arg6[%dma_start3A_550, %dma_start3A_559, %dma_start3A_560] : memref<8x2x64xi32, #tpu.memory_space<vmem>> -> memref<1x2x64xi32, #tpu.memory_space<vmem>>
        %dma_start3A_562 = tpu.memref_squeeze %dma_start3A_561 : memref<1x2x64xi32, #tpu.memory_space<vmem>> -> memref<2x64xi32, #tpu.memory_space<vmem>>
        %dma_start3A_563 = arith.constant 0 : i32
        %dma_start3A_564 = arith.constant 0 : i32
        %dma_start3A_565 = tpu.memref_slice %arg3[%add3A_549, %dma_start3A_563, %dma_start3A_564] : memref<5120x2x64xi32, #tpu.memory_space<hbm>> -> memref<1x2x64xi32, #tpu.memory_space<hbm>>
        %dma_start3A_566 = tpu.memref_squeeze %dma_start3A_565 : memref<1x2x64xi32, #tpu.memory_space<hbm>> -> memref<2x64xi32, #tpu.memory_space<hbm>>
        tpu.enqueue_dma source(%dma_start3A_566 : memref<2x64xi32, #tpu.memory_space<hbm>>) target(%dma_start3A_562 : memref<2x64xi32, #tpu.memory_space<vmem>>) target_semaphore(%arg10 : memref<!tpu.dma_semaphore, #tpu.memory_space<semaphore_mem>>)
      } else {
      }
      %add3A_450 = arith.constant 2 : i32
      %add3A_451 = arith.addi %add3A_411, %add3A_450 : i32
      %lt3A_452 = arith.cmpi slt, %add3A_451, %add3A_7 : i32
      %convert_element_type3A_453 = arith.extui %lt3A_452 : i1 to i32
      %cond3A_454 = arith.constant 0 : i32
      %cond3A_455 = arith.cmpi ne, %convert_element_type3A_453, %cond3A_454 : i32
      scf.if %cond3A_455 {
        %add3A_548 = arith.constant 2 : i32
        %add3A_549 = arith.addi %add3A_411, %add3A_548 : i32
        %dma_wait3A_550 = arith.constant 7 : i32
        %dma_wait3A_551 = arith.constant 0 : i32
        %dma_wait3A_552 = arith.constant 0 : i32
        %dma_wait3A_553 = tpu.memref_slice %arg6[%dma_wait3A_550, %dma_wait3A_551, %dma_wait3A_552] : memref<8x2x64xi32, #tpu.memory_space<vmem>> -> memref<1x2x64xi32, #tpu.memory_space<vmem>>
        %dma_wait3A_554 = tpu.memref_squeeze %dma_wait3A_553 : memref<1x2x64xi32, #tpu.memory_space<vmem>> -> memref<2x64xi32, #tpu.memory_space<vmem>>
        %dma_wait3A_555 = arith.constant 0 : i32
        %dma_wait3A_556 = arith.constant 0 : i32
        %dma_wait3A_557 = tpu.memref_slice %arg3[%add3A_549, %dma_wait3A_555, %dma_wait3A_556] : memref<5120x2x64xi32, #tpu.memory_space<hbm>> -> memref<1x2x64xi32, #tpu.memory_space<hbm>>
        %dma_wait3A_558 = tpu.memref_squeeze %dma_wait3A_557 : memref<1x2x64xi32, #tpu.memory_space<hbm>> -> memref<2x64xi32, #tpu.memory_space<hbm>>
        %dma_wait3A_559 = arith.constant 0 : i32
        %dma_wait3A_560 = arith.constant 0 : i32
        %dma_wait3A_561 = tpu.memref_slice %arg6[%dma_wait3A_550, %dma_wait3A_559, %dma_wait3A_560] : memref<8x2x64xi32, #tpu.memory_space<vmem>> -> memref<1x2x64xi32, #tpu.memory_space<vmem>>
        %dma_wait3A_562 = tpu.memref_squeeze %dma_wait3A_561 : memref<1x2x64xi32, #tpu.memory_space<vmem>> -> memref<2x64xi32, #tpu.memory_space<vmem>>
        %dma_wait3A_563 = arith.constant 0 : i32
        %dma_wait3A_564 = arith.constant 0 : i32
        %dma_wait3A_565 = tpu.memref_slice %arg3[%add3A_549, %dma_wait3A_563, %dma_wait3A_564] : memref<5120x2x64xi32, #tpu.memory_space<hbm>> -> memref<1x2x64xi32, #tpu.memory_space<hbm>>
        %dma_wait3A_566 = tpu.memref_squeeze %dma_wait3A_565 : memref<1x2x64xi32, #tpu.memory_space<hbm>> -> memref<2x64xi32, #tpu.memory_space<hbm>>
        tpu.wait_dma2 semaphore(%arg16 : memref<!tpu.dma_semaphore, #tpu.memory_space<semaphore_mem>>) src(%dma_wait3A_566 : memref<2x64xi32, #tpu.memory_space<hbm>>) dst(%dma_wait3A_562 : memref<2x64xi32, #tpu.memory_space<vmem>>)
        %dma_start3A_567 = arith.constant 7 : i32
        %dma_start3A_568 = arith.constant 0 : i32
        %dma_start3A_569 = arith.constant 3 : i32
        %dma_start3A_570 = arith.constant 0 : i32
        %dma_start3A_571 = arith.constant 0 : i32
        %dma_start3A_572 = tpu.memref_slice %arg7[%dma_start3A_569, %dma_start3A_570, %dma_start3A_571] : memref<4x64x128xf32, #tpu.memory_space<vmem>> -> memref<1x64x128xf32, #tpu.memory_space<vmem>>
        %dma_start3A_573 = tpu.memref_squeeze %dma_start3A_572 : memref<1x64x128xf32, #tpu.memory_space<vmem>> -> memref<64x128xf32, #tpu.memory_space<vmem>>
        %dma_start3A_574 = arith.constant 0 : i32
        %dma_start3A_575 = tpu.memref_slice %arg6[%dma_start3A_567, %dma_start3A_568, %dma_start3A_574] : memref<8x2x64xi32, #tpu.memory_space<vmem>> -> memref<1x1x64xi32, #tpu.memory_space<vmem>>
        %dma_start3A_576 = tpu.memref_squeeze %dma_start3A_575 : memref<1x1x64xi32, #tpu.memory_space<vmem>> -> memref<64xi32, #tpu.memory_space<vmem>>
        %dma_start3A_577 = arith.constant 0 : i32
        %dma_start3A_578 = arith.constant 0 : i32
        %dma_start3A_579 = tpu.memref_slice %arg2[%dma_start3A_577, %dma_start3A_578] : memref<10000x128xf32, #tpu.memory_space<hbm>> -> memref<10000x128xf32, #tpu.memory_space<hbm>>
        tpu.enqueue_indirect_dma source(%dma_start3A_579 : memref<10000x128xf32, #tpu.memory_space<hbm>>) target(%dma_start3A_573 : memref<64x128xf32, #tpu.memory_space<vmem>>) offsets(%dma_start3A_576 : memref<64xi32, #tpu.memory_space<vmem>>) semaphore(%arg20 : memref<!tpu.dma_semaphore, #tpu.memory_space<semaphore_mem>>)
      } else {
      }
      %add3A_456 = arith.constant 6 : i32
      %add3A_457 = arith.addi %add3A_184, %add3A_456 : i32
      %dma_wait3A_458 = arith.constant 6 : i32
      %dma_wait3A_459 = arith.constant 0 : i32
      %dma_wait3A_460 = arith.constant 2 : i32
      %dma_wait3A_461 = arith.constant 0 : i32
      %dma_wait3A_462 = arith.constant 0 : i32
      %dma_wait3A_463 = tpu.memref_slice %arg7[%dma_wait3A_460, %dma_wait3A_461, %dma_wait3A_462] : memref<4x64x128xf32, #tpu.memory_space<vmem>> -> memref<1x64x128xf32, #tpu.memory_space<vmem>>
      %dma_wait3A_464 = tpu.memref_squeeze %dma_wait3A_463 : memref<1x64x128xf32, #tpu.memory_space<vmem>> -> memref<64x128xf32, #tpu.memory_space<vmem>>
      %dma_wait3A_465 = arith.constant 0 : i32
      %dma_wait3A_466 = tpu.memref_slice %arg6[%dma_wait3A_458, %dma_wait3A_459, %dma_wait3A_465] : memref<8x2x64xi32, #tpu.memory_space<vmem>> -> memref<1x1x64xi32, #tpu.memory_space<vmem>>
      %dma_wait3A_467 = tpu.memref_squeeze %dma_wait3A_466 : memref<1x1x64xi32, #tpu.memory_space<vmem>> -> memref<64xi32, #tpu.memory_space<vmem>>
      %dma_wait3A_468 = arith.constant 0 : i32
      %dma_wait3A_469 = arith.constant 0 : i32
      %dma_wait3A_470 = tpu.memref_slice %arg2[%dma_wait3A_468, %dma_wait3A_469] : memref<10000x128xf32, #tpu.memory_space<hbm>> -> memref<10000x128xf32, #tpu.memory_space<hbm>>
      tpu.wait_indirect_dma semaphore(%arg19 : memref<!tpu.dma_semaphore, #tpu.memory_space<semaphore_mem>>) src(%dma_wait3A_470 : memref<10000x128xf32, #tpu.memory_space<hbm>>) dst(%dma_wait3A_464 : memref<64x128xf32, #tpu.memory_space<vmem>>)
      %dma_start3A_471 = arith.constant 2 : i32
      %dma_start3A_472 = arith.constant 6 : i32
      %dma_start3A_473 = arith.constant 1 : i32
      %dma_start3A_474 = arith.constant 0 : i32
      %dma_start3A_475 = arith.constant 0 : i32
      %dma_start3A_476 = tpu.memref_slice %arg7[%dma_start3A_471, %dma_start3A_474, %dma_start3A_475] : memref<4x64x128xf32, #tpu.memory_space<vmem>> -> memref<1x64x128xf32, #tpu.memory_space<vmem>>
      %dma_start3A_477 = tpu.memref_squeeze %dma_start3A_476 : memref<1x64x128xf32, #tpu.memory_space<vmem>> -> memref<64x128xf32, #tpu.memory_space<vmem>>
      %dma_start3A_478 = arith.constant 0 : i32
      %dma_start3A_479 = tpu.memref_slice %arg6[%dma_start3A_472, %dma_start3A_473, %dma_start3A_478] : memref<8x2x64xi32, #tpu.memory_space<vmem>> -> memref<1x1x64xi32, #tpu.memory_space<vmem>>
      %dma_start3A_480 = tpu.memref_squeeze %dma_start3A_479 : memref<1x1x64xi32, #tpu.memory_space<vmem>> -> memref<64xi32, #tpu.memory_space<vmem>>
      %dma_start3A_481 = arith.constant 0 : i32
      %dma_start3A_482 = arith.constant 0 : i32
      %dma_start3A_483 = tpu.memref_slice %arg8[%dma_start3A_481, %dma_start3A_482] : memref<10112x128xf32, #tpu.memory_space<vmem_shared>> -> memref<10112x128xf32, #tpu.memory_space<vmem_shared>>
      tpu.enqueue_indirect_dma source(%dma_start3A_477 : memref<64x128xf32, #tpu.memory_space<vmem>>) target(%dma_start3A_483 : memref<10112x128xf32, #tpu.memory_space<vmem_shared>>) offsets(%dma_start3A_480 : memref<64xi32, #tpu.memory_space<vmem>>) semaphore(%arg23 : memref<!tpu.dma_semaphore, #tpu.memory_space<semaphore_mem>>) {add = true}
      %sub3A_484 = arith.constant 2 : i32
      %sub3A_485 = arith.subi %add3A_457, %sub3A_484 : i32
      %ge3A_486 = arith.cmpi sge, %sub3A_485, %mul3A_2 : i32
      %convert_element_type3A_487 = arith.extui %ge3A_486 : i1 to i32
      %cond3A_488 = arith.constant 0 : i32
      %cond3A_489 = arith.cmpi ne, %convert_element_type3A_487, %cond3A_488 : i32
      scf.if %cond3A_489 {
        %dma_wait3A_548 = arith.constant 0 : i32
        %dma_wait3A_549 = arith.constant 4 : i32
        %dma_wait3A_550 = arith.constant 1 : i32
        %dma_wait3A_551 = arith.constant 0 : i32
        %dma_wait3A_552 = arith.constant 0 : i32
        %dma_wait3A_553 = tpu.memref_slice %arg7[%dma_wait3A_548, %dma_wait3A_551, %dma_wait3A_552] : memref<4x64x128xf32, #tpu.memory_space<vmem>> -> memref<1x64x128xf32, #tpu.memory_space<vmem>>
        %dma_wait3A_554 = tpu.memref_squeeze %dma_wait3A_553 : memref<1x64x128xf32, #tpu.memory_space<vmem>> -> memref<64x128xf32, #tpu.memory_space<vmem>>
        %dma_wait3A_555 = arith.constant 0 : i32
        %dma_wait3A_556 = tpu.memref_slice %arg6[%dma_wait3A_549, %dma_wait3A_550, %dma_wait3A_555] : memref<8x2x64xi32, #tpu.memory_space<vmem>> -> memref<1x1x64xi32, #tpu.memory_space<vmem>>
        %dma_wait3A_557 = tpu.memref_squeeze %dma_wait3A_556 : memref<1x1x64xi32, #tpu.memory_space<vmem>> -> memref<64xi32, #tpu.memory_space<vmem>>
        %dma_wait3A_558 = arith.constant 0 : i32
        %dma_wait3A_559 = arith.constant 0 : i32
        %dma_wait3A_560 = tpu.memref_slice %arg8[%dma_wait3A_558, %dma_wait3A_559] : memref<10112x128xf32, #tpu.memory_space<vmem_shared>> -> memref<10112x128xf32, #tpu.memory_space<vmem_shared>>
        tpu.wait_indirect_dma semaphore(%arg21 : memref<!tpu.dma_semaphore, #tpu.memory_space<semaphore_mem>>) src(%dma_wait3A_554 : memref<64x128xf32, #tpu.memory_space<vmem>>) dst(%dma_wait3A_560 : memref<10112x128xf32, #tpu.memory_space<vmem_shared>>)
      } else {
      }
      %add3A_490 = arith.constant 4 : i32
      %add3A_491 = arith.addi %add3A_457, %add3A_490 : i32
      %lt3A_492 = arith.cmpi slt, %add3A_491, %add3A_7 : i32
      %convert_element_type3A_493 = arith.extui %lt3A_492 : i1 to i32
      %cond3A_494 = arith.constant 0 : i32
      %cond3A_495 = arith.cmpi ne, %convert_element_type3A_493, %cond3A_494 : i32
      scf.if %cond3A_495 {
        %add3A_548 = arith.constant 4 : i32
        %add3A_549 = arith.addi %add3A_457, %add3A_548 : i32
        %dma_start3A_550 = arith.constant 2 : i32
        %dma_start3A_551 = arith.constant 0 : i32
        %dma_start3A_552 = arith.constant 0 : i32
        %dma_start3A_553 = tpu.memref_slice %arg6[%dma_start3A_550, %dma_start3A_551, %dma_start3A_552] : memref<8x2x64xi32, #tpu.memory_space<vmem>> -> memref<1x2x64xi32, #tpu.memory_space<vmem>>
        %dma_start3A_554 = tpu.memref_squeeze %dma_start3A_553 : memref<1x2x64xi32, #tpu.memory_space<vmem>> -> memref<2x64xi32, #tpu.memory_space<vmem>>
        %dma_start3A_555 = arith.constant 0 : i32
        %dma_start3A_556 = arith.constant 0 : i32
        %dma_start3A_557 = tpu.memref_slice %arg3[%add3A_549, %dma_start3A_555, %dma_start3A_556] : memref<5120x2x64xi32, #tpu.memory_space<hbm>> -> memref<1x2x64xi32, #tpu.memory_space<hbm>>
        %dma_start3A_558 = tpu.memref_squeeze %dma_start3A_557 : memref<1x2x64xi32, #tpu.memory_space<hbm>> -> memref<2x64xi32, #tpu.memory_space<hbm>>
        %dma_start3A_559 = arith.constant 0 : i32
        %dma_start3A_560 = arith.constant 0 : i32
        %dma_start3A_561 = tpu.memref_slice %arg6[%dma_start3A_550, %dma_start3A_559, %dma_start3A_560] : memref<8x2x64xi32, #tpu.memory_space<vmem>> -> memref<1x2x64xi32, #tpu.memory_space<vmem>>
        %dma_start3A_562 = tpu.memref_squeeze %dma_start3A_561 : memref<1x2x64xi32, #tpu.memory_space<vmem>> -> memref<2x64xi32, #tpu.memory_space<vmem>>
        %dma_start3A_563 = arith.constant 0 : i32
        %dma_start3A_564 = arith.constant 0 : i32
        %dma_start3A_565 = tpu.memref_slice %arg3[%add3A_549, %dma_start3A_563, %dma_start3A_564] : memref<5120x2x64xi32, #tpu.memory_space<hbm>> -> memref<1x2x64xi32, #tpu.memory_space<hbm>>
        %dma_start3A_566 = tpu.memref_squeeze %dma_start3A_565 : memref<1x2x64xi32, #tpu.memory_space<hbm>> -> memref<2x64xi32, #tpu.memory_space<hbm>>
        tpu.enqueue_dma source(%dma_start3A_566 : memref<2x64xi32, #tpu.memory_space<hbm>>) target(%dma_start3A_562 : memref<2x64xi32, #tpu.memory_space<vmem>>) target_semaphore(%arg11 : memref<!tpu.dma_semaphore, #tpu.memory_space<semaphore_mem>>)
      } else {
      }
      %add3A_496 = arith.constant 2 : i32
      %add3A_497 = arith.addi %add3A_457, %add3A_496 : i32
      %lt3A_498 = arith.cmpi slt, %add3A_497, %add3A_7 : i32
      %convert_element_type3A_499 = arith.extui %lt3A_498 : i1 to i32
      %cond3A_500 = arith.constant 0 : i32
      %cond3A_501 = arith.cmpi ne, %convert_element_type3A_499, %cond3A_500 : i32
      scf.if %cond3A_501 {
        %add3A_548 = arith.constant 2 : i32
        %add3A_549 = arith.addi %add3A_457, %add3A_548 : i32
        %dma_wait3A_550 = arith.constant 0 : i32
        %dma_wait3A_551 = arith.constant 0 : i32
        %dma_wait3A_552 = arith.constant 0 : i32
        %dma_wait3A_553 = tpu.memref_slice %arg6[%dma_wait3A_550, %dma_wait3A_551, %dma_wait3A_552] : memref<8x2x64xi32, #tpu.memory_space<vmem>> -> memref<1x2x64xi32, #tpu.memory_space<vmem>>
        %dma_wait3A_554 = tpu.memref_squeeze %dma_wait3A_553 : memref<1x2x64xi32, #tpu.memory_space<vmem>> -> memref<2x64xi32, #tpu.memory_space<vmem>>
        %dma_wait3A_555 = arith.constant 0 : i32
        %dma_wait3A_556 = arith.constant 0 : i32
        %dma_wait3A_557 = tpu.memref_slice %arg3[%add3A_549, %dma_wait3A_555, %dma_wait3A_556] : memref<5120x2x64xi32, #tpu.memory_space<hbm>> -> memref<1x2x64xi32, #tpu.memory_space<hbm>>
        %dma_wait3A_558 = tpu.memref_squeeze %dma_wait3A_557 : memref<1x2x64xi32, #tpu.memory_space<hbm>> -> memref<2x64xi32, #tpu.memory_space<hbm>>
        %dma_wait3A_559 = arith.constant 0 : i32
        %dma_wait3A_560 = arith.constant 0 : i32
        %dma_wait3A_561 = tpu.memref_slice %arg6[%dma_wait3A_550, %dma_wait3A_559, %dma_wait3A_560] : memref<8x2x64xi32, #tpu.memory_space<vmem>> -> memref<1x2x64xi32, #tpu.memory_space<vmem>>
        %dma_wait3A_562 = tpu.memref_squeeze %dma_wait3A_561 : memref<1x2x64xi32, #tpu.memory_space<vmem>> -> memref<2x64xi32, #tpu.memory_space<vmem>>
        %dma_wait3A_563 = arith.constant 0 : i32
        %dma_wait3A_564 = arith.constant 0 : i32
        %dma_wait3A_565 = tpu.memref_slice %arg3[%add3A_549, %dma_wait3A_563, %dma_wait3A_564] : memref<5120x2x64xi32, #tpu.memory_space<hbm>> -> memref<1x2x64xi32, #tpu.memory_space<hbm>>
        %dma_wait3A_566 = tpu.memref_squeeze %dma_wait3A_565 : memref<1x2x64xi32, #tpu.memory_space<hbm>> -> memref<2x64xi32, #tpu.memory_space<hbm>>
        tpu.wait_dma2 semaphore(%arg9 : memref<!tpu.dma_semaphore, #tpu.memory_space<semaphore_mem>>) src(%dma_wait3A_566 : memref<2x64xi32, #tpu.memory_space<hbm>>) dst(%dma_wait3A_562 : memref<2x64xi32, #tpu.memory_space<vmem>>)
        %dma_start3A_567 = arith.constant 0 : i32
        %dma_start3A_568 = arith.constant 0 : i32
        %dma_start3A_569 = arith.constant 0 : i32
        %dma_start3A_570 = arith.constant 0 : i32
        %dma_start3A_571 = arith.constant 0 : i32
        %dma_start3A_572 = tpu.memref_slice %arg7[%dma_start3A_569, %dma_start3A_570, %dma_start3A_571] : memref<4x64x128xf32, #tpu.memory_space<vmem>> -> memref<1x64x128xf32, #tpu.memory_space<vmem>>
        %dma_start3A_573 = tpu.memref_squeeze %dma_start3A_572 : memref<1x64x128xf32, #tpu.memory_space<vmem>> -> memref<64x128xf32, #tpu.memory_space<vmem>>
        %dma_start3A_574 = arith.constant 0 : i32
        %dma_start3A_575 = tpu.memref_slice %arg6[%dma_start3A_567, %dma_start3A_568, %dma_start3A_574] : memref<8x2x64xi32, #tpu.memory_space<vmem>> -> memref<1x1x64xi32, #tpu.memory_space<vmem>>
        %dma_start3A_576 = tpu.memref_squeeze %dma_start3A_575 : memref<1x1x64xi32, #tpu.memory_space<vmem>> -> memref<64xi32, #tpu.memory_space<vmem>>
        %dma_start3A_577 = arith.constant 0 : i32
        %dma_start3A_578 = arith.constant 0 : i32
        %dma_start3A_579 = tpu.memref_slice %arg2[%dma_start3A_577, %dma_start3A_578] : memref<10000x128xf32, #tpu.memory_space<hbm>> -> memref<10000x128xf32, #tpu.memory_space<hbm>>
        tpu.enqueue_indirect_dma source(%dma_start3A_579 : memref<10000x128xf32, #tpu.memory_space<hbm>>) target(%dma_start3A_573 : memref<64x128xf32, #tpu.memory_space<vmem>>) offsets(%dma_start3A_576 : memref<64xi32, #tpu.memory_space<vmem>>) semaphore(%arg17 : memref<!tpu.dma_semaphore, #tpu.memory_space<semaphore_mem>>)
      } else {
      }
      %add3A_502 = arith.constant 7 : i32
      %add3A_503 = arith.addi %add3A_184, %add3A_502 : i32
      %dma_wait3A_504 = arith.constant 7 : i32
      %dma_wait3A_505 = arith.constant 0 : i32
      %dma_wait3A_506 = arith.constant 3 : i32
      %dma_wait3A_507 = arith.constant 0 : i32
      %dma_wait3A_508 = arith.constant 0 : i32
      %dma_wait3A_509 = tpu.memref_slice %arg7[%dma_wait3A_506, %dma_wait3A_507, %dma_wait3A_508] : memref<4x64x128xf32, #tpu.memory_space<vmem>> -> memref<1x64x128xf32, #tpu.memory_space<vmem>>
      %dma_wait3A_510 = tpu.memref_squeeze %dma_wait3A_509 : memref<1x64x128xf32, #tpu.memory_space<vmem>> -> memref<64x128xf32, #tpu.memory_space<vmem>>
      %dma_wait3A_511 = arith.constant 0 : i32
      %dma_wait3A_512 = tpu.memref_slice %arg6[%dma_wait3A_504, %dma_wait3A_505, %dma_wait3A_511] : memref<8x2x64xi32, #tpu.memory_space<vmem>> -> memref<1x1x64xi32, #tpu.memory_space<vmem>>
      %dma_wait3A_513 = tpu.memref_squeeze %dma_wait3A_512 : memref<1x1x64xi32, #tpu.memory_space<vmem>> -> memref<64xi32, #tpu.memory_space<vmem>>
      %dma_wait3A_514 = arith.constant 0 : i32
      %dma_wait3A_515 = arith.constant 0 : i32
      %dma_wait3A_516 = tpu.memref_slice %arg2[%dma_wait3A_514, %dma_wait3A_515] : memref<10000x128xf32, #tpu.memory_space<hbm>> -> memref<10000x128xf32, #tpu.memory_space<hbm>>
      tpu.wait_indirect_dma semaphore(%arg20 : memref<!tpu.dma_semaphore, #tpu.memory_space<semaphore_mem>>) src(%dma_wait3A_516 : memref<10000x128xf32, #tpu.memory_space<hbm>>) dst(%dma_wait3A_510 : memref<64x128xf32, #tpu.memory_space<vmem>>)
      %dma_start3A_517 = arith.constant 3 : i32
      %dma_start3A_518 = arith.constant 7 : i32
      %dma_start3A_519 = arith.constant 1 : i32
      %dma_start3A_520 = arith.constant 0 : i32
      %dma_start3A_521 = arith.constant 0 : i32
      %dma_start3A_522 = tpu.memref_slice %arg7[%dma_start3A_517, %dma_start3A_520, %dma_start3A_521] : memref<4x64x128xf32, #tpu.memory_space<vmem>> -> memref<1x64x128xf32, #tpu.memory_space<vmem>>
      %dma_start3A_523 = tpu.memref_squeeze %dma_start3A_522 : memref<1x64x128xf32, #tpu.memory_space<vmem>> -> memref<64x128xf32, #tpu.memory_space<vmem>>
      %dma_start3A_524 = arith.constant 0 : i32
      %dma_start3A_525 = tpu.memref_slice %arg6[%dma_start3A_518, %dma_start3A_519, %dma_start3A_524] : memref<8x2x64xi32, #tpu.memory_space<vmem>> -> memref<1x1x64xi32, #tpu.memory_space<vmem>>
      %dma_start3A_526 = tpu.memref_squeeze %dma_start3A_525 : memref<1x1x64xi32, #tpu.memory_space<vmem>> -> memref<64xi32, #tpu.memory_space<vmem>>
      %dma_start3A_527 = arith.constant 0 : i32
      %dma_start3A_528 = arith.constant 0 : i32
      %dma_start3A_529 = tpu.memref_slice %arg8[%dma_start3A_527, %dma_start3A_528] : memref<10112x128xf32, #tpu.memory_space<vmem_shared>> -> memref<10112x128xf32, #tpu.memory_space<vmem_shared>>
      tpu.enqueue_indirect_dma source(%dma_start3A_523 : memref<64x128xf32, #tpu.memory_space<vmem>>) target(%dma_start3A_529 : memref<10112x128xf32, #tpu.memory_space<vmem_shared>>) offsets(%dma_start3A_526 : memref<64xi32, #tpu.memory_space<vmem>>) semaphore(%arg24 : memref<!tpu.dma_semaphore, #tpu.memory_space<semaphore_mem>>) {add = true}
      %sub3A_530 = arith.constant 2 : i32
      %sub3A_531 = arith.subi %add3A_503, %sub3A_530 : i32
      %ge3A_532 = arith.cmpi sge, %sub3A_531, %mul3A_2 : i32
      %convert_element_type3A_533 = arith.extui %ge3A_532 : i1 to i32
      %cond3A_534 = arith.constant 0 : i32
      %cond3A_535 = arith.cmpi ne, %convert_element_type3A_533, %cond3A_534 : i32
      scf.if %cond3A_535 {
        %dma_wait3A_548 = arith.constant 1 : i32
        %dma_wait3A_549 = arith.constant 5 : i32
        %dma_wait3A_550 = arith.constant 1 : i32
        %dma_wait3A_551 = arith.constant 0 : i32
        %dma_wait3A_552 = arith.constant 0 : i32
        %dma_wait3A_553 = tpu.memref_slice %arg7[%dma_wait3A_548, %dma_wait3A_551, %dma_wait3A_552] : memref<4x64x128xf32, #tpu.memory_space<vmem>> -> memref<1x64x128xf32, #tpu.memory_space<vmem>>
        %dma_wait3A_554 = tpu.memref_squeeze %dma_wait3A_553 : memref<1x64x128xf32, #tpu.memory_space<vmem>> -> memref<64x128xf32, #tpu.memory_space<vmem>>
        %dma_wait3A_555 = arith.constant 0 : i32
        %dma_wait3A_556 = tpu.memref_slice %arg6[%dma_wait3A_549, %dma_wait3A_550, %dma_wait3A_555] : memref<8x2x64xi32, #tpu.memory_space<vmem>> -> memref<1x1x64xi32, #tpu.memory_space<vmem>>
        %dma_wait3A_557 = tpu.memref_squeeze %dma_wait3A_556 : memref<1x1x64xi32, #tpu.memory_space<vmem>> -> memref<64xi32, #tpu.memory_space<vmem>>
        %dma_wait3A_558 = arith.constant 0 : i32
        %dma_wait3A_559 = arith.constant 0 : i32
        %dma_wait3A_560 = tpu.memref_slice %arg8[%dma_wait3A_558, %dma_wait3A_559] : memref<10112x128xf32, #tpu.memory_space<vmem_shared>> -> memref<10112x128xf32, #tpu.memory_space<vmem_shared>>
        tpu.wait_indirect_dma semaphore(%arg22 : memref<!tpu.dma_semaphore, #tpu.memory_space<semaphore_mem>>) src(%dma_wait3A_554 : memref<64x128xf32, #tpu.memory_space<vmem>>) dst(%dma_wait3A_560 : memref<10112x128xf32, #tpu.memory_space<vmem_shared>>)
      } else {
      }
      %add3A_536 = arith.constant 4 : i32
      %add3A_537 = arith.addi %add3A_503, %add3A_536 : i32
      %lt3A_538 = arith.cmpi slt, %add3A_537, %add3A_7 : i32
      %convert_element_type3A_539 = arith.extui %lt3A_538 : i1 to i32
      %cond3A_540 = arith.constant 0 : i32
      %cond3A_541 = arith.cmpi ne, %convert_element_type3A_539, %cond3A_540 : i32
      scf.if %cond3A_541 {
        %add3A_548 = arith.constant 4 : i32
        %add3A_549 = arith.addi %add3A_503, %add3A_548 : i32
        %dma_start3A_550 = arith.constant 3 : i32
        %dma_start3A_551 = arith.constant 0 : i32
        %dma_start3A_552 = arith.constant 0 : i32
        %dma_start3A_553 = tpu.memref_slice %arg6[%dma_start3A_550, %dma_start3A_551, %dma_start3A_552] : memref<8x2x64xi32, #tpu.memory_space<vmem>> -> memref<1x2x64xi32, #tpu.memory_space<vmem>>
        %dma_start3A_554 = tpu.memref_squeeze %dma_start3A_553 : memref<1x2x64xi32, #tpu.memory_space<vmem>> -> memref<2x64xi32, #tpu.memory_space<vmem>>
        %dma_start3A_555 = arith.constant 0 : i32
        %dma_start3A_556 = arith.constant 0 : i32
        %dma_start3A_557 = tpu.memref_slice %arg3[%add3A_549, %dma_start3A_555, %dma_start3A_556] : memref<5120x2x64xi32, #tpu.memory_space<hbm>> -> memref<1x2x64xi32, #tpu.memory_space<hbm>>
        %dma_start3A_558 = tpu.memref_squeeze %dma_start3A_557 : memref<1x2x64xi32, #tpu.memory_space<hbm>> -> memref<2x64xi32, #tpu.memory_space<hbm>>
        %dma_start3A_559 = arith.constant 0 : i32
        %dma_start3A_560 = arith.constant 0 : i32
        %dma_start3A_561 = tpu.memref_slice %arg6[%dma_start3A_550, %dma_start3A_559, %dma_start3A_560] : memref<8x2x64xi32, #tpu.memory_space<vmem>> -> memref<1x2x64xi32, #tpu.memory_space<vmem>>
        %dma_start3A_562 = tpu.memref_squeeze %dma_start3A_561 : memref<1x2x64xi32, #tpu.memory_space<vmem>> -> memref<2x64xi32, #tpu.memory_space<vmem>>
        %dma_start3A_563 = arith.constant 0 : i32
        %dma_start3A_564 = arith.constant 0 : i32
        %dma_start3A_565 = tpu.memref_slice %arg3[%add3A_549, %dma_start3A_563, %dma_start3A_564] : memref<5120x2x64xi32, #tpu.memory_space<hbm>> -> memref<1x2x64xi32, #tpu.memory_space<hbm>>
        %dma_start3A_566 = tpu.memref_squeeze %dma_start3A_565 : memref<1x2x64xi32, #tpu.memory_space<hbm>> -> memref<2x64xi32, #tpu.memory_space<hbm>>
        tpu.enqueue_dma source(%dma_start3A_566 : memref<2x64xi32, #tpu.memory_space<hbm>>) target(%dma_start3A_562 : memref<2x64xi32, #tpu.memory_space<vmem>>) target_semaphore(%arg12 : memref<!tpu.dma_semaphore, #tpu.memory_space<semaphore_mem>>)
      } else {
      }
      %add3A_542 = arith.constant 2 : i32
      %add3A_543 = arith.addi %add3A_503, %add3A_542 : i32
      %lt3A_544 = arith.cmpi slt, %add3A_543, %add3A_7 : i32
      %convert_element_type3A_545 = arith.extui %lt3A_544 : i1 to i32
      %cond3A_546 = arith.constant 0 : i32
      %cond3A_547 = arith.cmpi ne, %convert_element_type3A_545, %cond3A_546 : i32
      scf.if %cond3A_547 {
        %add3A_548 = arith.constant 2 : i32
        %add3A_549 = arith.addi %add3A_503, %add3A_548 : i32
        %dma_wait3A_550 = arith.constant 1 : i32
        %dma_wait3A_551 = arith.constant 0 : i32
        %dma_wait3A_552 = arith.constant 0 : i32
        %dma_wait3A_553 = tpu.memref_slice %arg6[%dma_wait3A_550, %dma_wait3A_551, %dma_wait3A_552] : memref<8x2x64xi32, #tpu.memory_space<vmem>> -> memref<1x2x64xi32, #tpu.memory_space<vmem>>
        %dma_wait3A_554 = tpu.memref_squeeze %dma_wait3A_553 : memref<1x2x64xi32, #tpu.memory_space<vmem>> -> memref<2x64xi32, #tpu.memory_space<vmem>>
        %dma_wait3A_555 = arith.constant 0 : i32
        %dma_wait3A_556 = arith.constant 0 : i32
        %dma_wait3A_557 = tpu.memref_slice %arg3[%add3A_549, %dma_wait3A_555, %dma_wait3A_556] : memref<5120x2x64xi32, #tpu.memory_space<hbm>> -> memref<1x2x64xi32, #tpu.memory_space<hbm>>
        %dma_wait3A_558 = tpu.memref_squeeze %dma_wait3A_557 : memref<1x2x64xi32, #tpu.memory_space<hbm>> -> memref<2x64xi32, #tpu.memory_space<hbm>>
        %dma_wait3A_559 = arith.constant 0 : i32
        %dma_wait3A_560 = arith.constant 0 : i32
        %dma_wait3A_561 = tpu.memref_slice %arg6[%dma_wait3A_550, %dma_wait3A_559, %dma_wait3A_560] : memref<8x2x64xi32, #tpu.memory_space<vmem>> -> memref<1x2x64xi32, #tpu.memory_space<vmem>>
        %dma_wait3A_562 = tpu.memref_squeeze %dma_wait3A_561 : memref<1x2x64xi32, #tpu.memory_space<vmem>> -> memref<2x64xi32, #tpu.memory_space<vmem>>
        %dma_wait3A_563 = arith.constant 0 : i32
        %dma_wait3A_564 = arith.constant 0 : i32
        %dma_wait3A_565 = tpu.memref_slice %arg3[%add3A_549, %dma_wait3A_563, %dma_wait3A_564] : memref<5120x2x64xi32, #tpu.memory_space<hbm>> -> memref<1x2x64xi32, #tpu.memory_space<hbm>>
        %dma_wait3A_566 = tpu.memref_squeeze %dma_wait3A_565 : memref<1x2x64xi32, #tpu.memory_space<hbm>> -> memref<2x64xi32, #tpu.memory_space<hbm>>
        tpu.wait_dma2 semaphore(%arg10 : memref<!tpu.dma_semaphore, #tpu.memory_space<semaphore_mem>>) src(%dma_wait3A_566 : memref<2x64xi32, #tpu.memory_space<hbm>>) dst(%dma_wait3A_562 : memref<2x64xi32, #tpu.memory_space<vmem>>)
        %dma_start3A_567 = arith.constant 1 : i32
        %dma_start3A_568 = arith.constant 0 : i32
        %dma_start3A_569 = arith.constant 1 : i32
        %dma_start3A_570 = arith.constant 0 : i32
        %dma_start3A_571 = arith.constant 0 : i32
        %dma_start3A_572 = tpu.memref_slice %arg7[%dma_start3A_569, %dma_start3A_570, %dma_start3A_571] : memref<4x64x128xf32, #tpu.memory_space<vmem>> -> memref<1x64x128xf32, #tpu.memory_space<vmem>>
        %dma_start3A_573 = tpu.memref_squeeze %dma_start3A_572 : memref<1x64x128xf32, #tpu.memory_space<vmem>> -> memref<64x128xf32, #tpu.memory_space<vmem>>
        %dma_start3A_574 = arith.constant 0 : i32
        %dma_start3A_575 = tpu.memref_slice %arg6[%dma_start3A_567, %dma_start3A_568, %dma_start3A_574] : memref<8x2x64xi32, #tpu.memory_space<vmem>> -> memref<1x1x64xi32, #tpu.memory_space<vmem>>
        %dma_start3A_576 = tpu.memref_squeeze %dma_start3A_575 : memref<1x1x64xi32, #tpu.memory_space<vmem>> -> memref<64xi32, #tpu.memory_space<vmem>>
        %dma_start3A_577 = arith.constant 0 : i32
        %dma_start3A_578 = arith.constant 0 : i32
        %dma_start3A_579 = tpu.memref_slice %arg2[%dma_start3A_577, %dma_start3A_578] : memref<10000x128xf32, #tpu.memory_space<hbm>> -> memref<10000x128xf32, #tpu.memory_space<hbm>>
        tpu.enqueue_indirect_dma source(%dma_start3A_579 : memref<10000x128xf32, #tpu.memory_space<hbm>>) target(%dma_start3A_573 : memref<64x128xf32, #tpu.memory_space<vmem>>) offsets(%dma_start3A_576 : memref<64xi32, #tpu.memory_space<vmem>>) semaphore(%arg18 : memref<!tpu.dma_semaphore, #tpu.memory_space<semaphore_mem>>)
      } else {
      }
    }
    %scan3A_149 = arith.constant 20 : i32
    %dma_wait3A_150 = arith.constant 2 : i32
    %dma_wait3A_151 = arith.constant 6 : i32
    %dma_wait3A_152 = arith.constant 1 : i32
    %dma_wait3A_153 = arith.constant 0 : i32
    %dma_wait3A_154 = arith.constant 0 : i32
    %dma_wait3A_155 = tpu.memref_slice %arg7[%dma_wait3A_150, %dma_wait3A_153, %dma_wait3A_154] : memref<4x64x128xf32, #tpu.memory_space<vmem>> -> memref<1x64x128xf32, #tpu.memory_space<vmem>>
    %dma_wait3A_156 = tpu.memref_squeeze %dma_wait3A_155 : memref<1x64x128xf32, #tpu.memory_space<vmem>> -> memref<64x128xf32, #tpu.memory_space<vmem>>
    %dma_wait3A_157 = arith.constant 0 : i32
    %dma_wait3A_158 = tpu.memref_slice %arg6[%dma_wait3A_151, %dma_wait3A_152, %dma_wait3A_157] : memref<8x2x64xi32, #tpu.memory_space<vmem>> -> memref<1x1x64xi32, #tpu.memory_space<vmem>>
    %dma_wait3A_159 = tpu.memref_squeeze %dma_wait3A_158 : memref<1x1x64xi32, #tpu.memory_space<vmem>> -> memref<64xi32, #tpu.memory_space<vmem>>
    %dma_wait3A_160 = arith.constant 0 : i32
    %dma_wait3A_161 = arith.constant 0 : i32
    %dma_wait3A_162 = tpu.memref_slice %arg8[%dma_wait3A_160, %dma_wait3A_161] : memref<10112x128xf32, #tpu.memory_space<vmem_shared>> -> memref<10112x128xf32, #tpu.memory_space<vmem_shared>>
    tpu.wait_indirect_dma semaphore(%arg23 : memref<!tpu.dma_semaphore, #tpu.memory_space<semaphore_mem>>) src(%dma_wait3A_156 : memref<64x128xf32, #tpu.memory_space<vmem>>) dst(%dma_wait3A_162 : memref<10112x128xf32, #tpu.memory_space<vmem_shared>>)
    %dma_wait3A_163 = arith.constant 3 : i32
    %dma_wait3A_164 = arith.constant 7 : i32
    %dma_wait3A_165 = arith.constant 1 : i32
    %dma_wait3A_166 = arith.constant 0 : i32
    %dma_wait3A_167 = arith.constant 0 : i32
    %dma_wait3A_168 = tpu.memref_slice %arg7[%dma_wait3A_163, %dma_wait3A_166, %dma_wait3A_167] : memref<4x64x128xf32, #tpu.memory_space<vmem>> -> memref<1x64x128xf32, #tpu.memory_space<vmem>>
    %dma_wait3A_169 = tpu.memref_squeeze %dma_wait3A_168 : memref<1x64x128xf32, #tpu.memory_space<vmem>> -> memref<64x128xf32, #tpu.memory_space<vmem>>
    %dma_wait3A_170 = arith.constant 0 : i32
    %dma_wait3A_171 = tpu.memref_slice %arg6[%dma_wait3A_164, %dma_wait3A_165, %dma_wait3A_170] : memref<8x2x64xi32, #tpu.memory_space<vmem>> -> memref<1x1x64xi32, #tpu.memory_space<vmem>>
    %dma_wait3A_172 = tpu.memref_squeeze %dma_wait3A_171 : memref<1x1x64xi32, #tpu.memory_space<vmem>> -> memref<64xi32, #tpu.memory_space<vmem>>
    %dma_wait3A_173 = arith.constant 0 : i32
    %dma_wait3A_174 = arith.constant 0 : i32
    %dma_wait3A_175 = tpu.memref_slice %arg8[%dma_wait3A_173, %dma_wait3A_174] : memref<10112x128xf32, #tpu.memory_space<vmem_shared>> -> memref<10112x128xf32, #tpu.memory_space<vmem_shared>>
    tpu.wait_indirect_dma semaphore(%arg24 : memref<!tpu.dma_semaphore, #tpu.memory_space<semaphore_mem>>) src(%dma_wait3A_169 : memref<64x128xf32, #tpu.memory_space<vmem>>) dst(%dma_wait3A_175 : memref<10112x128xf32, #tpu.memory_space<vmem_shared>>)
    %barrier3A_176 = arith.constant 0 : index
    tpu.barrier barrier_id(%barrier3A_176)
    "tpu.region"() ({
      %run_scoped3A = tpu.sem_alloc : memref<!tpu.dma_semaphore, #tpu.memory_space<semaphore_mem>>
      %dma_start3A_177 = arith.constant 0 : i32
      %dma_start3A_178 = tpu.memref_slice %arg5[%arg0, %mul3A_4, %dma_start3A_177] : memref<2x10112x128xf32, #tpu.memory_space<hbm>> -> memref<1x632x128xf32, #tpu.memory_space<hbm>>
      %dma_start3A_179 = tpu.memref_squeeze %dma_start3A_178 : memref<1x632x128xf32, #tpu.memory_space<hbm>> -> memref<632x128xf32, #tpu.memory_space<hbm>>
      %dma_start3A_180 = arith.constant 0 : i32
      %dma_start3A_181 = tpu.memref_slice %arg8[%mul3A_4, %dma_start3A_180] : memref<10112x128xf32, #tpu.memory_space<vmem_shared>> -> memref<632x128xf32, #tpu.memory_space<vmem_shared>>
      tpu.enqueue_dma source(%dma_start3A_181 : memref<632x128xf32, #tpu.memory_space<vmem_shared>>) target(%dma_start3A_179 : memref<632x128xf32, #tpu.memory_space<hbm>>) target_semaphore(%run_scoped3A : memref<!tpu.dma_semaphore, #tpu.memory_space<semaphore_mem>>)
      %dma_wait3A_182 = arith.constant 0 : i32
      %dma_wait3A_183 = tpu.memref_slice %arg5[%arg0, %mul3A_4, %dma_wait3A_182] : memref<2x10112x128xf32, #tpu.memory_space<hbm>> -> memref<1x632x128xf32, #tpu.memory_space<hbm>>
      %dma_wait3A_184 = tpu.memref_squeeze %dma_wait3A_183 : memref<1x632x128xf32, #tpu.memory_space<hbm>> -> memref<632x128xf32, #tpu.memory_space<hbm>>
      %dma_wait3A_185 = arith.constant 0 : i32
      %dma_wait3A_186 = tpu.memref_slice %arg8[%mul3A_4, %dma_wait3A_185] : memref<10112x128xf32, #tpu.memory_space<vmem_shared>> -> memref<632x128xf32, #tpu.memory_space<vmem_shared>>
      tpu.wait_dma2 semaphore(%run_scoped3A : memref<!tpu.dma_semaphore, #tpu.memory_space<semaphore_mem>>) src(%dma_wait3A_186 : memref<632x128xf32, #tpu.memory_space<vmem_shared>>) dst(%dma_wait3A_184 : memref<632x128xf32, #tpu.memory_space<hbm>>)
      tpu.yield
    }) : () -> ()
    return
  }
}

module attributes {stable_mosaic.version = 14 : i64} {
  func.func @_tc_layer_body(%arg0: memref<2x10112x128xf32, #tpu.memory_space<vmem>>, %arg1: memref<2x16x10112xf32, #tpu.memory_space<vmem>>, %arg2: memref<10000x128xf32, #tpu.memory_space<vmem>>, %arg3: memref<128x128xf32, #tpu.memory_space<vmem>>, %arg4: memref<128x128xf32, #tpu.memory_space<vmem>>, %arg5: memref<1x128xf32, #tpu.memory_space<vmem>>, %arg6: memref<10000x128xf32, #tpu.memory_space<vmem>>) attributes {dimension_semantics = [], scalar_prefetch = 0 : i64, scratch_operands = 0 : i64, tpu.core_type = #tpu.core_type<tc>} {
    %get3A = arith.constant 0 : index
    %get3A_0 = arith.constant 0 : index
    %get3A_1 = arith.constant 0 : index
    %get3A_2 = vector.load %arg1[%get3A, %get3A_0, %get3A_1] : memref<2x16x10112xf32, #tpu.memory_space<vmem>>, vector<2x16x10112xf32>
    %reduce_sum3A = arith.constant dense<0.000000e+00> : vector<10112xf32>
    %reduce_sum3A_3 = vector.multi_reduction <add>, %get3A_2, %reduce_sum3A [0, 1] : vector<2x16x10112xf32> to vector<10112xf32>
    %max3A = arith.constant 1.000000e+00 : f32
    %max3A_4 = vector.broadcast %max3A : f32 to vector<10112xf32>
    %max3A_5 = arith.maximumf %reduce_sum3A_3, %max3A_4 : vector<10112xf32>
    %div3A = arith.constant 1.000000e+00 : f32
    %div3A_6 = vector.broadcast %div3A : f32 to vector<10112xf32>
    %div3A_7 = arith.divf %div3A_6, %max3A_5 : vector<10112xf32>
    %broadcast_in_dim3A = vector.shape_cast %div3A_7 : vector<10112xf32> to vector<10112x1xf32>
    %get3A_8 = arith.constant 0 : index
    %get3A_9 = arith.constant 0 : index
    %get3A_10 = arith.constant 0 : index
    %get3A_11 = vector.load %arg0[%get3A_8, %get3A_9, %get3A_10] : memref<2x10112x128xf32, #tpu.memory_space<vmem>>, vector<1x10112x128xf32>
    %get3A_12 = vector.shape_cast %get3A_11 : vector<1x10112x128xf32> to vector<10112x128xf32>
    %get3A_13 = arith.constant 1 : index
    %get3A_14 = arith.constant 0 : index
    %get3A_15 = arith.constant 0 : index
    %get3A_16 = vector.load %arg0[%get3A_13, %get3A_14, %get3A_15] : memref<2x10112x128xf32, #tpu.memory_space<vmem>>, vector<1x10112x128xf32>
    %get3A_17 = vector.shape_cast %get3A_16 : vector<1x10112x128xf32> to vector<10112x128xf32>
    %add3A = arith.addf %get3A_12, %get3A_17 : vector<10112x128xf32>
    %slice3A = vector.extract_strided_slice %add3A {offsets = [0, 0], sizes = [10000, 128], strides = [1, 1]} : vector<10112x128xf32> to vector<10000x128xf32>
    %slice3A_18 = vector.extract_strided_slice %broadcast_in_dim3A {offsets = [0, 0], sizes = [10000, 1], strides = [1, 1]} : vector<10112x1xf32> to vector<10000x1xf32>
    %mul3A = vector.broadcast %slice3A_18 : vector<10000x1xf32> to vector<10000x128xf32>
    %mul3A_19 = arith.mulf %slice3A, %mul3A : vector<10000x128xf32>
    %get3A_20 = arith.constant 0 : index
    %get3A_21 = arith.constant 0 : index
    %get3A_22 = vector.load %arg3[%get3A_20, %get3A_21] : memref<128x128xf32, #tpu.memory_space<vmem>>, vector<128x128xf32>
    %dot_general3A = arith.constant dense<0.000000e+00> : vector<10000x128xf32>
    %dot_general3A_23 = tpu.matmul %mul3A_19, %get3A_22, %dot_general3A {dimension_numbers = #tpu.dot_dimension_numbers<[1], [0], [0], [1], [0, 0, 1, 1], [], []>, transpose_lhs_hint = false} : vector<10000x128xf32>, vector<128x128xf32>, vector<10000x128xf32> -> vector<10000x128xf32>
    %get3A_24 = arith.constant 0 : index
    %get3A_25 = arith.constant 0 : index
    %get3A_26 = vector.load %arg2[%get3A_24, %get3A_25] : memref<10000x128xf32, #tpu.memory_space<vmem>>, vector<10000x128xf32>
    %get3A_27 = arith.constant 0 : index
    %get3A_28 = arith.constant 0 : index
    %get3A_29 = vector.load %arg4[%get3A_27, %get3A_28] : memref<128x128xf32, #tpu.memory_space<vmem>>, vector<128x128xf32>
    %dot_general3A_30 = arith.constant dense<0.000000e+00> : vector<10000x128xf32>
    %dot_general3A_31 = tpu.matmul %get3A_26, %get3A_29, %dot_general3A_30 {dimension_numbers = #tpu.dot_dimension_numbers<[1], [0], [0], [1], [0, 0, 1, 1], [], []>, transpose_lhs_hint = false} : vector<10000x128xf32>, vector<128x128xf32>, vector<10000x128xf32> -> vector<10000x128xf32>
    %add3A_32 = arith.addf %dot_general3A_23, %dot_general3A_31 : vector<10000x128xf32>
    %get3A_33 = arith.constant 0 : index
    %get3A_34 = arith.constant 0 : index
    %get3A_35 = vector.load %arg5[%get3A_33, %get3A_34] : memref<1x128xf32, #tpu.memory_space<vmem>>, vector<1x128xf32>
    %add3A_36 = vector.broadcast %get3A_35 : vector<1x128xf32> to vector<10000x128xf32>
    %add3A_37 = arith.addf %add3A_32, %add3A_36 : vector<10000x128xf32>
    %max3A_38 = arith.constant 0.000000e+00 : f32
    %max3A_39 = vector.broadcast %max3A_38 : f32 to vector<10000x128xf32>
    %max3A_40 = arith.maximumf %add3A_37, %max3A_39 : vector<10000x128xf32>
    %swap3A = arith.constant 0 : index
    %swap3A_41 = arith.constant 0 : index
    %swap3A_42 = vector.load %arg6[%swap3A, %swap3A_41] : memref<10000x128xf32, #tpu.memory_space<vmem>>, vector<10000x128xf32>
    tpu.vector_store %arg6[%swap3A, %swap3A_41], %max3A_40 {strides = array<i32>} : memref<10000x128xf32, #tpu.memory_space<vmem>>, vector<10000x128xf32>,
    return
  }
}

module attributes {stable_mosaic.version = 14 : i64} {
  func.func @_tc_layer_body(%arg0: memref<2x10112x128xf32, #tpu.memory_space<vmem>>, %arg1: memref<2x16x10112xf32, #tpu.memory_space<vmem>>, %arg2: memref<10000x128xf32, #tpu.memory_space<vmem>>, %arg3: memref<128x128xf32, #tpu.memory_space<vmem>>, %arg4: memref<128x128xf32, #tpu.memory_space<vmem>>, %arg5: memref<1x128xf32, #tpu.memory_space<vmem>>, %arg6: memref<10000x128xf32, #tpu.memory_space<vmem>>) attributes {dimension_semantics = [], scalar_prefetch = 0 : i64, scratch_operands = 0 : i64, tpu.core_type = #tpu.core_type<tc>} {
    %get3A = arith.constant 0 : index
    %get3A_0 = arith.constant 0 : index
    %get3A_1 = arith.constant 0 : index
    %get3A_2 = vector.load %arg1[%get3A, %get3A_0, %get3A_1] : memref<2x16x10112xf32, #tpu.memory_space<vmem>>, vector<2x16x10112xf32>
    %reduce_sum3A = arith.constant dense<0.000000e+00> : vector<10112xf32>
    %reduce_sum3A_3 = vector.multi_reduction <add>, %get3A_2, %reduce_sum3A [0, 1] : vector<2x16x10112xf32> to vector<10112xf32>
    %max3A = arith.constant 1.000000e+00 : f32
    %max3A_4 = vector.broadcast %max3A : f32 to vector<10112xf32>
    %max3A_5 = arith.maximumf %reduce_sum3A_3, %max3A_4 : vector<10112xf32>
    %div3A = arith.constant 1.000000e+00 : f32
    %div3A_6 = vector.broadcast %div3A : f32 to vector<10112xf32>
    %div3A_7 = arith.divf %div3A_6, %max3A_5 : vector<10112xf32>
    %broadcast_in_dim3A = vector.shape_cast %div3A_7 : vector<10112xf32> to vector<10112x1xf32>
    %get3A_8 = arith.constant 0 : index
    %get3A_9 = arith.constant 0 : index
    %get3A_10 = arith.constant 0 : index
    %get3A_11 = vector.load %arg0[%get3A_8, %get3A_9, %get3A_10] : memref<2x10112x128xf32, #tpu.memory_space<vmem>>, vector<1x10112x128xf32>
    %get3A_12 = vector.shape_cast %get3A_11 : vector<1x10112x128xf32> to vector<10112x128xf32>
    %get3A_13 = arith.constant 1 : index
    %get3A_14 = arith.constant 0 : index
    %get3A_15 = arith.constant 0 : index
    %get3A_16 = vector.load %arg0[%get3A_13, %get3A_14, %get3A_15] : memref<2x10112x128xf32, #tpu.memory_space<vmem>>, vector<1x10112x128xf32>
    %get3A_17 = vector.shape_cast %get3A_16 : vector<1x10112x128xf32> to vector<10112x128xf32>
    %add3A = arith.addf %get3A_12, %get3A_17 : vector<10112x128xf32>
    %slice3A = vector.extract_strided_slice %add3A {offsets = [0, 0], sizes = [10000, 128], strides = [1, 1]} : vector<10112x128xf32> to vector<10000x128xf32>
    %slice3A_18 = vector.extract_strided_slice %broadcast_in_dim3A {offsets = [0, 0], sizes = [10000, 1], strides = [1, 1]} : vector<10112x1xf32> to vector<10000x1xf32>
    %mul3A = vector.broadcast %slice3A_18 : vector<10000x1xf32> to vector<10000x128xf32>
    %mul3A_19 = arith.mulf %slice3A, %mul3A : vector<10000x128xf32>
    %get3A_20 = arith.constant 0 : index
    %get3A_21 = arith.constant 0 : index
    %get3A_22 = vector.load %arg3[%get3A_20, %get3A_21] : memref<128x128xf32, #tpu.memory_space<vmem>>, vector<128x128xf32>
    %dot_general3A = arith.constant dense<0.000000e+00> : vector<10000x128xf32>
    %dot_general3A_23 = tpu.matmul %mul3A_19, %get3A_22, %dot_general3A {dimension_numbers = #tpu.dot_dimension_numbers<[1], [0], [0], [1], [0, 0, 1, 1], [], []>, transpose_lhs_hint = false} : vector<10000x128xf32>, vector<128x128xf32>, vector<10000x128xf32> -> vector<10000x128xf32>
    %get3A_24 = arith.constant 0 : index
    %get3A_25 = arith.constant 0 : index
    %get3A_26 = vector.load %arg2[%get3A_24, %get3A_25] : memref<10000x128xf32, #tpu.memory_space<vmem>>, vector<10000x128xf32>
    %get3A_27 = arith.constant 0 : index
    %get3A_28 = arith.constant 0 : index
    %get3A_29 = vector.load %arg4[%get3A_27, %get3A_28] : memref<128x128xf32, #tpu.memory_space<vmem>>, vector<128x128xf32>
    %dot_general3A_30 = arith.constant dense<0.000000e+00> : vector<10000x128xf32>
    %dot_general3A_31 = tpu.matmul %get3A_26, %get3A_29, %dot_general3A_30 {dimension_numbers = #tpu.dot_dimension_numbers<[1], [0], [0], [1], [0, 0, 1, 1], [], []>, transpose_lhs_hint = false} : vector<10000x128xf32>, vector<128x128xf32>, vector<10000x128xf32> -> vector<10000x128xf32>
    %add3A_32 = arith.addf %dot_general3A_23, %dot_general3A_31 : vector<10000x128xf32>
    %get3A_33 = arith.constant 0 : index
    %get3A_34 = arith.constant 0 : index
    %get3A_35 = vector.load %arg5[%get3A_33, %get3A_34] : memref<1x128xf32, #tpu.memory_space<vmem>>, vector<1x128xf32>
    %add3A_36 = vector.broadcast %get3A_35 : vector<1x128xf32> to vector<10000x128xf32>
    %add3A_37 = arith.addf %add3A_32, %add3A_36 : vector<10000x128xf32>
    %swap3A = arith.constant 0 : index
    %swap3A_38 = arith.constant 0 : index
    %swap3A_39 = vector.load %arg6[%swap3A, %swap3A_38] : memref<10000x128xf32, #tpu.memory_space<vmem>>, vector<10000x128xf32>
    tpu.vector_store %arg6[%swap3A, %swap3A_38], %add3A_37 {strides = array<i32>} : memref<10000x128xf32, #tpu.memory_space<vmem>>, vector<10000x128xf32>,
    return
  }
}

</mosaic_0001>

<sc_bundles>
// kernel: kernel.6.cloned.1.call-start
scs
__scs_entry_jumppad:
0x0: {  	(pc) =	sbr.rel $0x88, $3  }
0x1: {  	(tag) =	ssettag $0x0;
	lr =	simm.s32 $0x1  }
0x2: {  	[smem:$0x3F99] =	sst lr;
	_ =	strace $0xD0000000  }
0x3: {  	_ = 	snop  }
0x4: {  	_ = 	snop  }
0x5: {  	_ = 	snop  }
0x6: {  	_ = 	snop  }
0x7: {  	_ = 	snop  }
__scs_overlays_trampoline_lowered:
0x8: {  	[smem:$0x3FA8] =	sst s0  }
0x9: {  	[smem:$0x3FA9] =	sst s1  }
0xa: {  	[smem:$0x3FAA] =	sst s2  }
0xb: {  	[smem:$0x3FAB] =	sst s3  }
0xc: {  	[smem:$0x3FAC] =	sst s4  }
0xd: {  	[smem:$0x3FAD] =	sst s5  }
0xe: {  	[smem:$0x3FAE] =	sst s6  }
0xf: {  	[smem:$0x3FAF] =	sst s7  }
0x10: {  	[smem:$0x3FB0] =	sst s8  }
0x11: {  	[smem:$0x3FB1] =	sst s9;
	s0 =	simm.s32 @!p0 $0x0  }
0x12: {  	s1 =	sld [smem:$0x3F97];
	s0 =	simm.s32 @p0 $0x1  }
0x13: {  	[smem:$0x3FB2] =	sst s0;
	s0 =	simm.s32 @!p1 $0x0  }
0x14: {  	s2 =	sld [smem:$0x3F96];
	s0 =	simm.s32 @p1 $0x1  }
0x15: {  	[smem:$0x3FB3] =	sst s0;
	s0 =	simm.s32 @!p2 $0x0  }
0x16: {  	s3 =	sld [smem:$0x3FDB];
	s0 =	simm.s32 @p2 $0x1  }
0x17: {  	s4 =	simm.s32 $0x1BF5;
	[smem:$0x3FB5] =	sst s0  }
0x18: {  	s0 =	sld [smem:$0x3F98];
	_ =	swait.ge [sflag:s4], $0x0  }
0x19: {  	s7 =	sld [smem:$0x3F99]  }
0x1a: {  	s8 =	sadd.s32 $0xFFFFE003, lr  }
0x1b: {  	s9 =	sadd.s32 $0xFFFFFEF7, lr;
	s5 =	simm.s32 $0xFFFFFFFF;
	p2 =	slt.u32 s8, $0xFFFFF086  }
0x1c: {  	p1 =	slt.u32 s9, $0xF7A;
	s5 =	simm.s32 @!p2 $0x0  }
0x1d: {  	s5 =	simm.s32 @p1 $0x1;
	p0 =	seq.s32 s7, s2  }
0x1e: {  	s7 =	smul.u32 @!p0 $0xF7A, s2;
	p2 =	seq.s32 @!p0 s5, $0x0  }
0x1f: {  	s9 =	smul.u32 $0xF7A, s1;
	s8 =	simm.s32 @!p0 $0x1BF5;
	p2 =	por !p2, p0  }
0x20: {  	[sflag:s8] =	ssyncset.s32 @!p0 $0xFFFFF086;
	s6 =	sadd.s32 @!p0 s3, s7;
	s7 =	simm.s32 @!p0 $0x108  }
0x21: {  	s3 =	sadd.s32 s3, s9;
	s6 =	sadd.s32 @!p0 $0x88, s6;
	s7 =	simm.s32 @p2 $0x1082  }
0x22: {  	[simem:s7], [sflag:s8] =	dma.local @!p0 [hbm:s6], $0xF7A  }
0x23: {  	s9 =	sor.u32 $0xD0000000, s2;
	s6 =	simm.s32 $0x108;
	_ =	swait.ge @!p0 [sflag:s8], $0x0  }
0x24: {  	s3 =	sadd.s32 $0x88, s3;
	s6 =	simm.s32 @!p1 $0x1082;
	[sflag:s4] =	ssyncset.s32 $0xFFFFF086  }
0x25: {  	[simem:s6], [sflag:s4] =	dma.local [hbm:s3], $0xF7A  }
0x26: {  	[smem:$0x3F99] =	sst s1;
	(tag) =	ssettag s2;
	_ =	strace s9  }
0x27: {  	s1 =	sld [smem:$0x3FA9]  }
0x28: {  	s2 =	sld [smem:$0x3FAA]  }
0x29: {  	s4 =	sld [smem:$0x3FAC]  }
0x2a: {  	p0 =	seq.s32 s5, $0x0;
	s5 =	sld [smem:$0x3FAD]  }
0x2b: {  	s6 =	sld [smem:$0x3FAE]  }
0x2c: {  	s7 =	sld [smem:$0x3FAF]  }
0x2d: {  	s3 =	simm.s32 $0x108;
	s8 =	sld [smem:$0x3FB0]  }
0x2e: {  	s3 =	simm.s32 @!p0 $0x1082;
	s9 =	sld [smem:$0x3FB1]  }
0x2f: {  	lr =	sadd.s32 s0, s3;
	s0 =	sld [smem:$0x3FA8]  }
0x30: {  	s3 =	sld [smem:$0x3FAB]  }
0x31: {  	[smem:$0x3FB4] =	sst s10  }
0x32: {  	s10 =	sld [smem:$0x3FB2];
	_ =	sdelay $0x3  }
0x33: {  	p0 =	seq.s32 s10, $0x1;
	s10 =	sld [smem:$0x3FB4];
	_ =	sdelay $0x3  }
0x34: {  	[smem:$0x3FB4] =	sst s10  }
0x35: {  	s10 =	sld [smem:$0x3FB3];
	_ =	sdelay $0x3  }
0x36: {  	p1 =	seq.s32 s10, $0x1;
	s10 =	sld [smem:$0x3FB4];
	_ =	sdelay $0x3  }
0x37: {  	[smem:$0x3FB4] =	sst s10  }
0x38: {  	s10 =	sld [smem:$0x3FB5]  }
0x39: {  	_ = 	snop;
	(pc) =	sbr.ind lr, $3  }
0x3a: {  	_ = 	snop  }
0x3b: {  	_ = 	snop  }
0x3c: {  	p2 =	seq.s32 s10, $0x1;
	s10 =	sld [smem:$0x3FB4]  }
0x3d: {  	_ =	shalt  }
0x3e: {  	_ =	shalt  }
0x3f: {  	_ =	shalt  }
0x40: {  	_ =	shalt  }
0x41: {  	_ =	shalt  }
0x42: {  	_ =	shalt  }
0x43: {  	_ =	shalt  }
0x44: {  	_ =	shalt  }
0x45: {  	_ =	shalt  }
0x46: {  	_ =	shalt  }
0x47: {  	_ =	shalt  }
0x48: {  	_ =	shalt  }
0x49: {  	_ =	shalt  }
0x4a: {  	_ =	shalt  }
0x4b: {  	_ =	shalt  }
0x4c: {  	_ =	shalt  }
0x4d: {  	_ =	shalt  }
0x4e: {  	_ =	shalt  }
0x4f: {  	_ =	shalt  }
0x50: {  	_ =	shalt  }
0x51: {  	_ =	shalt  }
0x52: {  	_ =	shalt  }
0x53: {  	_ =	shalt  }
0x54: {  	_ =	shalt  }
0x55: {  	_ =	shalt  }
0x56: {  	_ =	shalt  }
0x57: {  	_ =	shalt  }
0x58: {  	_ =	shalt  }
0x59: {  	_ =	shalt  }
0x5a: {  	_ =	shalt  }
0x5b: {  	_ =	shalt  }
0x5c: {  	_ =	shalt  }
0x5d: {  	_ =	shalt  }
0x5e: {  	_ =	shalt  }
0x5f: {  	_ =	shalt  }
0x60: {  	_ =	shalt  }
0x61: {  	_ =	shalt  }
0x62: {  	_ =	shalt  }
0x63: {  	_ =	shalt  }
0x64: {  	_ =	shalt  }
0x65: {  	_ =	shalt  }
0x66: {  	_ =	shalt  }
0x67: {  	_ =	shalt  }
0x68: {  	_ =	shalt  }
0x69: {  	_ =	shalt  }
0x6a: {  	_ =	shalt  }
0x6b: {  	_ =	shalt  }
0x6c: {  	_ =	shalt  }
0x6d: {  	_ =	shalt  }
0x6e: {  	_ =	shalt  }
0x6f: {  	_ =	shalt  }
0x70: {  	_ =	shalt  }
0x71: {  	_ =	shalt  }
0x72: {  	_ =	shalt  }
0x73: {  	_ =	shalt  }
0x74: {  	_ =	shalt  }
0x75: {  	_ =	shalt  }
0x76: {  	_ =	shalt  }
0x77: {  	_ =	shalt  }
0x78: {  	_ =	shalt  }
0x79: {  	_ =	shalt  }
0x7a: {  	_ =	shalt  }
0x7b: {  	_ =	shalt  }
0x7c: {  	_ =	shalt  }
0x7d: {  	_ =	shalt  }
0x7e: {  	_ =	shalt  }
0x7f: {  	_ =	shalt  }
0x80: {  	_ =	shalt  }
0x81: {  	_ =	shalt  }
0x82: {  	_ =	shalt  }
0x83: {  	_ =	shalt  }
0x84: {  	_ =	shalt  }
0x85: {  	_ =	shalt  }
0x86: {  	_ =	shalt  }
0x87: {  	_ =	shalt  }
.Lfunc_end0:
.L_simem_size_0:
called_computation_lowered:
.L_overlay_start_0:
0x88: {  	s2 =	sld [smem:$0x3FD9]  }
0x89: {  	s3 =	sld [smem:$0x3FFE];
	_ =	sdelay $0x1  }
0x8a: {  	s1 =	srdreg.scid  }
0x8b: {  	s0 =	sand.u32 $0x1, s1  }
0x8c: {  	s17 =	sshll.u32 s0, $0xA;
	s2 =	sadd.s32 s3, s2  }
0x8d: {  	s2 =	sadd.s32 s2, s17  }
0x8e: {  	[smem:$0x3FC0] =	sst s2  }
0x8f: {  	_ = 	snop  }
0x90: {  	s2 =	sld [smem:$0x3FC9]  }
0x91: {  	s18 =	sld [smem:$0x3FD0];
	(tm) =	ssettm $0x1  }
0x92: {  	s4 =	sld [smem:$0x3FFB];
	_ =	sdelay $0x3  }
0x93: {  	_ =	strace s4  }
0x94: {  	s4 =	sld [smem:$0x3FFC];
	_ =	sdelay $0x3  }
0x95: {  	_ =	strace s4  }
0x96: {  	s4 =	sld [smem:$0x3FFD];
	_ =	sdelay $0x3  }
0x97: {  	_ =	strace s4  }
0x98: {  	_ =	strace $0x8FFFFFFF  }
0x99: {  	s19 =	sld [smem:$0x3FDB];
	_ =	sdelay $0x1  }
0x9a: {  	s5 =	simm.s32 $_scs_section_size  }
0x9b: {  	s6 =	simm.s32 $_size__tile_overlayer_lowered;
	s7 =	simm.s32 $_tile_overlayer_lowered  }
0x9c: {  	s22 =	simm.s32 $0x1BFF;
	s21 =	sshll.u32 s7, $0x1;
	s4 =	sadd.s32 s5, s19  }
0x9d: {  	s8 =	simm.s32 $0x0;
	s20 =	sshll.u32 s6, $0x1;
	s6 =	sadd.s32 s21, s4  }
0x9e: {  	[timem:s8], [sflag:s22] =	dma.local [hbm:s6], s20  }
0x9f: {  	_ =	swait.ge [sflag:s22], s20  }
0xa0: {  	s5 =	ssub.s32 $0x0, s20;
	[sflag:s22] =	ssyncset.done $0x0  }
0xa1: {  	[sflag:s22] =	ssyncadd.s32 s5;
	_ =	sdelay $0x1  }
0xa2: {  	s23 =	simm.s32 $0x1B8B  }
0xa3: {  	_ =	swait.ge [sflag:s23], $0x1  }
0xa4: {  	[sflag:s23] =	ssyncset.done $0x0  }
0xa5: {  	s25 =	simm.s32 $0x1B8E;
	s24 =	sld [smem:$0x3FFE];
	[sflag:s23] =	ssyncadd.s32 $0xFFFFFFFF  }
0xa6: {  	s26 =	simm.s32 $execute0_lowered;
	[smem:$0x3FD2] =	sst s25  }
0xa7: {  	s6 =	sshll.u32 s26, $0x1;
	_ =	strace $0x80000046;
	[dreg:$0x1] =	wrdreg $0xFFFFFFFF  }
0xa8: {  	s28 =	simm.s32 $_size_execute0_lowered;
	s4 =	sadd.s32 s4, s6;
	[dreg:$0x0] =	wrdreg $0x0  }
0xa9: {  	s6 =	sshll.u32 s28, $0x1;
	[dreg:$0x2] =	wrdreg s4  }
0xaa: {  	[dreg:$0x3] =	wrdreg s6  }
0xab: {  	[dreg:$0x4] =	wrdreg $0xC0  }
0xac: {  	_ =	task [dreg:s8], $0x5FFFF  }
0xad: {  	[dreg:$0x1] =	wrdreg $0xFFFFFFFF  }
0xae: {  	[dreg:$0x0] =	wrdreg $0x60  }
0xaf: {  	[dreg:$0x2] =	wrdreg s2  }
0xb0: {  	[dreg:$0x3] =	wrdreg s24  }
0xb1: {  	[dreg:$0x4] =	wrdreg s18  }
0xb2: {  	[dreg:$0x5] =	wrdreg $0x88000  }
0xb3: {  	[dreg:$0x6] =	wrdreg $0x9  }
0xb4: {  	_ =	task.clear_ibuf [dreg:s8], $0x7FFFF;
	_ =	strace $0x90000046  }
0xb5: {  	s29 =	simm.s32 $0x9;
	_ =	strace $0x80000048  }
0xb6: {  	_ =	swait.ge [sflag:s29], $0x1  }
0xb7: {  	[sflag:s29] =	ssyncadd.s32 $0xFFFFFFFF  }
0xb8: {  	_ =	strace $0x90000048  }
0xb9: {  	_ =	sfence  }
0xba: {  	s30 =	sld [smem:$0x0];
	_ =	sdelay $0x2  }
0xbb: {  	s31 =	sshll.u32 s1, $0xD;
	s1 =	sshrl.u32 s1, $0x2  }
0xbc: {  	s3 =	sand.u32 $0x4000, s31;
	s1 =	sadd.s32 s1, s30  }
0xbd: {  	s0 =	sor.u32 s3, s0;
	s1 =	sshll.u32 s1, $0x11  }
0xbe: {  	s0 =	sor.u32 s1, s0  }
0xbf: {  	s0 =	sadd.s32 $0x8F2B, s0  }
0xc0: {  	[sflag:s0] =	ssyncadd.remote.s32 $0x1  }
0xc1: {  	_ =	sfence.sel $0xFFFF  }
0xc2: {  	[dreg:$0x0] =	wrdreg $0xFFFFFFFF;
	(pc) =	sbr.abs _section_cstart, $3  }
0xc3: {  	[dreg:$0x1] =	wrdreg $0xFFFFFFFF  }
0xc4: {  	_ =	task.clear_ibuf [dreg:s8], $0x2FFFF;
	_ =	strace $0x9FFFFFFF  }
0xc5: {  	(tm) =	ssettm $0x7FFFFFFF  }
tec
execute0_lowered:
.L_overlay_start_1:
0x0: {  	(tag) =	ssettag $0x1  }
0x1: {  	s0 =	rddreg [dreg:$0x0]  }
0x2: {  	s1 =	rddreg [dreg:$0x1];
	s2 =	srdreg.scid  }
0x3: {  	s4 =	rddreg [dreg:$0x3];
	s13 =	stileid.u32  }
0x4: {  	s5 =	simm.s32 $0x0;
	s29 =	simm.s32 $0x800;
	s6 =	smul.u32 $0x13C00, s13  }
0x5: {  	s30 =	simm.s32 $0x9;
	s28 =	simm.s32 $0x700;
	s11 =	smul.u32 $0x4F000, s13  }
0x6: {  	s2 =	sand.u32 $0x1, s2;
	[smem:$0x7FF] =	sst s5;
	s24 =	smul.u32 $0xA0, s13  }
0x7: {  	s8 =	sshrl.u32 s13, $0x3;
	s9 =	sadd.s32 $0x2400, s1;
	s26 =	smul.u32 $0x1400, s13  }
0x8: {  	s15 =	sshll.u32 s13, $0x7;
	s16 =	sadd.s32 $0x2A400, s1;
	s3 =	smul.u32 $0x13C000, s2  }
0x9: {  	s22 =	sshll.u32 s13, $0x6;
	s7 =	smul.u32 $0x27800, s2;
	_ =	strace $0x80000047  }
0xa: {  	s8 =	smul.u32 $0x13C00, s8;
	[dreg:$0xf] =	wrdreg s16;
	s17 =	ssub.s32 $0x2, s2  }
0xb: {  	s16 =	sor.u32 $0x1C11, s22;
	s23 =	smul.u32 $0xA00, s2;
	s22 =	simm.s32 $0x580  }
0xc: {  	s18 =	sshll.u32 s2, $0x4;
	s2 =	smul.u32 $0x14000, s2;
	[dreg:$0xc] =	wrdreg s22  }
0xd: {  	s10 =	sshrl.u32 s17, $0x1;
	s21 =	sshrl.u32 s11, $0x2;
	[dreg:$0x10] =	wrdreg s16  }
0xe: {  	s22 =	simm.s32 $0x7;
	s3 =	sadd.s32 s6, s3;
	s7 =	sadd.s32 s7, s8  }
0xf: {  	s6 =	sand.u32 $0x380, s15;
	s8 =	sor.u32 s13, s18;
	s19 =	ssub.s32 s17, s10  }
0x10: {  	s10 =	sadd.s32 s21, s4;
	s2 =	sadd.s32 s2, s9;
	s17 =	simm.s32 $0x180  }
0x11: {  	s18 =	simm.s32 $0x280;
	s21 =	simm.s32 $0x480;
	s3 =	sshrl.u32 s3, $0x3  }
0x12: {  	s6 =	sor.u32 s6, s7;
	s20 =	smul.u32 $0xA0, s8;
	[dreg:$0x8] =	wrdreg s17  }
0x13: {  	s12 =	smul.u32 $0x1400, s8;
	s7 =	sadd.s32 s24, s23;
	[dreg:$0x9] =	wrdreg s18  }
0x14: {  	s11 =	sadd.s32 s26, s2;
	s10 =	sshrl.u32 s10, $0x3;
	[dreg:$0xb] =	wrdreg s21  }
0x15: {  	s23 =	simm.s32 $0x11;
	s24 =	simm.s32 $0x200;
	[dreg:$0x5] =	wrdreg s11  }
0x16: {  	s3 =	sadd.s32 s3, s1;
	[dreg:$0x19] =	wrdreg s10;
	s12 =	sadd.s32 s9, s12  }
0x17: {  	s26 =	simm.s32 $0x300;
	s3 =	sadd.s32 $0x2CC00, s3;
	[dreg:$0x11] =	wrdreg s12  }
0x18: {  	s2 =	simm.s32 $0x2800;
	s14 =	sadd.s32 $0x20, s12;
	[dreg:$0x15] =	wrdreg s3  }
0x19: {  	s6 =	sshrl.u32 s6, $0x3;
	s25 =	sadd.s32 $0x40, s12;
	[dreg:$0x12] =	wrdreg s14  }
0x1a: {  	s1 =	sadd.s32 s6, s1;
	s12 =	sadd.s32 $0x60, s12;
	[dreg:$0x13] =	wrdreg s25  }
0x1b: {  	s31 =	sshll.u32 s7, $0x5;
	s1 =	sadd.s32 $0x7BC00, s1;
	[dreg:$0x14] =	wrdreg s12  }
0x1c: {  	s21 =	simm.s32 $0xC;
	s3 =	sadd.s32 s31, s9;
	[dreg:$0x16] =	wrdreg s1  }
0x1d: {  	s18 =	simm.s32 $0x6;
	s31 =	simm.s32 $0x780;
	[dreg:$0x1a] =	wrdreg s3  }
0x1e: {  	s17 =	simm.s32 $0x500;
	s12 =	smax.u32 s19, $0x1;
	[dreg:$0xe] =	wrdreg s31  }
0x1f: {  	s11 =	simm.s32 $0x400;
	s14 =	sor.u32 $0xB, s7;
	[dreg:$0x17] =	wrdreg s12  }
0x20: {  	s8 =	sadd.s32 $0xA0, s20;
	s13 =	sadd.s32 $0x140, s3;
	[dreg:$0x18] =	wrdreg s14  }
0x21: {  	s20 =	simm.s32 $0x1C400;
	s15 =	sadd.s32 $0x100, s3;
	[dreg:$0x6] =	wrdreg s13  }
0x22: {  	s6 =	simm.s32 $0xA;
	s19 =	simm.s32 $0x380;
	[dreg:$0x7] =	wrdreg s15  }
0x23: {  	s9 =	simm.s32 $0xE;
	s25 =	simm.s32 $0x680;
	[dreg:$0xa] =	wrdreg s19  }
0x24: {  	s3 =	simm.s32 $0x4800;
	s7 =	simm.s32 $0x0;
	[dreg:$0xd] =	wrdreg s25  }
0x25: {  	s25 =	simm.s32 $0x40;
	s12 =	simm.s32 $0x6800;
	s13 =	simm.s32 $0xB  }
0x26: {  	v0 =	vimm.f32 $1.000000000e+00;
	s14 =	simm.s32 $0xD;
	s19 =	simm.s32 $0xF;
	s15 =	simm.s32 $0x0  }
.LBB2_1:
0x27: {  	[dreg:$0x1b] =	wrdreg s7  }
0x28: {  	s1 =	rddreg [dreg:$0xf]  }
0x29: {  	[spmem:s10], [sflag:s16] =	dma.local [hbm:s1], $0x2780  }
0x2a: {  	_ =	swait.ge [sflag:s23], $0x2780  }
0x2b: {  	[sflag:s23] =	ssyncset.done $0x0  }
0x2c: {  	[sflag:s23] =	ssyncadd.s32 $0xFFFFD880  }
0x2d: {  	s7 =	rddreg [dreg:$0x2]  }
0x2e: {  	[tilespmem:s20], [sflag:$0x11] =	stream.linear.gather [hbm4b:s7+s5], $0x2780, $0x38;
	[tilespmem:$0x1EB80] =	vst v63  }
0x2f: {  	_ =	swait.ge [sflag:s23], $0x2780  }
0x30: {  	[sflag:s23] =	ssyncset.done $0x0  }
0x31: {  	[sflag:s23] =	ssyncadd.s32 $0xFFFFD880  }
0x32: {  	[bflag:$0x0] =	sbarrier.arrive $0xFFFF  }
0x33: {  	s10 =	rddreg [dreg:$0x11]  }
0x34: {  	[tilespmem:s5], [sflag:$0x1] =	stream.linear.gather [hbm4b:s10+s5], $0x100, $0x38;
	[tilespmem:$0x1EB80] =	vst v63  }
0x35: {  	s16 =	rddreg [dreg:$0x12];
	s10 =	simm.s32 $0x100  }
0x36: {  	[tilespmem:s10], [sflag:$0x2] =	stream.linear.gather [hbm4b:s16+s5], $0x100, $0x38;
	[tilespmem:$0x1EB80] =	vst v63  }
0x37: {  	s23 =	rddreg [dreg:$0x13]  }
0x38: {  	[tilespmem:s24], [sflag:$0x3] =	stream.linear.gather [hbm4b:s23+s5], $0x100, $0x38;
	[tilespmem:$0x1EB80] =	vst v63  }
0x39: {  	s7 =	rddreg [dreg:$0x14];
	s16 =	simm.s32 $0x1  }
0x3a: {  	[tilespmem:s26], [sflag:$0x4] =	stream.linear.gather [hbm4b:s7+s5], $0x100, $0x38;
	[tilespmem:$0x1EB80] =	vst v63  }
0x3b: {  	_ =	swait.ge [sflag:s16], $0x100  }
0x3c: {  	[sflag:s16] =	ssyncset.done $0x0  }
0x3d: {  	s23 =	simm.s32 $0x2;
	[sflag:s16] =	ssyncadd.s32 $0xFFFFFF00  }
0x3e: {  	[tilespmem:s29], [sflag:$0x9] =	stream.indirect.gather [hbm4b:s0+s25], $0x80, s5, s25, $0xb8;
	[tilespmem:$0x1EB80] =	vst v63  }
0x3f: {  	s31 =	simm.s32 $0x0;
	_ =	swait.ge [sflag:s23], $0x100  }
0x40: {  	s7 =	simm.s32 $0x8;
	[sflag:s23] =	ssyncset.done $0x0;
	s29 =	rddreg [dreg:$0x1a]  }
0x41: {  	s5 =	simm.s32 $0x10;
	[sflag:s23] =	ssyncadd.s32 $0xFFFFFF00;
	s23 =	rddreg [dreg:$0x18]  }
0x42: {  	[tilespmem:s2], [sflag:$0xA] =	stream.indirect.gather [hbm4b:s0+s25], $0x80, s10, s25, $0xb8;
	[tilespmem:$0x1EB80] =	vst v63  }
.LBB2_2:
0x43: {  	_ =	swait.ge [sflag:s30], $0x2000  }
0x44: {  	[sflag:s30] =	ssyncset.done $0x0  }
0x45: {  	s1 =	simm.s32 $0x80;
	s2 =	simm.s32 $0x800;
	[sflag:s30] =	ssyncadd.s32 $0xFFFFE000  }
0x46: {  	[spmem:s4] =	stream.indirect.scatter.add.f32 [tilespmem:s2], [sflag:$0xD], $0x80, s1, s25, $0xb8;
	[tilespmem:$0x1EB80] =	vst v63  }
0x47: {  	v1 =	vld [tilespmem:$0x80];
	_ =	sdelay $0x7  }
0x48: {  	[tilespmem:v1+s20+$0x0] =	vst.idx.add.f32.msk $0xffff, v0  }
0x49: {  	v1 =	vld [tilespmem:$0x90];
	_ =	sdelay $0x7  }
0x4a: {  	[tilespmem:v1+s20+$0x0] =	vst.idx.add.f32.msk $0xffff, v0  }
0x4b: {  	v1 =	vld [tilespmem:$0xA0];
	_ =	sdelay $0x7  }
0x4c: {  	[tilespmem:v1+s20+$0x0] =	vst.idx.add.f32.msk $0xffff, v0  }
0x4d: {  	v1 =	vld [tilespmem:$0xB0];
	_ =	sdelay $0x6  }
0x4e: {  	p0 =	seq.s32 s31, $0x0  }
0x4f: {  	s1 =	simm.s32 @!p0 $0xF;
	[tilespmem:v1+s20+$0x0] =	vst.idx.add.f32.msk $0xffff, v0  }
0x50: {  	_ =	swait.ge @!p0 [sflag:s1], $0x2000  }
0x51: {  	s10 =	rddreg [dreg:$0x5]  }
0x52: {  	[sflag:s1] =	ssyncset.done @!p0 $0x0;
	s10 =	sadd.s32 s31, s10  }
0x53: {  	s16 =	simm.s32 $0x400;
	[sflag:s1] =	ssyncadd.s32 @!p0 $0xFFFFE000;
	s1 =	sadd.s32 $0x80, s10  }
0x54: {  	[tilespmem:s16], [sflag:$0x5] =	stream.linear.gather [hbm4b:s1+s15], $0x100, $0x38;
	[tilespmem:$0x1EB80] =	vst v63  }
0x55: {  	s1 =	simm.s32 $0x3  }
0x56: {  	_ =	swait.ge [sflag:s1], $0x100  }
0x57: {  	[sflag:s1] =	ssyncset.done $0x0  }
0x58: {  	[sflag:s1] =	ssyncadd.s32 $0xFFFFFF00  }
0x59: {  	[tilespmem:s3], [sflag:$0xB] =	stream.indirect.gather [hbm4b:s0+s25], $0x80, s24, s25, $0xb8;
	[tilespmem:$0x1EB80] =	vst v63  }
0x5a: {  	_ =	swait.ge [sflag:s6], $0x2000  }
0x5b: {  	[sflag:s6] =	ssyncset.done $0x0  }
0x5c: {  	s24 =	simm.s32 $0x2800;
	s1 =	rddreg [dreg:$0x8];
	[sflag:s6] =	ssyncadd.s32 $0xFFFFE000  }
0x5d: {  	[spmem:s4] =	stream.indirect.scatter.add.f32 [tilespmem:s24], [sflag:$0xE], $0x80, s1, s25, $0xb8;
	[tilespmem:$0x1EB80] =	vst v63  }
0x5e: {  	v1 =	vld [tilespmem:$0x180];
	_ =	sdelay $0x7  }
0x5f: {  	[tilespmem:v1+s20+$0x0] =	vst.idx.add.f32.msk $0xffff, v0  }
0x60: {  	v1 =	vld [tilespmem:$0x190];
	_ =	sdelay $0x7  }
0x61: {  	[tilespmem:v1+s20+$0x0] =	vst.idx.add.f32.msk $0xffff, v0  }
0x62: {  	v1 =	vld [tilespmem:$0x1A0];
	_ =	sdelay $0x7  }
0x63: {  	[tilespmem:v1+s20+$0x0] =	vst.idx.add.f32.msk $0xffff, v0  }
0x64: {  	v1 =	vld [tilespmem:$0x1B0];
	_ =	sdelay $0x7  }
0x65: {  	s1 =	simm.s32 @!p0 $0x10;
	[tilespmem:v1+s20+$0x0] =	vst.idx.add.f32.msk $0xffff, v0  }
0x66: {  	_ =	swait.ge @!p0 [sflag:s1], $0x2000  }
0x67: {  	[sflag:s1] =	ssyncset.done @!p0 $0x0  }
0x68: {  	[sflag:s1] =	ssyncadd.s32 @!p0 $0xFFFFE000;
	s1 =	sadd.s32 $0xA0, s10  }
0x69: {  	[tilespmem:s17], [sflag:$0x6] =	stream.linear.gather [hbm4b:s1+s15], $0x100, $0x38;
	[tilespmem:$0x1EB80] =	vst v63  }
0x6a: {  	s1 =	simm.s32 $0x4  }
0x6b: {  	_ =	swait.ge [sflag:s1], $0x100  }
0x6c: {  	[sflag:s1] =	ssyncset.done $0x0  }
0x6d: {  	[sflag:s1] =	ssyncadd.s32 $0xFFFFFF00  }
0x6e: {  	[tilespmem:s12], [sflag:$0xC] =	stream.indirect.gather [hbm4b:s0+s25], $0x80, s26, s25, $0xb8;
	[tilespmem:$0x1EB80] =	vst v63  }
0x6f: {  	_ =	swait.ge [sflag:s13], $0x2000  }
0x70: {  	[sflag:s13] =	ssyncset.done $0x0  }
0x71: {  	s26 =	rddreg [dreg:$0x9];
	[sflag:s13] =	ssyncadd.s32 $0xFFFFE000  }
0x72: {  	[spmem:s4] =	stream.indirect.scatter.add.f32 [tilespmem:s3], [sflag:$0xF], $0x80, s26, s25, $0xb8;
	[tilespmem:$0x1EB80] =	vst v63  }
0x73: {  	v1 =	vld [tilespmem:$0x280];
	_ =	sdelay $0x7  }
0x74: {  	[tilespmem:v1+s20+$0x0] =	vst.idx.add.f32.msk $0xffff, v0  }
0x75: {  	v1 =	vld [tilespmem:$0x290];
	_ =	sdelay $0x7  }
0x76: {  	[tilespmem:v1+s20+$0x0] =	vst.idx.add.f32.msk $0xffff, v0  }
0x77: {  	v1 =	vld [tilespmem:$0x2A0];
	_ =	sdelay $0x7  }
0x78: {  	[tilespmem:v1+s20+$0x0] =	vst.idx.add.f32.msk $0xffff, v0  }
0x79: {  	v1 =	vld [tilespmem:$0x2B0];
	_ =	sdelay $0x7  }
0x7a: {  	[tilespmem:v1+s20+$0x0] =	vst.idx.add.f32.msk $0xffff, v0  }
0x7b: {  	_ =	swait.ge [sflag:s14], $0x2000  }
0x7c: {  	[sflag:s14] =	ssyncset.done $0x0  }
0x7d: {  	s1 =	sadd.s32 $0xC0, s10;
	s26 =	simm.s32 $0x600;
	[sflag:s14] =	ssyncadd.s32 $0xFFFFE000  }
0x7e: {  	[tilespmem:s26], [sflag:$0x7] =	stream.linear.gather [hbm4b:s1+s15], $0x100, $0x38;
	[tilespmem:$0x1EB80] =	vst v63  }
0x7f: {  	s1 =	simm.s32 $0x5  }
0x80: {  	_ =	swait.ge [sflag:s1], $0x100  }
0x81: {  	[sflag:s1] =	ssyncset.done $0x0  }
0x82: {  	[sflag:s1] =	ssyncadd.s32 $0xFFFFFF00  }
0x83: {  	[tilespmem:s2], [sflag:$0x9] =	stream.indirect.gather [hbm4b:s0+s25], $0x80, s16, s25, $0xb8;
	[tilespmem:$0x1EB80] =	vst v63  }
0x84: {  	_ =	swait.ge [sflag:s21], $0x2000  }
0x85: {  	[sflag:s21] =	ssyncset.done $0x0  }
0x86: {  	s16 =	rddreg [dreg:$0xa];
	[sflag:s21] =	ssyncadd.s32 $0xFFFFE000  }
0x87: {  	[spmem:s4] =	stream.indirect.scatter.add.f32 [tilespmem:s12], [sflag:$0x10], $0x80, s16, s25, $0xb8;
	[tilespmem:$0x1EB80] =	vst v63  }
0x88: {  	v1 =	vld [tilespmem:$0x380];
	_ =	sdelay $0x7  }
0x89: {  	[tilespmem:v1+s20+$0x0] =	vst.idx.add.f32.msk $0xffff, v0  }
0x8a: {  	v1 =	vld [tilespmem:$0x390];
	_ =	sdelay $0x7  }
0x8b: {  	[tilespmem:v1+s20+$0x0] =	vst.idx.add.f32.msk $0xffff, v0  }
0x8c: {  	v1 =	vld [tilespmem:$0x3A0];
	_ =	sdelay $0x7  }
0x8d: {  	[tilespmem:v1+s20+$0x0] =	vst.idx.add.f32.msk $0xffff, v0  }
0x8e: {  	v1 =	vld [tilespmem:$0x3B0];
	_ =	sdelay $0x7  }
0x8f: {  	[tilespmem:v1+s20+$0x0] =	vst.idx.add.f32.msk $0xffff, v0  }
0x90: {  	_ =	swait.ge [sflag:s9], $0x2000  }
0x91: {  	[sflag:s9] =	ssyncset.done $0x0  }
0x92: {  	s10 =	sadd.s32 $0xE0, s10;
	[sflag:s9] =	ssyncadd.s32 $0xFFFFE000  }
0x93: {  	[tilespmem:s28], [sflag:$0x8] =	stream.linear.gather [hbm4b:s10+s15], $0x100, $0x38;
	[tilespmem:$0x1EB80] =	vst v63  }
0x94: {  	_ =	swait.ge [sflag:s18], $0x100  }
0x95: {  	[sflag:s18] =	ssyncset.done $0x0  }
0x96: {  	[sflag:s18] =	ssyncadd.s32 $0xFFFFFF00  }
0x97: {  	[tilespmem:s24], [sflag:$0xA] =	stream.indirect.gather [hbm4b:s0+s25], $0x80, s17, s25, $0xb8;
	[tilespmem:$0x1EB80] =	vst v63  }
0x98: {  	_ =	swait.ge [sflag:s30], $0x2000  }
0x99: {  	[sflag:s30] =	ssyncset.done $0x0  }
0x9a: {  	s16 =	rddreg [dreg:$0xb];
	[sflag:s30] =	ssyncadd.s32 $0xFFFFE000  }
0x9b: {  	[spmem:s4] =	stream.indirect.scatter.add.f32 [tilespmem:s2], [sflag:$0xD], $0x80, s16, s25, $0xb8;
	[tilespmem:$0x1EB80] =	vst v63  }
0x9c: {  	v1 =	vld [tilespmem:$0x480];
	_ =	sdelay $0x7  }
0x9d: {  	[tilespmem:v1+s20+$0x0] =	vst.idx.add.f32.msk $0xffff, v0  }
0x9e: {  	v1 =	vld [tilespmem:$0x490];
	_ =	sdelay $0x7  }
0x9f: {  	[tilespmem:v1+s20+$0x0] =	vst.idx.add.f32.msk $0xffff, v0  }
0xa0: {  	v1 =	vld [tilespmem:$0x4A0];
	_ =	sdelay $0x7  }
0xa1: {  	[tilespmem:v1+s20+$0x0] =	vst.idx.add.f32.msk $0xffff, v0  }
0xa2: {  	v1 =	vld [tilespmem:$0x4B0];
	_ =	sdelay $0x7  }
0xa3: {  	[tilespmem:v1+s20+$0x0] =	vst.idx.add.f32.msk $0xffff, v0  }
0xa4: {  	s2 =	sadd.s32 $0xFFFFFFFD, s23;
	_ =	swait.ge [sflag:s19], $0x2000  }
0xa5: {  	p1 =	sge.u32 s2, s8;
	s1 =	rddreg [dreg:$0x7];
	[sflag:s19] =	ssyncset.done $0x0  }
0xa6: {  	s16 =	simm.s32 @!p1 $0x0;
	[sflag:s19] =	ssyncadd.s32 $0xFFFFE000;
	s1 =	sadd.s32 @!p1 s31, s1  }
0xa7: {  	[tilespmem:s16], [sflag:$0x1] =	stream.linear.gather @!p1 [hbm4b:s1+s16], $0x100, $0x38;
	[tilespmem:$0x1EB80] =	vst v63  }
0xa8: {  	_ =	swait.ge [sflag:s22], $0x100  }
0xa9: {  	[sflag:s22] =	ssyncset.done $0x0  }
0xaa: {  	[sflag:s22] =	ssyncadd.s32 $0xFFFFFF00  }
0xab: {  	[tilespmem:s3], [sflag:$0xB] =	stream.indirect.gather [hbm4b:s0+s25], $0x80, s26, s25, $0xb8;
	[tilespmem:$0x1EB80] =	vst v63  }
0xac: {  	_ =	swait.ge [sflag:s6], $0x2000  }
0xad: {  	[sflag:s6] =	ssyncset.done $0x0  }
0xae: {  	s10 =	rddreg [dreg:$0xc];
	[sflag:s6] =	ssyncadd.s32 $0xFFFFE000  }
0xaf: {  	[spmem:s4] =	stream.indirect.scatter.add.f32 [tilespmem:s24], [sflag:$0xE], $0x80, s10, s25, $0xb8;
	[tilespmem:$0x1EB80] =	vst v63  }
0xb0: {  	v1 =	vld [tilespmem:$0x580];
	_ =	sdelay $0x7  }
0xb1: {  	[tilespmem:v1+s20+$0x0] =	vst.idx.add.f32.msk $0xffff, v0  }
0xb2: {  	v1 =	vld [tilespmem:$0x590];
	_ =	sdelay $0x7  }
0xb3: {  	[tilespmem:v1+s20+$0x0] =	vst.idx.add.f32.msk $0xffff, v0  }
0xb4: {  	v1 =	vld [tilespmem:$0x5A0];
	_ =	sdelay $0x7  }
0xb5: {  	[tilespmem:v1+s20+$0x0] =	vst.idx.add.f32.msk $0xffff, v0  }
0xb6: {  	v1 =	vld [tilespmem:$0x5B0];
	_ =	sdelay $0x7  }
0xb7: {  	s24 =	sadd.s32 $0xFFFFFFFE, s23;
	[tilespmem:v1+s20+$0x0] =	vst.idx.add.f32.msk $0xffff, v0  }
0xb8: {  	p0 =	sge.u32 s24, s8;
	_ =	swait.ge [sflag:s5], $0x2000  }
0xb9: {  	s1 =	sadd.s32 @!p0 s31, s29;
	s24 =	simm.s32 @!p0 $0x0;
	[sflag:s5] =	ssyncset.done $0x0  }
0xba: {  	s10 =	simm.s32 @!p0 $0x100;
	s1 =	sadd.s32 @!p0 $0x120, s1;
	[sflag:s5] =	ssyncadd.s32 $0xFFFFE000  }
0xbb: {  	[tilespmem:s10], [sflag:$0x2] =	stream.linear.gather @!p0 [hbm4b:s1+s24], $0x100, $0x38;
	[tilespmem:$0x1EB80] =	vst v63  }
0xbc: {  	_ =	swait.ge [sflag:s7], $0x100  }
0xbd: {  	[sflag:s7] =	ssyncset.done $0x0  }
0xbe: {  	[sflag:s7] =	ssyncadd.s32 $0xFFFFFF00  }
0xbf: {  	[tilespmem:s12], [sflag:$0xC] =	stream.indirect.gather [hbm4b:s0+s25], $0x80, s28, s25, $0xb8;
	[tilespmem:$0x1EB80] =	vst v63  }
0xc0: {  	_ =	swait.ge [sflag:s13], $0x2000  }
0xc1: {  	[sflag:s13] =	ssyncset.done $0x0  }
0xc2: {  	s26 =	rddreg [dreg:$0xd];
	[sflag:s13] =	ssyncadd.s32 $0xFFFFE000  }
0xc3: {  	[spmem:s4] =	stream.indirect.scatter.add.f32 [tilespmem:s3], [sflag:$0xF], $0x80, s26, s25, $0xb8;
	[tilespmem:$0x1EB80] =	vst v63  }
0xc4: {  	v1 =	vld [tilespmem:$0x680];
	_ =	sdelay $0x7  }
0xc5: {  	[tilespmem:v1+s20+$0x0] =	vst.idx.add.f32.msk $0xffff, v0  }
0xc6: {  	v1 =	vld [tilespmem:$0x690];
	_ =	sdelay $0x7  }
0xc7: {  	[tilespmem:v1+s20+$0x0] =	vst.idx.add.f32.msk $0xffff, v0  }
0xc8: {  	v1 =	vld [tilespmem:$0x6A0];
	_ =	sdelay $0x7  }
0xc9: {  	[tilespmem:v1+s20+$0x0] =	vst.idx.add.f32.msk $0xffff, v0  }
0xca: {  	v1 =	vld [tilespmem:$0x6B0];
	_ =	sdelay $0x7  }
0xcb: {  	s2 =	sadd.s32 $0xFFFFFFFF, s23;
	[tilespmem:v1+s20+$0x0] =	vst.idx.add.f32.msk $0xffff, v0  }
0xcc: {  	p2 =	sge.u32 s2, s8;
	_ =	swait.ge [sflag:s14], $0x2000  }
0xcd: {  	s24 =	simm.s32 @!p2 $0x0;
	s1 =	rddreg [dreg:$0x6];
	[sflag:s14] =	ssyncset.done $0x0  }
0xce: {  	s26 =	simm.s32 @!p2 $0x200;
	[sflag:s14] =	ssyncadd.s32 $0xFFFFE000;
	s1 =	sadd.s32 @!p2 s31, s1  }
0xcf: {  	[tilespmem:s26], [sflag:$0x3] =	stream.linear.gather @!p2 [hbm4b:s1+s24], $0x100, $0x38;
	[tilespmem:$0x1EB80] =	vst v63  }
0xd0: {  	s1 =	simm.s32 @!p1 $0x1  }
0xd1: {  	_ =	swait.ge @!p1 [sflag:s1], $0x100  }
0xd2: {  	[sflag:s1] =	ssyncset.done @!p1 $0x0  }
0xd3: {  	s24 =	simm.s32 @!p1 $0x800;
	[sflag:s1] =	ssyncadd.s32 @!p1 $0xFFFFFF00;
	s1 =	simm.s32 @!p1 $0x40  }
0xd4: {  	[tilespmem:s24], [sflag:$0x9] =	stream.indirect.gather @!p1 [hbm4b:s0+s1], $0x80, s16, s1, $0xb8;
	[tilespmem:$0x1EB80] =	vst v63  }
0xd5: {  	_ =	swait.ge [sflag:s21], $0x2000  }
0xd6: {  	[sflag:s21] =	ssyncset.done $0x0  }
0xd7: {  	s24 =	rddreg [dreg:$0xe];
	[sflag:s21] =	ssyncadd.s32 $0xFFFFE000  }
0xd8: {  	[spmem:s4] =	stream.indirect.scatter.add.f32 [tilespmem:s12], [sflag:$0x10], $0x80, s24, s25, $0xb8;
	[tilespmem:$0x1EB80] =	vst v63  }
0xd9: {  	v1 =	vld [tilespmem:$0x780];
	_ =	sdelay $0x7  }
0xda: {  	[tilespmem:v1+s20+$0x0] =	vst.idx.add.f32.msk $0xffff, v0  }
0xdb: {  	v1 =	vld [tilespmem:$0x790];
	_ =	sdelay $0x7  }
0xdc: {  	[tilespmem:v1+s20+$0x0] =	vst.idx.add.f32.msk $0xffff, v0  }
0xdd: {  	v1 =	vld [tilespmem:$0x7A0];
	_ =	sdelay $0x7  }
0xde: {  	[tilespmem:v1+s20+$0x0] =	vst.idx.add.f32.msk $0xffff, v0  }
0xdf: {  	v1 =	vld [tilespmem:$0x7B0];
	_ =	sdelay $0x7  }
0xe0: {  	[tilespmem:v1+s20+$0x0] =	vst.idx.add.f32.msk $0xffff, v0  }
0xe1: {  	p1 =	sge.u32 s23, s8;
	_ =	swait.ge [sflag:s9], $0x2000  }
0xe2: {  	s1 =	sadd.s32 @!p1 s31, s29;
	s16 =	simm.s32 @!p1 $0x0;
	[sflag:s9] =	ssyncset.done $0x0  }
0xe3: {  	s1 =	sadd.s32 @!p1 $0x160, s1;
	s24 =	simm.s32 @!p1 $0x300;
	[sflag:s9] =	ssyncadd.s32 $0xFFFFE000  }
0xe4: {  	[tilespmem:s24], [sflag:$0x4] =	stream.linear.gather @!p1 [hbm4b:s1+s16], $0x100, $0x38;
	[tilespmem:$0x1EB80] =	vst v63  }
0xe5: {  	s1 =	simm.s32 @!p0 $0x2  }
0xe6: {  	_ =	swait.ge @!p0 [sflag:s1], $0x100  }
0xe7: {  	s31 =	sadd.s32 $0x100, s31;
	[sflag:s1] =	ssyncset.done @!p0 $0x0  }
0xe8: {  	s16 =	simm.s32 @!p0 $0x2800;
	[sflag:s1] =	ssyncadd.s32 @!p0 $0xFFFFFF00;
	s1 =	simm.s32 @!p0 $0x40  }
0xe9: {  	[tilespmem:s16], [sflag:$0xA] =	stream.indirect.gather @!p0 [hbm4b:s0+s1], $0x80, s10, s1, $0xb8;
	[tilespmem:$0x1EB80] =	vst v63  }
0xea: {  	p0 =	sne.s32 s31, $0x1400  }
.Ltmp0:
0xeb: {  	_ = 	snop;
	(pc) =	sbr.rel @p0 .LBB2_2-.Ltmp0, $2  }
0xec: {  	_ =	sdelay $0x2  }
0xed: {  	s26 =	simm.s32 $0x300;
	s23 =	sadd.s32 $0x8, s23;
	s24 =	simm.s32 $0x200  }
0xee: {  	_ =	swait.ge [sflag:s19], $0x2000  }
0xef: {  	[sflag:s19] =	ssyncset.done $0x0  }
0xf0: {  	[sflag:s19] =	ssyncadd.s32 $0xFFFFE000  }
0xf1: {  	_ =	swait.ge [sflag:s5], $0x2000  }
0xf2: {  	[sflag:s5] =	ssyncset.done $0x0  }
0xf3: {  	[sflag:s5] =	ssyncadd.s32 $0xFFFFE000  }
0xf4: {  	[bflag:$0x0] =	sbarrier.arrive $0xFFFF  }
0xf5: {  	s16 =	rddreg [dreg:$0x10]  }
0xf6: {  	s1 =	rddreg [dreg:$0x15]  }
0xf7: {  	s23 =	simm.s32 $0x11;
	s10 =	rddreg [dreg:$0x19]  }
0xf8: {  	[hbm:s1], [sflag:s16] =	dma.local [spmem:s10], $0x2780  }
0xf9: {  	_ =	swait.ge [sflag:s23], $0x2780  }
0xfa: {  	[sflag:s23] =	ssyncset.done $0x0  }
0xfb: {  	s2 =	simm.s32 $0x80;
	s7 =	rddreg [dreg:$0x16];
	[sflag:s23] =	ssyncadd.s32 $0xFFFFD880  }
0xfc: {  	[hbm4b:s7+s2] =	stream.strided.scatter [tilespmem:s20], [sflag:$0x11], $0x2780, s11, s2, $0x38;
	[tilespmem:$0x1EB80] =	vst v63  }
0xfd: {  	_ =	swait.ge [sflag:s23], $0x2780  }
0xfe: {  	s7 =	rddreg [dreg:$0x1b]  }
0xff: {  	s31 =	rddreg [dreg:$0x17];
	s7 =	sadd.s32 $0x1, s7  }
0x100: {  	p0 =	sne.s32 s7, s31  }
.Ltmp1:
0x101: {  	_ = 	snop;
	(pc) =	sbr.rel @p0 .LBB2_1-.Ltmp1, $3  }
0x102: {  	_ =	sdelay $0x1  }
0x103: {  	s29 =	simm.s32 $0x800;
	[sflag:s23] =	ssyncset.done $0x0  }
0x104: {  	s5 =	simm.s32 $0x0;
	s2 =	simm.s32 $0x2800;
	[sflag:s23] =	ssyncadd.s32 $0xFFFFD880  }
0x105: {  	_ =	sfence.sel $0x180000  }
0x106: {  	[bflag:$0x0] =	sbarrier.arrive $0xFFFF  }
0x107: {  	_ =	strace $0x90000047  }
0x108: {  	s0 =	stileid.u32;
	[bflag:$0x2] =	sbarrier.arrive $0xFFFF  }
0x109: {  	p0 =	sne.s32 s0, $0x0;
	s0 =	rddreg [dreg:$0x4]  }
0x10a: {  	s0 =	sadd.s32 @!p0 $0x100000, s0  }
0x10b: {  	[sflag:s0] =	ssyncadd.tile.s32 @!p0 $0x1;
	_ =	shalt  }
.Lfunc_end2:
_tile_overlayer_lowered:
.L_overlay_start_2:
0x10c: {  	(tag) =	ssettag $0x2  }
0x10d: {  	s0 =	rddreg [dreg:$0x0];
	s2 =	stileid.u32  }
0x10e: {  	s1 =	rddreg [dreg:$0x1];
	p0 =	sne.s32 s2, $0x0  }
0x10f: {  	s3 =	rddreg [dreg:$0x2];
	[bflag:$0x3] =	sbarrier.arrive $0xFFFF;
	s2 =	simm.s32 @!p0 $0x1C11  }
0x110: {  	[timem:s3], [sflag:s2] =	dma.local @!p0 [hbm:s0], s1  }
0x111: {  	s0 =	simm.s32 @!p0 $0x11  }
0x112: {  	_ =	swait.ge @!p0 [sflag:s0], s1  }
0x113: {  	s1 =	ssub.s32 @!p0 $0x0, s1;
	[sflag:s0] =	ssyncset.done @!p0 $0x0  }
0x114: {  	[sflag:s0] =	ssyncadd.s32 @!p0 s1  }
0x115: {  	[bflag:$0x3] =	sbarrier.arrive $0xFFFF  }
0x116: {  	_ =	shalt  }

// kernel: kernel.9.cloned.1.call-start
scs
__scs_entry_jumppad:
0x0: {  	(pc) =	sbr.rel $0x88, $3  }
0x1: {  	(tag) =	ssettag $0x0;
	lr =	simm.s32 $0x1  }
0x2: {  	[smem:$0x3F99] =	sst lr;
	_ =	strace $0xD0000000  }
0x3: {  	_ = 	snop  }
0x4: {  	_ = 	snop  }
0x5: {  	_ = 	snop  }
0x6: {  	_ = 	snop  }
0x7: {  	_ = 	snop  }
__scs_overlays_trampoline_lowered:
0x8: {  	[smem:$0x3FA8] =	sst s0  }
0x9: {  	[smem:$0x3FA9] =	sst s1  }
0xa: {  	[smem:$0x3FAA] =	sst s2  }
0xb: {  	[smem:$0x3FAB] =	sst s3  }
0xc: {  	[smem:$0x3FAC] =	sst s4  }
0xd: {  	[smem:$0x3FAD] =	sst s5  }
0xe: {  	[smem:$0x3FAE] =	sst s6  }
0xf: {  	[smem:$0x3FAF] =	sst s7  }
0x10: {  	[smem:$0x3FB0] =	sst s8  }
0x11: {  	[smem:$0x3FB1] =	sst s9;
	s0 =	simm.s32 @!p0 $0x0  }
0x12: {  	s1 =	sld [smem:$0x3F97];
	s0 =	simm.s32 @p0 $0x1  }
0x13: {  	[smem:$0x3FB2] =	sst s0;
	s0 =	simm.s32 @!p1 $0x0  }
0x14: {  	s2 =	sld [smem:$0x3F96];
	s0 =	simm.s32 @p1 $0x1  }
0x15: {  	[smem:$0x3FB3] =	sst s0;
	s0 =	simm.s32 @!p2 $0x0  }
0x16: {  	s3 =	sld [smem:$0x3FDB];
	s0 =	simm.s32 @p2 $0x1  }
0x17: {  	s4 =	simm.s32 $0x1BF5;
	[smem:$0x3FB5] =	sst s0  }
0x18: {  	s0 =	sld [smem:$0x3F98];
	_ =	swait.ge [sflag:s4], $0x0  }
0x19: {  	s7 =	sld [smem:$0x3F99]  }
0x1a: {  	s8 =	sadd.s32 $0xFFFFE003, lr  }
0x1b: {  	s9 =	sadd.s32 $0xFFFFFEF7, lr;
	s5 =	simm.s32 $0xFFFFFFFF;
	p2 =	slt.u32 s8, $0xFFFFF086  }
0x1c: {  	p1 =	slt.u32 s9, $0xF7A;
	s5 =	simm.s32 @!p2 $0x0  }
0x1d: {  	s5 =	simm.s32 @p1 $0x1;
	p0 =	seq.s32 s7, s2  }
0x1e: {  	s7 =	smul.u32 @!p0 $0xF7A, s2;
	p2 =	seq.s32 @!p0 s5, $0x0  }
0x1f: {  	s9 =	smul.u32 $0xF7A, s1;
	s8 =	simm.s32 @!p0 $0x1BF5;
	p2 =	por !p2, p0  }
0x20: {  	[sflag:s8] =	ssyncset.s32 @!p0 $0xFFFFF086;
	s6 =	sadd.s32 @!p0 s3, s7;
	s7 =	simm.s32 @!p0 $0x108  }
0x21: {  	s3 =	sadd.s32 s3, s9;
	s6 =	sadd.s32 @!p0 $0x88, s6;
	s7 =	simm.s32 @p2 $0x1082  }
0x22: {  	[simem:s7], [sflag:s8] =	dma.local @!p0 [hbm:s6], $0xF7A  }
0x23: {  	s9 =	sor.u32 $0xD0000000, s2;
	s6 =	simm.s32 $0x108;
	_ =	swait.ge @!p0 [sflag:s8], $0x0  }
0x24: {  	s3 =	sadd.s32 $0x88, s3;
	s6 =	simm.s32 @!p1 $0x1082;
	[sflag:s4] =	ssyncset.s32 $0xFFFFF086  }
0x25: {  	[simem:s6], [sflag:s4] =	dma.local [hbm:s3], $0xF7A  }
0x26: {  	[smem:$0x3F99] =	sst s1;
	(tag) =	ssettag s2;
	_ =	strace s9  }
0x27: {  	s1 =	sld [smem:$0x3FA9]  }
0x28: {  	s2 =	sld [smem:$0x3FAA]  }
0x29: {  	s4 =	sld [smem:$0x3FAC]  }
0x2a: {  	p0 =	seq.s32 s5, $0x0;
	s5 =	sld [smem:$0x3FAD]  }
0x2b: {  	s6 =	sld [smem:$0x3FAE]  }
0x2c: {  	s7 =	sld [smem:$0x3FAF]  }
0x2d: {  	s3 =	simm.s32 $0x108;
	s8 =	sld [smem:$0x3FB0]  }
0x2e: {  	s3 =	simm.s32 @!p0 $0x1082;
	s9 =	sld [smem:$0x3FB1]  }
0x2f: {  	lr =	sadd.s32 s0, s3;
	s0 =	sld [smem:$0x3FA8]  }
0x30: {  	s3 =	sld [smem:$0x3FAB]  }
0x31: {  	[smem:$0x3FB4] =	sst s10  }
0x32: {  	s10 =	sld [smem:$0x3FB2];
	_ =	sdelay $0x3  }
0x33: {  	p0 =	seq.s32 s10, $0x1;
	s10 =	sld [smem:$0x3FB4];
	_ =	sdelay $0x3  }
0x34: {  	[smem:$0x3FB4] =	sst s10  }
0x35: {  	s10 =	sld [smem:$0x3FB3];
	_ =	sdelay $0x3  }
0x36: {  	p1 =	seq.s32 s10, $0x1;
	s10 =	sld [smem:$0x3FB4];
	_ =	sdelay $0x3  }
0x37: {  	[smem:$0x3FB4] =	sst s10  }
0x38: {  	s10 =	sld [smem:$0x3FB5]  }
0x39: {  	_ = 	snop;
	(pc) =	sbr.ind lr, $3  }
0x3a: {  	_ = 	snop  }
0x3b: {  	_ = 	snop  }
0x3c: {  	p2 =	seq.s32 s10, $0x1;
	s10 =	sld [smem:$0x3FB4]  }
0x3d: {  	_ =	shalt  }
0x3e: {  	_ =	shalt  }
0x3f: {  	_ =	shalt  }
0x40: {  	_ =	shalt  }
0x41: {  	_ =	shalt  }
0x42: {  	_ =	shalt  }
0x43: {  	_ =	shalt  }
0x44: {  	_ =	shalt  }
0x45: {  	_ =	shalt  }
0x46: {  	_ =	shalt  }
0x47: {  	_ =	shalt  }
0x48: {  	_ =	shalt  }
0x49: {  	_ =	shalt  }
0x4a: {  	_ =	shalt  }
0x4b: {  	_ =	shalt  }
0x4c: {  	_ =	shalt  }
0x4d: {  	_ =	shalt  }
0x4e: {  	_ =	shalt  }
0x4f: {  	_ =	shalt  }
0x50: {  	_ =	shalt  }
0x51: {  	_ =	shalt  }
0x52: {  	_ =	shalt  }
0x53: {  	_ =	shalt  }
0x54: {  	_ =	shalt  }
0x55: {  	_ =	shalt  }
0x56: {  	_ =	shalt  }
0x57: {  	_ =	shalt  }
0x58: {  	_ =	shalt  }
0x59: {  	_ =	shalt  }
0x5a: {  	_ =	shalt  }
0x5b: {  	_ =	shalt  }
0x5c: {  	_ =	shalt  }
0x5d: {  	_ =	shalt  }
0x5e: {  	_ =	shalt  }
0x5f: {  	_ =	shalt  }
0x60: {  	_ =	shalt  }
0x61: {  	_ =	shalt  }
0x62: {  	_ =	shalt  }
0x63: {  	_ =	shalt  }
0x64: {  	_ =	shalt  }
0x65: {  	_ =	shalt  }
0x66: {  	_ =	shalt  }
0x67: {  	_ =	shalt  }
0x68: {  	_ =	shalt  }
0x69: {  	_ =	shalt  }
0x6a: {  	_ =	shalt  }
0x6b: {  	_ =	shalt  }
0x6c: {  	_ =	shalt  }
0x6d: {  	_ =	shalt  }
0x6e: {  	_ =	shalt  }
0x6f: {  	_ =	shalt  }
0x70: {  	_ =	shalt  }
0x71: {  	_ =	shalt  }
0x72: {  	_ =	shalt  }
0x73: {  	_ =	shalt  }
0x74: {  	_ =	shalt  }
0x75: {  	_ =	shalt  }
0x76: {  	_ =	shalt  }
0x77: {  	_ =	shalt  }
0x78: {  	_ =	shalt  }
0x79: {  	_ =	shalt  }
0x7a: {  	_ =	shalt  }
0x7b: {  	_ =	shalt  }
0x7c: {  	_ =	shalt  }
0x7d: {  	_ =	shalt  }
0x7e: {  	_ =	shalt  }
0x7f: {  	_ =	shalt  }
0x80: {  	_ =	shalt  }
0x81: {  	_ =	shalt  }
0x82: {  	_ =	shalt  }
0x83: {  	_ =	shalt  }
0x84: {  	_ =	shalt  }
0x85: {  	_ =	shalt  }
0x86: {  	_ =	shalt  }
0x87: {  	_ =	shalt  }
.Lfunc_end0:
.L_simem_size_0:
called_computation.1_lowered:
.L_overlay_start_0:
0x88: {  	s2 =	sld [smem:$0x3FD9]  }
0x89: {  	s3 =	sld [smem:$0x3FFE];
	_ =	sdelay $0x1  }
0x8a: {  	s1 =	srdreg.scid  }
0x8b: {  	s0 =	sand.u32 $0x1, s1  }
0x8c: {  	s17 =	sshll.u32 s0, $0xA;
	s2 =	sadd.s32 s3, s2  }
0x8d: {  	s2 =	sadd.s32 s2, s17  }
0x8e: {  	[smem:$0x3FC0] =	sst s2  }
0x8f: {  	_ = 	snop  }
0x90: {  	s2 =	sld [smem:$0x3FD0];
	(tm) =	ssettm $0x1  }
0x91: {  	s18 =	sld [smem:$0x3FFB];
	_ =	sdelay $0x3  }
0x92: {  	_ =	strace s18  }
0x93: {  	s3 =	sld [smem:$0x3FFC];
	_ =	sdelay $0x3  }
0x94: {  	_ =	strace s3  }
0x95: {  	s3 =	sld [smem:$0x3FFD];
	_ =	sdelay $0x3  }
0x96: {  	_ =	strace s3  }
0x97: {  	_ =	strace $0x8FFFFFFF  }
0x98: {  	s19 =	sld [smem:$0x3FDB];
	_ =	sdelay $0x1  }
0x99: {  	s4 =	simm.s32 $_scs_section_size  }
0x9a: {  	s5 =	simm.s32 $_size__tile_overlayer_lowered;
	s6 =	simm.s32 $_tile_overlayer_lowered  }
0x9b: {  	s22 =	simm.s32 $0x1BFF;
	s21 =	sshll.u32 s6, $0x1;
	s3 =	sadd.s32 s4, s19  }
0x9c: {  	s7 =	simm.s32 $0x0;
	s20 =	sshll.u32 s5, $0x1;
	s5 =	sadd.s32 s21, s3  }
0x9d: {  	[timem:s7], [sflag:s22] =	dma.local [hbm:s5], s20  }
0x9e: {  	_ =	swait.ge [sflag:s22], s20  }
0x9f: {  	s4 =	ssub.s32 $0x0, s20;
	[sflag:s22] =	ssyncset.done $0x0  }
0xa0: {  	[sflag:s22] =	ssyncadd.s32 s4;
	_ =	sdelay $0x1  }
0xa1: {  	s23 =	simm.s32 $0x1B8B  }
0xa2: {  	_ =	swait.ge [sflag:s23], $0x1  }
0xa3: {  	[sflag:s23] =	ssyncset.done $0x0  }
0xa4: {  	s25 =	simm.s32 $0x1B8E;
	s24 =	sld [smem:$0x3FFE];
	[sflag:s23] =	ssyncadd.s32 $0xFFFFFFFF  }
0xa5: {  	s26 =	simm.s32 $execute0_lowered;
	[smem:$0x3FD2] =	sst s25  }
0xa6: {  	s5 =	sshll.u32 s26, $0x1;
	_ =	strace $0x80000049;
	[dreg:$0x1] =	wrdreg $0xFFFFFFFF  }
0xa7: {  	s28 =	simm.s32 $_size_execute0_lowered;
	s3 =	sadd.s32 s3, s5;
	[dreg:$0x0] =	wrdreg $0x0  }
0xa8: {  	s5 =	sshll.u32 s28, $0x1;
	[dreg:$0x2] =	wrdreg s3  }
0xa9: {  	[dreg:$0x3] =	wrdreg s5  }
0xaa: {  	[dreg:$0x4] =	wrdreg $0xC0  }
0xab: {  	_ =	task [dreg:s7], $0x5FFFF  }
0xac: {  	[dreg:$0x1] =	wrdreg $0xFFFFFFFF  }
0xad: {  	[dreg:$0x0] =	wrdreg $0x60  }
0xae: {  	[dreg:$0x2] =	wrdreg s2  }
0xaf: {  	[dreg:$0x3] =	wrdreg s24  }
0xb0: {  	[dreg:$0x4] =	wrdreg $0x88000  }
0xb1: {  	[dreg:$0x5] =	wrdreg $0x9  }
0xb2: {  	_ =	task.clear_ibuf [dreg:s7], $0x6FFFF;
	_ =	strace $0x90000049  }
0xb3: {  	s29 =	simm.s32 $0x9;
	_ =	strace $0x8000004B  }
0xb4: {  	_ =	swait.ge [sflag:s29], $0x1  }
0xb5: {  	[sflag:s29] =	ssyncadd.s32 $0xFFFFFFFF  }
0xb6: {  	_ =	strace $0x9000004B  }
0xb7: {  	_ =	sfence  }
0xb8: {  	s30 =	sld [smem:$0x0];
	_ =	sdelay $0x2  }
0xb9: {  	s31 =	sshll.u32 s1, $0xD;
	s1 =	sshrl.u32 s1, $0x2  }
0xba: {  	s3 =	sand.u32 $0x4000, s31;
	s1 =	sadd.s32 s1, s30  }
0xbb: {  	s0 =	sor.u32 s3, s0;
	s1 =	sshll.u32 s1, $0x11  }
0xbc: {  	s0 =	sor.u32 s1, s0  }
0xbd: {  	s0 =	sadd.s32 $0x8F2B, s0  }
0xbe: {  	[sflag:s0] =	ssyncadd.remote.s32 $0x1  }
0xbf: {  	_ =	sfence.sel $0xFFFF  }
0xc0: {  	[dreg:$0x0] =	wrdreg $0xFFFFFFFF;
	(pc) =	sbr.abs _section_cstart, $3  }
0xc1: {  	[dreg:$0x1] =	wrdreg $0xFFFFFFFF  }
0xc2: {  	_ =	task.clear_ibuf [dreg:s7], $0x2FFFF;
	_ =	strace $0x9FFFFFFF  }
0xc3: {  	(tm) =	ssettm $0x7FFFFFFF  }
tec
execute0_lowered:
.L_overlay_start_1:
0x0: {  	(tag) =	ssettag $0x1  }
0x1: {  	s0 =	rddreg [dreg:$0x0]  }
0x2: {  	s1 =	rddreg [dreg:$0x1]  }
0x3: {  	s2 =	srdreg.scid;
	s3 =	rddreg [dreg:$0x2]  }
0x4: {  	s12 =	stileid.u32;
	s4 =	simm.s32 $0x0;
	s29 =	simm.s32 $0x800  }
0x5: {  	s30 =	simm.s32 $0x4800;
	s31 =	simm.s32 $0xA;
	s6 =	smul.u32 $0x13C00, s12  }
0x6: {  	s28 =	simm.s32 $0x6;
	s2 =	sand.u32 $0x1, s2;
	s9 =	smul.u32 $0x4F000, s12  }
0x7: {  	[smem:$0x7FF] =	sst s4;
	s7 =	sadd.s32 $0x2400, s1;
	s20 =	smul.u32 $0xA0, s12  }
0x8: {  	s15 =	sadd.s32 $0x2A400, s1;
	s19 =	sshll.u32 s12, $0x6;
	s23 =	smul.u32 $0x1400, s12  }
0x9: {  	s5 =	smul.u32 $0x13C000, s2;
	_ =	strace $0x8000004A;
	[dreg:$0xf] =	wrdreg s15  }
0xa: {  	s16 =	sshll.u32 s2, $0x4;
	s8 =	ssub.s32 $0x2, s2;
	s11 =	smul.u32 $0xA00, s2  }
0xb: {  	s15 =	sor.u32 $0x1C11, s19;
	s2 =	smul.u32 $0x14000, s2;
	s19 =	simm.s32 $0x380  }
0xc: {  	s17 =	sshrl.u32 s8, $0x1;
	s18 =	sshrl.u32 s9, $0x2;
	[dreg:$0xa] =	wrdreg s19  }
0xd: {  	s19 =	simm.s32 $0x400;
	[dreg:$0x10] =	wrdreg s15;
	s5 =	sadd.s32 s6, s5  }
0xe: {  	s6 =	sor.u32 s12, s16;
	s9 =	sadd.s32 s18, s3;
	s2 =	sadd.s32 s2, s7  }
0xf: {  	s16 =	simm.s32 $0x80;
	s18 =	simm.s32 $0x280;
	s10 =	smul.u32 $0xA0, s6  }
0x10: {  	s5 =	sshrl.u32 s5, $0x3;
	s6 =	smul.u32 $0x1400, s6;
	s26 =	sadd.s32 s23, s2  }
0x11: {  	s2 =	sshrl.u32 s9, $0x3;
	[dreg:$0x7] =	wrdreg s16;
	s23 =	simm.s32 $0x200  }
0x12: {  	[dreg:$0x9] =	wrdreg s18;
	s9 =	simm.s32 $0xB;
	s16 =	simm.s32 $0x600  }
0x13: {  	s18 =	simm.s32 $0xE;
	s1 =	sadd.s32 s5, s1;
	[dreg:$0x4] =	wrdreg s26  }
0x14: {  	s5 =	ssub.s32 s8, s17;
	s17 =	simm.s32 $0x180;
	[dreg:$0x18] =	wrdreg s2  }
0x15: {  	s26 =	simm.s32 $0x780;
	s13 =	sadd.s32 s7, s6;
	[dreg:$0x8] =	wrdreg s17  }
0x16: {  	s8 =	sadd.s32 $0xA0, s10;
	s6 =	sadd.s32 s20, s11;
	[dreg:$0xe] =	wrdreg s26  }
0x17: {  	s1 =	sadd.s32 $0x2CC00, s1;
	s10 =	smax.u32 s5, $0x1;
	[dreg:$0x11] =	wrdreg s13  }
0x18: {  	s20 =	simm.s32 $0x480;
	s26 =	simm.s32 $0x9;
	[dreg:$0x15] =	wrdreg s1  }
0x19: {  	s5 =	simm.s32 $0x6800;
	s17 =	simm.s32 $0x5;
	[dreg:$0x16] =	wrdreg s10  }
0x1a: {  	s21 =	sadd.s32 $0x20, s13;
	s22 =	sadd.s32 $0x40, s13;
	[dreg:$0xb] =	wrdreg s20  }
0x1b: {  	s24 =	sadd.s32 $0x60, s13;
	s25 =	sshll.u32 s6, $0x5;
	[dreg:$0x12] =	wrdreg s21  }
0x1c: {  	s12 =	sor.u32 $0xB, s6;
	s20 =	simm.s32 $0x500;
	[dreg:$0x13] =	wrdreg s22  }
0x1d: {  	s6 =	simm.s32 $0x4;
	s10 =	simm.s32 $0xD;
	[dreg:$0x14] =	wrdreg s24  }
0x1e: {  	s13 =	sadd.s32 s25, s7;
	[dreg:$0x17] =	wrdreg s12;
	s7 =	simm.s32 $0x11  }
0x1f: {  	s25 =	simm.s32 $0x300;
	s21 =	simm.s32 $0x580;
	s22 =	simm.s32 $0x40  }
0x20: {  	s24 =	simm.s32 $0x680;
	s12 =	simm.s32 $0x2800;
	[dreg:$0xc] =	wrdreg s21  }
0x21: {  	s11 =	sadd.s32 $0x140, s13;
	s14 =	sadd.s32 $0x100, s13;
	[dreg:$0xd] =	wrdreg s24  }
0x22: {  	s24 =	simm.s32 $0x700;
	s21 =	simm.s32 $0x0;
	[dreg:$0x5] =	wrdreg s11  }
0x23: {  	[dreg:$0x6] =	wrdreg s14;
	s11 =	simm.s32 $0x3;
	s14 =	simm.s32 $0xC  }
.LBB2_1:
0x24: {  	[dreg:$0x19] =	wrdreg s21  }
0x25: {  	s1 =	rddreg [dreg:$0xf]  }
0x26: {  	[spmem:s2], [sflag:s15] =	dma.local [hbm:s1], $0x2780  }
0x27: {  	_ =	swait.ge [sflag:s7], $0x2780  }
0x28: {  	[sflag:s7] =	ssyncset.done $0x0  }
0x29: {  	[sflag:s7] =	ssyncadd.s32 $0xFFFFD880  }
0x2a: {  	[bflag:$0x0] =	sbarrier.arrive $0xFFFF  }
0x2b: {  	s15 =	rddreg [dreg:$0x11]  }
0x2c: {  	[tilespmem:s4], [sflag:$0x1] =	stream.linear.gather [hbm4b:s15+s4], $0x100, $0x38;
	[tilespmem:$0x1C400] =	vst v63  }
0x2d: {  	s2 =	simm.s32 $0x100;
	s21 =	rddreg [dreg:$0x12]  }
0x2e: {  	[tilespmem:s2], [sflag:$0x2] =	stream.linear.gather [hbm4b:s21+s4], $0x100, $0x38;
	[tilespmem:$0x1C400] =	vst v63  }
0x2f: {  	s7 =	rddreg [dreg:$0x13]  }
0x30: {  	[tilespmem:s23], [sflag:$0x3] =	stream.linear.gather [hbm4b:s7+s4], $0x100, $0x38;
	[tilespmem:$0x1C400] =	vst v63  }
0x31: {  	s15 =	rddreg [dreg:$0x14];
	s21 =	simm.s32 $0x1  }
0x32: {  	[tilespmem:s25], [sflag:$0x4] =	stream.linear.gather [hbm4b:s15+s4], $0x100, $0x38;
	[tilespmem:$0x1C400] =	vst v63  }
0x33: {  	_ =	swait.ge [sflag:s21], $0x100  }
0x34: {  	[sflag:s21] =	ssyncset.done $0x0  }
0x35: {  	s7 =	simm.s32 $0x2;
	[sflag:s21] =	ssyncadd.s32 $0xFFFFFF00  }
0x36: {  	[tilespmem:s29], [sflag:$0x9] =	stream.indirect.gather [hbm4b:s0+s22], $0x80, s4, s22, $0xb8;
	[tilespmem:$0x1C400] =	vst v63  }
0x37: {  	_ =	swait.ge [sflag:s7], $0x100  }
0x38: {  	[sflag:s7] =	ssyncset.done $0x0  }
0x39: {  	[sflag:s7] =	ssyncadd.s32 $0xFFFFFF00  }
0x3a: {  	[tilespmem:s12], [sflag:$0xA] =	stream.indirect.gather [hbm4b:s0+s22], $0x80, s2, s22, $0xb8;
	[tilespmem:$0x1C400] =	vst v63  }
0x3b: {  	_ =	swait.ge [sflag:s26], $0x2000  }
0x3c: {  	p0 =	por $0x1, $0x1;
	[sflag:s26] =	ssyncset.done $0x0  }
0x3d: {  	s7 =	simm.s32 @!p0 $0xF;
	s15 =	rddreg [dreg:$0x7];
	[sflag:s26] =	ssyncadd.s32 $0xFFFFE000  }
0x3e: {  	[spmem:s3] =	stream.indirect.scatter.add.f32 [tilespmem:s29], [sflag:$0xD], $0x80, s15, s22, $0xb8;
	[tilespmem:$0x1C400] =	vst v63  }
0x3f: {  	_ =	swait.ge @!p0 [sflag:s7], $0x2000  }
0x40: {  	s21 =	rddreg [dreg:$0x4]  }
0x41: {  	[sflag:s7] =	ssyncset.done @!p0 $0x0;
	s1 =	sadd.s32 $0x0, s21  }
0x42: {  	[sflag:s7] =	ssyncadd.s32 @!p0 $0xFFFFE000;
	s2 =	sadd.s32 $0x80, s1  }
0x43: {  	[tilespmem:s19], [sflag:$0x5] =	stream.linear.gather [hbm4b:s2+s4], $0x100, $0x38;
	[tilespmem:$0x1C400] =	vst v63  }
0x44: {  	_ =	swait.ge [sflag:s11], $0x100  }
0x45: {  	[sflag:s11] =	ssyncset.done $0x0  }
0x46: {  	[sflag:s11] =	ssyncadd.s32 $0xFFFFFF00  }
0x47: {  	[tilespmem:s30], [sflag:$0xB] =	stream.indirect.gather [hbm4b:s0+s22], $0x80, s23, s22, $0xb8;
	[tilespmem:$0x1C400] =	vst v63  }
0x48: {  	_ =	swait.ge [sflag:s31], $0x2000  }
0x49: {  	[sflag:s31] =	ssyncset.done $0x0  }
0x4a: {  	s11 =	simm.s32 @!p0 $0x10;
	s15 =	rddreg [dreg:$0x8];
	[sflag:s31] =	ssyncadd.s32 $0xFFFFE000  }
0x4b: {  	[spmem:s3] =	stream.indirect.scatter.add.f32 [tilespmem:s12], [sflag:$0xE], $0x80, s15, s22, $0xb8;
	[tilespmem:$0x1C400] =	vst v63  }
0x4c: {  	_ =	swait.ge @!p0 [sflag:s11], $0x2000  }
0x4d: {  	[sflag:s11] =	ssyncset.done @!p0 $0x0  }
0x4e: {  	s21 =	sadd.s32 $0xA0, s1;
	[sflag:s11] =	ssyncadd.s32 @!p0 $0xFFFFE000  }
0x4f: {  	[tilespmem:s20], [sflag:$0x6] =	stream.linear.gather [hbm4b:s21+s4], $0x100, $0x38;
	[tilespmem:$0x1C400] =	vst v63  }
0x50: {  	_ =	swait.ge [sflag:s6], $0x100  }
0x51: {  	[sflag:s6] =	ssyncset.done $0x0  }
0x52: {  	[sflag:s6] =	ssyncadd.s32 $0xFFFFFF00  }
0x53: {  	[tilespmem:s5], [sflag:$0xC] =	stream.indirect.gather [hbm4b:s0+s22], $0x80, s25, s22, $0xb8;
	[tilespmem:$0x1C400] =	vst v63  }
0x54: {  	_ =	swait.ge [sflag:s9], $0x2000  }
0x55: {  	[sflag:s9] =	ssyncset.done $0x0  }
0x56: {  	s2 =	rddreg [dreg:$0x9];
	[sflag:s9] =	ssyncadd.s32 $0xFFFFE000  }
0x57: {  	[spmem:s3] =	stream.indirect.scatter.add.f32 [tilespmem:s30], [sflag:$0xF], $0x80, s2, s22, $0xb8;
	[tilespmem:$0x1C400] =	vst v63  }
0x58: {  	_ =	swait.ge [sflag:s10], $0x2000  }
0x59: {  	[sflag:s10] =	ssyncset.done $0x0  }
0x5a: {  	s6 =	sadd.s32 $0xC0, s1;
	[sflag:s10] =	ssyncadd.s32 $0xFFFFE000  }
0x5b: {  	[tilespmem:s16], [sflag:$0x7] =	stream.linear.gather [hbm4b:s6+s4], $0x100, $0x38;
	[tilespmem:$0x1C400] =	vst v63  }
0x5c: {  	_ =	swait.ge [sflag:s17], $0x100  }
0x5d: {  	[sflag:s17] =	ssyncset.done $0x0  }
0x5e: {  	[sflag:s17] =	ssyncadd.s32 $0xFFFFFF00  }
0x5f: {  	[tilespmem:s29], [sflag:$0x9] =	stream.indirect.gather [hbm4b:s0+s22], $0x80, s19, s22, $0xb8;
	[tilespmem:$0x1C400] =	vst v63  }
0x60: {  	_ =	swait.ge [sflag:s14], $0x2000  }
0x61: {  	[sflag:s14] =	ssyncset.done $0x0  }
0x62: {  	s11 =	rddreg [dreg:$0xa];
	[sflag:s14] =	ssyncadd.s32 $0xFFFFE000  }
0x63: {  	[spmem:s3] =	stream.indirect.scatter.add.f32 [tilespmem:s5], [sflag:$0x10], $0x80, s11, s22, $0xb8;
	[tilespmem:$0x1C400] =	vst v63  }
0x64: {  	_ =	swait.ge [sflag:s18], $0x2000  }
0x65: {  	[sflag:s18] =	ssyncset.done $0x0  }
0x66: {  	s1 =	sadd.s32 $0xE0, s1;
	[sflag:s18] =	ssyncadd.s32 $0xFFFFE000  }
0x67: {  	[tilespmem:s24], [sflag:$0x8] =	stream.linear.gather [hbm4b:s1+s4], $0x100, $0x38;
	[tilespmem:$0x1C400] =	vst v63  }
0x68: {  	_ =	swait.ge [sflag:s28], $0x100  }
0x69: {  	[sflag:s28] =	ssyncset.done $0x0  }
0x6a: {  	[sflag:s28] =	ssyncadd.s32 $0xFFFFFF00  }
0x6b: {  	[tilespmem:s12], [sflag:$0xA] =	stream.indirect.gather [hbm4b:s0+s22], $0x80, s20, s22, $0xb8;
	[tilespmem:$0x1C400] =	vst v63  }
0x6c: {  	_ =	swait.ge [sflag:s26], $0x2000  }
0x6d: {  	[sflag:s26] =	ssyncset.done $0x0  }
0x6e: {  	s17 =	simm.s32 $0xF;
	s15 =	rddreg [dreg:$0xb];
	[sflag:s26] =	ssyncadd.s32 $0xFFFFE000  }
0x6f: {  	[spmem:s3] =	stream.indirect.scatter.add.f32 [tilespmem:s29], [sflag:$0xD], $0x80, s15, s22, $0xb8;
	[tilespmem:$0x1C400] =	vst v63  }
0x70: {  	_ =	swait.ge [sflag:s17], $0x2000  }
0x71: {  	s2 =	rddreg [dreg:$0x17]  }
0x72: {  	s24 =	simm.s32 $0x7;
	s19 =	sadd.s32 $0xFFFFFFFD, s2  }
0x73: {  	s1 =	rddreg [dreg:$0x6];
	[sflag:s17] =	ssyncset.done $0x0;
	p0 =	sge.u32 s19, s8  }
0x74: {  	[sflag:s17] =	ssyncadd.s32 $0xFFFFE000;
	s7 =	simm.s32 @!p0 $0x0;
	s1 =	sadd.s32 @!p0 $0x0, s1  }
0x75: {  	[tilespmem:s7], [sflag:$0x1] =	stream.linear.gather @!p0 [hbm4b:s1+s7], $0x100, $0x38;
	[tilespmem:$0x1C400] =	vst v63  }
0x76: {  	_ =	swait.ge [sflag:s24], $0x100  }
0x77: {  	[sflag:s24] =	ssyncset.done $0x0  }
0x78: {  	[sflag:s24] =	ssyncadd.s32 $0xFFFFFF00  }
0x79: {  	[tilespmem:s30], [sflag:$0xB] =	stream.indirect.gather [hbm4b:s0+s22], $0x80, s16, s22, $0xb8;
	[tilespmem:$0x1C400] =	vst v63  }
0x7a: {  	_ =	swait.ge [sflag:s31], $0x2000  }
0x7b: {  	[sflag:s31] =	ssyncset.done $0x0  }
0x7c: {  	s6 =	sadd.s32 $0xFFFFFFFE, s2;
	s4 =	rddreg [dreg:$0xc];
	[sflag:s31] =	ssyncadd.s32 $0xFFFFE000  }
0x7d: {  	[spmem:s3] =	stream.indirect.scatter.add.f32 [tilespmem:s12], [sflag:$0xE], $0x80, s4, s22, $0xb8;
	[tilespmem:$0x1C400] =	vst v63  }
0x7e: {  	p1 =	sge.u32 s6, s8;
	s12 =	simm.s32 $0x10  }
0x7f: {  	s28 =	simm.s32 @!p1 $0x100;
	_ =	swait.ge [sflag:s12], $0x2000  }
0x80: {  	s11 =	simm.s32 @!p1 $0x0;
	s1 =	sadd.s32 @!p1 $0x0, s13;
	[sflag:s12] =	ssyncset.done $0x0  }
0x81: {  	s1 =	sadd.s32 @!p1 $0x120, s1;
	s4 =	simm.s32 $0x8;
	[sflag:s12] =	ssyncadd.s32 $0xFFFFE000  }
0x82: {  	[tilespmem:s28], [sflag:$0x2] =	stream.linear.gather @!p1 [hbm4b:s1+s11], $0x100, $0x38;
	[tilespmem:$0x1C400] =	vst v63  }
0x83: {  	_ =	swait.ge [sflag:s4], $0x100  }
0x84: {  	[sflag:s4] =	ssyncset.done $0x0  }
0x85: {  	s20 =	simm.s32 $0x700;
	[sflag:s4] =	ssyncadd.s32 $0xFFFFFF00  }
0x86: {  	[tilespmem:s5], [sflag:$0xC] =	stream.indirect.gather [hbm4b:s0+s22], $0x80, s20, s22, $0xb8;
	[tilespmem:$0x1C400] =	vst v63  }
0x87: {  	_ =	swait.ge [sflag:s9], $0x2000  }
0x88: {  	[sflag:s9] =	ssyncset.done $0x0  }
0x89: {  	s19 =	sadd.s32 $0xFFFFFFFF, s2;
	s17 =	rddreg [dreg:$0xd];
	[sflag:s9] =	ssyncadd.s32 $0xFFFFE000  }
0x8a: {  	[spmem:s3] =	stream.indirect.scatter.add.f32 [tilespmem:s30], [sflag:$0xF], $0x80, s17, s22, $0xb8;
	[tilespmem:$0x1C400] =	vst v63  }
0x8b: {  	p2 =	sge.u32 s19, s8;
	s19 =	simm.s32 @!p0 $0x1;
	_ =	swait.ge [sflag:s10], $0x2000  }
0x8c: {  	s15 =	simm.s32 @!p2 $0x0;
	s1 =	rddreg [dreg:$0x5];
	[sflag:s10] =	ssyncset.done $0x0  }
0x8d: {  	s11 =	simm.s32 @!p2 $0x200;
	[sflag:s10] =	ssyncadd.s32 $0xFFFFE000;
	s1 =	sadd.s32 @!p2 $0x0, s1  }
0x8e: {  	[tilespmem:s11], [sflag:$0x3] =	stream.linear.gather @!p2 [hbm4b:s1+s15], $0x100, $0x38;
	[tilespmem:$0x1C400] =	vst v63  }
0x8f: {  	_ =	swait.ge @!p0 [sflag:s19], $0x100  }
0x90: {  	[sflag:s19] =	ssyncset.done @!p0 $0x0  }
0x91: {  	s1 =	simm.s32 @!p0 $0x40;
	s11 =	simm.s32 @!p0 $0x800;
	[sflag:s19] =	ssyncadd.s32 @!p0 $0xFFFFFF00  }
0x92: {  	[tilespmem:s11], [sflag:$0x9] =	stream.indirect.gather @!p0 [hbm4b:s0+s1], $0x80, s7, s1, $0xb8;
	[tilespmem:$0x1C400] =	vst v63  }
0x93: {  	s21 =	simm.s32 $0x0;
	_ =	swait.ge [sflag:s14], $0x2000  }
0x94: {  	s6 =	simm.s32 $0x4;
	s16 =	simm.s32 $0x6;
	[sflag:s14] =	ssyncset.done $0x0  }
0x95: {  	s12 =	simm.s32 $0x2800;
	s20 =	rddreg [dreg:$0xe];
	[sflag:s14] =	ssyncadd.s32 $0xFFFFE000  }
0x96: {  	[spmem:s3] =	stream.indirect.scatter.add.f32 [tilespmem:s5], [sflag:$0x10], $0x80, s20, s22, $0xb8;
	[tilespmem:$0x1C400] =	vst v63  }
0x97: {  	s17 =	simm.s32 $0x5;
	p0 =	sge.u32 s2, s8;
	_ =	swait.ge [sflag:s18], $0x2000  }
0x98: {  	s1 =	sadd.s32 @!p0 $0x0, s13;
	s7 =	simm.s32 @!p0 $0x0;
	[sflag:s18] =	ssyncset.done $0x0  }
0x99: {  	s11 =	simm.s32 @!p0 $0x300;
	s1 =	sadd.s32 @!p0 $0x160, s1;
	[sflag:s18] =	ssyncadd.s32 $0xFFFFE000  }
0x9a: {  	[tilespmem:s11], [sflag:$0x4] =	stream.linear.gather @!p0 [hbm4b:s1+s7], $0x100, $0x38;
	[tilespmem:$0x1C400] =	vst v63  }
0x9b: {  	s15 =	simm.s32 $0x100;
	s19 =	smov.u32 s2;
	s7 =	simm.s32 @!p1 $0x2  }
0x9c: {  	s1 =	simm.s32 @!p1 $0x40;
	s11 =	simm.s32 @!p1 $0x2800;
	_ =	swait.ge @!p1 [sflag:s7], $0x100  }
.LBB2_2:
0x9d: {  	[sflag:s7] =	ssyncset.done @!p1 $0x0  }
0x9e: {  	[sflag:s7] =	ssyncadd.s32 @!p1 $0xFFFFFF00  }
0x9f: {  	[tilespmem:s11], [sflag:$0xA] =	stream.indirect.gather @!p1 [hbm4b:s0+s1], $0x80, s28, s1, $0xb8;
	[tilespmem:$0x1C400] =	vst v63  }
0xa0: {  	s20 =	smov.u32 s15;
	_ =	swait.ge [sflag:s26], $0x2000  }
0xa1: {  	p1 =	seq.s32 s20, $0x0;
	[sflag:s26] =	ssyncset.done $0x0  }
0xa2: {  	s7 =	simm.s32 @!p1 $0xF;
	s11 =	rddreg [dreg:$0x7];
	[sflag:s26] =	ssyncadd.s32 $0xFFFFE000  }
0xa3: {  	[spmem:s3] =	stream.indirect.scatter.add.f32 [tilespmem:s29], [sflag:$0xD], $0x80, s11, s22, $0xb8;
	[tilespmem:$0x1C400] =	vst v63  }
0xa4: {  	_ =	swait.ge @!p1 [sflag:s7], $0x2000  }
0xa5: {  	s2 =	rddreg [dreg:$0x4]  }
0xa6: {  	s28 =	simm.s32 $0x400;
	[sflag:s7] =	ssyncset.done @!p1 $0x0;
	s1 =	sadd.s32 s20, s2  }
0xa7: {  	[sflag:s7] =	ssyncadd.s32 @!p1 $0xFFFFE000;
	s2 =	simm.s32 $0x3;
	s11 =	sadd.s32 $0x80, s1  }
0xa8: {  	[tilespmem:s28], [sflag:$0x5] =	stream.linear.gather [hbm4b:s11+s21], $0x100, $0x38;
	[tilespmem:$0x1C400] =	vst v63  }
0xa9: {  	_ =	swait.ge [sflag:s2], $0x100  }
0xaa: {  	[sflag:s2] =	ssyncset.done $0x0  }
0xab: {  	[sflag:s2] =	ssyncadd.s32 $0xFFFFFF00  }
0xac: {  	[tilespmem:s30], [sflag:$0xB] =	stream.indirect.gather [hbm4b:s0+s22], $0x80, s23, s22, $0xb8;
	[tilespmem:$0x1C400] =	vst v63  }
0xad: {  	_ =	swait.ge [sflag:s31], $0x2000  }
0xae: {  	[sflag:s31] =	ssyncset.done $0x0  }
0xaf: {  	s11 =	simm.s32 @!p1 $0x10;
	s2 =	rddreg [dreg:$0x8];
	[sflag:s31] =	ssyncadd.s32 $0xFFFFE000  }
0xb0: {  	[spmem:s3] =	stream.indirect.scatter.add.f32 [tilespmem:s12], [sflag:$0xE], $0x80, s2, s22, $0xb8;
	[tilespmem:$0x1C400] =	vst v63  }
0xb1: {  	_ =	swait.ge @!p1 [sflag:s11], $0x2000  }
0xb2: {  	[sflag:s11] =	ssyncset.done @!p1 $0x0  }
0xb3: {  	s23 =	sadd.s32 $0xA0, s1;
	s2 =	simm.s32 $0x500;
	[sflag:s11] =	ssyncadd.s32 @!p1 $0xFFFFE000  }
0xb4: {  	[tilespmem:s2], [sflag:$0x6] =	stream.linear.gather [hbm4b:s23+s21], $0x100, $0x38;
	[tilespmem:$0x1C400] =	vst v63  }
0xb5: {  	_ =	swait.ge [sflag:s6], $0x100  }
0xb6: {  	[sflag:s6] =	ssyncset.done $0x0  }
0xb7: {  	[sflag:s6] =	ssyncadd.s32 $0xFFFFFF00  }
0xb8: {  	[tilespmem:s5], [sflag:$0xC] =	stream.indirect.gather [hbm4b:s0+s22], $0x80, s25, s22, $0xb8;
	[tilespmem:$0x1C400] =	vst v63  }
0xb9: {  	_ =	swait.ge [sflag:s9], $0x2000  }
0xba: {  	[sflag:s9] =	ssyncset.done $0x0  }
0xbb: {  	s25 =	rddreg [dreg:$0x9];
	[sflag:s9] =	ssyncadd.s32 $0xFFFFE000  }
0xbc: {  	[spmem:s3] =	stream.indirect.scatter.add.f32 [tilespmem:s30], [sflag:$0xF], $0x80, s25, s22, $0xb8;
	[tilespmem:$0x1C400] =	vst v63  }
0xbd: {  	_ =	swait.ge [sflag:s10], $0x2000  }
0xbe: {  	[sflag:s10] =	ssyncset.done $0x0  }
0xbf: {  	s11 =	sadd.s32 $0xC0, s1;
	s23 =	simm.s32 $0x600;
	[sflag:s10] =	ssyncadd.s32 $0xFFFFE000  }
0xc0: {  	[tilespmem:s23], [sflag:$0x7] =	stream.linear.gather [hbm4b:s11+s21], $0x100, $0x38;
	[tilespmem:$0x1C400] =	vst v63  }
0xc1: {  	_ =	swait.ge [sflag:s17], $0x100  }
0xc2: {  	[sflag:s17] =	ssyncset.done $0x0  }
0xc3: {  	[sflag:s17] =	ssyncadd.s32 $0xFFFFFF00  }
0xc4: {  	[tilespmem:s29], [sflag:$0x9] =	stream.indirect.gather [hbm4b:s0+s22], $0x80, s28, s22, $0xb8;
	[tilespmem:$0x1C400] =	vst v63  }
0xc5: {  	_ =	swait.ge [sflag:s14], $0x2000  }
0xc6: {  	[sflag:s14] =	ssyncset.done $0x0  }
0xc7: {  	s25 =	rddreg [dreg:$0xa];
	[sflag:s14] =	ssyncadd.s32 $0xFFFFE000  }
0xc8: {  	[spmem:s3] =	stream.indirect.scatter.add.f32 [tilespmem:s5], [sflag:$0x10], $0x80, s25, s22, $0xb8;
	[tilespmem:$0x1C400] =	vst v63  }
0xc9: {  	_ =	swait.ge [sflag:s18], $0x2000  }
0xca: {  	[sflag:s18] =	ssyncset.done $0x0  }
0xcb: {  	s1 =	sadd.s32 $0xE0, s1;
	s25 =	simm.s32 $0x700;
	[sflag:s18] =	ssyncadd.s32 $0xFFFFE000  }
0xcc: {  	[tilespmem:s25], [sflag:$0x8] =	stream.linear.gather [hbm4b:s1+s21], $0x100, $0x38;
	[tilespmem:$0x1C400] =	vst v63  }
0xcd: {  	_ =	swait.ge [sflag:s16], $0x100  }
0xce: {  	[sflag:s16] =	ssyncset.done $0x0  }
0xcf: {  	[sflag:s16] =	ssyncadd.s32 $0xFFFFFF00  }
0xd0: {  	[tilespmem:s12], [sflag:$0xA] =	stream.indirect.gather [hbm4b:s0+s22], $0x80, s2, s22, $0xb8;
	[tilespmem:$0x1C400] =	vst v63  }
0xd1: {  	_ =	swait.ge [sflag:s26], $0x2000  }
0xd2: {  	[sflag:s26] =	ssyncset.done $0x0  }
0xd3: {  	s2 =	rddreg [dreg:$0xb];
	[sflag:s26] =	ssyncadd.s32 $0xFFFFE000  }
0xd4: {  	[spmem:s3] =	stream.indirect.scatter.add.f32 [tilespmem:s29], [sflag:$0xD], $0x80, s2, s22, $0xb8;
	[tilespmem:$0x1C400] =	vst v63  }
0xd5: {  	s19 =	sadd.s32 $0x8, s19;
	s2 =	simm.s32 $0xF  }
0xd6: {  	s7 =	sadd.s32 $0xFFFFFFFD, s19;
	_ =	swait.ge [sflag:s2], $0x2000  }
0xd7: {  	p2 =	sge.u32 s7, s8;
	s11 =	rddreg [dreg:$0x6];
	[sflag:s2] =	ssyncset.done $0x0  }
0xd8: {  	s7 =	simm.s32 @!p2 $0x0;
	[sflag:s2] =	ssyncadd.s32 $0xFFFFE000;
	s1 =	sadd.s32 @!p2 s20, s11  }
0xd9: {  	[tilespmem:s7], [sflag:$0x1] =	stream.linear.gather @!p2 [hbm4b:s1+s7], $0x100, $0x38;
	[tilespmem:$0x1C400] =	vst v63  }
0xda: {  	_ =	swait.ge [sflag:s24], $0x100  }
0xdb: {  	[sflag:s24] =	ssyncset.done $0x0  }
0xdc: {  	[sflag:s24] =	ssyncadd.s32 $0xFFFFFF00  }
0xdd: {  	[tilespmem:s30], [sflag:$0xB] =	stream.indirect.gather [hbm4b:s0+s22], $0x80, s23, s22, $0xb8;
	[tilespmem:$0x1C400] =	vst v63  }
0xde: {  	_ =	swait.ge [sflag:s31], $0x2000  }
0xdf: {  	[sflag:s31] =	ssyncset.done $0x0  }
0xe0: {  	s23 =	rddreg [dreg:$0xc];
	[sflag:s31] =	ssyncadd.s32 $0xFFFFE000  }
0xe1: {  	[spmem:s3] =	stream.indirect.scatter.add.f32 [tilespmem:s12], [sflag:$0xE], $0x80, s23, s22, $0xb8;
	[tilespmem:$0x1C400] =	vst v63  }
0xe2: {  	s2 =	sadd.s32 $0xFFFFFFFE, s19;
	s23 =	simm.s32 $0x10  }
0xe3: {  	p1 =	sge.u32 s2, s8;
	_ =	swait.ge [sflag:s23], $0x2000  }
0xe4: {  	s1 =	sadd.s32 @!p1 s20, s13;
	s28 =	simm.s32 @!p1 $0x100;
	[sflag:s23] =	ssyncset.done $0x0  }
0xe5: {  	s11 =	simm.s32 @!p1 $0x0;
	s1 =	sadd.s32 @!p1 $0x120, s1;
	[sflag:s23] =	ssyncadd.s32 $0xFFFFE000  }
0xe6: {  	[tilespmem:s28], [sflag:$0x2] =	stream.linear.gather @!p1 [hbm4b:s1+s11], $0x100, $0x38;
	[tilespmem:$0x1C400] =	vst v63  }
0xe7: {  	_ =	swait.ge [sflag:s4], $0x100  }
0xe8: {  	[sflag:s4] =	ssyncset.done $0x0  }
0xe9: {  	[sflag:s4] =	ssyncadd.s32 $0xFFFFFF00  }
0xea: {  	[tilespmem:s5], [sflag:$0xC] =	stream.indirect.gather [hbm4b:s0+s22], $0x80, s25, s22, $0xb8;
	[tilespmem:$0x1C400] =	vst v63  }
0xeb: {  	_ =	swait.ge [sflag:s9], $0x2000  }
0xec: {  	[sflag:s9] =	ssyncset.done $0x0  }
0xed: {  	s2 =	sadd.s32 $0xFFFFFFFF, s19;
	s25 =	rddreg [dreg:$0xd];
	[sflag:s9] =	ssyncadd.s32 $0xFFFFE000  }
0xee: {  	[spmem:s3] =	stream.indirect.scatter.add.f32 [tilespmem:s30], [sflag:$0xF], $0x80, s25, s22, $0xb8;
	[tilespmem:$0x1C400] =	vst v63  }
0xef: {  	p3 =	sge.u32 s2, s8;
	s2 =	simm.s32 @!p2 $0x1;
	_ =	swait.ge [sflag:s10], $0x2000  }
0xf0: {  	s29 =	simm.s32 @!p3 $0x0;
	s23 =	rddreg [dreg:$0x5];
	[sflag:s10] =	ssyncset.done $0x0  }
0xf1: {  	s25 =	simm.s32 @!p3 $0x200;
	[sflag:s10] =	ssyncadd.s32 $0xFFFFE000;
	s23 =	sadd.s32 @!p3 s20, s23  }
0xf2: {  	[tilespmem:s25], [sflag:$0x3] =	stream.linear.gather @!p3 [hbm4b:s23+s29], $0x100, $0x38;
	[tilespmem:$0x1C400] =	vst v63  }
0xf3: {  	_ =	swait.ge @!p2 [sflag:s2], $0x100  }
0xf4: {  	s15 =	sadd.s32 $0x100, s15;
	[sflag:s2] =	ssyncset.done @!p2 $0x0  }
0xf5: {  	s23 =	simm.s32 @!p2 $0x40;
	s25 =	simm.s32 @!p2 $0x800;
	[sflag:s2] =	ssyncadd.s32 @!p2 $0xFFFFFF00  }
0xf6: {  	[tilespmem:s25], [sflag:$0x9] =	stream.indirect.gather @!p2 [hbm4b:s0+s23], $0x80, s7, s23, $0xb8;
	[tilespmem:$0x1C400] =	vst v63  }
0xf7: {  	p0 =	sne.s32 s15, $0x1400;
	s1 =	simm.s32 @!p1 $0x40;
	_ =	swait.ge [sflag:s14], $0x2000  }
0xf8: {  	s11 =	simm.s32 @!p1 $0x2800;
	s29 =	simm.s32 $0x800;
	[sflag:s14] =	ssyncset.done $0x0  }
0xf9: {  	p2 =	sge.u32 s19, s8;
	s23 =	rddreg [dreg:$0xe];
	[sflag:s14] =	ssyncadd.s32 $0xFFFFE000  }
0xfa: {  	[spmem:s3] =	stream.indirect.scatter.add.f32 [tilespmem:s5], [sflag:$0x10], $0x80, s23, s22, $0xb8;
	[tilespmem:$0x1C400] =	vst v63  }
.Ltmp0:
0xfb: {  	s7 =	simm.s32 @!p1 $0x2;
	_ =	swait.ge [sflag:s18], $0x2000;
	(pc) =	sbr.rel @p0 .LBB2_2-.Ltmp0, $4  }
0xfc: {  	s2 =	sadd.s32 @!p2 s20, s13;
	s20 =	simm.s32 @!p2 $0x0;
	[sflag:s18] =	ssyncset.done $0x0  }
0xfd: {  	s2 =	sadd.s32 @!p2 $0x160, s2;
	s23 =	simm.s32 @!p2 $0x300;
	[sflag:s18] =	ssyncadd.s32 $0xFFFFE000  }
0xfe: {  	[tilespmem:s23], [sflag:$0x4] =	stream.linear.gather @!p2 [hbm4b:s2+s20], $0x100, $0x38;
	[tilespmem:$0x1C400] =	vst v63  }
0xff: {  	s25 =	simm.s32 $0x300;
	s23 =	simm.s32 $0x200;
	_ =	swait.ge @!p1 [sflag:s7], $0x100  }
0x100: {  	[sflag:s7] =	ssyncset.done @!p1 $0x0  }
0x101: {  	s19 =	simm.s32 $0xF;
	[sflag:s7] =	ssyncadd.s32 @!p1 $0xFFFFFF00  }
0x102: {  	[tilespmem:s11], [sflag:$0xA] =	stream.indirect.gather @!p1 [hbm4b:s0+s1], $0x80, s28, s1, $0xb8;
	[tilespmem:$0x1C400] =	vst v63  }
0x103: {  	_ =	swait.ge [sflag:s19], $0x2000  }
0x104: {  	[sflag:s19] =	ssyncset.done $0x0  }
0x105: {  	s20 =	simm.s32 $0x10;
	[sflag:s19] =	ssyncadd.s32 $0xFFFFE000  }
0x106: {  	_ =	swait.ge [sflag:s20], $0x2000  }
0x107: {  	[sflag:s20] =	ssyncset.done $0x0  }
0x108: {  	[sflag:s20] =	ssyncadd.s32 $0xFFFFE000  }
0x109: {  	[bflag:$0x0] =	sbarrier.arrive $0xFFFF  }
0x10a: {  	s15 =	rddreg [dreg:$0x10]  }
0x10b: {  	s21 =	rddreg [dreg:$0x15]  }
0x10c: {  	s7 =	simm.s32 $0x11;
	s2 =	rddreg [dreg:$0x18]  }
0x10d: {  	[hbm:s21], [sflag:s15] =	dma.local [spmem:s2], $0x2780  }
0x10e: {  	_ =	swait.ge [sflag:s7], $0x2780  }
0x10f: {  	s21 =	rddreg [dreg:$0x19]  }
0x110: {  	s24 =	rddreg [dreg:$0x16];
	s21 =	sadd.s32 $0x1, s21  }
0x111: {  	p0 =	sne.s32 s21, s24  }
.Ltmp1:
0x112: {  	_ = 	snop;
	(pc) =	sbr.rel @p0 .LBB2_1-.Ltmp1, $4  }
0x113: {  	s12 =	simm.s32 $0x2800;
	s6 =	simm.s32 $0x4;
	s16 =	simm.s32 $0x600  }
0x114: {  	s17 =	simm.s32 $0x5;
	s4 =	simm.s32 $0x0;
	s11 =	simm.s32 $0x3  }
0x115: {  	s28 =	simm.s32 $0x6;
	s19 =	simm.s32 $0x400;
	[sflag:s7] =	ssyncset.done $0x0  }
0x116: {  	s20 =	simm.s32 $0x500;
	[sflag:s7] =	ssyncadd.s32 $0xFFFFD880;
	s24 =	simm.s32 $0x700  }
0x117: {  	_ =	sfence.sel $0x180000  }
0x118: {  	[bflag:$0x0] =	sbarrier.arrive $0xFFFF  }
0x119: {  	_ =	strace $0x9000004A  }
0x11a: {  	s0 =	stileid.u32;
	[bflag:$0x2] =	sbarrier.arrive $0xFFFF  }
0x11b: {  	p0 =	sne.s32 s0, $0x0;
	s0 =	rddreg [dreg:$0x3]  }
0x11c: {  	s0 =	sadd.s32 @!p0 $0x100000, s0  }
0x11d: {  	[sflag:s0] =	ssyncadd.tile.s32 @!p0 $0x1;
	_ =	shalt  }
.Lfunc_end2:
_tile_overlayer_lowered:
.L_overlay_start_2:
0x11e: {  	(tag) =	ssettag $0x2  }
0x11f: {  	s0 =	rddreg [dreg:$0x0];
	s2 =	stileid.u32  }
0x120: {  	s1 =	rddreg [dreg:$0x1];
	p0 =	sne.s32 s2, $0x0  }
0x121: {  	s3 =	rddreg [dreg:$0x2];
	[bflag:$0x3] =	sbarrier.arrive $0xFFFF;
	s2 =	simm.s32 @!p0 $0x1C11  }
0x122: {  	[timem:s3], [sflag:s2] =	dma.local @!p0 [hbm:s0], s1  }
0x123: {  	s0 =	simm.s32 @!p0 $0x11  }
0x124: {  	_ =	swait.ge @!p0 [sflag:s0], s1  }
0x125: {  	s1 =	ssub.s32 @!p0 $0x0, s1;
	[sflag:s0] =	ssyncset.done @!p0 $0x0  }
0x126: {  	[sflag:s0] =	ssyncadd.s32 @!p0 s1  }
0x127: {  	[bflag:$0x3] =	sbarrier.arrive $0xFFFF  }
0x128: {  	_ =	shalt  }

</sc_bundles>
